<compile_context>
chip_gen: v7x
topology: tpu7x:2x2x1
jax: 0.10.2.dev20260603
libtpu: 0.0.44.dev20260713+nightly
codegen_flags: <defaults>
</compile_context>

<pallas_src>
import functools

import numpy as np
import jax
import jax.numpy as jnp
from jax import lax
from jax.experimental import pallas as pl
from jax.experimental.pallas import tpu as pltpu
from jax.experimental.pallas import tpu_sc as plsc
import ml_dtypes

B, T, D, H = 2, 2048, 1024, 16
DH = D // H
TOP_K = 8
FP = 1152

NC, NS = 2, 16
NW = NC * NS
ROWS = B * D
RPW = ROWS // NW

_BF = ml_dtypes.bfloat16


def _np_split3(x):
    x = x.astype(np.float32)
    hi = x.astype(_BF)
    r1 = x - hi.astype(np.float32)
    lo = r1.astype(_BF)
    lo2 = (r1 - lo.astype(np.float32)).astype(_BF)
    return hi, lo, lo2


def _make_tables():
    t = np.arange(T, dtype=np.float64)
    f = np.arange(FP, dtype=np.float64)
    ang = 2.0 * np.pi * np.outer(t, f) / T
    cf = np.cos(ang).astype(np.float32)
    sf = np.sin(ang).astype(np.float32)
    w = np.zeros(FP, dtype=np.float64)
    w[1:1024] = 2.0 / T
    w[0] = 1.0 / T
    w[1024] = 1.0 / T
    angi = 2.0 * np.pi * np.outer(f, t) / T
    ci = (w[:, None] * np.cos(angi)).astype(np.float32)
    si = (w[:, None] * np.sin(angi)).astype(np.float32)
    return (_np_split3(cf), _np_split3(sf), _np_split3(ci), _np_split3(si))


_CF3, _SF3, _CI3, _SI3 = _make_tables()


def _split_f32(x):
    hi = x.astype(jnp.bfloat16)
    lo = (x - hi.astype(jnp.float32)).astype(jnp.bfloat16)
    return hi, lo


def _split3_f32(x):
    hi = x.astype(jnp.bfloat16)
    r1 = x - hi.astype(jnp.float32)
    lo = r1.astype(jnp.bfloat16)
    lo2 = (r1 - lo.astype(jnp.float32)).astype(jnp.bfloat16)
    return hi, lo, lo2


def _dot(a, b, dims):
    return lax.dot_general(a, b, (dims, ((), ())),
                           preferred_element_type=jnp.float32)


def _mm2(ah, al, bh, bl, dims):
    return _dot(ah, bh, dims) + _dot(ah, bl, dims) + _dot(al, bh, dims)


def _mm6(a3, b3, dims):
    ah, al, al2 = a3
    bh, bl, bl2 = b3
    small = (_dot(ah, bl2, dims) + _dot(al, bl, dims) + _dot(al2, bh, dims))
    mid = _dot(ah, bl, dims) + _dot(al, bh, dims)
    return small + mid + _dot(ah, bh, dims)


_TBA = 512


def _proj_body(q_ref, k_ref, wq_ref, bq_ref, wk_ref, bk_ref, qp_ref, kp_ref):
    cdims = ((1,), (1,))
    qh = q_ref[0].astype(jnp.bfloat16)
    qp_ref[0] = _dot(wq_ref[...], qh, cdims) + bq_ref[...][:, None]
    kh = k_ref[0].astype(jnp.bfloat16)
    kp_ref[0] = _dot(wk_ref[...], kh, cdims) + bk_ref[...][:, None]


def _proj(q, k, Wq, bq, Wk, bk):
    full = lambda s, d: pl.BlockSpec(s, lambda b, t: tuple(0 for _ in s))
    return pl.pallas_call(
        _proj_body,
        grid=(B, T // _TBA),
        in_specs=[
            pl.BlockSpec((1, _TBA, D), lambda b, t: (b, t, 0)),
            pl.BlockSpec((1, _TBA, D), lambda b, t: (b, t, 0)),
            full((D, D), None), full((D,), None),
            full((D, D), None), full((D,), None),
        ],
        out_specs=[
            pl.BlockSpec((1, D, _TBA), lambda b, t: (b, 0, t)),
            pl.BlockSpec((1, D, _TBA), lambda b, t: (b, 0, t)),
        ],
        out_shape=[
            jax.ShapeDtypeStruct((B, D, T), jnp.float32),
            jax.ShapeDtypeStruct((B, D, T), jnp.float32),
        ],
    )(q, k, Wq.T.astype(jnp.bfloat16), bq, Wk.T.astype(jnp.bfloat16), bk)


_CB = 256


def _fwd_body(qt_ref, kt_ref, cfh_ref, cfl_ref, sfh_ref, sfl_ref,
              pr_ref, pi_ref):
    cdims = ((1,), (0,))
    qh, ql = _split_f32(qt_ref[0])
    kh, kl = _split_f32(kt_ref[0])
    cfh, cfl = cfh_ref[...], cfl_ref[...]
    sfh, sfl = sfh_ref[...], sfl_ref[...]
    qc = _mm2(qh, ql, cfh, cfl, cdims)
    qs = _mm2(qh, ql, sfh, sfl, cdims)
    kc = _mm2(kh, kl, cfh, cfl, cdims)
    ks = _mm2(kh, kl, sfh, sfl, cdims)
    pr_ref[0] = qc * kc + qs * ks
    pi_ref[0] = qc * ks - qs * kc


def _fwd(qt, kt):
    full = lambda s: pl.BlockSpec(s, lambda b, c: tuple(0 for _ in s))
    return pl.pallas_call(
        _fwd_body,
        grid=(qt.shape[0], D // _CB),
        in_specs=[
            pl.BlockSpec((1, _CB, T), lambda b, c: (b, c, 0)),
            pl.BlockSpec((1, _CB, T), lambda b, c: (b, c, 0)),
            full((T, FP)), full((T, FP)), full((T, FP)), full((T, FP)),
        ],
        out_specs=[
            pl.BlockSpec((1, _CB, FP), lambda b, c: (b, c, 0)),
            pl.BlockSpec((1, _CB, FP), lambda b, c: (b, c, 0)),
        ],
        out_shape=[
            jax.ShapeDtypeStruct((qt.shape[0], D, FP), jnp.float32),
            jax.ShapeDtypeStruct((qt.shape[0], D, FP), jnp.float32),
        ],
    )(qt, kt, jnp.asarray(_CF3[0]), jnp.asarray(_CF3[1]),
      jnp.asarray(_SF3[0]), jnp.asarray(_SF3[1]))


def _inv_body(pr_ref, pi_ref, cih_ref, cil_ref, sih_ref, sil_ref, r_ref):
    cdims = ((1,), (0,))
    prh, prl = _split_f32(pr_ref[0])
    pih, pil = _split_f32(pi_ref[0])
    r_ref[0] = (_mm2(prh, prl, cih_ref[...], cil_ref[...], cdims)
                - _mm2(pih, pil, sih_ref[...], sil_ref[...], cdims))


def _inv(pr, pi):
    full = lambda s: pl.BlockSpec(s, lambda b, c: tuple(0 for _ in s))
    return pl.pallas_call(
        _inv_body,
        grid=(pr.shape[0], D // _CB),
        in_specs=[
            pl.BlockSpec((1, _CB, FP), lambda b, c: (b, c, 0)),
            pl.BlockSpec((1, _CB, FP), lambda b, c: (b, c, 0)),
            full((FP, T)), full((FP, T)), full((FP, T)), full((FP, T)),
        ],
        out_specs=pl.BlockSpec((1, _CB, T), lambda b, c: (b, c, 0)),
        out_shape=jax.ShapeDtypeStruct((pr.shape[0], D, T), jnp.float32),
    )(pr, pi, jnp.asarray(_CI3[0]), jnp.asarray(_CI3[1]),
      jnp.asarray(_SI3[0]), jnp.asarray(_SI3[1]))


_CG = 64


def _write_topk(idx_ref, w_ref, g, vals, idxs):
    v = jnp.concatenate(vals, axis=1)
    ix = jnp.concatenate(idxs, axis=1)
    e = jnp.exp(v - v[:, 0:1])
    w = e / jnp.sum(e, axis=1, keepdims=True)
    zi = jnp.zeros((8, 16 - TOP_K), jnp.int32)
    zw = jnp.zeros((8, 16 - TOP_K), jnp.float32)
    idx_ref[0, pl.ds(g * 8, 8), :] = jnp.concatenate([ix, zi], axis=1)
    w_ref[0, pl.ds(g * 8, 8), :] = jnp.concatenate([w, zw], axis=1)


def _topk_body(r_ref, idx_ref, w_ref):
    lane_iota = lax.broadcasted_iota(jnp.int32, (_CG, 128), 1)
    neg = jnp.full((_CG, 128), -jnp.inf, jnp.float32)
    big = jnp.full((_CG, 128), 1 << 30, jnp.int32)
    V = [neg] * TOP_K
    I = [big] * TOP_K
    for j in range(16):
        c = r_ref[0, :, pl.ds(j * 128, 128)]
        ci = lane_iota + (j * 128)
        for l in range(TOP_K):
            m = c > V[l]
            tv = jnp.where(m, V[l], c)
            ti = jnp.where(m, I[l], ci)
            V[l] = jnp.where(m, c, V[l])
            I[l] = jnp.where(m, ci, I[l])
            c, ci = tv, ti
    vals = []
    idxs = []
    for _ in range(TOP_K):
        m_all = V[0]
        for l in range(1, TOP_K):
            m_all = jnp.maximum(m_all, V[l])
        m = jnp.max(m_all, axis=1, keepdims=True)
        cand = big
        for l in range(TOP_K):
            cand = jnp.minimum(cand, jnp.where(V[l] == m, I[l], big))
        am = jnp.min(cand, axis=1, keepdims=True)
        vals.append(m)
        idxs.append(am)
        for l in range(TOP_K):
            V[l] = jnp.where((V[l] == m) & (I[l] == am), -jnp.inf, V[l])
    v = jnp.concatenate(vals, axis=1)
    ix = jnp.concatenate(idxs, axis=1)
    e = jnp.exp(v - v[:, 0:1])
    w = e / jnp.sum(e, axis=1, keepdims=True)
    idx_ref[0] = jnp.concatenate(
        [ix, jnp.zeros((_CG, 16 - TOP_K), jnp.int32)], axis=1)
    w_ref[0] = jnp.concatenate(
        [w, jnp.zeros((_CG, 16 - TOP_K), jnp.float32)], axis=1)


def _topk(r):
    return pl.pallas_call(
        _topk_body,
        grid=(r.shape[0], D // _CG),
        in_specs=[pl.BlockSpec((1, _CG, T), lambda b, c: (b, c, 0))],
        out_specs=[
            pl.BlockSpec((1, _CG, 16), lambda b, c: (b, c, 0)),
            pl.BlockSpec((1, _CG, 16), lambda b, c: (b, c, 0)),
        ],
        out_shape=[
            jax.ShapeDtypeStruct((r.shape[0], D, 16), jnp.int32),
            jax.ShapeDtypeStruct((r.shape[0], D, 16), jnp.float32),
        ],
    )(r)


def _agg(qt, idx2, w2):
    rows = qt.shape[0]
    rpw = rows // NW

    def body(qth, idxh, wh, outh, idx_s, w_s, bufs, acc,
             sem_s, sem0, sem1, semo0, semo1):
        wid = lax.axis_index("s") * NC + lax.axis_index("c")
        base = wid * rpw
        pltpu.async_copy(idxh.at[pl.ds(base, rpw)], idx_s, sem_s).wait()
        pltpu.async_copy(wh.at[pl.ds(base, rpw)], w_s, sem_s).wait()

        def prefetch(row, p, sem):
            pltpu.async_copy(qth.at[row], bufs.at[p, pl.ds(0, T)], sem)
            pltpu.async_copy(qth.at[row], bufs.at[p, pl.ds(T, T)], sem)

        def wait_in(p, sem):
            pltpu.make_async_copy(qth.at[0], bufs.at[p, pl.ds(0, T)],
                                  sem).wait()
            pltpu.make_async_copy(qth.at[0], bufs.at[p, pl.ds(T, T)],
                                  sem).wait()

        def compute(r, p, semo):
            row = base + r
            tau_vec = idx_s[r, pl.ds(0, 16)]
            w_vec = w_s[r, pl.ds(0, 16)]
            taus = [tau_vec[i] for i in range(TOP_K)]
            ws = [w_vec[i] for i in range(TOP_K)]

            @pl.loop(0, T, step=16)
            def _(c):
                a = bufs[p, pl.ds(taus[0] + c, 16)] * ws[0]
                for i in range(1, TOP_K):
                    a += bufs[p, pl.ds(taus[i] + c, 16)] * ws[i]
                acc[p, pl.ds(c, 16)] = a

            pltpu.async_copy(acc.at[p], outh.at[row], semo)

        prefetch(base, 0, sem0)

        @pl.loop(0, rpw, step=2)
        def _(r):
            prefetch(base + r + 1, 1, sem1)
            wait_in(0, sem0)

            @pl.when(r >= 2)
            def _():
                pltpu.make_async_copy(acc.at[0], outh.at[base], semo0).wait()

            compute(r, 0, semo0)
            prefetch(base + lax.rem(r + 2, rpw), 0, sem0)
            wait_in(1, sem1)

            @pl.when(r >= 2)
            def _():
                pltpu.make_async_copy(acc.at[1], outh.at[base], semo1).wait()

            compute(r + 1, 1, semo1)

        wait_in(0, sem0)
        pltpu.make_async_copy(acc.at[0], outh.at[base], semo0).wait()
        pltpu.make_async_copy(acc.at[1], outh.at[base], semo1).wait()

    mesh = plsc.VectorSubcoreMesh(core_axis_name="c", subcore_axis_name="s")
    kfn = pl.kernel(
        body,
        out_type=jax.ShapeDtypeStruct((rows, T), jnp.float32),
        mesh=mesh,
        compiler_params=pltpu.CompilerParams(use_tc_tiling_on_sc=False),
        scratch_types=[
            pltpu.VMEM((rpw, 16), jnp.int32),
            pltpu.VMEM((rpw, 16), jnp.float32),
            pltpu.VMEM((2, 2 * T), jnp.float32),
            pltpu.VMEM((2, T), jnp.float32),
            pltpu.SemaphoreType.DMA,
            pltpu.SemaphoreType.DMA,
            pltpu.SemaphoreType.DMA,
            pltpu.SemaphoreType.DMA,
            pltpu.SemaphoreType.DMA,
        ],
    )
    return kfn(qt, idx2, w2)


_TBO = 512


def _out_body(agg_ref, wo_ref, bo_ref, o_ref):
    ah = agg_ref[0].astype(jnp.bfloat16)
    o_ref[0] = (_dot(ah, wo_ref[...], ((0,), (0,)))
                + bo_ref[...][None, :])


def _outproj(agg, Wo, bo):
    full = lambda s: pl.BlockSpec(s, lambda b, t: tuple(0 for _ in s))
    return pl.pallas_call(
        _out_body,
        grid=(agg.shape[0], T // _TBO),
        in_specs=[
            pl.BlockSpec((1, D, _TBO), lambda b, t: (b, 0, t)),
            full((D, D)), full((D,)),
        ],
        out_specs=pl.BlockSpec((1, _TBO, D), lambda b, t: (b, t, 0)),
        out_shape=jax.ShapeDtypeStruct((agg.shape[0], T, D), jnp.float32),
    )(agg, Wo.astype(jnp.bfloat16), bo)


def kernel(q, k, v, Wq, bq, Wk, bk, Wv, bv, Wo, bo):
    qt, kt = _proj(q, k, Wq, bq, Wk, bk)
    outs = []
    for b in range(B):
        qtb = qt[b:b + 1]
        pr, pi = _fwd(qtb, kt[b:b + 1])
        r = _inv(pr, pi)
        idx, w = _topk(r)
        agg = _agg(qt[b], idx[0], w[0])
        outs.append(_outproj(agg[None], Wo, bo))
    return jnp.concatenate(outs, axis=0)

# --- scband reference (transcript-rebuilt; emitter-appended) ---
"""Pipeline reference for scband-auto-correlation-14705968021882 (READ-ONLY COPY).

The authoritative reference and input builder live on the scoring server;
editing this copy changes nothing except your own understanding.
"""

import jax, jax.numpy as jnp
import numpy as np

B, T, D, H = 2, 2048, 1024, 16
DH = D // H
TOP_K = 8


def setup_inputs(seed: int = 0) -> dict:
    key = jax.random.key(seed)
    ks = jax.random.split(key, 11)
    inp = {
        'q': jax.random.normal(ks[0], (B, T, D), dtype=jnp.float32),
        'k': jax.random.normal(ks[1], (B, T, D), dtype=jnp.float32),
        'v': jax.random.normal(ks[2], (B, T, D), dtype=jnp.float32),
        'Wq': jax.random.normal(ks[3], (D, D), dtype=jnp.float32) * 0.02,
        'bq': jnp.zeros((D,), dtype=jnp.float32),
        'Wk': jax.random.normal(ks[4], (D, D), dtype=jnp.float32) * 0.02,
        'bk': jnp.zeros((D,), dtype=jnp.float32),
        'Wv': jax.random.normal(ks[5], (D, D), dtype=jnp.float32) * 0.02,
        'bv': jnp.zeros((D,), dtype=jnp.float32),
        'Wo': jax.random.normal(ks[6], (D, D), dtype=jnp.float32) * 0.02,
        'bo': jnp.zeros((D,), dtype=jnp.float32),
    }
    return inp


def reference(q, k, v, Wq, bq, Wk, bk, Wv, bv, Wo, bo):
    # dropout prob = 0.0 -> identity
    qp = q @ Wq + bq
    kp = k @ Wk + bk
    vp = v @ Wv + bv

    def split_heads(x):
        return x.reshape(B, T, H, DH).transpose(0, 2, 1, 3)  # (B,H,T,DH)

    qh = split_heads(qp)
    kh = split_heads(kp)
    vh = split_heads(vp)

    # L == S so trim branch is a no-op
    k_adj = kh[:, :, :T, :]
    v_adj = vh[:, :, :T, :]

    # time_delay_agg -- note: faithful to original, which uses q (not v) as tmp_values
    qt = qh.transpose(0, 1, 3, 2)          # (B,H,DH,T)
    kt = k_adj.transpose(0, 1, 3, 2)       # (B,H,DH,T)
    q_fft = jnp.fft.rfft(qt, axis=-1)
    k_fft = jnp.fft.rfft(kt, axis=-1)
    S_qk = q_fft * jnp.conj(k_fft)
    R_qk = jnp.fft.irfft(S_qk, n=T, axis=-1)  # (B,H,DH,T)

    weights, indices = jax.lax.top_k(R_qk, TOP_K)  # (B,H,DH,TOP_K)
    tmp_corr = jax.nn.softmax(weights, axis=-1)

    tmp_values = jnp.concatenate([qt, qt], axis=-1)  # (B,H,DH,2T)
    init_index = jnp.arange(T, dtype=indices.dtype)[None, None, None, :]  # (1,1,1,T)

    delays_agg = jnp.zeros_like(qt)
    for i in range(TOP_K):
        idx = init_index + indices[..., i:i + 1]                 # (B,H,DH,T)
        pattern = jnp.take_along_axis(tmp_values, idx, axis=-1)   # (B,H,DH,T)
        delays_agg = delays_agg + pattern * tmp_corr[..., i:i + 1]

    out = delays_agg.transpose(0, 3, 1, 2).reshape(B, T, D)  # (B,T,D)
    return out @ Wo + bo

if __name__ == "__main__":
    import jax
    _d = setup_inputs()
    print(jax.jit(kernel)(*tuple(_d.values())))

</pallas_src>

<mosaic_0001>
#map = affine_map<(d0, d1) -> (0, 0)>
module attributes {stable_mosaic.version = 14 : i64} {
  func.func @body(%arg0: i32, %arg1: i32, %arg2: memref<1024x2048xf32, #tpu.memory_space<hbm>>, %arg3: memref<1024x16xi32, #tpu.memory_space<hbm>>, %arg4: memref<1024x16xf32, #tpu.memory_space<hbm>>, %arg5: memref<1024x2048xf32, #tpu.memory_space<hbm>>, %arg6: memref<32x16xi32, #tpu.memory_space<vmem>>, %arg7: memref<32x16xf32, #tpu.memory_space<vmem>>, %arg8: memref<2x4096xf32, #tpu.memory_space<vmem>>, %arg9: memref<2x2048xf32, #tpu.memory_space<vmem>>, %arg10: memref<!tpu.dma_semaphore, #tpu.memory_space<semaphore_mem>>, %arg11: memref<!tpu.dma_semaphore, #tpu.memory_space<semaphore_mem>>, %arg12: memref<!tpu.dma_semaphore, #tpu.memory_space<semaphore_mem>>, %arg13: memref<!tpu.dma_semaphore, #tpu.memory_space<semaphore_mem>>, %arg14: memref<!tpu.dma_semaphore, #tpu.memory_space<semaphore_mem>>) attributes {dimension_semantics = [#tpu.dimension_semantics<core_parallel>, #tpu.dimension_semantics<subcore_parallel>], iteration_bounds = array<i64: 2, 16>, scalar_prefetch = 0 : i64, scratch_operands = 9 : i64, tpu.core_type = #tpu.core_type<sc_vector_subcore>, window_params = [{transform_indices = #map}, {transform_indices = #map}, {transform_indices = #map}, {transform_indices = #map}]} {
    %mul3A = arith.constant 2 : i32
    %mul3A_0 = arith.muli %arg1, %mul3A : i32
    %add3A = arith.addi %mul3A_0, %arg0 : i32
    %mul3A_1 = arith.constant 32 : i32
    %mul3A_2 = arith.muli %add3A, %mul3A_1 : i32
    %dma_start3A = arith.constant 0 : i32
    %dma_start3A_3 = tpu.memref_slice %arg3[%mul3A_2, %dma_start3A] : memref<1024x16xi32, #tpu.memory_space<hbm>> -> memref<32x16xi32, #tpu.memory_space<hbm>>
    %dma_start3A_4 = arith.constant 0 : i32
    %dma_start3A_5 = tpu.memref_slice %arg3[%mul3A_2, %dma_start3A_4] : memref<1024x16xi32, #tpu.memory_space<hbm>> -> memref<32x16xi32, #tpu.memory_space<hbm>>
    tpu.enqueue_dma source(%dma_start3A_5 : memref<32x16xi32, #tpu.memory_space<hbm>>) target(%arg6 : memref<32x16xi32, #tpu.memory_space<vmem>>) target_semaphore(%arg10 : memref<!tpu.dma_semaphore, #tpu.memory_space<semaphore_mem>>)
    %dma_wait3A = arith.constant 0 : i32
    %dma_wait3A_6 = tpu.memref_slice %arg3[%mul3A_2, %dma_wait3A] : memref<1024x16xi32, #tpu.memory_space<hbm>> -> memref<32x16xi32, #tpu.memory_space<hbm>>
    %dma_wait3A_7 = arith.constant 0 : i32
    %dma_wait3A_8 = tpu.memref_slice %arg3[%mul3A_2, %dma_wait3A_7] : memref<1024x16xi32, #tpu.memory_space<hbm>> -> memref<32x16xi32, #tpu.memory_space<hbm>>
    tpu.wait_dma2 semaphore(%arg10 : memref<!tpu.dma_semaphore, #tpu.memory_space<semaphore_mem>>) src(%dma_wait3A_8 : memref<32x16xi32, #tpu.memory_space<hbm>>) dst(%arg6 : memref<32x16xi32, #tpu.memory_space<vmem>>)
    %dma_start3A_9 = arith.constant 0 : i32
    %dma_start3A_10 = tpu.memref_slice %arg4[%mul3A_2, %dma_start3A_9] : memref<1024x16xf32, #tpu.memory_space<hbm>> -> memref<32x16xf32, #tpu.memory_space<hbm>>
    %dma_start3A_11 = arith.constant 0 : i32
    %dma_start3A_12 = tpu.memref_slice %arg4[%mul3A_2, %dma_start3A_11] : memref<1024x16xf32, #tpu.memory_space<hbm>> -> memref<32x16xf32, #tpu.memory_space<hbm>>
    tpu.enqueue_dma source(%dma_start3A_12 : memref<32x16xf32, #tpu.memory_space<hbm>>) target(%arg7 : memref<32x16xf32, #tpu.memory_space<vmem>>) target_semaphore(%arg10 : memref<!tpu.dma_semaphore, #tpu.memory_space<semaphore_mem>>)
    %dma_wait3A_13 = arith.constant 0 : i32
    %dma_wait3A_14 = tpu.memref_slice %arg4[%mul3A_2, %dma_wait3A_13] : memref<1024x16xf32, #tpu.memory_space<hbm>> -> memref<32x16xf32, #tpu.memory_space<hbm>>
    %dma_wait3A_15 = arith.constant 0 : i32
    %dma_wait3A_16 = tpu.memref_slice %arg4[%mul3A_2, %dma_wait3A_15] : memref<1024x16xf32, #tpu.memory_space<hbm>> -> memref<32x16xf32, #tpu.memory_space<hbm>>
    tpu.wait_dma2 semaphore(%arg10 : memref<!tpu.dma_semaphore, #tpu.memory_space<semaphore_mem>>) src(%dma_wait3A_16 : memref<32x16xf32, #tpu.memory_space<hbm>>) dst(%arg7 : memref<32x16xf32, #tpu.memory_space<vmem>>)
    %dma_start3A_17 = arith.constant 0 : i32
    %dma_start3A_18 = arith.constant 0 : i32
    %dma_start3A_19 = tpu.memref_slice %arg8[%dma_start3A_17, %dma_start3A_18] : memref<2x4096xf32, #tpu.memory_space<vmem>> -> memref<1x2048xf32, #tpu.memory_space<vmem>>
    %dma_start3A_20 = tpu.memref_squeeze %dma_start3A_19 : memref<1x2048xf32, #tpu.memory_space<vmem>> -> memref<2048xf32, #tpu.memory_space<vmem>>
    %dma_start3A_21 = arith.constant 0 : i32
    %dma_start3A_22 = tpu.memref_slice %arg2[%mul3A_2, %dma_start3A_21] : memref<1024x2048xf32, #tpu.memory_space<hbm>> -> memref<1x2048xf32, #tpu.memory_space<hbm>>
    %dma_start3A_23 = tpu.memref_squeeze %dma_start3A_22 : memref<1x2048xf32, #tpu.memory_space<hbm>> -> memref<2048xf32, #tpu.memory_space<hbm>>
    %dma_start3A_24 = arith.constant 0 : i32
    %dma_start3A_25 = tpu.memref_slice %arg8[%dma_start3A_17, %dma_start3A_24] : memref<2x4096xf32, #tpu.memory_space<vmem>> -> memref<1x2048xf32, #tpu.memory_space<vmem>>
    %dma_start3A_26 = tpu.memref_squeeze %dma_start3A_25 : memref<1x2048xf32, #tpu.memory_space<vmem>> -> memref<2048xf32, #tpu.memory_space<vmem>>
    %dma_start3A_27 = arith.constant 0 : i32
    %dma_start3A_28 = tpu.memref_slice %arg2[%mul3A_2, %dma_start3A_27] : memref<1024x2048xf32, #tpu.memory_space<hbm>> -> memref<1x2048xf32, #tpu.memory_space<hbm>>
    %dma_start3A_29 = tpu.memref_squeeze %dma_start3A_28 : memref<1x2048xf32, #tpu.memory_space<hbm>> -> memref<2048xf32, #tpu.memory_space<hbm>>
    tpu.enqueue_dma source(%dma_start3A_29 : memref<2048xf32, #tpu.memory_space<hbm>>) target(%dma_start3A_26 : memref<2048xf32, #tpu.memory_space<vmem>>) target_semaphore(%arg11 : memref<!tpu.dma_semaphore, #tpu.memory_space<semaphore_mem>>)
    %dma_start3A_30 = arith.constant 0 : i32
    %dma_start3A_31 = arith.constant 2048 : i32
    %dma_start3A_32 = tpu.memref_slice %arg8[%dma_start3A_30, %dma_start3A_31] : memref<2x4096xf32, #tpu.memory_space<vmem>> -> memref<1x2048xf32, #tpu.memory_space<vmem>>
    %dma_start3A_33 = tpu.memref_squeeze %dma_start3A_32 : memref<1x2048xf32, #tpu.memory_space<vmem>> -> memref<2048xf32, #tpu.memory_space<vmem>>
    %dma_start3A_34 = arith.constant 0 : i32
    %dma_start3A_35 = tpu.memref_slice %arg2[%mul3A_2, %dma_start3A_34] : memref<1024x2048xf32, #tpu.memory_space<hbm>> -> memref<1x2048xf32, #tpu.memory_space<hbm>>
    %dma_start3A_36 = tpu.memref_squeeze %dma_start3A_35 : memref<1x2048xf32, #tpu.memory_space<hbm>> -> memref<2048xf32, #tpu.memory_space<hbm>>
    %dma_start3A_37 = arith.constant 2048 : i32
    %dma_start3A_38 = tpu.memref_slice %arg8[%dma_start3A_30, %dma_start3A_37] : memref<2x4096xf32, #tpu.memory_space<vmem>> -> memref<1x2048xf32, #tpu.memory_space<vmem>>
    %dma_start3A_39 = tpu.memref_squeeze %dma_start3A_38 : memref<1x2048xf32, #tpu.memory_space<vmem>> -> memref<2048xf32, #tpu.memory_space<vmem>>
    %dma_start3A_40 = arith.constant 0 : i32
    %dma_start3A_41 = tpu.memref_slice %arg2[%mul3A_2, %dma_start3A_40] : memref<1024x2048xf32, #tpu.memory_space<hbm>> -> memref<1x2048xf32, #tpu.memory_space<hbm>>
    %dma_start3A_42 = tpu.memref_squeeze %dma_start3A_41 : memref<1x2048xf32, #tpu.memory_space<hbm>> -> memref<2048xf32, #tpu.memory_space<hbm>>
    tpu.enqueue_dma source(%dma_start3A_42 : memref<2048xf32, #tpu.memory_space<hbm>>) target(%dma_start3A_39 : memref<2048xf32, #tpu.memory_space<vmem>>) target_semaphore(%arg11 : memref<!tpu.dma_semaphore, #tpu.memory_space<semaphore_mem>>)
    %scan3A = arith.constant 0 : i32
    %scan3A_43 = arith.constant 16 : i32
    %scan3A_44 = arith.addi %scan3A, %scan3A_43 : i32
    %scan3A_45 = arith.constant 1 : i32
    scf.for %scan3A_101 = %scan3A to %scan3A_44 step %scan3A_45  : i32 {
      %mul3A_102 = arith.constant 2 : i32
      %mul3A_103 = arith.muli %scan3A_101, %mul3A_102 : i32
      %add3A_104 = arith.constant 0 : i32
      %add3A_105 = arith.addi %add3A_104, %mul3A_103 : i32
      %add3A_106 = arith.addi %mul3A_2, %add3A_105 : i32
      %add3A_107 = arith.constant 1 : i32
      %add3A_108 = arith.addi %add3A_106, %add3A_107 : i32
      %dma_start3A_109 = arith.constant 1 : i32
      %dma_start3A_110 = arith.constant 0 : i32
      %dma_start3A_111 = tpu.memref_slice %arg8[%dma_start3A_109, %dma_start3A_110] : memref<2x4096xf32, #tpu.memory_space<vmem>> -> memref<1x2048xf32, #tpu.memory_space<vmem>>
      %dma_start3A_112 = tpu.memref_squeeze %dma_start3A_111 : memref<1x2048xf32, #tpu.memory_space<vmem>> -> memref<2048xf32, #tpu.memory_space<vmem>>
      %dma_start3A_113 = arith.constant 0 : i32
      %dma_start3A_114 = tpu.memref_slice %arg2[%add3A_108, %dma_start3A_113] : memref<1024x2048xf32, #tpu.memory_space<hbm>> -> memref<1x2048xf32, #tpu.memory_space<hbm>>
      %dma_start3A_115 = tpu.memref_squeeze %dma_start3A_114 : memref<1x2048xf32, #tpu.memory_space<hbm>> -> memref<2048xf32, #tpu.memory_space<hbm>>
      %dma_start3A_116 = arith.constant 0 : i32
      %dma_start3A_117 = tpu.memref_slice %arg8[%dma_start3A_109, %dma_start3A_116] : memref<2x4096xf32, #tpu.memory_space<vmem>> -> memref<1x2048xf32, #tpu.memory_space<vmem>>
      %dma_start3A_118 = tpu.memref_squeeze %dma_start3A_117 : memref<1x2048xf32, #tpu.memory_space<vmem>> -> memref<2048xf32, #tpu.memory_space<vmem>>
      %dma_start3A_119 = arith.constant 0 : i32
      %dma_start3A_120 = tpu.memref_slice %arg2[%add3A_108, %dma_start3A_119] : memref<1024x2048xf32, #tpu.memory_space<hbm>> -> memref<1x2048xf32, #tpu.memory_space<hbm>>
      %dma_start3A_121 = tpu.memref_squeeze %dma_start3A_120 : memref<1x2048xf32, #tpu.memory_space<hbm>> -> memref<2048xf32, #tpu.memory_space<hbm>>
      tpu.enqueue_dma source(%dma_start3A_121 : memref<2048xf32, #tpu.memory_space<hbm>>) target(%dma_start3A_118 : memref<2048xf32, #tpu.memory_space<vmem>>) target_semaphore(%arg12 : memref<!tpu.dma_semaphore, #tpu.memory_space<semaphore_mem>>)
      %dma_start3A_122 = arith.constant 1 : i32
      %dma_start3A_123 = arith.constant 2048 : i32
      %dma_start3A_124 = tpu.memref_slice %arg8[%dma_start3A_122, %dma_start3A_123] : memref<2x4096xf32, #tpu.memory_space<vmem>> -> memref<1x2048xf32, #tpu.memory_space<vmem>>
      %dma_start3A_125 = tpu.memref_squeeze %dma_start3A_124 : memref<1x2048xf32, #tpu.memory_space<vmem>> -> memref<2048xf32, #tpu.memory_space<vmem>>
      %dma_start3A_126 = arith.constant 0 : i32
      %dma_start3A_127 = tpu.memref_slice %arg2[%add3A_108, %dma_start3A_126] : memref<1024x2048xf32, #tpu.memory_space<hbm>> -> memref<1x2048xf32, #tpu.memory_space<hbm>>
      %dma_start3A_128 = tpu.memref_squeeze %dma_start3A_127 : memref<1x2048xf32, #tpu.memory_space<hbm>> -> memref<2048xf32, #tpu.memory_space<hbm>>
      %dma_start3A_129 = arith.constant 2048 : i32
      %dma_start3A_130 = tpu.memref_slice %arg8[%dma_start3A_122, %dma_start3A_129] : memref<2x4096xf32, #tpu.memory_space<vmem>> -> memref<1x2048xf32, #tpu.memory_space<vmem>>
      %dma_start3A_131 = tpu.memref_squeeze %dma_start3A_130 : memref<1x2048xf32, #tpu.memory_space<vmem>> -> memref<2048xf32, #tpu.memory_space<vmem>>
      %dma_start3A_132 = arith.constant 0 : i32
      %dma_start3A_133 = tpu.memref_slice %arg2[%add3A_108, %dma_start3A_132] : memref<1024x2048xf32, #tpu.memory_space<hbm>> -> memref<1x2048xf32, #tpu.memory_space<hbm>>
      %dma_start3A_134 = tpu.memref_squeeze %dma_start3A_133 : memref<1x2048xf32, #tpu.memory_space<hbm>> -> memref<2048xf32, #tpu.memory_space<hbm>>
      tpu.enqueue_dma source(%dma_start3A_134 : memref<2048xf32, #tpu.memory_space<hbm>>) target(%dma_start3A_131 : memref<2048xf32, #tpu.memory_space<vmem>>) target_semaphore(%arg12 : memref<!tpu.dma_semaphore, #tpu.memory_space<semaphore_mem>>)
      %dma_wait3A_135 = arith.constant 0 : i32
      %dma_wait3A_136 = arith.constant 0 : i32
      %dma_wait3A_137 = arith.constant 0 : i32
      %dma_wait3A_138 = tpu.memref_slice %arg8[%dma_wait3A_136, %dma_wait3A_137] : memref<2x4096xf32, #tpu.memory_space<vmem>> -> memref<1x2048xf32, #tpu.memory_space<vmem>>
      %dma_wait3A_139 = tpu.memref_squeeze %dma_wait3A_138 : memref<1x2048xf32, #tpu.memory_space<vmem>> -> memref<2048xf32, #tpu.memory_space<vmem>>
      %dma_wait3A_140 = arith.constant 0 : i32
      %dma_wait3A_141 = tpu.memref_slice %arg2[%dma_wait3A_135, %dma_wait3A_140] : memref<1024x2048xf32, #tpu.memory_space<hbm>> -> memref<1x2048xf32, #tpu.memory_space<hbm>>
      %dma_wait3A_142 = tpu.memref_squeeze %dma_wait3A_141 : memref<1x2048xf32, #tpu.memory_space<hbm>> -> memref<2048xf32, #tpu.memory_space<hbm>>
      %dma_wait3A_143 = arith.constant 0 : i32
      %dma_wait3A_144 = tpu.memref_slice %arg8[%dma_wait3A_136, %dma_wait3A_143] : memref<2x4096xf32, #tpu.memory_space<vmem>> -> memref<1x2048xf32, #tpu.memory_space<vmem>>
      %dma_wait3A_145 = tpu.memref_squeeze %dma_wait3A_144 : memref<1x2048xf32, #tpu.memory_space<vmem>> -> memref<2048xf32, #tpu.memory_space<vmem>>
      %dma_wait3A_146 = arith.constant 0 : i32
      %dma_wait3A_147 = tpu.memref_slice %arg2[%dma_wait3A_135, %dma_wait3A_146] : memref<1024x2048xf32, #tpu.memory_space<hbm>> -> memref<1x2048xf32, #tpu.memory_space<hbm>>
      %dma_wait3A_148 = tpu.memref_squeeze %dma_wait3A_147 : memref<1x2048xf32, #tpu.memory_space<hbm>> -> memref<2048xf32, #tpu.memory_space<hbm>>
      tpu.wait_dma2 semaphore(%arg11 : memref<!tpu.dma_semaphore, #tpu.memory_space<semaphore_mem>>) src(%dma_wait3A_148 : memref<2048xf32, #tpu.memory_space<hbm>>) dst(%dma_wait3A_145 : memref<2048xf32, #tpu.memory_space<vmem>>)
      %dma_wait3A_149 = arith.constant 0 : i32
      %dma_wait3A_150 = arith.constant 0 : i32
      %dma_wait3A_151 = arith.constant 2048 : i32
      %dma_wait3A_152 = tpu.memref_slice %arg8[%dma_wait3A_150, %dma_wait3A_151] : memref<2x4096xf32, #tpu.memory_space<vmem>> -> memref<1x2048xf32, #tpu.memory_space<vmem>>
      %dma_wait3A_153 = tpu.memref_squeeze %dma_wait3A_152 : memref<1x2048xf32, #tpu.memory_space<vmem>> -> memref<2048xf32, #tpu.memory_space<vmem>>
      %dma_wait3A_154 = arith.constant 0 : i32
      %dma_wait3A_155 = tpu.memref_slice %arg2[%dma_wait3A_149, %dma_wait3A_154] : memref<1024x2048xf32, #tpu.memory_space<hbm>> -> memref<1x2048xf32, #tpu.memory_space<hbm>>
      %dma_wait3A_156 = tpu.memref_squeeze %dma_wait3A_155 : memref<1x2048xf32, #tpu.memory_space<hbm>> -> memref<2048xf32, #tpu.memory_space<hbm>>
      %dma_wait3A_157 = arith.constant 2048 : i32
      %dma_wait3A_158 = tpu.memref_slice %arg8[%dma_wait3A_150, %dma_wait3A_157] : memref<2x4096xf32, #tpu.memory_space<vmem>> -> memref<1x2048xf32, #tpu.memory_space<vmem>>
      %dma_wait3A_159 = tpu.memref_squeeze %dma_wait3A_158 : memref<1x2048xf32, #tpu.memory_space<vmem>> -> memref<2048xf32, #tpu.memory_space<vmem>>
      %dma_wait3A_160 = arith.constant 0 : i32
      %dma_wait3A_161 = tpu.memref_slice %arg2[%dma_wait3A_149, %dma_wait3A_160] : memref<1024x2048xf32, #tpu.memory_space<hbm>> -> memref<1x2048xf32, #tpu.memory_space<hbm>>
      %dma_wait3A_162 = tpu.memref_squeeze %dma_wait3A_161 : memref<1x2048xf32, #tpu.memory_space<hbm>> -> memref<2048xf32, #tpu.memory_space<hbm>>
      tpu.wait_dma2 semaphore(%arg11 : memref<!tpu.dma_semaphore, #tpu.memory_space<semaphore_mem>>) src(%dma_wait3A_162 : memref<2048xf32, #tpu.memory_space<hbm>>) dst(%dma_wait3A_159 : memref<2048xf32, #tpu.memory_space<vmem>>)
      %ge3A = arith.constant 2 : i32
      %ge3A_163 = arith.cmpi sge, %add3A_105, %ge3A : i32
      %convert_element_type3A = arith.extui %ge3A_163 : i1 to i32
      %cond3A = arith.constant 0 : i32
      %cond3A_164 = arith.cmpi ne, %convert_element_type3A, %cond3A : i32
      scf.if %cond3A_164 {
        %dma_wait3A_345 = arith.constant 0 : i32
        %dma_wait3A_346 = arith.constant 0 : i32
        %dma_wait3A_347 = tpu.memref_slice %arg9[%dma_wait3A_345, %dma_wait3A_346] : memref<2x2048xf32, #tpu.memory_space<vmem>> -> memref<1x2048xf32, #tpu.memory_space<vmem>>
        %dma_wait3A_348 = tpu.memref_squeeze %dma_wait3A_347 : memref<1x2048xf32, #tpu.memory_space<vmem>> -> memref<2048xf32, #tpu.memory_space<vmem>>
        %dma_wait3A_349 = arith.constant 0 : i32
        %dma_wait3A_350 = tpu.memref_slice %arg5[%mul3A_2, %dma_wait3A_349] : memref<1024x2048xf32, #tpu.memory_space<hbm>> -> memref<1x2048xf32, #tpu.memory_space<hbm>>
        %dma_wait3A_351 = tpu.memref_squeeze %dma_wait3A_350 : memref<1x2048xf32, #tpu.memory_space<hbm>> -> memref<2048xf32, #tpu.memory_space<hbm>>
        %dma_wait3A_352 = arith.constant 0 : i32
        %dma_wait3A_353 = tpu.memref_slice %arg5[%mul3A_2, %dma_wait3A_352] : memref<1024x2048xf32, #tpu.memory_space<hbm>> -> memref<1x2048xf32, #tpu.memory_space<hbm>>
        %dma_wait3A_354 = tpu.memref_squeeze %dma_wait3A_353 : memref<1x2048xf32, #tpu.memory_space<hbm>> -> memref<2048xf32, #tpu.memory_space<hbm>>
        %dma_wait3A_355 = arith.constant 0 : i32
        %dma_wait3A_356 = tpu.memref_slice %arg9[%dma_wait3A_345, %dma_wait3A_355] : memref<2x2048xf32, #tpu.memory_space<vmem>> -> memref<1x2048xf32, #tpu.memory_space<vmem>>
        %dma_wait3A_357 = tpu.memref_squeeze %dma_wait3A_356 : memref<1x2048xf32, #tpu.memory_space<vmem>> -> memref<2048xf32, #tpu.memory_space<vmem>>
        tpu.wait_dma2 semaphore(%arg13 : memref<!tpu.dma_semaphore, #tpu.memory_space<semaphore_mem>>) src(%dma_wait3A_357 : memref<2048xf32, #tpu.memory_space<vmem>>) dst(%dma_wait3A_354 : memref<2048xf32, #tpu.memory_space<hbm>>)
      } else {
      }
      %add3A_165 = arith.addi %mul3A_2, %add3A_105 : i32
      %get3A = arith.index_cast %add3A_105 : i32 to index
      %get3A_166 = arith.constant 0 : index
      %get3A_167 = tpu.vector_load %arg6[%get3A, %get3A_166] {strides = array<i32>} : memref<32x16xi32, #tpu.memory_space<vmem>>, vector<1x16xi32>,
      %get3A_168 = vector.shape_cast %get3A_167 : vector<1x16xi32> to vector<16xi32>
      %get3A_169 = arith.index_cast %add3A_105 : i32 to index
      %get3A_170 = arith.constant 0 : index
      %get3A_171 = tpu.vector_load %arg7[%get3A_169, %get3A_170] {strides = array<i32>} : memref<32x16xf32, #tpu.memory_space<vmem>>, vector<1x16xf32>,
      %get3A_172 = vector.shape_cast %get3A_171 : vector<1x16xf32> to vector<16xf32>
      %slice3A = vector.extract_strided_slice %get3A_168 {offsets = [0], sizes = [1], strides = [1]} : vector<16xi32> to vector<1xi32>
      %squeeze3A = vector.extract %slice3A[0] : i32 from vector<1xi32>
      %slice3A_173 = vector.extract_strided_slice %get3A_168 {offsets = [1], sizes = [1], strides = [1]} : vector<16xi32> to vector<1xi32>
      %squeeze3A_174 = vector.extract %slice3A_173[0] : i32 from vector<1xi32>
      %slice3A_175 = vector.extract_strided_slice %get3A_168 {offsets = [2], sizes = [1], strides = [1]} : vector<16xi32> to vector<1xi32>
      %squeeze3A_176 = vector.extract %slice3A_175[0] : i32 from vector<1xi32>
      %slice3A_177 = vector.extract_strided_slice %get3A_168 {offsets = [3], sizes = [1], strides = [1]} : vector<16xi32> to vector<1xi32>
      %squeeze3A_178 = vector.extract %slice3A_177[0] : i32 from vector<1xi32>
      %slice3A_179 = vector.extract_strided_slice %get3A_168 {offsets = [4], sizes = [1], strides = [1]} : vector<16xi32> to vector<1xi32>
      %squeeze3A_180 = vector.extract %slice3A_179[0] : i32 from vector<1xi32>
      %slice3A_181 = vector.extract_strided_slice %get3A_168 {offsets = [5], sizes = [1], strides = [1]} : vector<16xi32> to vector<1xi32>
      %squeeze3A_182 = vector.extract %slice3A_181[0] : i32 from vector<1xi32>
      %slice3A_183 = vector.extract_strided_slice %get3A_168 {offsets = [6], sizes = [1], strides = [1]} : vector<16xi32> to vector<1xi32>
      %squeeze3A_184 = vector.extract %slice3A_183[0] : i32 from vector<1xi32>
      %slice3A_185 = vector.extract_strided_slice %get3A_168 {offsets = [7], sizes = [1], strides = [1]} : vector<16xi32> to vector<1xi32>
      %squeeze3A_186 = vector.extract %slice3A_185[0] : i32 from vector<1xi32>
      %slice3A_187 = vector.extract_strided_slice %get3A_172 {offsets = [0], sizes = [1], strides = [1]} : vector<16xf32> to vector<1xf32>
      %squeeze3A_188 = vector.extract %slice3A_187[0] : f32 from vector<1xf32>
      %slice3A_189 = vector.extract_strided_slice %get3A_172 {offsets = [1], sizes = [1], strides = [1]} : vector<16xf32> to vector<1xf32>
      %squeeze3A_190 = vector.extract %slice3A_189[0] : f32 from vector<1xf32>
      %slice3A_191 = vector.extract_strided_slice %get3A_172 {offsets = [2], sizes = [1], strides = [1]} : vector<16xf32> to vector<1xf32>
      %squeeze3A_192 = vector.extract %slice3A_191[0] : f32 from vector<1xf32>
      %slice3A_193 = vector.extract_strided_slice %get3A_172 {offsets = [3], sizes = [1], strides = [1]} : vector<16xf32> to vector<1xf32>
      %squeeze3A_194 = vector.extract %slice3A_193[0] : f32 from vector<1xf32>
      %slice3A_195 = vector.extract_strided_slice %get3A_172 {offsets = [4], sizes = [1], strides = [1]} : vector<16xf32> to vector<1xf32>
      %squeeze3A_196 = vector.extract %slice3A_195[0] : f32 from vector<1xf32>
      %slice3A_197 = vector.extract_strided_slice %get3A_172 {offsets = [5], sizes = [1], strides = [1]} : vector<16xf32> to vector<1xf32>
      %squeeze3A_198 = vector.extract %slice3A_197[0] : f32 from vector<1xf32>
      %slice3A_199 = vector.extract_strided_slice %get3A_172 {offsets = [6], sizes = [1], strides = [1]} : vector<16xf32> to vector<1xf32>
      %squeeze3A_200 = vector.extract %slice3A_199[0] : f32 from vector<1xf32>
      %slice3A_201 = vector.extract_strided_slice %get3A_172 {offsets = [7], sizes = [1], strides = [1]} : vector<16xf32> to vector<1xf32>
      %squeeze3A_202 = vector.extract %slice3A_201[0] : f32 from vector<1xf32>
      %scan3A_203 = arith.constant 0 : i32
      %scan3A_204 = arith.constant 128 : i32
      %scan3A_205 = arith.addi %scan3A_203, %scan3A_204 : i32
      %scan3A_206 = arith.constant 1 : i32
      scf.for %scan3A_345 = %scan3A_203 to %scan3A_205 step %scan3A_206  : i32 {
        %mul3A_346 = arith.constant 16 : i32
        %mul3A_347 = arith.muli %scan3A_345, %mul3A_346 : i32
        %add3A_348 = arith.constant 0 : i32
        %add3A_349 = arith.addi %add3A_348, %mul3A_347 : i32
        %add3A_350 = arith.addi %squeeze3A, %add3A_349 : i32
        %get3A_351 = arith.constant 0 : i32
        %get3A_352 = arith.index_cast %get3A_351 : i32 to index
        %get3A_353 = arith.index_cast %add3A_350 : i32 to index
        %get3A_354 = tpu.vector_load %arg8[%get3A_352, %get3A_353] {strides = array<i32>} : memref<2x4096xf32, #tpu.memory_space<vmem>>, vector<1x16xf32>,
        %get3A_355 = vector.shape_cast %get3A_354 : vector<1x16xf32> to vector<16xf32>
        %mul3A_356 = vector.broadcast %squeeze3A_188 : f32 to vector<16xf32>
        %mul3A_357 = arith.mulf %get3A_355, %mul3A_356 : vector<16xf32>
        %add3A_358 = arith.addi %squeeze3A_174, %add3A_349 : i32
        %get3A_359 = arith.constant 0 : i32
        %get3A_360 = arith.index_cast %get3A_359 : i32 to index
        %get3A_361 = arith.index_cast %add3A_358 : i32 to index
        %get3A_362 = tpu.vector_load %arg8[%get3A_360, %get3A_361] {strides = array<i32>} : memref<2x4096xf32, #tpu.memory_space<vmem>>, vector<1x16xf32>,
        %get3A_363 = vector.shape_cast %get3A_362 : vector<1x16xf32> to vector<16xf32>
        %mul3A_364 = vector.broadcast %squeeze3A_190 : f32 to vector<16xf32>
        %mul3A_365 = arith.mulf %get3A_363, %mul3A_364 : vector<16xf32>
        %add3A_366 = arith.addf %mul3A_357, %mul3A_365 : vector<16xf32>
        %add3A_367 = arith.addi %squeeze3A_176, %add3A_349 : i32
        %get3A_368 = arith.constant 0 : i32
        %get3A_369 = arith.index_cast %get3A_368 : i32 to index
        %get3A_370 = arith.index_cast %add3A_367 : i32 to index
        %get3A_371 = tpu.vector_load %arg8[%get3A_369, %get3A_370] {strides = array<i32>} : memref<2x4096xf32, #tpu.memory_space<vmem>>, vector<1x16xf32>,
        %get3A_372 = vector.shape_cast %get3A_371 : vector<1x16xf32> to vector<16xf32>
        %mul3A_373 = vector.broadcast %squeeze3A_192 : f32 to vector<16xf32>
        %mul3A_374 = arith.mulf %get3A_372, %mul3A_373 : vector<16xf32>
        %add3A_375 = arith.addf %add3A_366, %mul3A_374 : vector<16xf32>
        %add3A_376 = arith.addi %squeeze3A_178, %add3A_349 : i32
        %get3A_377 = arith.constant 0 : i32
        %get3A_378 = arith.index_cast %get3A_377 : i32 to index
        %get3A_379 = arith.index_cast %add3A_376 : i32 to index
        %get3A_380 = tpu.vector_load %arg8[%get3A_378, %get3A_379] {strides = array<i32>} : memref<2x4096xf32, #tpu.memory_space<vmem>>, vector<1x16xf32>,
        %get3A_381 = vector.shape_cast %get3A_380 : vector<1x16xf32> to vector<16xf32>
        %mul3A_382 = vector.broadcast %squeeze3A_194 : f32 to vector<16xf32>
        %mul3A_383 = arith.mulf %get3A_381, %mul3A_382 : vector<16xf32>
        %add3A_384 = arith.addf %add3A_375, %mul3A_383 : vector<16xf32>
        %add3A_385 = arith.addi %squeeze3A_180, %add3A_349 : i32
        %get3A_386 = arith.constant 0 : i32
        %get3A_387 = arith.index_cast %get3A_386 : i32 to index
        %get3A_388 = arith.index_cast %add3A_385 : i32 to index
        %get3A_389 = tpu.vector_load %arg8[%get3A_387, %get3A_388] {strides = array<i32>} : memref<2x4096xf32, #tpu.memory_space<vmem>>, vector<1x16xf32>,
        %get3A_390 = vector.shape_cast %get3A_389 : vector<1x16xf32> to vector<16xf32>
        %mul3A_391 = vector.broadcast %squeeze3A_196 : f32 to vector<16xf32>
        %mul3A_392 = arith.mulf %get3A_390, %mul3A_391 : vector<16xf32>
        %add3A_393 = arith.addf %add3A_384, %mul3A_392 : vector<16xf32>
        %add3A_394 = arith.addi %squeeze3A_182, %add3A_349 : i32
        %get3A_395 = arith.constant 0 : i32
        %get3A_396 = arith.index_cast %get3A_395 : i32 to index
        %get3A_397 = arith.index_cast %add3A_394 : i32 to index
        %get3A_398 = tpu.vector_load %arg8[%get3A_396, %get3A_397] {strides = array<i32>} : memref<2x4096xf32, #tpu.memory_space<vmem>>, vector<1x16xf32>,
        %get3A_399 = vector.shape_cast %get3A_398 : vector<1x16xf32> to vector<16xf32>
        %mul3A_400 = vector.broadcast %squeeze3A_198 : f32 to vector<16xf32>
        %mul3A_401 = arith.mulf %get3A_399, %mul3A_400 : vector<16xf32>
        %add3A_402 = arith.addf %add3A_393, %mul3A_401 : vector<16xf32>
        %add3A_403 = arith.addi %squeeze3A_184, %add3A_349 : i32
        %get3A_404 = arith.constant 0 : i32
        %get3A_405 = arith.index_cast %get3A_404 : i32 to index
        %get3A_406 = arith.index_cast %add3A_403 : i32 to index
        %get3A_407 = tpu.vector_load %arg8[%get3A_405, %get3A_406] {strides = array<i32>} : memref<2x4096xf32, #tpu.memory_space<vmem>>, vector<1x16xf32>,
        %get3A_408 = vector.shape_cast %get3A_407 : vector<1x16xf32> to vector<16xf32>
        %mul3A_409 = vector.broadcast %squeeze3A_200 : f32 to vector<16xf32>
        %mul3A_410 = arith.mulf %get3A_408, %mul3A_409 : vector<16xf32>
        %add3A_411 = arith.addf %add3A_402, %mul3A_410 : vector<16xf32>
        %add3A_412 = arith.addi %squeeze3A_186, %add3A_349 : i32
        %get3A_413 = arith.constant 0 : i32
        %get3A_414 = arith.index_cast %get3A_413 : i32 to index
        %get3A_415 = arith.index_cast %add3A_412 : i32 to index
        %get3A_416 = tpu.vector_load %arg8[%get3A_414, %get3A_415] {strides = array<i32>} : memref<2x4096xf32, #tpu.memory_space<vmem>>, vector<1x16xf32>,
        %get3A_417 = vector.shape_cast %get3A_416 : vector<1x16xf32> to vector<16xf32>
        %mul3A_418 = vector.broadcast %squeeze3A_202 : f32 to vector<16xf32>
        %mul3A_419 = arith.mulf %get3A_417, %mul3A_418 : vector<16xf32>
        %add3A_420 = arith.addf %add3A_411, %mul3A_419 : vector<16xf32>
        %swap3A = arith.constant 0 : i32
        %swap3A_421 = arith.index_cast %swap3A : i32 to index
        %swap3A_422 = arith.index_cast %add3A_349 : i32 to index
        %swap3A_423 = tpu.vector_load %arg9[%swap3A_421, %swap3A_422] {strides = array<i32>} : memref<2x2048xf32, #tpu.memory_space<vmem>>, vector<1x16xf32>,
        %swap3A_424 = vector.shape_cast %swap3A_423 : vector<1x16xf32> to vector<16xf32>
        %swap3A_425 = vector.shape_cast %add3A_420 : vector<16xf32> to vector<1x16xf32>
        tpu.vector_store %arg9[%swap3A_421, %swap3A_422], %swap3A_425 {strides = array<i32>} : memref<2x2048xf32, #tpu.memory_space<vmem>>, vector<1x16xf32>,
      }
      %scan3A_207 = arith.constant 128 : i32
      %dma_start3A_208 = arith.constant 0 : i32
      %dma_start3A_209 = arith.constant 0 : i32
      %dma_start3A_210 = tpu.memref_slice %arg9[%dma_start3A_208, %dma_start3A_209] : memref<2x2048xf32, #tpu.memory_space<vmem>> -> memref<1x2048xf32, #tpu.memory_space<vmem>>
      %dma_start3A_211 = tpu.memref_squeeze %dma_start3A_210 : memref<1x2048xf32, #tpu.memory_space<vmem>> -> memref<2048xf32, #tpu.memory_space<vmem>>
      %dma_start3A_212 = arith.constant 0 : i32
      %dma_start3A_213 = tpu.memref_slice %arg5[%add3A_165, %dma_start3A_212] : memref<1024x2048xf32, #tpu.memory_space<hbm>> -> memref<1x2048xf32, #tpu.memory_space<hbm>>
      %dma_start3A_214 = tpu.memref_squeeze %dma_start3A_213 : memref<1x2048xf32, #tpu.memory_space<hbm>> -> memref<2048xf32, #tpu.memory_space<hbm>>
      %dma_start3A_215 = arith.constant 0 : i32
      %dma_start3A_216 = tpu.memref_slice %arg5[%add3A_165, %dma_start3A_215] : memref<1024x2048xf32, #tpu.memory_space<hbm>> -> memref<1x2048xf32, #tpu.memory_space<hbm>>
      %dma_start3A_217 = tpu.memref_squeeze %dma_start3A_216 : memref<1x2048xf32, #tpu.memory_space<hbm>> -> memref<2048xf32, #tpu.memory_space<hbm>>
      %dma_start3A_218 = arith.constant 0 : i32
      %dma_start3A_219 = tpu.memref_slice %arg9[%dma_start3A_208, %dma_start3A_218] : memref<2x2048xf32, #tpu.memory_space<vmem>> -> memref<1x2048xf32, #tpu.memory_space<vmem>>
      %dma_start3A_220 = tpu.memref_squeeze %dma_start3A_219 : memref<1x2048xf32, #tpu.memory_space<vmem>> -> memref<2048xf32, #tpu.memory_space<vmem>>
      tpu.enqueue_dma source(%dma_start3A_220 : memref<2048xf32, #tpu.memory_space<vmem>>) target(%dma_start3A_217 : memref<2048xf32, #tpu.memory_space<hbm>>) target_semaphore(%arg13 : memref<!tpu.dma_semaphore, #tpu.memory_space<semaphore_mem>>)
      %add3A_221 = arith.constant 2 : i32
      %add3A_222 = arith.addi %add3A_105, %add3A_221 : i32
      %rem3A = arith.constant 32 : i32
      %rem3A_223 = arith.remsi %add3A_222, %rem3A : i32
      %add3A_224 = arith.addi %mul3A_2, %rem3A_223 : i32
      %dma_start3A_225 = arith.constant 0 : i32
      %dma_start3A_226 = arith.constant 0 : i32
      %dma_start3A_227 = tpu.memref_slice %arg8[%dma_start3A_225, %dma_start3A_226] : memref<2x4096xf32, #tpu.memory_space<vmem>> -> memref<1x2048xf32, #tpu.memory_space<vmem>>
      %dma_start3A_228 = tpu.memref_squeeze %dma_start3A_227 : memref<1x2048xf32, #tpu.memory_space<vmem>> -> memref<2048xf32, #tpu.memory_space<vmem>>
      %dma_start3A_229 = arith.constant 0 : i32
      %dma_start3A_230 = tpu.memref_slice %arg2[%add3A_224, %dma_start3A_229] : memref<1024x2048xf32, #tpu.memory_space<hbm>> -> memref<1x2048xf32, #tpu.memory_space<hbm>>
      %dma_start3A_231 = tpu.memref_squeeze %dma_start3A_230 : memref<1x2048xf32, #tpu.memory_space<hbm>> -> memref<2048xf32, #tpu.memory_space<hbm>>
      %dma_start3A_232 = arith.constant 0 : i32
      %dma_start3A_233 = tpu.memref_slice %arg8[%dma_start3A_225, %dma_start3A_232] : memref<2x4096xf32, #tpu.memory_space<vmem>> -> memref<1x2048xf32, #tpu.memory_space<vmem>>
      %dma_start3A_234 = tpu.memref_squeeze %dma_start3A_233 : memref<1x2048xf32, #tpu.memory_space<vmem>> -> memref<2048xf32, #tpu.memory_space<vmem>>
      %dma_start3A_235 = arith.constant 0 : i32
      %dma_start3A_236 = tpu.memref_slice %arg2[%add3A_224, %dma_start3A_235] : memref<1024x2048xf32, #tpu.memory_space<hbm>> -> memref<1x2048xf32, #tpu.memory_space<hbm>>
      %dma_start3A_237 = tpu.memref_squeeze %dma_start3A_236 : memref<1x2048xf32, #tpu.memory_space<hbm>> -> memref<2048xf32, #tpu.memory_space<hbm>>
      tpu.enqueue_dma source(%dma_start3A_237 : memref<2048xf32, #tpu.memory_space<hbm>>) target(%dma_start3A_234 : memref<2048xf32, #tpu.memory_space<vmem>>) target_semaphore(%arg11 : memref<!tpu.dma_semaphore, #tpu.memory_space<semaphore_mem>>)
      %dma_start3A_238 = arith.constant 0 : i32
      %dma_start3A_239 = arith.constant 2048 : i32
      %dma_start3A_240 = tpu.memref_slice %arg8[%dma_start3A_238, %dma_start3A_239] : memref<2x4096xf32, #tpu.memory_space<vmem>> -> memref<1x2048xf32, #tpu.memory_space<vmem>>
      %dma_start3A_241 = tpu.memref_squeeze %dma_start3A_240 : memref<1x2048xf32, #tpu.memory_space<vmem>> -> memref<2048xf32, #tpu.memory_space<vmem>>
      %dma_start3A_242 = arith.constant 0 : i32
      %dma_start3A_243 = tpu.memref_slice %arg2[%add3A_224, %dma_start3A_242] : memref<1024x2048xf32, #tpu.memory_space<hbm>> -> memref<1x2048xf32, #tpu.memory_space<hbm>>
      %dma_start3A_244 = tpu.memref_squeeze %dma_start3A_243 : memref<1x2048xf32, #tpu.memory_space<hbm>> -> memref<2048xf32, #tpu.memory_space<hbm>>
      %dma_start3A_245 = arith.constant 2048 : i32
      %dma_start3A_246 = tpu.memref_slice %arg8[%dma_start3A_238, %dma_start3A_245] : memref<2x4096xf32, #tpu.memory_space<vmem>> -> memref<1x2048xf32, #tpu.memory_space<vmem>>
      %dma_start3A_247 = tpu.memref_squeeze %dma_start3A_246 : memref<1x2048xf32, #tpu.memory_space<vmem>> -> memref<2048xf32, #tpu.memory_space<vmem>>
      %dma_start3A_248 = arith.constant 0 : i32
      %dma_start3A_249 = tpu.memref_slice %arg2[%add3A_224, %dma_start3A_248] : memref<1024x2048xf32, #tpu.memory_space<hbm>> -> memref<1x2048xf32, #tpu.memory_space<hbm>>
      %dma_start3A_250 = tpu.memref_squeeze %dma_start3A_249 : memref<1x2048xf32, #tpu.memory_space<hbm>> -> memref<2048xf32, #tpu.memory_space<hbm>>
      tpu.enqueue_dma source(%dma_start3A_250 : memref<2048xf32, #tpu.memory_space<hbm>>) target(%dma_start3A_247 : memref<2048xf32, #tpu.memory_space<vmem>>) target_semaphore(%arg11 : memref<!tpu.dma_semaphore, #tpu.memory_space<semaphore_mem>>)
      %dma_wait3A_251 = arith.constant 0 : i32
      %dma_wait3A_252 = arith.constant 1 : i32
      %dma_wait3A_253 = arith.constant 0 : i32
      %dma_wait3A_254 = tpu.memref_slice %arg8[%dma_wait3A_252, %dma_wait3A_253] : memref<2x4096xf32, #tpu.memory_space<vmem>> -> memref<1x2048xf32, #tpu.memory_space<vmem>>
      %dma_wait3A_255 = tpu.memref_squeeze %dma_wait3A_254 : memref<1x2048xf32, #tpu.memory_space<vmem>> -> memref<2048xf32, #tpu.memory_space<vmem>>
      %dma_wait3A_256 = arith.constant 0 : i32
      %dma_wait3A_257 = tpu.memref_slice %arg2[%dma_wait3A_251, %dma_wait3A_256] : memref<1024x2048xf32, #tpu.memory_space<hbm>> -> memref<1x2048xf32, #tpu.memory_space<hbm>>
      %dma_wait3A_258 = tpu.memref_squeeze %dma_wait3A_257 : memref<1x2048xf32, #tpu.memory_space<hbm>> -> memref<2048xf32, #tpu.memory_space<hbm>>
      %dma_wait3A_259 = arith.constant 0 : i32
      %dma_wait3A_260 = tpu.memref_slice %arg8[%dma_wait3A_252, %dma_wait3A_259] : memref<2x4096xf32, #tpu.memory_space<vmem>> -> memref<1x2048xf32, #tpu.memory_space<vmem>>
      %dma_wait3A_261 = tpu.memref_squeeze %dma_wait3A_260 : memref<1x2048xf32, #tpu.memory_space<vmem>> -> memref<2048xf32, #tpu.memory_space<vmem>>
      %dma_wait3A_262 = arith.constant 0 : i32
      %dma_wait3A_263 = tpu.memref_slice %arg2[%dma_wait3A_251, %dma_wait3A_262] : memref<1024x2048xf32, #tpu.memory_space<hbm>> -> memref<1x2048xf32, #tpu.memory_space<hbm>>
      %dma_wait3A_264 = tpu.memref_squeeze %dma_wait3A_263 : memref<1x2048xf32, #tpu.memory_space<hbm>> -> memref<2048xf32, #tpu.memory_space<hbm>>
      tpu.wait_dma2 semaphore(%arg12 : memref<!tpu.dma_semaphore, #tpu.memory_space<semaphore_mem>>) src(%dma_wait3A_264 : memref<2048xf32, #tpu.memory_space<hbm>>) dst(%dma_wait3A_261 : memref<2048xf32, #tpu.memory_space<vmem>>)
      %dma_wait3A_265 = arith.constant 0 : i32
      %dma_wait3A_266 = arith.constant 1 : i32
      %dma_wait3A_267 = arith.constant 2048 : i32
      %dma_wait3A_268 = tpu.memref_slice %arg8[%dma_wait3A_266, %dma_wait3A_267] : memref<2x4096xf32, #tpu.memory_space<vmem>> -> memref<1x2048xf32, #tpu.memory_space<vmem>>
      %dma_wait3A_269 = tpu.memref_squeeze %dma_wait3A_268 : memref<1x2048xf32, #tpu.memory_space<vmem>> -> memref<2048xf32, #tpu.memory_space<vmem>>
      %dma_wait3A_270 = arith.constant 0 : i32
      %dma_wait3A_271 = tpu.memref_slice %arg2[%dma_wait3A_265, %dma_wait3A_270] : memref<1024x2048xf32, #tpu.memory_space<hbm>> -> memref<1x2048xf32, #tpu.memory_space<hbm>>
      %dma_wait3A_272 = tpu.memref_squeeze %dma_wait3A_271 : memref<1x2048xf32, #tpu.memory_space<hbm>> -> memref<2048xf32, #tpu.memory_space<hbm>>
      %dma_wait3A_273 = arith.constant 2048 : i32
      %dma_wait3A_274 = tpu.memref_slice %arg8[%dma_wait3A_266, %dma_wait3A_273] : memref<2x4096xf32, #tpu.memory_space<vmem>> -> memref<1x2048xf32, #tpu.memory_space<vmem>>
      %dma_wait3A_275 = tpu.memref_squeeze %dma_wait3A_274 : memref<1x2048xf32, #tpu.memory_space<vmem>> -> memref<2048xf32, #tpu.memory_space<vmem>>
      %dma_wait3A_276 = arith.constant 0 : i32
      %dma_wait3A_277 = tpu.memref_slice %arg2[%dma_wait3A_265, %dma_wait3A_276] : memref<1024x2048xf32, #tpu.memory_space<hbm>> -> memref<1x2048xf32, #tpu.memory_space<hbm>>
      %dma_wait3A_278 = tpu.memref_squeeze %dma_wait3A_277 : memref<1x2048xf32, #tpu.memory_space<hbm>> -> memref<2048xf32, #tpu.memory_space<hbm>>
      tpu.wait_dma2 semaphore(%arg12 : memref<!tpu.dma_semaphore, #tpu.memory_space<semaphore_mem>>) src(%dma_wait3A_278 : memref<2048xf32, #tpu.memory_space<hbm>>) dst(%dma_wait3A_275 : memref<2048xf32, #tpu.memory_space<vmem>>)
      %ge3A_279 = arith.constant 2 : i32
      %ge3A_280 = arith.cmpi sge, %add3A_105, %ge3A_279 : i32
      %convert_element_type3A_281 = arith.extui %ge3A_280 : i1 to i32
      %cond3A_282 = arith.constant 0 : i32
      %cond3A_283 = arith.cmpi ne, %convert_element_type3A_281, %cond3A_282 : i32
      scf.if %cond3A_283 {
        %dma_wait3A_345 = arith.constant 1 : i32
        %dma_wait3A_346 = arith.constant 0 : i32
        %dma_wait3A_347 = tpu.memref_slice %arg9[%dma_wait3A_345, %dma_wait3A_346] : memref<2x2048xf32, #tpu.memory_space<vmem>> -> memref<1x2048xf32, #tpu.memory_space<vmem>>
        %dma_wait3A_348 = tpu.memref_squeeze %dma_wait3A_347 : memref<1x2048xf32, #tpu.memory_space<vmem>> -> memref<2048xf32, #tpu.memory_space<vmem>>
        %dma_wait3A_349 = arith.constant 0 : i32
        %dma_wait3A_350 = tpu.memref_slice %arg5[%mul3A_2, %dma_wait3A_349] : memref<1024x2048xf32, #tpu.memory_space<hbm>> -> memref<1x2048xf32, #tpu.memory_space<hbm>>
        %dma_wait3A_351 = tpu.memref_squeeze %dma_wait3A_350 : memref<1x2048xf32, #tpu.memory_space<hbm>> -> memref<2048xf32, #tpu.memory_space<hbm>>
        %dma_wait3A_352 = arith.constant 0 : i32
        %dma_wait3A_353 = tpu.memref_slice %arg5[%mul3A_2, %dma_wait3A_352] : memref<1024x2048xf32, #tpu.memory_space<hbm>> -> memref<1x2048xf32, #tpu.memory_space<hbm>>
        %dma_wait3A_354 = tpu.memref_squeeze %dma_wait3A_353 : memref<1x2048xf32, #tpu.memory_space<hbm>> -> memref<2048xf32, #tpu.memory_space<hbm>>
        %dma_wait3A_355 = arith.constant 0 : i32
        %dma_wait3A_356 = tpu.memref_slice %arg9[%dma_wait3A_345, %dma_wait3A_355] : memref<2x2048xf32, #tpu.memory_space<vmem>> -> memref<1x2048xf32, #tpu.memory_space<vmem>>
        %dma_wait3A_357 = tpu.memref_squeeze %dma_wait3A_356 : memref<1x2048xf32, #tpu.memory_space<vmem>> -> memref<2048xf32, #tpu.memory_space<vmem>>
        tpu.wait_dma2 semaphore(%arg14 : memref<!tpu.dma_semaphore, #tpu.memory_space<semaphore_mem>>) src(%dma_wait3A_357 : memref<2048xf32, #tpu.memory_space<vmem>>) dst(%dma_wait3A_354 : memref<2048xf32, #tpu.memory_space<hbm>>)
      } else {
      }
      %add3A_284 = arith.constant 1 : i32
      %add3A_285 = arith.addi %add3A_105, %add3A_284 : i32
      %add3A_286 = arith.addi %mul3A_2, %add3A_285 : i32
      %get3A_287 = arith.index_cast %add3A_285 : i32 to index
      %get3A_288 = arith.constant 0 : index
      %get3A_289 = tpu.vector_load %arg6[%get3A_287, %get3A_288] {strides = array<i32>} : memref<32x16xi32, #tpu.memory_space<vmem>>, vector<1x16xi32>,
      %get3A_290 = vector.shape_cast %get3A_289 : vector<1x16xi32> to vector<16xi32>
      %get3A_291 = arith.index_cast %add3A_285 : i32 to index
      %get3A_292 = arith.constant 0 : index
      %get3A_293 = tpu.vector_load %arg7[%get3A_291, %get3A_292] {strides = array<i32>} : memref<32x16xf32, #tpu.memory_space<vmem>>, vector<1x16xf32>,
      %get3A_294 = vector.shape_cast %get3A_293 : vector<1x16xf32> to vector<16xf32>
      %slice3A_295 = vector.extract_strided_slice %get3A_290 {offsets = [0], sizes = [1], strides = [1]} : vector<16xi32> to vector<1xi32>
      %squeeze3A_296 = vector.extract %slice3A_295[0] : i32 from vector<1xi32>
      %slice3A_297 = vector.extract_strided_slice %get3A_290 {offsets = [1], sizes = [1], strides = [1]} : vector<16xi32> to vector<1xi32>
      %squeeze3A_298 = vector.extract %slice3A_297[0] : i32 from vector<1xi32>
      %slice3A_299 = vector.extract_strided_slice %get3A_290 {offsets = [2], sizes = [1], strides = [1]} : vector<16xi32> to vector<1xi32>
      %squeeze3A_300 = vector.extract %slice3A_299[0] : i32 from vector<1xi32>
      %slice3A_301 = vector.extract_strided_slice %get3A_290 {offsets = [3], sizes = [1], strides = [1]} : vector<16xi32> to vector<1xi32>
      %squeeze3A_302 = vector.extract %slice3A_301[0] : i32 from vector<1xi32>
      %slice3A_303 = vector.extract_strided_slice %get3A_290 {offsets = [4], sizes = [1], strides = [1]} : vector<16xi32> to vector<1xi32>
      %squeeze3A_304 = vector.extract %slice3A_303[0] : i32 from vector<1xi32>
      %slice3A_305 = vector.extract_strided_slice %get3A_290 {offsets = [5], sizes = [1], strides = [1]} : vector<16xi32> to vector<1xi32>
      %squeeze3A_306 = vector.extract %slice3A_305[0] : i32 from vector<1xi32>
      %slice3A_307 = vector.extract_strided_slice %get3A_290 {offsets = [6], sizes = [1], strides = [1]} : vector<16xi32> to vector<1xi32>
      %squeeze3A_308 = vector.extract %slice3A_307[0] : i32 from vector<1xi32>
      %slice3A_309 = vector.extract_strided_slice %get3A_290 {offsets = [7], sizes = [1], strides = [1]} : vector<16xi32> to vector<1xi32>
      %squeeze3A_310 = vector.extract %slice3A_309[0] : i32 from vector<1xi32>
      %slice3A_311 = vector.extract_strided_slice %get3A_294 {offsets = [0], sizes = [1], strides = [1]} : vector<16xf32> to vector<1xf32>
      %squeeze3A_312 = vector.extract %slice3A_311[0] : f32 from vector<1xf32>
      %slice3A_313 = vector.extract_strided_slice %get3A_294 {offsets = [1], sizes = [1], strides = [1]} : vector<16xf32> to vector<1xf32>
      %squeeze3A_314 = vector.extract %slice3A_313[0] : f32 from vector<1xf32>
      %slice3A_315 = vector.extract_strided_slice %get3A_294 {offsets = [2], sizes = [1], strides = [1]} : vector<16xf32> to vector<1xf32>
      %squeeze3A_316 = vector.extract %slice3A_315[0] : f32 from vector<1xf32>
      %slice3A_317 = vector.extract_strided_slice %get3A_294 {offsets = [3], sizes = [1], strides = [1]} : vector<16xf32> to vector<1xf32>
      %squeeze3A_318 = vector.extract %slice3A_317[0] : f32 from vector<1xf32>
      %slice3A_319 = vector.extract_strided_slice %get3A_294 {offsets = [4], sizes = [1], strides = [1]} : vector<16xf32> to vector<1xf32>
      %squeeze3A_320 = vector.extract %slice3A_319[0] : f32 from vector<1xf32>
      %slice3A_321 = vector.extract_strided_slice %get3A_294 {offsets = [5], sizes = [1], strides = [1]} : vector<16xf32> to vector<1xf32>
      %squeeze3A_322 = vector.extract %slice3A_321[0] : f32 from vector<1xf32>
      %slice3A_323 = vector.extract_strided_slice %get3A_294 {offsets = [6], sizes = [1], strides = [1]} : vector<16xf32> to vector<1xf32>
      %squeeze3A_324 = vector.extract %slice3A_323[0] : f32 from vector<1xf32>
      %slice3A_325 = vector.extract_strided_slice %get3A_294 {offsets = [7], sizes = [1], strides = [1]} : vector<16xf32> to vector<1xf32>
      %squeeze3A_326 = vector.extract %slice3A_325[0] : f32 from vector<1xf32>
      %scan3A_327 = arith.constant 0 : i32
      %scan3A_328 = arith.constant 128 : i32
      %scan3A_329 = arith.addi %scan3A_327, %scan3A_328 : i32
      %scan3A_330 = arith.constant 1 : i32
      scf.for %scan3A_345 = %scan3A_327 to %scan3A_329 step %scan3A_330  : i32 {
        %mul3A_346 = arith.constant 16 : i32
        %mul3A_347 = arith.muli %scan3A_345, %mul3A_346 : i32
        %add3A_348 = arith.constant 0 : i32
        %add3A_349 = arith.addi %add3A_348, %mul3A_347 : i32
        %add3A_350 = arith.addi %squeeze3A_296, %add3A_349 : i32
        %get3A_351 = arith.constant 1 : i32
        %get3A_352 = arith.index_cast %get3A_351 : i32 to index
        %get3A_353 = arith.index_cast %add3A_350 : i32 to index
        %get3A_354 = tpu.vector_load %arg8[%get3A_352, %get3A_353] {strides = array<i32>} : memref<2x4096xf32, #tpu.memory_space<vmem>>, vector<1x16xf32>,
        %get3A_355 = vector.shape_cast %get3A_354 : vector<1x16xf32> to vector<16xf32>
        %mul3A_356 = vector.broadcast %squeeze3A_312 : f32 to vector<16xf32>
        %mul3A_357 = arith.mulf %get3A_355, %mul3A_356 : vector<16xf32>
        %add3A_358 = arith.addi %squeeze3A_298, %add3A_349 : i32
        %get3A_359 = arith.constant 1 : i32
        %get3A_360 = arith.index_cast %get3A_359 : i32 to index
        %get3A_361 = arith.index_cast %add3A_358 : i32 to index
        %get3A_362 = tpu.vector_load %arg8[%get3A_360, %get3A_361] {strides = array<i32>} : memref<2x4096xf32, #tpu.memory_space<vmem>>, vector<1x16xf32>,
        %get3A_363 = vector.shape_cast %get3A_362 : vector<1x16xf32> to vector<16xf32>
        %mul3A_364 = vector.broadcast %squeeze3A_314 : f32 to vector<16xf32>
        %mul3A_365 = arith.mulf %get3A_363, %mul3A_364 : vector<16xf32>
        %add3A_366 = arith.addf %mul3A_357, %mul3A_365 : vector<16xf32>
        %add3A_367 = arith.addi %squeeze3A_300, %add3A_349 : i32
        %get3A_368 = arith.constant 1 : i32
        %get3A_369 = arith.index_cast %get3A_368 : i32 to index
        %get3A_370 = arith.index_cast %add3A_367 : i32 to index
        %get3A_371 = tpu.vector_load %arg8[%get3A_369, %get3A_370] {strides = array<i32>} : memref<2x4096xf32, #tpu.memory_space<vmem>>, vector<1x16xf32>,
        %get3A_372 = vector.shape_cast %get3A_371 : vector<1x16xf32> to vector<16xf32>
        %mul3A_373 = vector.broadcast %squeeze3A_316 : f32 to vector<16xf32>
        %mul3A_374 = arith.mulf %get3A_372, %mul3A_373 : vector<16xf32>
        %add3A_375 = arith.addf %add3A_366, %mul3A_374 : vector<16xf32>
        %add3A_376 = arith.addi %squeeze3A_302, %add3A_349 : i32
        %get3A_377 = arith.constant 1 : i32
        %get3A_378 = arith.index_cast %get3A_377 : i32 to index
        %get3A_379 = arith.index_cast %add3A_376 : i32 to index
        %get3A_380 = tpu.vector_load %arg8[%get3A_378, %get3A_379] {strides = array<i32>} : memref<2x4096xf32, #tpu.memory_space<vmem>>, vector<1x16xf32>,
        %get3A_381 = vector.shape_cast %get3A_380 : vector<1x16xf32> to vector<16xf32>
        %mul3A_382 = vector.broadcast %squeeze3A_318 : f32 to vector<16xf32>
        %mul3A_383 = arith.mulf %get3A_381, %mul3A_382 : vector<16xf32>
        %add3A_384 = arith.addf %add3A_375, %mul3A_383 : vector<16xf32>
        %add3A_385 = arith.addi %squeeze3A_304, %add3A_349 : i32
        %get3A_386 = arith.constant 1 : i32
        %get3A_387 = arith.index_cast %get3A_386 : i32 to index
        %get3A_388 = arith.index_cast %add3A_385 : i32 to index
        %get3A_389 = tpu.vector_load %arg8[%get3A_387, %get3A_388] {strides = array<i32>} : memref<2x4096xf32, #tpu.memory_space<vmem>>, vector<1x16xf32>,
        %get3A_390 = vector.shape_cast %get3A_389 : vector<1x16xf32> to vector<16xf32>
        %mul3A_391 = vector.broadcast %squeeze3A_320 : f32 to vector<16xf32>
        %mul3A_392 = arith.mulf %get3A_390, %mul3A_391 : vector<16xf32>
        %add3A_393 = arith.addf %add3A_384, %mul3A_392 : vector<16xf32>
        %add3A_394 = arith.addi %squeeze3A_306, %add3A_349 : i32
        %get3A_395 = arith.constant 1 : i32
        %get3A_396 = arith.index_cast %get3A_395 : i32 to index
        %get3A_397 = arith.index_cast %add3A_394 : i32 to index
        %get3A_398 = tpu.vector_load %arg8[%get3A_396, %get3A_397] {strides = array<i32>} : memref<2x4096xf32, #tpu.memory_space<vmem>>, vector<1x16xf32>,
        %get3A_399 = vector.shape_cast %get3A_398 : vector<1x16xf32> to vector<16xf32>
        %mul3A_400 = vector.broadcast %squeeze3A_322 : f32 to vector<16xf32>
        %mul3A_401 = arith.mulf %get3A_399, %mul3A_400 : vector<16xf32>
        %add3A_402 = arith.addf %add3A_393, %mul3A_401 : vector<16xf32>
        %add3A_403 = arith.addi %squeeze3A_308, %add3A_349 : i32
        %get3A_404 = arith.constant 1 : i32
        %get3A_405 = arith.index_cast %get3A_404 : i32 to index
        %get3A_406 = arith.index_cast %add3A_403 : i32 to index
        %get3A_407 = tpu.vector_load %arg8[%get3A_405, %get3A_406] {strides = array<i32>} : memref<2x4096xf32, #tpu.memory_space<vmem>>, vector<1x16xf32>,
        %get3A_408 = vector.shape_cast %get3A_407 : vector<1x16xf32> to vector<16xf32>
        %mul3A_409 = vector.broadcast %squeeze3A_324 : f32 to vector<16xf32>
        %mul3A_410 = arith.mulf %get3A_408, %mul3A_409 : vector<16xf32>
        %add3A_411 = arith.addf %add3A_402, %mul3A_410 : vector<16xf32>
        %add3A_412 = arith.addi %squeeze3A_310, %add3A_349 : i32
        %get3A_413 = arith.constant 1 : i32
        %get3A_414 = arith.index_cast %get3A_413 : i32 to index
        %get3A_415 = arith.index_cast %add3A_412 : i32 to index
        %get3A_416 = tpu.vector_load %arg8[%get3A_414, %get3A_415] {strides = array<i32>} : memref<2x4096xf32, #tpu.memory_space<vmem>>, vector<1x16xf32>,
        %get3A_417 = vector.shape_cast %get3A_416 : vector<1x16xf32> to vector<16xf32>
        %mul3A_418 = vector.broadcast %squeeze3A_326 : f32 to vector<16xf32>
        %mul3A_419 = arith.mulf %get3A_417, %mul3A_418 : vector<16xf32>
        %add3A_420 = arith.addf %add3A_411, %mul3A_419 : vector<16xf32>
        %swap3A = arith.constant 1 : i32
        %swap3A_421 = arith.index_cast %swap3A : i32 to index
        %swap3A_422 = arith.index_cast %add3A_349 : i32 to index
        %swap3A_423 = tpu.vector_load %arg9[%swap3A_421, %swap3A_422] {strides = array<i32>} : memref<2x2048xf32, #tpu.memory_space<vmem>>, vector<1x16xf32>,
        %swap3A_424 = vector.shape_cast %swap3A_423 : vector<1x16xf32> to vector<16xf32>
        %swap3A_425 = vector.shape_cast %add3A_420 : vector<16xf32> to vector<1x16xf32>
        tpu.vector_store %arg9[%swap3A_421, %swap3A_422], %swap3A_425 {strides = array<i32>} : memref<2x2048xf32, #tpu.memory_space<vmem>>, vector<1x16xf32>,
      }
      %scan3A_331 = arith.constant 128 : i32
      %dma_start3A_332 = arith.constant 1 : i32
      %dma_start3A_333 = arith.constant 0 : i32
      %dma_start3A_334 = tpu.memref_slice %arg9[%dma_start3A_332, %dma_start3A_333] : memref<2x2048xf32, #tpu.memory_space<vmem>> -> memref<1x2048xf32, #tpu.memory_space<vmem>>
      %dma_start3A_335 = tpu.memref_squeeze %dma_start3A_334 : memref<1x2048xf32, #tpu.memory_space<vmem>> -> memref<2048xf32, #tpu.memory_space<vmem>>
      %dma_start3A_336 = arith.constant 0 : i32
      %dma_start3A_337 = tpu.memref_slice %arg5[%add3A_286, %dma_start3A_336] : memref<1024x2048xf32, #tpu.memory_space<hbm>> -> memref<1x2048xf32, #tpu.memory_space<hbm>>
      %dma_start3A_338 = tpu.memref_squeeze %dma_start3A_337 : memref<1x2048xf32, #tpu.memory_space<hbm>> -> memref<2048xf32, #tpu.memory_space<hbm>>
      %dma_start3A_339 = arith.constant 0 : i32
      %dma_start3A_340 = tpu.memref_slice %arg5[%add3A_286, %dma_start3A_339] : memref<1024x2048xf32, #tpu.memory_space<hbm>> -> memref<1x2048xf32, #tpu.memory_space<hbm>>
      %dma_start3A_341 = tpu.memref_squeeze %dma_start3A_340 : memref<1x2048xf32, #tpu.memory_space<hbm>> -> memref<2048xf32, #tpu.memory_space<hbm>>
      %dma_start3A_342 = arith.constant 0 : i32
      %dma_start3A_343 = tpu.memref_slice %arg9[%dma_start3A_332, %dma_start3A_342] : memref<2x2048xf32, #tpu.memory_space<vmem>> -> memref<1x2048xf32, #tpu.memory_space<vmem>>
      %dma_start3A_344 = tpu.memref_squeeze %dma_start3A_343 : memref<1x2048xf32, #tpu.memory_space<vmem>> -> memref<2048xf32, #tpu.memory_space<vmem>>
      tpu.enqueue_dma source(%dma_start3A_344 : memref<2048xf32, #tpu.memory_space<vmem>>) target(%dma_start3A_341 : memref<2048xf32, #tpu.memory_space<hbm>>) target_semaphore(%arg14 : memref<!tpu.dma_semaphore, #tpu.memory_space<semaphore_mem>>)
    }
    %scan3A_46 = arith.constant 16 : i32
    %dma_wait3A_47 = arith.constant 0 : i32
    %dma_wait3A_48 = arith.constant 0 : i32
    %dma_wait3A_49 = arith.constant 0 : i32
    %dma_wait3A_50 = tpu.memref_slice %arg8[%dma_wait3A_48, %dma_wait3A_49] : memref<2x4096xf32, #tpu.memory_space<vmem>> -> memref<1x2048xf32, #tpu.memory_space<vmem>>
    %dma_wait3A_51 = tpu.memref_squeeze %dma_wait3A_50 : memref<1x2048xf32, #tpu.memory_space<vmem>> -> memref<2048xf32, #tpu.memory_space<vmem>>
    %dma_wait3A_52 = arith.constant 0 : i32
    %dma_wait3A_53 = tpu.memref_slice %arg2[%dma_wait3A_47, %dma_wait3A_52] : memref<1024x2048xf32, #tpu.memory_space<hbm>> -> memref<1x2048xf32, #tpu.memory_space<hbm>>
    %dma_wait3A_54 = tpu.memref_squeeze %dma_wait3A_53 : memref<1x2048xf32, #tpu.memory_space<hbm>> -> memref<2048xf32, #tpu.memory_space<hbm>>
    %dma_wait3A_55 = arith.constant 0 : i32
    %dma_wait3A_56 = tpu.memref_slice %arg8[%dma_wait3A_48, %dma_wait3A_55] : memref<2x4096xf32, #tpu.memory_space<vmem>> -> memref<1x2048xf32, #tpu.memory_space<vmem>>
    %dma_wait3A_57 = tpu.memref_squeeze %dma_wait3A_56 : memref<1x2048xf32, #tpu.memory_space<vmem>> -> memref<2048xf32, #tpu.memory_space<vmem>>
    %dma_wait3A_58 = arith.constant 0 : i32
    %dma_wait3A_59 = tpu.memref_slice %arg2[%dma_wait3A_47, %dma_wait3A_58] : memref<1024x2048xf32, #tpu.memory_space<hbm>> -> memref<1x2048xf32, #tpu.memory_space<hbm>>
    %dma_wait3A_60 = tpu.memref_squeeze %dma_wait3A_59 : memref<1x2048xf32, #tpu.memory_space<hbm>> -> memref<2048xf32, #tpu.memory_space<hbm>>
    tpu.wait_dma2 semaphore(%arg11 : memref<!tpu.dma_semaphore, #tpu.memory_space<semaphore_mem>>) src(%dma_wait3A_60 : memref<2048xf32, #tpu.memory_space<hbm>>) dst(%dma_wait3A_57 : memref<2048xf32, #tpu.memory_space<vmem>>)
    %dma_wait3A_61 = arith.constant 0 : i32
    %dma_wait3A_62 = arith.constant 0 : i32
    %dma_wait3A_63 = arith.constant 2048 : i32
    %dma_wait3A_64 = tpu.memref_slice %arg8[%dma_wait3A_62, %dma_wait3A_63] : memref<2x4096xf32, #tpu.memory_space<vmem>> -> memref<1x2048xf32, #tpu.memory_space<vmem>>
    %dma_wait3A_65 = tpu.memref_squeeze %dma_wait3A_64 : memref<1x2048xf32, #tpu.memory_space<vmem>> -> memref<2048xf32, #tpu.memory_space<vmem>>
    %dma_wait3A_66 = arith.constant 0 : i32
    %dma_wait3A_67 = tpu.memref_slice %arg2[%dma_wait3A_61, %dma_wait3A_66] : memref<1024x2048xf32, #tpu.memory_space<hbm>> -> memref<1x2048xf32, #tpu.memory_space<hbm>>
    %dma_wait3A_68 = tpu.memref_squeeze %dma_wait3A_67 : memref<1x2048xf32, #tpu.memory_space<hbm>> -> memref<2048xf32, #tpu.memory_space<hbm>>
    %dma_wait3A_69 = arith.constant 2048 : i32
    %dma_wait3A_70 = tpu.memref_slice %arg8[%dma_wait3A_62, %dma_wait3A_69] : memref<2x4096xf32, #tpu.memory_space<vmem>> -> memref<1x2048xf32, #tpu.memory_space<vmem>>
    %dma_wait3A_71 = tpu.memref_squeeze %dma_wait3A_70 : memref<1x2048xf32, #tpu.memory_space<vmem>> -> memref<2048xf32, #tpu.memory_space<vmem>>
    %dma_wait3A_72 = arith.constant 0 : i32
    %dma_wait3A_73 = tpu.memref_slice %arg2[%dma_wait3A_61, %dma_wait3A_72] : memref<1024x2048xf32, #tpu.memory_space<hbm>> -> memref<1x2048xf32, #tpu.memory_space<hbm>>
    %dma_wait3A_74 = tpu.memref_squeeze %dma_wait3A_73 : memref<1x2048xf32, #tpu.memory_space<hbm>> -> memref<2048xf32, #tpu.memory_space<hbm>>
    tpu.wait_dma2 semaphore(%arg11 : memref<!tpu.dma_semaphore, #tpu.memory_space<semaphore_mem>>) src(%dma_wait3A_74 : memref<2048xf32, #tpu.memory_space<hbm>>) dst(%dma_wait3A_71 : memref<2048xf32, #tpu.memory_space<vmem>>)
    %dma_wait3A_75 = arith.constant 0 : i32
    %dma_wait3A_76 = arith.constant 0 : i32
    %dma_wait3A_77 = tpu.memref_slice %arg9[%dma_wait3A_75, %dma_wait3A_76] : memref<2x2048xf32, #tpu.memory_space<vmem>> -> memref<1x2048xf32, #tpu.memory_space<vmem>>
    %dma_wait3A_78 = tpu.memref_squeeze %dma_wait3A_77 : memref<1x2048xf32, #tpu.memory_space<vmem>> -> memref<2048xf32, #tpu.memory_space<vmem>>
    %dma_wait3A_79 = arith.constant 0 : i32
    %dma_wait3A_80 = tpu.memref_slice %arg5[%mul3A_2, %dma_wait3A_79] : memref<1024x2048xf32, #tpu.memory_space<hbm>> -> memref<1x2048xf32, #tpu.memory_space<hbm>>
    %dma_wait3A_81 = tpu.memref_squeeze %dma_wait3A_80 : memref<1x2048xf32, #tpu.memory_space<hbm>> -> memref<2048xf32, #tpu.memory_space<hbm>>
    %dma_wait3A_82 = arith.constant 0 : i32
    %dma_wait3A_83 = tpu.memref_slice %arg5[%mul3A_2, %dma_wait3A_82] : memref<1024x2048xf32, #tpu.memory_space<hbm>> -> memref<1x2048xf32, #tpu.memory_space<hbm>>
    %dma_wait3A_84 = tpu.memref_squeeze %dma_wait3A_83 : memref<1x2048xf32, #tpu.memory_space<hbm>> -> memref<2048xf32, #tpu.memory_space<hbm>>
    %dma_wait3A_85 = arith.constant 0 : i32
    %dma_wait3A_86 = tpu.memref_slice %arg9[%dma_wait3A_75, %dma_wait3A_85] : memref<2x2048xf32, #tpu.memory_space<vmem>> -> memref<1x2048xf32, #tpu.memory_space<vmem>>
    %dma_wait3A_87 = tpu.memref_squeeze %dma_wait3A_86 : memref<1x2048xf32, #tpu.memory_space<vmem>> -> memref<2048xf32, #tpu.memory_space<vmem>>
    tpu.wait_dma2 semaphore(%arg13 : memref<!tpu.dma_semaphore, #tpu.memory_space<semaphore_mem>>) src(%dma_wait3A_87 : memref<2048xf32, #tpu.memory_space<vmem>>) dst(%dma_wait3A_84 : memref<2048xf32, #tpu.memory_space<hbm>>)
    %dma_wait3A_88 = arith.constant 1 : i32
    %dma_wait3A_89 = arith.constant 0 : i32
    %dma_wait3A_90 = tpu.memref_slice %arg9[%dma_wait3A_88, %dma_wait3A_89] : memref<2x2048xf32, #tpu.memory_space<vmem>> -> memref<1x2048xf32, #tpu.memory_space<vmem>>
    %dma_wait3A_91 = tpu.memref_squeeze %dma_wait3A_90 : memref<1x2048xf32, #tpu.memory_space<vmem>> -> memref<2048xf32, #tpu.memory_space<vmem>>
    %dma_wait3A_92 = arith.constant 0 : i32
    %dma_wait3A_93 = tpu.memref_slice %arg5[%mul3A_2, %dma_wait3A_92] : memref<1024x2048xf32, #tpu.memory_space<hbm>> -> memref<1x2048xf32, #tpu.memory_space<hbm>>
    %dma_wait3A_94 = tpu.memref_squeeze %dma_wait3A_93 : memref<1x2048xf32, #tpu.memory_space<hbm>> -> memref<2048xf32, #tpu.memory_space<hbm>>
    %dma_wait3A_95 = arith.constant 0 : i32
    %dma_wait3A_96 = tpu.memref_slice %arg5[%mul3A_2, %dma_wait3A_95] : memref<1024x2048xf32, #tpu.memory_space<hbm>> -> memref<1x2048xf32, #tpu.memory_space<hbm>>
    %dma_wait3A_97 = tpu.memref_squeeze %dma_wait3A_96 : memref<1x2048xf32, #tpu.memory_space<hbm>> -> memref<2048xf32, #tpu.memory_space<hbm>>
    %dma_wait3A_98 = arith.constant 0 : i32
    %dma_wait3A_99 = tpu.memref_slice %arg9[%dma_wait3A_88, %dma_wait3A_98] : memref<2x2048xf32, #tpu.memory_space<vmem>> -> memref<1x2048xf32, #tpu.memory_space<vmem>>
    %dma_wait3A_100 = tpu.memref_squeeze %dma_wait3A_99 : memref<1x2048xf32, #tpu.memory_space<vmem>> -> memref<2048xf32, #tpu.memory_space<vmem>>
    tpu.wait_dma2 semaphore(%arg14 : memref<!tpu.dma_semaphore, #tpu.memory_space<semaphore_mem>>) src(%dma_wait3A_100 : memref<2048xf32, #tpu.memory_space<vmem>>) dst(%dma_wait3A_97 : memref<2048xf32, #tpu.memory_space<hbm>>)
    return
  }
}

#map = affine_map<(d0, d1) -> (0, 0)>
module attributes {stable_mosaic.version = 14 : i64} {
  func.func @body(%arg0: i32, %arg1: i32, %arg2: memref<1024x2048xf32, #tpu.memory_space<hbm>>, %arg3: memref<1024x16xi32, #tpu.memory_space<hbm>>, %arg4: memref<1024x16xf32, #tpu.memory_space<hbm>>, %arg5: memref<1024x2048xf32, #tpu.memory_space<hbm>>, %arg6: memref<32x16xi32, #tpu.memory_space<vmem>>, %arg7: memref<32x16xf32, #tpu.memory_space<vmem>>, %arg8: memref<2x4096xf32, #tpu.memory_space<vmem>>, %arg9: memref<2x2048xf32, #tpu.memory_space<vmem>>, %arg10: memref<!tpu.dma_semaphore, #tpu.memory_space<semaphore_mem>>, %arg11: memref<!tpu.dma_semaphore, #tpu.memory_space<semaphore_mem>>, %arg12: memref<!tpu.dma_semaphore, #tpu.memory_space<semaphore_mem>>, %arg13: memref<!tpu.dma_semaphore, #tpu.memory_space<semaphore_mem>>, %arg14: memref<!tpu.dma_semaphore, #tpu.memory_space<semaphore_mem>>) attributes {dimension_semantics = [#tpu.dimension_semantics<core_parallel>, #tpu.dimension_semantics<subcore_parallel>], iteration_bounds = array<i64: 2, 16>, scalar_prefetch = 0 : i64, scratch_operands = 9 : i64, tpu.core_type = #tpu.core_type<sc_vector_subcore>, window_params = [{transform_indices = #map}, {transform_indices = #map}, {transform_indices = #map}, {transform_indices = #map}]} {
    %mul3A = arith.constant 2 : i32
    %mul3A_0 = arith.muli %arg1, %mul3A : i32
    %add3A = arith.addi %mul3A_0, %arg0 : i32
    %mul3A_1 = arith.constant 32 : i32
    %mul3A_2 = arith.muli %add3A, %mul3A_1 : i32
    %dma_start3A = arith.constant 0 : i32
    %dma_start3A_3 = tpu.memref_slice %arg3[%mul3A_2, %dma_start3A] : memref<1024x16xi32, #tpu.memory_space<hbm>> -> memref<32x16xi32, #tpu.memory_space<hbm>>
    %dma_start3A_4 = arith.constant 0 : i32
    %dma_start3A_5 = tpu.memref_slice %arg3[%mul3A_2, %dma_start3A_4] : memref<1024x16xi32, #tpu.memory_space<hbm>> -> memref<32x16xi32, #tpu.memory_space<hbm>>
    tpu.enqueue_dma source(%dma_start3A_5 : memref<32x16xi32, #tpu.memory_space<hbm>>) target(%arg6 : memref<32x16xi32, #tpu.memory_space<vmem>>) target_semaphore(%arg10 : memref<!tpu.dma_semaphore, #tpu.memory_space<semaphore_mem>>)
    %dma_wait3A = arith.constant 0 : i32
    %dma_wait3A_6 = tpu.memref_slice %arg3[%mul3A_2, %dma_wait3A] : memref<1024x16xi32, #tpu.memory_space<hbm>> -> memref<32x16xi32, #tpu.memory_space<hbm>>
    %dma_wait3A_7 = arith.constant 0 : i32
    %dma_wait3A_8 = tpu.memref_slice %arg3[%mul3A_2, %dma_wait3A_7] : memref<1024x16xi32, #tpu.memory_space<hbm>> -> memref<32x16xi32, #tpu.memory_space<hbm>>
    tpu.wait_dma2 semaphore(%arg10 : memref<!tpu.dma_semaphore, #tpu.memory_space<semaphore_mem>>) src(%dma_wait3A_8 : memref<32x16xi32, #tpu.memory_space<hbm>>) dst(%arg6 : memref<32x16xi32, #tpu.memory_space<vmem>>)
    %dma_start3A_9 = arith.constant 0 : i32
    %dma_start3A_10 = tpu.memref_slice %arg4[%mul3A_2, %dma_start3A_9] : memref<1024x16xf32, #tpu.memory_space<hbm>> -> memref<32x16xf32, #tpu.memory_space<hbm>>
    %dma_start3A_11 = arith.constant 0 : i32
    %dma_start3A_12 = tpu.memref_slice %arg4[%mul3A_2, %dma_start3A_11] : memref<1024x16xf32, #tpu.memory_space<hbm>> -> memref<32x16xf32, #tpu.memory_space<hbm>>
    tpu.enqueue_dma source(%dma_start3A_12 : memref<32x16xf32, #tpu.memory_space<hbm>>) target(%arg7 : memref<32x16xf32, #tpu.memory_space<vmem>>) target_semaphore(%arg10 : memref<!tpu.dma_semaphore, #tpu.memory_space<semaphore_mem>>)
    %dma_wait3A_13 = arith.constant 0 : i32
    %dma_wait3A_14 = tpu.memref_slice %arg4[%mul3A_2, %dma_wait3A_13] : memref<1024x16xf32, #tpu.memory_space<hbm>> -> memref<32x16xf32, #tpu.memory_space<hbm>>
    %dma_wait3A_15 = arith.constant 0 : i32
    %dma_wait3A_16 = tpu.memref_slice %arg4[%mul3A_2, %dma_wait3A_15] : memref<1024x16xf32, #tpu.memory_space<hbm>> -> memref<32x16xf32, #tpu.memory_space<hbm>>
    tpu.wait_dma2 semaphore(%arg10 : memref<!tpu.dma_semaphore, #tpu.memory_space<semaphore_mem>>) src(%dma_wait3A_16 : memref<32x16xf32, #tpu.memory_space<hbm>>) dst(%arg7 : memref<32x16xf32, #tpu.memory_space<vmem>>)
    %dma_start3A_17 = arith.constant 0 : i32
    %dma_start3A_18 = arith.constant 0 : i32
    %dma_start3A_19 = tpu.memref_slice %arg8[%dma_start3A_17, %dma_start3A_18] : memref<2x4096xf32, #tpu.memory_space<vmem>> -> memref<1x2048xf32, #tpu.memory_space<vmem>>
    %dma_start3A_20 = tpu.memref_squeeze %dma_start3A_19 : memref<1x2048xf32, #tpu.memory_space<vmem>> -> memref<2048xf32, #tpu.memory_space<vmem>>
    %dma_start3A_21 = arith.constant 0 : i32
    %dma_start3A_22 = tpu.memref_slice %arg2[%mul3A_2, %dma_start3A_21] : memref<1024x2048xf32, #tpu.memory_space<hbm>> -> memref<1x2048xf32, #tpu.memory_space<hbm>>
    %dma_start3A_23 = tpu.memref_squeeze %dma_start3A_22 : memref<1x2048xf32, #tpu.memory_space<hbm>> -> memref<2048xf32, #tpu.memory_space<hbm>>
    %dma_start3A_24 = arith.constant 0 : i32
    %dma_start3A_25 = tpu.memref_slice %arg8[%dma_start3A_17, %dma_start3A_24] : memref<2x4096xf32, #tpu.memory_space<vmem>> -> memref<1x2048xf32, #tpu.memory_space<vmem>>
    %dma_start3A_26 = tpu.memref_squeeze %dma_start3A_25 : memref<1x2048xf32, #tpu.memory_space<vmem>> -> memref<2048xf32, #tpu.memory_space<vmem>>
    %dma_start3A_27 = arith.constant 0 : i32
    %dma_start3A_28 = tpu.memref_slice %arg2[%mul3A_2, %dma_start3A_27] : memref<1024x2048xf32, #tpu.memory_space<hbm>> -> memref<1x2048xf32, #tpu.memory_space<hbm>>
    %dma_start3A_29 = tpu.memref_squeeze %dma_start3A_28 : memref<1x2048xf32, #tpu.memory_space<hbm>> -> memref<2048xf32, #tpu.memory_space<hbm>>
    tpu.enqueue_dma source(%dma_start3A_29 : memref<2048xf32, #tpu.memory_space<hbm>>) target(%dma_start3A_26 : memref<2048xf32, #tpu.memory_space<vmem>>) target_semaphore(%arg11 : memref<!tpu.dma_semaphore, #tpu.memory_space<semaphore_mem>>)
    %dma_start3A_30 = arith.constant 0 : i32
    %dma_start3A_31 = arith.constant 2048 : i32
    %dma_start3A_32 = tpu.memref_slice %arg8[%dma_start3A_30, %dma_start3A_31] : memref<2x4096xf32, #tpu.memory_space<vmem>> -> memref<1x2048xf32, #tpu.memory_space<vmem>>
    %dma_start3A_33 = tpu.memref_squeeze %dma_start3A_32 : memref<1x2048xf32, #tpu.memory_space<vmem>> -> memref<2048xf32, #tpu.memory_space<vmem>>
    %dma_start3A_34 = arith.constant 0 : i32
    %dma_start3A_35 = tpu.memref_slice %arg2[%mul3A_2, %dma_start3A_34] : memref<1024x2048xf32, #tpu.memory_space<hbm>> -> memref<1x2048xf32, #tpu.memory_space<hbm>>
    %dma_start3A_36 = tpu.memref_squeeze %dma_start3A_35 : memref<1x2048xf32, #tpu.memory_space<hbm>> -> memref<2048xf32, #tpu.memory_space<hbm>>
    %dma_start3A_37 = arith.constant 2048 : i32
    %dma_start3A_38 = tpu.memref_slice %arg8[%dma_start3A_30, %dma_start3A_37] : memref<2x4096xf32, #tpu.memory_space<vmem>> -> memref<1x2048xf32, #tpu.memory_space<vmem>>
    %dma_start3A_39 = tpu.memref_squeeze %dma_start3A_38 : memref<1x2048xf32, #tpu.memory_space<vmem>> -> memref<2048xf32, #tpu.memory_space<vmem>>
    %dma_start3A_40 = arith.constant 0 : i32
    %dma_start3A_41 = tpu.memref_slice %arg2[%mul3A_2, %dma_start3A_40] : memref<1024x2048xf32, #tpu.memory_space<hbm>> -> memref<1x2048xf32, #tpu.memory_space<hbm>>
    %dma_start3A_42 = tpu.memref_squeeze %dma_start3A_41 : memref<1x2048xf32, #tpu.memory_space<hbm>> -> memref<2048xf32, #tpu.memory_space<hbm>>
    tpu.enqueue_dma source(%dma_start3A_42 : memref<2048xf32, #tpu.memory_space<hbm>>) target(%dma_start3A_39 : memref<2048xf32, #tpu.memory_space<vmem>>) target_semaphore(%arg11 : memref<!tpu.dma_semaphore, #tpu.memory_space<semaphore_mem>>)
    %scan3A = arith.constant 0 : i32
    %scan3A_43 = arith.constant 16 : i32
    %scan3A_44 = arith.addi %scan3A, %scan3A_43 : i32
    %scan3A_45 = arith.constant 1 : i32
    scf.for %scan3A_101 = %scan3A to %scan3A_44 step %scan3A_45  : i32 {
      %mul3A_102 = arith.constant 2 : i32
      %mul3A_103 = arith.muli %scan3A_101, %mul3A_102 : i32
      %add3A_104 = arith.constant 0 : i32
      %add3A_105 = arith.addi %add3A_104, %mul3A_103 : i32
      %add3A_106 = arith.addi %mul3A_2, %add3A_105 : i32
      %add3A_107 = arith.constant 1 : i32
      %add3A_108 = arith.addi %add3A_106, %add3A_107 : i32
      %dma_start3A_109 = arith.constant 1 : i32
      %dma_start3A_110 = arith.constant 0 : i32
      %dma_start3A_111 = tpu.memref_slice %arg8[%dma_start3A_109, %dma_start3A_110] : memref<2x4096xf32, #tpu.memory_space<vmem>> -> memref<1x2048xf32, #tpu.memory_space<vmem>>
      %dma_start3A_112 = tpu.memref_squeeze %dma_start3A_111 : memref<1x2048xf32, #tpu.memory_space<vmem>> -> memref<2048xf32, #tpu.memory_space<vmem>>
      %dma_start3A_113 = arith.constant 0 : i32
      %dma_start3A_114 = tpu.memref_slice %arg2[%add3A_108, %dma_start3A_113] : memref<1024x2048xf32, #tpu.memory_space<hbm>> -> memref<1x2048xf32, #tpu.memory_space<hbm>>
      %dma_start3A_115 = tpu.memref_squeeze %dma_start3A_114 : memref<1x2048xf32, #tpu.memory_space<hbm>> -> memref<2048xf32, #tpu.memory_space<hbm>>
      %dma_start3A_116 = arith.constant 0 : i32
      %dma_start3A_117 = tpu.memref_slice %arg8[%dma_start3A_109, %dma_start3A_116] : memref<2x4096xf32, #tpu.memory_space<vmem>> -> memref<1x2048xf32, #tpu.memory_space<vmem>>
      %dma_start3A_118 = tpu.memref_squeeze %dma_start3A_117 : memref<1x2048xf32, #tpu.memory_space<vmem>> -> memref<2048xf32, #tpu.memory_space<vmem>>
      %dma_start3A_119 = arith.constant 0 : i32
      %dma_start3A_120 = tpu.memref_slice %arg2[%add3A_108, %dma_start3A_119] : memref<1024x2048xf32, #tpu.memory_space<hbm>> -> memref<1x2048xf32, #tpu.memory_space<hbm>>
      %dma_start3A_121 = tpu.memref_squeeze %dma_start3A_120 : memref<1x2048xf32, #tpu.memory_space<hbm>> -> memref<2048xf32, #tpu.memory_space<hbm>>
      tpu.enqueue_dma source(%dma_start3A_121 : memref<2048xf32, #tpu.memory_space<hbm>>) target(%dma_start3A_118 : memref<2048xf32, #tpu.memory_space<vmem>>) target_semaphore(%arg12 : memref<!tpu.dma_semaphore, #tpu.memory_space<semaphore_mem>>)
      %dma_start3A_122 = arith.constant 1 : i32
      %dma_start3A_123 = arith.constant 2048 : i32
      %dma_start3A_124 = tpu.memref_slice %arg8[%dma_start3A_122, %dma_start3A_123] : memref<2x4096xf32, #tpu.memory_space<vmem>> -> memref<1x2048xf32, #tpu.memory_space<vmem>>
      %dma_start3A_125 = tpu.memref_squeeze %dma_start3A_124 : memref<1x2048xf32, #tpu.memory_space<vmem>> -> memref<2048xf32, #tpu.memory_space<vmem>>
      %dma_start3A_126 = arith.constant 0 : i32
      %dma_start3A_127 = tpu.memref_slice %arg2[%add3A_108, %dma_start3A_126] : memref<1024x2048xf32, #tpu.memory_space<hbm>> -> memref<1x2048xf32, #tpu.memory_space<hbm>>
      %dma_start3A_128 = tpu.memref_squeeze %dma_start3A_127 : memref<1x2048xf32, #tpu.memory_space<hbm>> -> memref<2048xf32, #tpu.memory_space<hbm>>
      %dma_start3A_129 = arith.constant 2048 : i32
      %dma_start3A_130 = tpu.memref_slice %arg8[%dma_start3A_122, %dma_start3A_129] : memref<2x4096xf32, #tpu.memory_space<vmem>> -> memref<1x2048xf32, #tpu.memory_space<vmem>>
      %dma_start3A_131 = tpu.memref_squeeze %dma_start3A_130 : memref<1x2048xf32, #tpu.memory_space<vmem>> -> memref<2048xf32, #tpu.memory_space<vmem>>
      %dma_start3A_132 = arith.constant 0 : i32
      %dma_start3A_133 = tpu.memref_slice %arg2[%add3A_108, %dma_start3A_132] : memref<1024x2048xf32, #tpu.memory_space<hbm>> -> memref<1x2048xf32, #tpu.memory_space<hbm>>
      %dma_start3A_134 = tpu.memref_squeeze %dma_start3A_133 : memref<1x2048xf32, #tpu.memory_space<hbm>> -> memref<2048xf32, #tpu.memory_space<hbm>>
      tpu.enqueue_dma source(%dma_start3A_134 : memref<2048xf32, #tpu.memory_space<hbm>>) target(%dma_start3A_131 : memref<2048xf32, #tpu.memory_space<vmem>>) target_semaphore(%arg12 : memref<!tpu.dma_semaphore, #tpu.memory_space<semaphore_mem>>)
      %dma_wait3A_135 = arith.constant 0 : i32
      %dma_wait3A_136 = arith.constant 0 : i32
      %dma_wait3A_137 = arith.constant 0 : i32
      %dma_wait3A_138 = tpu.memref_slice %arg8[%dma_wait3A_136, %dma_wait3A_137] : memref<2x4096xf32, #tpu.memory_space<vmem>> -> memref<1x2048xf32, #tpu.memory_space<vmem>>
      %dma_wait3A_139 = tpu.memref_squeeze %dma_wait3A_138 : memref<1x2048xf32, #tpu.memory_space<vmem>> -> memref<2048xf32, #tpu.memory_space<vmem>>
      %dma_wait3A_140 = arith.constant 0 : i32
      %dma_wait3A_141 = tpu.memref_slice %arg2[%dma_wait3A_135, %dma_wait3A_140] : memref<1024x2048xf32, #tpu.memory_space<hbm>> -> memref<1x2048xf32, #tpu.memory_space<hbm>>
      %dma_wait3A_142 = tpu.memref_squeeze %dma_wait3A_141 : memref<1x2048xf32, #tpu.memory_space<hbm>> -> memref<2048xf32, #tpu.memory_space<hbm>>
      %dma_wait3A_143 = arith.constant 0 : i32
      %dma_wait3A_144 = tpu.memref_slice %arg8[%dma_wait3A_136, %dma_wait3A_143] : memref<2x4096xf32, #tpu.memory_space<vmem>> -> memref<1x2048xf32, #tpu.memory_space<vmem>>
      %dma_wait3A_145 = tpu.memref_squeeze %dma_wait3A_144 : memref<1x2048xf32, #tpu.memory_space<vmem>> -> memref<2048xf32, #tpu.memory_space<vmem>>
      %dma_wait3A_146 = arith.constant 0 : i32
      %dma_wait3A_147 = tpu.memref_slice %arg2[%dma_wait3A_135, %dma_wait3A_146] : memref<1024x2048xf32, #tpu.memory_space<hbm>> -> memref<1x2048xf32, #tpu.memory_space<hbm>>
      %dma_wait3A_148 = tpu.memref_squeeze %dma_wait3A_147 : memref<1x2048xf32, #tpu.memory_space<hbm>> -> memref<2048xf32, #tpu.memory_space<hbm>>
      tpu.wait_dma2 semaphore(%arg11 : memref<!tpu.dma_semaphore, #tpu.memory_space<semaphore_mem>>) src(%dma_wait3A_148 : memref<2048xf32, #tpu.memory_space<hbm>>) dst(%dma_wait3A_145 : memref<2048xf32, #tpu.memory_space<vmem>>)
      %dma_wait3A_149 = arith.constant 0 : i32
      %dma_wait3A_150 = arith.constant 0 : i32
      %dma_wait3A_151 = arith.constant 2048 : i32
      %dma_wait3A_152 = tpu.memref_slice %arg8[%dma_wait3A_150, %dma_wait3A_151] : memref<2x4096xf32, #tpu.memory_space<vmem>> -> memref<1x2048xf32, #tpu.memory_space<vmem>>
      %dma_wait3A_153 = tpu.memref_squeeze %dma_wait3A_152 : memref<1x2048xf32, #tpu.memory_space<vmem>> -> memref<2048xf32, #tpu.memory_space<vmem>>
      %dma_wait3A_154 = arith.constant 0 : i32
      %dma_wait3A_155 = tpu.memref_slice %arg2[%dma_wait3A_149, %dma_wait3A_154] : memref<1024x2048xf32, #tpu.memory_space<hbm>> -> memref<1x2048xf32, #tpu.memory_space<hbm>>
      %dma_wait3A_156 = tpu.memref_squeeze %dma_wait3A_155 : memref<1x2048xf32, #tpu.memory_space<hbm>> -> memref<2048xf32, #tpu.memory_space<hbm>>
      %dma_wait3A_157 = arith.constant 2048 : i32
      %dma_wait3A_158 = tpu.memref_slice %arg8[%dma_wait3A_150, %dma_wait3A_157] : memref<2x4096xf32, #tpu.memory_space<vmem>> -> memref<1x2048xf32, #tpu.memory_space<vmem>>
      %dma_wait3A_159 = tpu.memref_squeeze %dma_wait3A_158 : memref<1x2048xf32, #tpu.memory_space<vmem>> -> memref<2048xf32, #tpu.memory_space<vmem>>
      %dma_wait3A_160 = arith.constant 0 : i32
      %dma_wait3A_161 = tpu.memref_slice %arg2[%dma_wait3A_149, %dma_wait3A_160] : memref<1024x2048xf32, #tpu.memory_space<hbm>> -> memref<1x2048xf32, #tpu.memory_space<hbm>>
      %dma_wait3A_162 = tpu.memref_squeeze %dma_wait3A_161 : memref<1x2048xf32, #tpu.memory_space<hbm>> -> memref<2048xf32, #tpu.memory_space<hbm>>
      tpu.wait_dma2 semaphore(%arg11 : memref<!tpu.dma_semaphore, #tpu.memory_space<semaphore_mem>>) src(%dma_wait3A_162 : memref<2048xf32, #tpu.memory_space<hbm>>) dst(%dma_wait3A_159 : memref<2048xf32, #tpu.memory_space<vmem>>)
      %ge3A = arith.constant 2 : i32
      %ge3A_163 = arith.cmpi sge, %add3A_105, %ge3A : i32
      %convert_element_type3A = arith.extui %ge3A_163 : i1 to i32
      %cond3A = arith.constant 0 : i32
      %cond3A_164 = arith.cmpi ne, %convert_element_type3A, %cond3A : i32
      scf.if %cond3A_164 {
        %dma_wait3A_345 = arith.constant 0 : i32
        %dma_wait3A_346 = arith.constant 0 : i32
        %dma_wait3A_347 = tpu.memref_slice %arg9[%dma_wait3A_345, %dma_wait3A_346] : memref<2x2048xf32, #tpu.memory_space<vmem>> -> memref<1x2048xf32, #tpu.memory_space<vmem>>
        %dma_wait3A_348 = tpu.memref_squeeze %dma_wait3A_347 : memref<1x2048xf32, #tpu.memory_space<vmem>> -> memref<2048xf32, #tpu.memory_space<vmem>>
        %dma_wait3A_349 = arith.constant 0 : i32
        %dma_wait3A_350 = tpu.memref_slice %arg5[%mul3A_2, %dma_wait3A_349] : memref<1024x2048xf32, #tpu.memory_space<hbm>> -> memref<1x2048xf32, #tpu.memory_space<hbm>>
        %dma_wait3A_351 = tpu.memref_squeeze %dma_wait3A_350 : memref<1x2048xf32, #tpu.memory_space<hbm>> -> memref<2048xf32, #tpu.memory_space<hbm>>
        %dma_wait3A_352 = arith.constant 0 : i32
        %dma_wait3A_353 = tpu.memref_slice %arg5[%mul3A_2, %dma_wait3A_352] : memref<1024x2048xf32, #tpu.memory_space<hbm>> -> memref<1x2048xf32, #tpu.memory_space<hbm>>
        %dma_wait3A_354 = tpu.memref_squeeze %dma_wait3A_353 : memref<1x2048xf32, #tpu.memory_space<hbm>> -> memref<2048xf32, #tpu.memory_space<hbm>>
        %dma_wait3A_355 = arith.constant 0 : i32
        %dma_wait3A_356 = tpu.memref_slice %arg9[%dma_wait3A_345, %dma_wait3A_355] : memref<2x2048xf32, #tpu.memory_space<vmem>> -> memref<1x2048xf32, #tpu.memory_space<vmem>>
        %dma_wait3A_357 = tpu.memref_squeeze %dma_wait3A_356 : memref<1x2048xf32, #tpu.memory_space<vmem>> -> memref<2048xf32, #tpu.memory_space<vmem>>
        tpu.wait_dma2 semaphore(%arg13 : memref<!tpu.dma_semaphore, #tpu.memory_space<semaphore_mem>>) src(%dma_wait3A_357 : memref<2048xf32, #tpu.memory_space<vmem>>) dst(%dma_wait3A_354 : memref<2048xf32, #tpu.memory_space<hbm>>)
      } else {
      }
      %add3A_165 = arith.addi %mul3A_2, %add3A_105 : i32
      %get3A = arith.index_cast %add3A_105 : i32 to index
      %get3A_166 = arith.constant 0 : index
      %get3A_167 = tpu.vector_load %arg6[%get3A, %get3A_166] {strides = array<i32>} : memref<32x16xi32, #tpu.memory_space<vmem>>, vector<1x16xi32>,
      %get3A_168 = vector.shape_cast %get3A_167 : vector<1x16xi32> to vector<16xi32>
      %get3A_169 = arith.index_cast %add3A_105 : i32 to index
      %get3A_170 = arith.constant 0 : index
      %get3A_171 = tpu.vector_load %arg7[%get3A_169, %get3A_170] {strides = array<i32>} : memref<32x16xf32, #tpu.memory_space<vmem>>, vector<1x16xf32>,
      %get3A_172 = vector.shape_cast %get3A_171 : vector<1x16xf32> to vector<16xf32>
      %slice3A = vector.extract_strided_slice %get3A_168 {offsets = [0], sizes = [1], strides = [1]} : vector<16xi32> to vector<1xi32>
      %squeeze3A = vector.extract %slice3A[0] : i32 from vector<1xi32>
      %slice3A_173 = vector.extract_strided_slice %get3A_168 {offsets = [1], sizes = [1], strides = [1]} : vector<16xi32> to vector<1xi32>
      %squeeze3A_174 = vector.extract %slice3A_173[0] : i32 from vector<1xi32>
      %slice3A_175 = vector.extract_strided_slice %get3A_168 {offsets = [2], sizes = [1], strides = [1]} : vector<16xi32> to vector<1xi32>
      %squeeze3A_176 = vector.extract %slice3A_175[0] : i32 from vector<1xi32>
      %slice3A_177 = vector.extract_strided_slice %get3A_168 {offsets = [3], sizes = [1], strides = [1]} : vector<16xi32> to vector<1xi32>
      %squeeze3A_178 = vector.extract %slice3A_177[0] : i32 from vector<1xi32>
      %slice3A_179 = vector.extract_strided_slice %get3A_168 {offsets = [4], sizes = [1], strides = [1]} : vector<16xi32> to vector<1xi32>
      %squeeze3A_180 = vector.extract %slice3A_179[0] : i32 from vector<1xi32>
      %slice3A_181 = vector.extract_strided_slice %get3A_168 {offsets = [5], sizes = [1], strides = [1]} : vector<16xi32> to vector<1xi32>
      %squeeze3A_182 = vector.extract %slice3A_181[0] : i32 from vector<1xi32>
      %slice3A_183 = vector.extract_strided_slice %get3A_168 {offsets = [6], sizes = [1], strides = [1]} : vector<16xi32> to vector<1xi32>
      %squeeze3A_184 = vector.extract %slice3A_183[0] : i32 from vector<1xi32>
      %slice3A_185 = vector.extract_strided_slice %get3A_168 {offsets = [7], sizes = [1], strides = [1]} : vector<16xi32> to vector<1xi32>
      %squeeze3A_186 = vector.extract %slice3A_185[0] : i32 from vector<1xi32>
      %slice3A_187 = vector.extract_strided_slice %get3A_172 {offsets = [0], sizes = [1], strides = [1]} : vector<16xf32> to vector<1xf32>
      %squeeze3A_188 = vector.extract %slice3A_187[0] : f32 from vector<1xf32>
      %slice3A_189 = vector.extract_strided_slice %get3A_172 {offsets = [1], sizes = [1], strides = [1]} : vector<16xf32> to vector<1xf32>
      %squeeze3A_190 = vector.extract %slice3A_189[0] : f32 from vector<1xf32>
      %slice3A_191 = vector.extract_strided_slice %get3A_172 {offsets = [2], sizes = [1], strides = [1]} : vector<16xf32> to vector<1xf32>
      %squeeze3A_192 = vector.extract %slice3A_191[0] : f32 from vector<1xf32>
      %slice3A_193 = vector.extract_strided_slice %get3A_172 {offsets = [3], sizes = [1], strides = [1]} : vector<16xf32> to vector<1xf32>
      %squeeze3A_194 = vector.extract %slice3A_193[0] : f32 from vector<1xf32>
      %slice3A_195 = vector.extract_strided_slice %get3A_172 {offsets = [4], sizes = [1], strides = [1]} : vector<16xf32> to vector<1xf32>
      %squeeze3A_196 = vector.extract %slice3A_195[0] : f32 from vector<1xf32>
      %slice3A_197 = vector.extract_strided_slice %get3A_172 {offsets = [5], sizes = [1], strides = [1]} : vector<16xf32> to vector<1xf32>
      %squeeze3A_198 = vector.extract %slice3A_197[0] : f32 from vector<1xf32>
      %slice3A_199 = vector.extract_strided_slice %get3A_172 {offsets = [6], sizes = [1], strides = [1]} : vector<16xf32> to vector<1xf32>
      %squeeze3A_200 = vector.extract %slice3A_199[0] : f32 from vector<1xf32>
      %slice3A_201 = vector.extract_strided_slice %get3A_172 {offsets = [7], sizes = [1], strides = [1]} : vector<16xf32> to vector<1xf32>
      %squeeze3A_202 = vector.extract %slice3A_201[0] : f32 from vector<1xf32>
      %scan3A_203 = arith.constant 0 : i32
      %scan3A_204 = arith.constant 128 : i32
      %scan3A_205 = arith.addi %scan3A_203, %scan3A_204 : i32
      %scan3A_206 = arith.constant 1 : i32
      scf.for %scan3A_345 = %scan3A_203 to %scan3A_205 step %scan3A_206  : i32 {
        %mul3A_346 = arith.constant 16 : i32
        %mul3A_347 = arith.muli %scan3A_345, %mul3A_346 : i32
        %add3A_348 = arith.constant 0 : i32
        %add3A_349 = arith.addi %add3A_348, %mul3A_347 : i32
        %add3A_350 = arith.addi %squeeze3A, %add3A_349 : i32
        %get3A_351 = arith.constant 0 : i32
        %get3A_352 = arith.index_cast %get3A_351 : i32 to index
        %get3A_353 = arith.index_cast %add3A_350 : i32 to index
        %get3A_354 = tpu.vector_load %arg8[%get3A_352, %get3A_353] {strides = array<i32>} : memref<2x4096xf32, #tpu.memory_space<vmem>>, vector<1x16xf32>,
        %get3A_355 = vector.shape_cast %get3A_354 : vector<1x16xf32> to vector<16xf32>
        %mul3A_356 = vector.broadcast %squeeze3A_188 : f32 to vector<16xf32>
        %mul3A_357 = arith.mulf %get3A_355, %mul3A_356 : vector<16xf32>
        %add3A_358 = arith.addi %squeeze3A_174, %add3A_349 : i32
        %get3A_359 = arith.constant 0 : i32
        %get3A_360 = arith.index_cast %get3A_359 : i32 to index
        %get3A_361 = arith.index_cast %add3A_358 : i32 to index
        %get3A_362 = tpu.vector_load %arg8[%get3A_360, %get3A_361] {strides = array<i32>} : memref<2x4096xf32, #tpu.memory_space<vmem>>, vector<1x16xf32>,
        %get3A_363 = vector.shape_cast %get3A_362 : vector<1x16xf32> to vector<16xf32>
        %mul3A_364 = vector.broadcast %squeeze3A_190 : f32 to vector<16xf32>
        %mul3A_365 = arith.mulf %get3A_363, %mul3A_364 : vector<16xf32>
        %add3A_366 = arith.addf %mul3A_357, %mul3A_365 : vector<16xf32>
        %add3A_367 = arith.addi %squeeze3A_176, %add3A_349 : i32
        %get3A_368 = arith.constant 0 : i32
        %get3A_369 = arith.index_cast %get3A_368 : i32 to index
        %get3A_370 = arith.index_cast %add3A_367 : i32 to index
        %get3A_371 = tpu.vector_load %arg8[%get3A_369, %get3A_370] {strides = array<i32>} : memref<2x4096xf32, #tpu.memory_space<vmem>>, vector<1x16xf32>,
        %get3A_372 = vector.shape_cast %get3A_371 : vector<1x16xf32> to vector<16xf32>
        %mul3A_373 = vector.broadcast %squeeze3A_192 : f32 to vector<16xf32>
        %mul3A_374 = arith.mulf %get3A_372, %mul3A_373 : vector<16xf32>
        %add3A_375 = arith.addf %add3A_366, %mul3A_374 : vector<16xf32>
        %add3A_376 = arith.addi %squeeze3A_178, %add3A_349 : i32
        %get3A_377 = arith.constant 0 : i32
        %get3A_378 = arith.index_cast %get3A_377 : i32 to index
        %get3A_379 = arith.index_cast %add3A_376 : i32 to index
        %get3A_380 = tpu.vector_load %arg8[%get3A_378, %get3A_379] {strides = array<i32>} : memref<2x4096xf32, #tpu.memory_space<vmem>>, vector<1x16xf32>,
        %get3A_381 = vector.shape_cast %get3A_380 : vector<1x16xf32> to vector<16xf32>
        %mul3A_382 = vector.broadcast %squeeze3A_194 : f32 to vector<16xf32>
        %mul3A_383 = arith.mulf %get3A_381, %mul3A_382 : vector<16xf32>
        %add3A_384 = arith.addf %add3A_375, %mul3A_383 : vector<16xf32>
        %add3A_385 = arith.addi %squeeze3A_180, %add3A_349 : i32
        %get3A_386 = arith.constant 0 : i32
        %get3A_387 = arith.index_cast %get3A_386 : i32 to index
        %get3A_388 = arith.index_cast %add3A_385 : i32 to index
        %get3A_389 = tpu.vector_load %arg8[%get3A_387, %get3A_388] {strides = array<i32>} : memref<2x4096xf32, #tpu.memory_space<vmem>>, vector<1x16xf32>,
        %get3A_390 = vector.shape_cast %get3A_389 : vector<1x16xf32> to vector<16xf32>
        %mul3A_391 = vector.broadcast %squeeze3A_196 : f32 to vector<16xf32>
        %mul3A_392 = arith.mulf %get3A_390, %mul3A_391 : vector<16xf32>
        %add3A_393 = arith.addf %add3A_384, %mul3A_392 : vector<16xf32>
        %add3A_394 = arith.addi %squeeze3A_182, %add3A_349 : i32
        %get3A_395 = arith.constant 0 : i32
        %get3A_396 = arith.index_cast %get3A_395 : i32 to index
        %get3A_397 = arith.index_cast %add3A_394 : i32 to index
        %get3A_398 = tpu.vector_load %arg8[%get3A_396, %get3A_397] {strides = array<i32>} : memref<2x4096xf32, #tpu.memory_space<vmem>>, vector<1x16xf32>,
        %get3A_399 = vector.shape_cast %get3A_398 : vector<1x16xf32> to vector<16xf32>
        %mul3A_400 = vector.broadcast %squeeze3A_198 : f32 to vector<16xf32>
        %mul3A_401 = arith.mulf %get3A_399, %mul3A_400 : vector<16xf32>
        %add3A_402 = arith.addf %add3A_393, %mul3A_401 : vector<16xf32>
        %add3A_403 = arith.addi %squeeze3A_184, %add3A_349 : i32
        %get3A_404 = arith.constant 0 : i32
        %get3A_405 = arith.index_cast %get3A_404 : i32 to index
        %get3A_406 = arith.index_cast %add3A_403 : i32 to index
        %get3A_407 = tpu.vector_load %arg8[%get3A_405, %get3A_406] {strides = array<i32>} : memref<2x4096xf32, #tpu.memory_space<vmem>>, vector<1x16xf32>,
        %get3A_408 = vector.shape_cast %get3A_407 : vector<1x16xf32> to vector<16xf32>
        %mul3A_409 = vector.broadcast %squeeze3A_200 : f32 to vector<16xf32>
        %mul3A_410 = arith.mulf %get3A_408, %mul3A_409 : vector<16xf32>
        %add3A_411 = arith.addf %add3A_402, %mul3A_410 : vector<16xf32>
        %add3A_412 = arith.addi %squeeze3A_186, %add3A_349 : i32
        %get3A_413 = arith.constant 0 : i32
        %get3A_414 = arith.index_cast %get3A_413 : i32 to index
        %get3A_415 = arith.index_cast %add3A_412 : i32 to index
        %get3A_416 = tpu.vector_load %arg8[%get3A_414, %get3A_415] {strides = array<i32>} : memref<2x4096xf32, #tpu.memory_space<vmem>>, vector<1x16xf32>,
        %get3A_417 = vector.shape_cast %get3A_416 : vector<1x16xf32> to vector<16xf32>
        %mul3A_418 = vector.broadcast %squeeze3A_202 : f32 to vector<16xf32>
        %mul3A_419 = arith.mulf %get3A_417, %mul3A_418 : vector<16xf32>
        %add3A_420 = arith.addf %add3A_411, %mul3A_419 : vector<16xf32>
        %swap3A = arith.constant 0 : i32
        %swap3A_421 = arith.index_cast %swap3A : i32 to index
        %swap3A_422 = arith.index_cast %add3A_349 : i32 to index
        %swap3A_423 = tpu.vector_load %arg9[%swap3A_421, %swap3A_422] {strides = array<i32>} : memref<2x2048xf32, #tpu.memory_space<vmem>>, vector<1x16xf32>,
        %swap3A_424 = vector.shape_cast %swap3A_423 : vector<1x16xf32> to vector<16xf32>
        %swap3A_425 = vector.shape_cast %add3A_420 : vector<16xf32> to vector<1x16xf32>
        tpu.vector_store %arg9[%swap3A_421, %swap3A_422], %swap3A_425 {strides = array<i32>} : memref<2x2048xf32, #tpu.memory_space<vmem>>, vector<1x16xf32>,
      }
      %scan3A_207 = arith.constant 128 : i32
      %dma_start3A_208 = arith.constant 0 : i32
      %dma_start3A_209 = arith.constant 0 : i32
      %dma_start3A_210 = tpu.memref_slice %arg9[%dma_start3A_208, %dma_start3A_209] : memref<2x2048xf32, #tpu.memory_space<vmem>> -> memref<1x2048xf32, #tpu.memory_space<vmem>>
      %dma_start3A_211 = tpu.memref_squeeze %dma_start3A_210 : memref<1x2048xf32, #tpu.memory_space<vmem>> -> memref<2048xf32, #tpu.memory_space<vmem>>
      %dma_start3A_212 = arith.constant 0 : i32
      %dma_start3A_213 = tpu.memref_slice %arg5[%add3A_165, %dma_start3A_212] : memref<1024x2048xf32, #tpu.memory_space<hbm>> -> memref<1x2048xf32, #tpu.memory_space<hbm>>
      %dma_start3A_214 = tpu.memref_squeeze %dma_start3A_213 : memref<1x2048xf32, #tpu.memory_space<hbm>> -> memref<2048xf32, #tpu.memory_space<hbm>>
      %dma_start3A_215 = arith.constant 0 : i32
      %dma_start3A_216 = tpu.memref_slice %arg5[%add3A_165, %dma_start3A_215] : memref<1024x2048xf32, #tpu.memory_space<hbm>> -> memref<1x2048xf32, #tpu.memory_space<hbm>>
      %dma_start3A_217 = tpu.memref_squeeze %dma_start3A_216 : memref<1x2048xf32, #tpu.memory_space<hbm>> -> memref<2048xf32, #tpu.memory_space<hbm>>
      %dma_start3A_218 = arith.constant 0 : i32
      %dma_start3A_219 = tpu.memref_slice %arg9[%dma_start3A_208, %dma_start3A_218] : memref<2x2048xf32, #tpu.memory_space<vmem>> -> memref<1x2048xf32, #tpu.memory_space<vmem>>
      %dma_start3A_220 = tpu.memref_squeeze %dma_start3A_219 : memref<1x2048xf32, #tpu.memory_space<vmem>> -> memref<2048xf32, #tpu.memory_space<vmem>>
      tpu.enqueue_dma source(%dma_start3A_220 : memref<2048xf32, #tpu.memory_space<vmem>>) target(%dma_start3A_217 : memref<2048xf32, #tpu.memory_space<hbm>>) target_semaphore(%arg13 : memref<!tpu.dma_semaphore, #tpu.memory_space<semaphore_mem>>)
      %add3A_221 = arith.constant 2 : i32
      %add3A_222 = arith.addi %add3A_105, %add3A_221 : i32
      %rem3A = arith.constant 32 : i32
      %rem3A_223 = arith.remsi %add3A_222, %rem3A : i32
      %add3A_224 = arith.addi %mul3A_2, %rem3A_223 : i32
      %dma_start3A_225 = arith.constant 0 : i32
      %dma_start3A_226 = arith.constant 0 : i32
      %dma_start3A_227 = tpu.memref_slice %arg8[%dma_start3A_225, %dma_start3A_226] : memref<2x4096xf32, #tpu.memory_space<vmem>> -> memref<1x2048xf32, #tpu.memory_space<vmem>>
      %dma_start3A_228 = tpu.memref_squeeze %dma_start3A_227 : memref<1x2048xf32, #tpu.memory_space<vmem>> -> memref<2048xf32, #tpu.memory_space<vmem>>
      %dma_start3A_229 = arith.constant 0 : i32
      %dma_start3A_230 = tpu.memref_slice %arg2[%add3A_224, %dma_start3A_229] : memref<1024x2048xf32, #tpu.memory_space<hbm>> -> memref<1x2048xf32, #tpu.memory_space<hbm>>
      %dma_start3A_231 = tpu.memref_squeeze %dma_start3A_230 : memref<1x2048xf32, #tpu.memory_space<hbm>> -> memref<2048xf32, #tpu.memory_space<hbm>>
      %dma_start3A_232 = arith.constant 0 : i32
      %dma_start3A_233 = tpu.memref_slice %arg8[%dma_start3A_225, %dma_start3A_232] : memref<2x4096xf32, #tpu.memory_space<vmem>> -> memref<1x2048xf32, #tpu.memory_space<vmem>>
      %dma_start3A_234 = tpu.memref_squeeze %dma_start3A_233 : memref<1x2048xf32, #tpu.memory_space<vmem>> -> memref<2048xf32, #tpu.memory_space<vmem>>
      %dma_start3A_235 = arith.constant 0 : i32
      %dma_start3A_236 = tpu.memref_slice %arg2[%add3A_224, %dma_start3A_235] : memref<1024x2048xf32, #tpu.memory_space<hbm>> -> memref<1x2048xf32, #tpu.memory_space<hbm>>
      %dma_start3A_237 = tpu.memref_squeeze %dma_start3A_236 : memref<1x2048xf32, #tpu.memory_space<hbm>> -> memref<2048xf32, #tpu.memory_space<hbm>>
      tpu.enqueue_dma source(%dma_start3A_237 : memref<2048xf32, #tpu.memory_space<hbm>>) target(%dma_start3A_234 : memref<2048xf32, #tpu.memory_space<vmem>>) target_semaphore(%arg11 : memref<!tpu.dma_semaphore, #tpu.memory_space<semaphore_mem>>)
      %dma_start3A_238 = arith.constant 0 : i32
      %dma_start3A_239 = arith.constant 2048 : i32
      %dma_start3A_240 = tpu.memref_slice %arg8[%dma_start3A_238, %dma_start3A_239] : memref<2x4096xf32, #tpu.memory_space<vmem>> -> memref<1x2048xf32, #tpu.memory_space<vmem>>
      %dma_start3A_241 = tpu.memref_squeeze %dma_start3A_240 : memref<1x2048xf32, #tpu.memory_space<vmem>> -> memref<2048xf32, #tpu.memory_space<vmem>>
      %dma_start3A_242 = arith.constant 0 : i32
      %dma_start3A_243 = tpu.memref_slice %arg2[%add3A_224, %dma_start3A_242] : memref<1024x2048xf32, #tpu.memory_space<hbm>> -> memref<1x2048xf32, #tpu.memory_space<hbm>>
      %dma_start3A_244 = tpu.memref_squeeze %dma_start3A_243 : memref<1x2048xf32, #tpu.memory_space<hbm>> -> memref<2048xf32, #tpu.memory_space<hbm>>
      %dma_start3A_245 = arith.constant 2048 : i32
      %dma_start3A_246 = tpu.memref_slice %arg8[%dma_start3A_238, %dma_start3A_245] : memref<2x4096xf32, #tpu.memory_space<vmem>> -> memref<1x2048xf32, #tpu.memory_space<vmem>>
      %dma_start3A_247 = tpu.memref_squeeze %dma_start3A_246 : memref<1x2048xf32, #tpu.memory_space<vmem>> -> memref<2048xf32, #tpu.memory_space<vmem>>
      %dma_start3A_248 = arith.constant 0 : i32
      %dma_start3A_249 = tpu.memref_slice %arg2[%add3A_224, %dma_start3A_248] : memref<1024x2048xf32, #tpu.memory_space<hbm>> -> memref<1x2048xf32, #tpu.memory_space<hbm>>
      %dma_start3A_250 = tpu.memref_squeeze %dma_start3A_249 : memref<1x2048xf32, #tpu.memory_space<hbm>> -> memref<2048xf32, #tpu.memory_space<hbm>>
      tpu.enqueue_dma source(%dma_start3A_250 : memref<2048xf32, #tpu.memory_space<hbm>>) target(%dma_start3A_247 : memref<2048xf32, #tpu.memory_space<vmem>>) target_semaphore(%arg11 : memref<!tpu.dma_semaphore, #tpu.memory_space<semaphore_mem>>)
      %dma_wait3A_251 = arith.constant 0 : i32
      %dma_wait3A_252 = arith.constant 1 : i32
      %dma_wait3A_253 = arith.constant 0 : i32
      %dma_wait3A_254 = tpu.memref_slice %arg8[%dma_wait3A_252, %dma_wait3A_253] : memref<2x4096xf32, #tpu.memory_space<vmem>> -> memref<1x2048xf32, #tpu.memory_space<vmem>>
      %dma_wait3A_255 = tpu.memref_squeeze %dma_wait3A_254 : memref<1x2048xf32, #tpu.memory_space<vmem>> -> memref<2048xf32, #tpu.memory_space<vmem>>
      %dma_wait3A_256 = arith.constant 0 : i32
      %dma_wait3A_257 = tpu.memref_slice %arg2[%dma_wait3A_251, %dma_wait3A_256] : memref<1024x2048xf32, #tpu.memory_space<hbm>> -> memref<1x2048xf32, #tpu.memory_space<hbm>>
      %dma_wait3A_258 = tpu.memref_squeeze %dma_wait3A_257 : memref<1x2048xf32, #tpu.memory_space<hbm>> -> memref<2048xf32, #tpu.memory_space<hbm>>
      %dma_wait3A_259 = arith.constant 0 : i32
      %dma_wait3A_260 = tpu.memref_slice %arg8[%dma_wait3A_252, %dma_wait3A_259] : memref<2x4096xf32, #tpu.memory_space<vmem>> -> memref<1x2048xf32, #tpu.memory_space<vmem>>
      %dma_wait3A_261 = tpu.memref_squeeze %dma_wait3A_260 : memref<1x2048xf32, #tpu.memory_space<vmem>> -> memref<2048xf32, #tpu.memory_space<vmem>>
      %dma_wait3A_262 = arith.constant 0 : i32
      %dma_wait3A_263 = tpu.memref_slice %arg2[%dma_wait3A_251, %dma_wait3A_262] : memref<1024x2048xf32, #tpu.memory_space<hbm>> -> memref<1x2048xf32, #tpu.memory_space<hbm>>
      %dma_wait3A_264 = tpu.memref_squeeze %dma_wait3A_263 : memref<1x2048xf32, #tpu.memory_space<hbm>> -> memref<2048xf32, #tpu.memory_space<hbm>>
      tpu.wait_dma2 semaphore(%arg12 : memref<!tpu.dma_semaphore, #tpu.memory_space<semaphore_mem>>) src(%dma_wait3A_264 : memref<2048xf32, #tpu.memory_space<hbm>>) dst(%dma_wait3A_261 : memref<2048xf32, #tpu.memory_space<vmem>>)
      %dma_wait3A_265 = arith.constant 0 : i32
      %dma_wait3A_266 = arith.constant 1 : i32
      %dma_wait3A_267 = arith.constant 2048 : i32
      %dma_wait3A_268 = tpu.memref_slice %arg8[%dma_wait3A_266, %dma_wait3A_267] : memref<2x4096xf32, #tpu.memory_space<vmem>> -> memref<1x2048xf32, #tpu.memory_space<vmem>>
      %dma_wait3A_269 = tpu.memref_squeeze %dma_wait3A_268 : memref<1x2048xf32, #tpu.memory_space<vmem>> -> memref<2048xf32, #tpu.memory_space<vmem>>
      %dma_wait3A_270 = arith.constant 0 : i32
      %dma_wait3A_271 = tpu.memref_slice %arg2[%dma_wait3A_265, %dma_wait3A_270] : memref<1024x2048xf32, #tpu.memory_space<hbm>> -> memref<1x2048xf32, #tpu.memory_space<hbm>>
      %dma_wait3A_272 = tpu.memref_squeeze %dma_wait3A_271 : memref<1x2048xf32, #tpu.memory_space<hbm>> -> memref<2048xf32, #tpu.memory_space<hbm>>
      %dma_wait3A_273 = arith.constant 2048 : i32
      %dma_wait3A_274 = tpu.memref_slice %arg8[%dma_wait3A_266, %dma_wait3A_273] : memref<2x4096xf32, #tpu.memory_space<vmem>> -> memref<1x2048xf32, #tpu.memory_space<vmem>>
      %dma_wait3A_275 = tpu.memref_squeeze %dma_wait3A_274 : memref<1x2048xf32, #tpu.memory_space<vmem>> -> memref<2048xf32, #tpu.memory_space<vmem>>
      %dma_wait3A_276 = arith.constant 0 : i32
      %dma_wait3A_277 = tpu.memref_slice %arg2[%dma_wait3A_265, %dma_wait3A_276] : memref<1024x2048xf32, #tpu.memory_space<hbm>> -> memref<1x2048xf32, #tpu.memory_space<hbm>>
      %dma_wait3A_278 = tpu.memref_squeeze %dma_wait3A_277 : memref<1x2048xf32, #tpu.memory_space<hbm>> -> memref<2048xf32, #tpu.memory_space<hbm>>
      tpu.wait_dma2 semaphore(%arg12 : memref<!tpu.dma_semaphore, #tpu.memory_space<semaphore_mem>>) src(%dma_wait3A_278 : memref<2048xf32, #tpu.memory_space<hbm>>) dst(%dma_wait3A_275 : memref<2048xf32, #tpu.memory_space<vmem>>)
      %ge3A_279 = arith.constant 2 : i32
      %ge3A_280 = arith.cmpi sge, %add3A_105, %ge3A_279 : i32
      %convert_element_type3A_281 = arith.extui %ge3A_280 : i1 to i32
      %cond3A_282 = arith.constant 0 : i32
      %cond3A_283 = arith.cmpi ne, %convert_element_type3A_281, %cond3A_282 : i32
      scf.if %cond3A_283 {
        %dma_wait3A_345 = arith.constant 1 : i32
        %dma_wait3A_346 = arith.constant 0 : i32
        %dma_wait3A_347 = tpu.memref_slice %arg9[%dma_wait3A_345, %dma_wait3A_346] : memref<2x2048xf32, #tpu.memory_space<vmem>> -> memref<1x2048xf32, #tpu.memory_space<vmem>>
        %dma_wait3A_348 = tpu.memref_squeeze %dma_wait3A_347 : memref<1x2048xf32, #tpu.memory_space<vmem>> -> memref<2048xf32, #tpu.memory_space<vmem>>
        %dma_wait3A_349 = arith.constant 0 : i32
        %dma_wait3A_350 = tpu.memref_slice %arg5[%mul3A_2, %dma_wait3A_349] : memref<1024x2048xf32, #tpu.memory_space<hbm>> -> memref<1x2048xf32, #tpu.memory_space<hbm>>
        %dma_wait3A_351 = tpu.memref_squeeze %dma_wait3A_350 : memref<1x2048xf32, #tpu.memory_space<hbm>> -> memref<2048xf32, #tpu.memory_space<hbm>>
        %dma_wait3A_352 = arith.constant 0 : i32
        %dma_wait3A_353 = tpu.memref_slice %arg5[%mul3A_2, %dma_wait3A_352] : memref<1024x2048xf32, #tpu.memory_space<hbm>> -> memref<1x2048xf32, #tpu.memory_space<hbm>>
        %dma_wait3A_354 = tpu.memref_squeeze %dma_wait3A_353 : memref<1x2048xf32, #tpu.memory_space<hbm>> -> memref<2048xf32, #tpu.memory_space<hbm>>
        %dma_wait3A_355 = arith.constant 0 : i32
        %dma_wait3A_356 = tpu.memref_slice %arg9[%dma_wait3A_345, %dma_wait3A_355] : memref<2x2048xf32, #tpu.memory_space<vmem>> -> memref<1x2048xf32, #tpu.memory_space<vmem>>
        %dma_wait3A_357 = tpu.memref_squeeze %dma_wait3A_356 : memref<1x2048xf32, #tpu.memory_space<vmem>> -> memref<2048xf32, #tpu.memory_space<vmem>>
        tpu.wait_dma2 semaphore(%arg14 : memref<!tpu.dma_semaphore, #tpu.memory_space<semaphore_mem>>) src(%dma_wait3A_357 : memref<2048xf32, #tpu.memory_space<vmem>>) dst(%dma_wait3A_354 : memref<2048xf32, #tpu.memory_space<hbm>>)
      } else {
      }
      %add3A_284 = arith.constant 1 : i32
      %add3A_285 = arith.addi %add3A_105, %add3A_284 : i32
      %add3A_286 = arith.addi %mul3A_2, %add3A_285 : i32
      %get3A_287 = arith.index_cast %add3A_285 : i32 to index
      %get3A_288 = arith.constant 0 : index
      %get3A_289 = tpu.vector_load %arg6[%get3A_287, %get3A_288] {strides = array<i32>} : memref<32x16xi32, #tpu.memory_space<vmem>>, vector<1x16xi32>,
      %get3A_290 = vector.shape_cast %get3A_289 : vector<1x16xi32> to vector<16xi32>
      %get3A_291 = arith.index_cast %add3A_285 : i32 to index
      %get3A_292 = arith.constant 0 : index
      %get3A_293 = tpu.vector_load %arg7[%get3A_291, %get3A_292] {strides = array<i32>} : memref<32x16xf32, #tpu.memory_space<vmem>>, vector<1x16xf32>,
      %get3A_294 = vector.shape_cast %get3A_293 : vector<1x16xf32> to vector<16xf32>
      %slice3A_295 = vector.extract_strided_slice %get3A_290 {offsets = [0], sizes = [1], strides = [1]} : vector<16xi32> to vector<1xi32>
      %squeeze3A_296 = vector.extract %slice3A_295[0] : i32 from vector<1xi32>
      %slice3A_297 = vector.extract_strided_slice %get3A_290 {offsets = [1], sizes = [1], strides = [1]} : vector<16xi32> to vector<1xi32>
      %squeeze3A_298 = vector.extract %slice3A_297[0] : i32 from vector<1xi32>
      %slice3A_299 = vector.extract_strided_slice %get3A_290 {offsets = [2], sizes = [1], strides = [1]} : vector<16xi32> to vector<1xi32>
      %squeeze3A_300 = vector.extract %slice3A_299[0] : i32 from vector<1xi32>
      %slice3A_301 = vector.extract_strided_slice %get3A_290 {offsets = [3], sizes = [1], strides = [1]} : vector<16xi32> to vector<1xi32>
      %squeeze3A_302 = vector.extract %slice3A_301[0] : i32 from vector<1xi32>
      %slice3A_303 = vector.extract_strided_slice %get3A_290 {offsets = [4], sizes = [1], strides = [1]} : vector<16xi32> to vector<1xi32>
      %squeeze3A_304 = vector.extract %slice3A_303[0] : i32 from vector<1xi32>
      %slice3A_305 = vector.extract_strided_slice %get3A_290 {offsets = [5], sizes = [1], strides = [1]} : vector<16xi32> to vector<1xi32>
      %squeeze3A_306 = vector.extract %slice3A_305[0] : i32 from vector<1xi32>
      %slice3A_307 = vector.extract_strided_slice %get3A_290 {offsets = [6], sizes = [1], strides = [1]} : vector<16xi32> to vector<1xi32>
      %squeeze3A_308 = vector.extract %slice3A_307[0] : i32 from vector<1xi32>
      %slice3A_309 = vector.extract_strided_slice %get3A_290 {offsets = [7], sizes = [1], strides = [1]} : vector<16xi32> to vector<1xi32>
      %squeeze3A_310 = vector.extract %slice3A_309[0] : i32 from vector<1xi32>
      %slice3A_311 = vector.extract_strided_slice %get3A_294 {offsets = [0], sizes = [1], strides = [1]} : vector<16xf32> to vector<1xf32>
      %squeeze3A_312 = vector.extract %slice3A_311[0] : f32 from vector<1xf32>
      %slice3A_313 = vector.extract_strided_slice %get3A_294 {offsets = [1], sizes = [1], strides = [1]} : vector<16xf32> to vector<1xf32>
      %squeeze3A_314 = vector.extract %slice3A_313[0] : f32 from vector<1xf32>
      %slice3A_315 = vector.extract_strided_slice %get3A_294 {offsets = [2], sizes = [1], strides = [1]} : vector<16xf32> to vector<1xf32>
      %squeeze3A_316 = vector.extract %slice3A_315[0] : f32 from vector<1xf32>
      %slice3A_317 = vector.extract_strided_slice %get3A_294 {offsets = [3], sizes = [1], strides = [1]} : vector<16xf32> to vector<1xf32>
      %squeeze3A_318 = vector.extract %slice3A_317[0] : f32 from vector<1xf32>
      %slice3A_319 = vector.extract_strided_slice %get3A_294 {offsets = [4], sizes = [1], strides = [1]} : vector<16xf32> to vector<1xf32>
      %squeeze3A_320 = vector.extract %slice3A_319[0] : f32 from vector<1xf32>
      %slice3A_321 = vector.extract_strided_slice %get3A_294 {offsets = [5], sizes = [1], strides = [1]} : vector<16xf32> to vector<1xf32>
      %squeeze3A_322 = vector.extract %slice3A_321[0] : f32 from vector<1xf32>
      %slice3A_323 = vector.extract_strided_slice %get3A_294 {offsets = [6], sizes = [1], strides = [1]} : vector<16xf32> to vector<1xf32>
      %squeeze3A_324 = vector.extract %slice3A_323[0] : f32 from vector<1xf32>
      %slice3A_325 = vector.extract_strided_slice %get3A_294 {offsets = [7], sizes = [1], strides = [1]} : vector<16xf32> to vector<1xf32>
      %squeeze3A_326 = vector.extract %slice3A_325[0] : f32 from vector<1xf32>
      %scan3A_327 = arith.constant 0 : i32
      %scan3A_328 = arith.constant 128 : i32
      %scan3A_329 = arith.addi %scan3A_327, %scan3A_328 : i32
      %scan3A_330 = arith.constant 1 : i32
      scf.for %scan3A_345 = %scan3A_327 to %scan3A_329 step %scan3A_330  : i32 {
        %mul3A_346 = arith.constant 16 : i32
        %mul3A_347 = arith.muli %scan3A_345, %mul3A_346 : i32
        %add3A_348 = arith.constant 0 : i32
        %add3A_349 = arith.addi %add3A_348, %mul3A_347 : i32
        %add3A_350 = arith.addi %squeeze3A_296, %add3A_349 : i32
        %get3A_351 = arith.constant 1 : i32
        %get3A_352 = arith.index_cast %get3A_351 : i32 to index
        %get3A_353 = arith.index_cast %add3A_350 : i32 to index
        %get3A_354 = tpu.vector_load %arg8[%get3A_352, %get3A_353] {strides = array<i32>} : memref<2x4096xf32, #tpu.memory_space<vmem>>, vector<1x16xf32>,
        %get3A_355 = vector.shape_cast %get3A_354 : vector<1x16xf32> to vector<16xf32>
        %mul3A_356 = vector.broadcast %squeeze3A_312 : f32 to vector<16xf32>
        %mul3A_357 = arith.mulf %get3A_355, %mul3A_356 : vector<16xf32>
        %add3A_358 = arith.addi %squeeze3A_298, %add3A_349 : i32
        %get3A_359 = arith.constant 1 : i32
        %get3A_360 = arith.index_cast %get3A_359 : i32 to index
        %get3A_361 = arith.index_cast %add3A_358 : i32 to index
        %get3A_362 = tpu.vector_load %arg8[%get3A_360, %get3A_361] {strides = array<i32>} : memref<2x4096xf32, #tpu.memory_space<vmem>>, vector<1x16xf32>,
        %get3A_363 = vector.shape_cast %get3A_362 : vector<1x16xf32> to vector<16xf32>
        %mul3A_364 = vector.broadcast %squeeze3A_314 : f32 to vector<16xf32>
        %mul3A_365 = arith.mulf %get3A_363, %mul3A_364 : vector<16xf32>
        %add3A_366 = arith.addf %mul3A_357, %mul3A_365 : vector<16xf32>
        %add3A_367 = arith.addi %squeeze3A_300, %add3A_349 : i32
        %get3A_368 = arith.constant 1 : i32
        %get3A_369 = arith.index_cast %get3A_368 : i32 to index
        %get3A_370 = arith.index_cast %add3A_367 : i32 to index
        %get3A_371 = tpu.vector_load %arg8[%get3A_369, %get3A_370] {strides = array<i32>} : memref<2x4096xf32, #tpu.memory_space<vmem>>, vector<1x16xf32>,
        %get3A_372 = vector.shape_cast %get3A_371 : vector<1x16xf32> to vector<16xf32>
        %mul3A_373 = vector.broadcast %squeeze3A_316 : f32 to vector<16xf32>
        %mul3A_374 = arith.mulf %get3A_372, %mul3A_373 : vector<16xf32>
        %add3A_375 = arith.addf %add3A_366, %mul3A_374 : vector<16xf32>
        %add3A_376 = arith.addi %squeeze3A_302, %add3A_349 : i32
        %get3A_377 = arith.constant 1 : i32
        %get3A_378 = arith.index_cast %get3A_377 : i32 to index
        %get3A_379 = arith.index_cast %add3A_376 : i32 to index
        %get3A_380 = tpu.vector_load %arg8[%get3A_378, %get3A_379] {strides = array<i32>} : memref<2x4096xf32, #tpu.memory_space<vmem>>, vector<1x16xf32>,
        %get3A_381 = vector.shape_cast %get3A_380 : vector<1x16xf32> to vector<16xf32>
        %mul3A_382 = vector.broadcast %squeeze3A_318 : f32 to vector<16xf32>
        %mul3A_383 = arith.mulf %get3A_381, %mul3A_382 : vector<16xf32>
        %add3A_384 = arith.addf %add3A_375, %mul3A_383 : vector<16xf32>
        %add3A_385 = arith.addi %squeeze3A_304, %add3A_349 : i32
        %get3A_386 = arith.constant 1 : i32
        %get3A_387 = arith.index_cast %get3A_386 : i32 to index
        %get3A_388 = arith.index_cast %add3A_385 : i32 to index
        %get3A_389 = tpu.vector_load %arg8[%get3A_387, %get3A_388] {strides = array<i32>} : memref<2x4096xf32, #tpu.memory_space<vmem>>, vector<1x16xf32>,
        %get3A_390 = vector.shape_cast %get3A_389 : vector<1x16xf32> to vector<16xf32>
        %mul3A_391 = vector.broadcast %squeeze3A_320 : f32 to vector<16xf32>
        %mul3A_392 = arith.mulf %get3A_390, %mul3A_391 : vector<16xf32>
        %add3A_393 = arith.addf %add3A_384, %mul3A_392 : vector<16xf32>
        %add3A_394 = arith.addi %squeeze3A_306, %add3A_349 : i32
        %get3A_395 = arith.constant 1 : i32
        %get3A_396 = arith.index_cast %get3A_395 : i32 to index
        %get3A_397 = arith.index_cast %add3A_394 : i32 to index
        %get3A_398 = tpu.vector_load %arg8[%get3A_396, %get3A_397] {strides = array<i32>} : memref<2x4096xf32, #tpu.memory_space<vmem>>, vector<1x16xf32>,
        %get3A_399 = vector.shape_cast %get3A_398 : vector<1x16xf32> to vector<16xf32>
        %mul3A_400 = vector.broadcast %squeeze3A_322 : f32 to vector<16xf32>
        %mul3A_401 = arith.mulf %get3A_399, %mul3A_400 : vector<16xf32>
        %add3A_402 = arith.addf %add3A_393, %mul3A_401 : vector<16xf32>
        %add3A_403 = arith.addi %squeeze3A_308, %add3A_349 : i32
        %get3A_404 = arith.constant 1 : i32
        %get3A_405 = arith.index_cast %get3A_404 : i32 to index
        %get3A_406 = arith.index_cast %add3A_403 : i32 to index
        %get3A_407 = tpu.vector_load %arg8[%get3A_405, %get3A_406] {strides = array<i32>} : memref<2x4096xf32, #tpu.memory_space<vmem>>, vector<1x16xf32>,
        %get3A_408 = vector.shape_cast %get3A_407 : vector<1x16xf32> to vector<16xf32>
        %mul3A_409 = vector.broadcast %squeeze3A_324 : f32 to vector<16xf32>
        %mul3A_410 = arith.mulf %get3A_408, %mul3A_409 : vector<16xf32>
        %add3A_411 = arith.addf %add3A_402, %mul3A_410 : vector<16xf32>
        %add3A_412 = arith.addi %squeeze3A_310, %add3A_349 : i32
        %get3A_413 = arith.constant 1 : i32
        %get3A_414 = arith.index_cast %get3A_413 : i32 to index
        %get3A_415 = arith.index_cast %add3A_412 : i32 to index
        %get3A_416 = tpu.vector_load %arg8[%get3A_414, %get3A_415] {strides = array<i32>} : memref<2x4096xf32, #tpu.memory_space<vmem>>, vector<1x16xf32>,
        %get3A_417 = vector.shape_cast %get3A_416 : vector<1x16xf32> to vector<16xf32>
        %mul3A_418 = vector.broadcast %squeeze3A_326 : f32 to vector<16xf32>
        %mul3A_419 = arith.mulf %get3A_417, %mul3A_418 : vector<16xf32>
        %add3A_420 = arith.addf %add3A_411, %mul3A_419 : vector<16xf32>
        %swap3A = arith.constant 1 : i32
        %swap3A_421 = arith.index_cast %swap3A : i32 to index
        %swap3A_422 = arith.index_cast %add3A_349 : i32 to index
        %swap3A_423 = tpu.vector_load %arg9[%swap3A_421, %swap3A_422] {strides = array<i32>} : memref<2x2048xf32, #tpu.memory_space<vmem>>, vector<1x16xf32>,
        %swap3A_424 = vector.shape_cast %swap3A_423 : vector<1x16xf32> to vector<16xf32>
        %swap3A_425 = vector.shape_cast %add3A_420 : vector<16xf32> to vector<1x16xf32>
        tpu.vector_store %arg9[%swap3A_421, %swap3A_422], %swap3A_425 {strides = array<i32>} : memref<2x2048xf32, #tpu.memory_space<vmem>>, vector<1x16xf32>,
      }
      %scan3A_331 = arith.constant 128 : i32
      %dma_start3A_332 = arith.constant 1 : i32
      %dma_start3A_333 = arith.constant 0 : i32
      %dma_start3A_334 = tpu.memref_slice %arg9[%dma_start3A_332, %dma_start3A_333] : memref<2x2048xf32, #tpu.memory_space<vmem>> -> memref<1x2048xf32, #tpu.memory_space<vmem>>
      %dma_start3A_335 = tpu.memref_squeeze %dma_start3A_334 : memref<1x2048xf32, #tpu.memory_space<vmem>> -> memref<2048xf32, #tpu.memory_space<vmem>>
      %dma_start3A_336 = arith.constant 0 : i32
      %dma_start3A_337 = tpu.memref_slice %arg5[%add3A_286, %dma_start3A_336] : memref<1024x2048xf32, #tpu.memory_space<hbm>> -> memref<1x2048xf32, #tpu.memory_space<hbm>>
      %dma_start3A_338 = tpu.memref_squeeze %dma_start3A_337 : memref<1x2048xf32, #tpu.memory_space<hbm>> -> memref<2048xf32, #tpu.memory_space<hbm>>
      %dma_start3A_339 = arith.constant 0 : i32
      %dma_start3A_340 = tpu.memref_slice %arg5[%add3A_286, %dma_start3A_339] : memref<1024x2048xf32, #tpu.memory_space<hbm>> -> memref<1x2048xf32, #tpu.memory_space<hbm>>
      %dma_start3A_341 = tpu.memref_squeeze %dma_start3A_340 : memref<1x2048xf32, #tpu.memory_space<hbm>> -> memref<2048xf32, #tpu.memory_space<hbm>>
      %dma_start3A_342 = arith.constant 0 : i32
      %dma_start3A_343 = tpu.memref_slice %arg9[%dma_start3A_332, %dma_start3A_342] : memref<2x2048xf32, #tpu.memory_space<vmem>> -> memref<1x2048xf32, #tpu.memory_space<vmem>>
      %dma_start3A_344 = tpu.memref_squeeze %dma_start3A_343 : memref<1x2048xf32, #tpu.memory_space<vmem>> -> memref<2048xf32, #tpu.memory_space<vmem>>
      tpu.enqueue_dma source(%dma_start3A_344 : memref<2048xf32, #tpu.memory_space<vmem>>) target(%dma_start3A_341 : memref<2048xf32, #tpu.memory_space<hbm>>) target_semaphore(%arg14 : memref<!tpu.dma_semaphore, #tpu.memory_space<semaphore_mem>>)
    }
    %scan3A_46 = arith.constant 16 : i32
    %dma_wait3A_47 = arith.constant 0 : i32
    %dma_wait3A_48 = arith.constant 0 : i32
    %dma_wait3A_49 = arith.constant 0 : i32
    %dma_wait3A_50 = tpu.memref_slice %arg8[%dma_wait3A_48, %dma_wait3A_49] : memref<2x4096xf32, #tpu.memory_space<vmem>> -> memref<1x2048xf32, #tpu.memory_space<vmem>>
    %dma_wait3A_51 = tpu.memref_squeeze %dma_wait3A_50 : memref<1x2048xf32, #tpu.memory_space<vmem>> -> memref<2048xf32, #tpu.memory_space<vmem>>
    %dma_wait3A_52 = arith.constant 0 : i32
    %dma_wait3A_53 = tpu.memref_slice %arg2[%dma_wait3A_47, %dma_wait3A_52] : memref<1024x2048xf32, #tpu.memory_space<hbm>> -> memref<1x2048xf32, #tpu.memory_space<hbm>>
    %dma_wait3A_54 = tpu.memref_squeeze %dma_wait3A_53 : memref<1x2048xf32, #tpu.memory_space<hbm>> -> memref<2048xf32, #tpu.memory_space<hbm>>
    %dma_wait3A_55 = arith.constant 0 : i32
    %dma_wait3A_56 = tpu.memref_slice %arg8[%dma_wait3A_48, %dma_wait3A_55] : memref<2x4096xf32, #tpu.memory_space<vmem>> -> memref<1x2048xf32, #tpu.memory_space<vmem>>
    %dma_wait3A_57 = tpu.memref_squeeze %dma_wait3A_56 : memref<1x2048xf32, #tpu.memory_space<vmem>> -> memref<2048xf32, #tpu.memory_space<vmem>>
    %dma_wait3A_58 = arith.constant 0 : i32
    %dma_wait3A_59 = tpu.memref_slice %arg2[%dma_wait3A_47, %dma_wait3A_58] : memref<1024x2048xf32, #tpu.memory_space<hbm>> -> memref<1x2048xf32, #tpu.memory_space<hbm>>
    %dma_wait3A_60 = tpu.memref_squeeze %dma_wait3A_59 : memref<1x2048xf32, #tpu.memory_space<hbm>> -> memref<2048xf32, #tpu.memory_space<hbm>>
    tpu.wait_dma2 semaphore(%arg11 : memref<!tpu.dma_semaphore, #tpu.memory_space<semaphore_mem>>) src(%dma_wait3A_60 : memref<2048xf32, #tpu.memory_space<hbm>>) dst(%dma_wait3A_57 : memref<2048xf32, #tpu.memory_space<vmem>>)
    %dma_wait3A_61 = arith.constant 0 : i32
    %dma_wait3A_62 = arith.constant 0 : i32
    %dma_wait3A_63 = arith.constant 2048 : i32
    %dma_wait3A_64 = tpu.memref_slice %arg8[%dma_wait3A_62, %dma_wait3A_63] : memref<2x4096xf32, #tpu.memory_space<vmem>> -> memref<1x2048xf32, #tpu.memory_space<vmem>>
    %dma_wait3A_65 = tpu.memref_squeeze %dma_wait3A_64 : memref<1x2048xf32, #tpu.memory_space<vmem>> -> memref<2048xf32, #tpu.memory_space<vmem>>
    %dma_wait3A_66 = arith.constant 0 : i32
    %dma_wait3A_67 = tpu.memref_slice %arg2[%dma_wait3A_61, %dma_wait3A_66] : memref<1024x2048xf32, #tpu.memory_space<hbm>> -> memref<1x2048xf32, #tpu.memory_space<hbm>>
    %dma_wait3A_68 = tpu.memref_squeeze %dma_wait3A_67 : memref<1x2048xf32, #tpu.memory_space<hbm>> -> memref<2048xf32, #tpu.memory_space<hbm>>
    %dma_wait3A_69 = arith.constant 2048 : i32
    %dma_wait3A_70 = tpu.memref_slice %arg8[%dma_wait3A_62, %dma_wait3A_69] : memref<2x4096xf32, #tpu.memory_space<vmem>> -> memref<1x2048xf32, #tpu.memory_space<vmem>>
    %dma_wait3A_71 = tpu.memref_squeeze %dma_wait3A_70 : memref<1x2048xf32, #tpu.memory_space<vmem>> -> memref<2048xf32, #tpu.memory_space<vmem>>
    %dma_wait3A_72 = arith.constant 0 : i32
    %dma_wait3A_73 = tpu.memref_slice %arg2[%dma_wait3A_61, %dma_wait3A_72] : memref<1024x2048xf32, #tpu.memory_space<hbm>> -> memref<1x2048xf32, #tpu.memory_space<hbm>>
    %dma_wait3A_74 = tpu.memref_squeeze %dma_wait3A_73 : memref<1x2048xf32, #tpu.memory_space<hbm>> -> memref<2048xf32, #tpu.memory_space<hbm>>
    tpu.wait_dma2 semaphore(%arg11 : memref<!tpu.dma_semaphore, #tpu.memory_space<semaphore_mem>>) src(%dma_wait3A_74 : memref<2048xf32, #tpu.memory_space<hbm>>) dst(%dma_wait3A_71 : memref<2048xf32, #tpu.memory_space<vmem>>)
    %dma_wait3A_75 = arith.constant 0 : i32
    %dma_wait3A_76 = arith.constant 0 : i32
    %dma_wait3A_77 = tpu.memref_slice %arg9[%dma_wait3A_75, %dma_wait3A_76] : memref<2x2048xf32, #tpu.memory_space<vmem>> -> memref<1x2048xf32, #tpu.memory_space<vmem>>
    %dma_wait3A_78 = tpu.memref_squeeze %dma_wait3A_77 : memref<1x2048xf32, #tpu.memory_space<vmem>> -> memref<2048xf32, #tpu.memory_space<vmem>>
    %dma_wait3A_79 = arith.constant 0 : i32
    %dma_wait3A_80 = tpu.memref_slice %arg5[%mul3A_2, %dma_wait3A_79] : memref<1024x2048xf32, #tpu.memory_space<hbm>> -> memref<1x2048xf32, #tpu.memory_space<hbm>>
    %dma_wait3A_81 = tpu.memref_squeeze %dma_wait3A_80 : memref<1x2048xf32, #tpu.memory_space<hbm>> -> memref<2048xf32, #tpu.memory_space<hbm>>
    %dma_wait3A_82 = arith.constant 0 : i32
    %dma_wait3A_83 = tpu.memref_slice %arg5[%mul3A_2, %dma_wait3A_82] : memref<1024x2048xf32, #tpu.memory_space<hbm>> -> memref<1x2048xf32, #tpu.memory_space<hbm>>
    %dma_wait3A_84 = tpu.memref_squeeze %dma_wait3A_83 : memref<1x2048xf32, #tpu.memory_space<hbm>> -> memref<2048xf32, #tpu.memory_space<hbm>>
    %dma_wait3A_85 = arith.constant 0 : i32
    %dma_wait3A_86 = tpu.memref_slice %arg9[%dma_wait3A_75, %dma_wait3A_85] : memref<2x2048xf32, #tpu.memory_space<vmem>> -> memref<1x2048xf32, #tpu.memory_space<vmem>>
    %dma_wait3A_87 = tpu.memref_squeeze %dma_wait3A_86 : memref<1x2048xf32, #tpu.memory_space<vmem>> -> memref<2048xf32, #tpu.memory_space<vmem>>
    tpu.wait_dma2 semaphore(%arg13 : memref<!tpu.dma_semaphore, #tpu.memory_space<semaphore_mem>>) src(%dma_wait3A_87 : memref<2048xf32, #tpu.memory_space<vmem>>) dst(%dma_wait3A_84 : memref<2048xf32, #tpu.memory_space<hbm>>)
    %dma_wait3A_88 = arith.constant 1 : i32
    %dma_wait3A_89 = arith.constant 0 : i32
    %dma_wait3A_90 = tpu.memref_slice %arg9[%dma_wait3A_88, %dma_wait3A_89] : memref<2x2048xf32, #tpu.memory_space<vmem>> -> memref<1x2048xf32, #tpu.memory_space<vmem>>
    %dma_wait3A_91 = tpu.memref_squeeze %dma_wait3A_90 : memref<1x2048xf32, #tpu.memory_space<vmem>> -> memref<2048xf32, #tpu.memory_space<vmem>>
    %dma_wait3A_92 = arith.constant 0 : i32
    %dma_wait3A_93 = tpu.memref_slice %arg5[%mul3A_2, %dma_wait3A_92] : memref<1024x2048xf32, #tpu.memory_space<hbm>> -> memref<1x2048xf32, #tpu.memory_space<hbm>>
    %dma_wait3A_94 = tpu.memref_squeeze %dma_wait3A_93 : memref<1x2048xf32, #tpu.memory_space<hbm>> -> memref<2048xf32, #tpu.memory_space<hbm>>
    %dma_wait3A_95 = arith.constant 0 : i32
    %dma_wait3A_96 = tpu.memref_slice %arg5[%mul3A_2, %dma_wait3A_95] : memref<1024x2048xf32, #tpu.memory_space<hbm>> -> memref<1x2048xf32, #tpu.memory_space<hbm>>
    %dma_wait3A_97 = tpu.memref_squeeze %dma_wait3A_96 : memref<1x2048xf32, #tpu.memory_space<hbm>> -> memref<2048xf32, #tpu.memory_space<hbm>>
    %dma_wait3A_98 = arith.constant 0 : i32
    %dma_wait3A_99 = tpu.memref_slice %arg9[%dma_wait3A_88, %dma_wait3A_98] : memref<2x2048xf32, #tpu.memory_space<vmem>> -> memref<1x2048xf32, #tpu.memory_space<vmem>>
    %dma_wait3A_100 = tpu.memref_squeeze %dma_wait3A_99 : memref<1x2048xf32, #tpu.memory_space<vmem>> -> memref<2048xf32, #tpu.memory_space<vmem>>
    tpu.wait_dma2 semaphore(%arg14 : memref<!tpu.dma_semaphore, #tpu.memory_space<semaphore_mem>>) src(%dma_wait3A_100 : memref<2048xf32, #tpu.memory_space<vmem>>) dst(%dma_wait3A_97 : memref<2048xf32, #tpu.memory_space<hbm>>)
    return
  }
}

module attributes {stable_mosaic.version = 14 : i64} {
  func.func @_proj_body(%arg0: i32, %arg1: i32, %arg2: memref<1x512x1024xf32, #tpu.memory_space<vmem>>, %arg3: memref<1x512x1024xf32, #tpu.memory_space<vmem>>, %arg4: memref<1024x1024xbf16, #tpu.memory_space<vmem>>, %arg5: memref<1024xf32, #tpu.memory_space<vmem>>, %arg6: memref<1024x1024xbf16, #tpu.memory_space<vmem>>, %arg7: memref<1024xf32, #tpu.memory_space<vmem>>, %arg8: memref<1x1024x512xf32, #tpu.memory_space<vmem>>, %arg9: memref<1x1024x512xf32, #tpu.memory_space<vmem>>) attributes {dimension_semantics = [#tpu.dimension_semantics<arbitrary>, #tpu.dimension_semantics<arbitrary>], iteration_bounds = array<i64: 2, 4>, scalar_prefetch = 0 : i64, scratch_operands = 0 : i64, tpu.core_type = #tpu.core_type<tc>, window_params = [{transform_indices = @transform_0, window_bounds = array<i64: 1, 512, 1024>}, {transform_indices = @transform_1, window_bounds = array<i64: 1, 512, 1024>}, {pipeline_mode = #tpu.pipeline_mode<synchronous>, transform_indices = @transform_2, window_bounds = array<i64: 1024, 1024>}, {pipeline_mode = #tpu.pipeline_mode<synchronous>, transform_indices = @transform_3, window_bounds = array<i64: 1024>}, {pipeline_mode = #tpu.pipeline_mode<synchronous>, transform_indices = @transform_4, window_bounds = array<i64: 1024, 1024>}, {pipeline_mode = #tpu.pipeline_mode<synchronous>, transform_indices = @transform_5, window_bounds = array<i64: 1024>}, {transform_indices = @transform_6, window_bounds = array<i64: 1, 1024, 512>}, {transform_indices = @transform_7, window_bounds = array<i64: 1, 1024, 512>}]} {
    %get3A = arith.constant 0 : index
    %get3A_0 = arith.constant 0 : index
    %get3A_1 = arith.constant 0 : index
    %get3A_2 = vector.load %arg2[%get3A, %get3A_0, %get3A_1] : memref<1x512x1024xf32, #tpu.memory_space<vmem>>, vector<1x512x1024xf32>
    %get3A_3 = vector.shape_cast %get3A_2 : vector<1x512x1024xf32> to vector<512x1024xf32>
    %convert_element_type3A = arith.truncf %get3A_3 : vector<512x1024xf32> to vector<512x1024xbf16>
    %get3A_4 = arith.constant 0 : index
    %get3A_5 = arith.constant 0 : index
    %get3A_6 = vector.load %arg4[%get3A_4, %get3A_5] : memref<1024x1024xbf16, #tpu.memory_space<vmem>>, vector<1024x1024xbf16>
    %dot_general3A = arith.constant dense<0.000000e+00> : vector<1024x512xf32>
    %dot_general3A_7 = tpu.matmul %get3A_6, %convert_element_type3A, %dot_general3A {dimension_numbers = #tpu.dot_dimension_numbers<[1], [1], [0], [0], [0, 0, 1, 0], [], []>, transpose_lhs_hint = false} : vector<1024x1024xbf16>, vector<512x1024xbf16>, vector<1024x512xf32> -> vector<1024x512xf32>
    %get3A_8 = arith.constant 0 : index
    %get3A_9 = vector.load %arg5[%get3A_8] : memref<1024xf32, #tpu.memory_space<vmem>>, vector<1024xf32>
    %broadcast_in_dim3A = vector.shape_cast %get3A_9 : vector<1024xf32> to vector<1024x1xf32>
    %add3A = vector.broadcast %broadcast_in_dim3A : vector<1024x1xf32> to vector<1024x512xf32>
    %add3A_10 = arith.addf %dot_general3A_7, %add3A : vector<1024x512xf32>
    %swap3A = arith.constant 0 : index
    %swap3A_11 = arith.constant 0 : index
    %swap3A_12 = arith.constant 0 : index
    %swap3A_13 = vector.load %arg8[%swap3A, %swap3A_11, %swap3A_12] : memref<1x1024x512xf32, #tpu.memory_space<vmem>>, vector<1x1024x512xf32>
    %swap3A_14 = vector.shape_cast %swap3A_13 : vector<1x1024x512xf32> to vector<1024x512xf32>
    %swap3A_15 = vector.shape_cast %add3A_10 : vector<1024x512xf32> to vector<1x1024x512xf32>
    tpu.vector_store %arg8[%swap3A, %swap3A_11, %swap3A_12], %swap3A_15 {strides = array<i32>} : memref<1x1024x512xf32, #tpu.memory_space<vmem>>, vector<1x1024x512xf32>,
    %get3A_16 = arith.constant 0 : index
    %get3A_17 = arith.constant 0 : index
    %get3A_18 = arith.constant 0 : index
    %get3A_19 = vector.load %arg3[%get3A_16, %get3A_17, %get3A_18] : memref<1x512x1024xf32, #tpu.memory_space<vmem>>, vector<1x512x1024xf32>
    %get3A_20 = vector.shape_cast %get3A_19 : vector<1x512x1024xf32> to vector<512x1024xf32>
    %convert_element_type3A_21 = arith.truncf %get3A_20 : vector<512x1024xf32> to vector<512x1024xbf16>
    %get3A_22 = arith.constant 0 : index
    %get3A_23 = arith.constant 0 : index
    %get3A_24 = vector.load %arg6[%get3A_22, %get3A_23] : memref<1024x1024xbf16, #tpu.memory_space<vmem>>, vector<1024x1024xbf16>
    %dot_general3A_25 = arith.constant dense<0.000000e+00> : vector<1024x512xf32>
    %dot_general3A_26 = tpu.matmul %get3A_24, %convert_element_type3A_21, %dot_general3A_25 {dimension_numbers = #tpu.dot_dimension_numbers<[1], [1], [0], [0], [0, 0, 1, 0], [], []>, transpose_lhs_hint = false} : vector<1024x1024xbf16>, vector<512x1024xbf16>, vector<1024x512xf32> -> vector<1024x512xf32>
    %get3A_27 = arith.constant 0 : index
    %get3A_28 = vector.load %arg7[%get3A_27] : memref<1024xf32, #tpu.memory_space<vmem>>, vector<1024xf32>
    %broadcast_in_dim3A_29 = vector.shape_cast %get3A_28 : vector<1024xf32> to vector<1024x1xf32>
    %add3A_30 = vector.broadcast %broadcast_in_dim3A_29 : vector<1024x1xf32> to vector<1024x512xf32>
    %add3A_31 = arith.addf %dot_general3A_26, %add3A_30 : vector<1024x512xf32>
    %swap3A_32 = arith.constant 0 : index
    %swap3A_33 = arith.constant 0 : index
    %swap3A_34 = arith.constant 0 : index
    %swap3A_35 = vector.load %arg9[%swap3A_32, %swap3A_33, %swap3A_34] : memref<1x1024x512xf32, #tpu.memory_space<vmem>>, vector<1x1024x512xf32>
    %swap3A_36 = vector.shape_cast %swap3A_35 : vector<1x1024x512xf32> to vector<1024x512xf32>
    %swap3A_37 = vector.shape_cast %add3A_31 : vector<1024x512xf32> to vector<1x1024x512xf32>
    tpu.vector_store %arg9[%swap3A_32, %swap3A_33, %swap3A_34], %swap3A_37 {strides = array<i32>} : memref<1x1024x512xf32, #tpu.memory_space<vmem>>, vector<1x1024x512xf32>,
    return
  }
  func.func @transform_0(%arg0: i32, %arg1: i32) -> (i32, i32, i32) {
    %c0_i32 = arith.constant 0 : i32
    %c0_i32_0 = arith.constant 0 : i32
    return %arg0, %arg1, %c0_i32 : i32, i32, i32
  }
  func.func @transform_1(%arg0: i32, %arg1: i32) -> (i32, i32, i32) {
    %c0_i32 = arith.constant 0 : i32
    %c0_i32_0 = arith.constant 0 : i32
    return %arg0, %arg1, %c0_i32 : i32, i32, i32
  }
  func.func @transform_2(%arg0: i32, %arg1: i32) -> (i32, i32) {
    %c0_i32 = arith.constant 0 : i32
    %c0_i32_0 = arith.constant 0 : i32
    %c0_i32_1 = arith.constant 0 : i32
    return %c0_i32, %c0_i32_0 : i32, i32
  }
  func.func @transform_3(%arg0: i32, %arg1: i32) -> i32 {
    %c0_i32 = arith.constant 0 : i32
    %c0_i32_0 = arith.constant 0 : i32
    return %c0_i32 : i32
  }
  func.func @transform_4(%arg0: i32, %arg1: i32) -> (i32, i32) {
    %c0_i32 = arith.constant 0 : i32
    %c0_i32_0 = arith.constant 0 : i32
    %c0_i32_1 = arith.constant 0 : i32
    return %c0_i32, %c0_i32_0 : i32, i32
  }
  func.func @transform_5(%arg0: i32, %arg1: i32) -> i32 {
    %c0_i32 = arith.constant 0 : i32
    %c0_i32_0 = arith.constant 0 : i32
    return %c0_i32 : i32
  }
  func.func @transform_6(%arg0: i32, %arg1: i32) -> (i32, i32, i32) {
    %c0_i32 = arith.constant 0 : i32
    %c0_i32_0 = arith.constant 0 : i32
    return %arg0, %c0_i32, %arg1 : i32, i32, i32
  }
  func.func @transform_7(%arg0: i32, %arg1: i32) -> (i32, i32, i32) {
    %c0_i32 = arith.constant 0 : i32
    %c0_i32_0 = arith.constant 0 : i32
    return %arg0, %c0_i32, %arg1 : i32, i32, i32
  }
}

module attributes {stable_mosaic.version = 14 : i64} {
  func.func @_fwd_body(%arg0: i32, %arg1: i32, %arg2: memref<1x256x2048xf32, #tpu.memory_space<vmem>>, %arg3: memref<1x256x2048xf32, #tpu.memory_space<vmem>>, %arg4: memref<2048x1152xbf16, #tpu.memory_space<vmem>>, %arg5: memref<2048x1152xbf16, #tpu.memory_space<vmem>>, %arg6: memref<2048x1152xbf16, #tpu.memory_space<vmem>>, %arg7: memref<2048x1152xbf16, #tpu.memory_space<vmem>>, %arg8: memref<1x256x1152xf32, #tpu.memory_space<vmem>>, %arg9: memref<1x256x1152xf32, #tpu.memory_space<vmem>>) attributes {dimension_semantics = [#tpu.dimension_semantics<arbitrary>, #tpu.dimension_semantics<arbitrary>], iteration_bounds = array<i64: 1, 4>, scalar_prefetch = 0 : i64, scratch_operands = 0 : i64, tpu.core_type = #tpu.core_type<tc>, window_params = [{transform_indices = @transform_0, window_bounds = array<i64: 1, 256, 2048>}, {transform_indices = @transform_1, window_bounds = array<i64: 1, 256, 2048>}, {pipeline_mode = #tpu.pipeline_mode<synchronous>, transform_indices = @transform_2, window_bounds = array<i64: 2048, 1152>}, {pipeline_mode = #tpu.pipeline_mode<synchronous>, transform_indices = @transform_3, window_bounds = array<i64: 2048, 1152>}, {pipeline_mode = #tpu.pipeline_mode<synchronous>, transform_indices = @transform_4, window_bounds = array<i64: 2048, 1152>}, {pipeline_mode = #tpu.pipeline_mode<synchronous>, transform_indices = @transform_5, window_bounds = array<i64: 2048, 1152>}, {transform_indices = @transform_6, window_bounds = array<i64: 1, 256, 1152>}, {transform_indices = @transform_7, window_bounds = array<i64: 1, 256, 1152>}]} {
    %get3A = arith.constant 0 : index
    %get3A_0 = arith.constant 0 : index
    %get3A_1 = arith.constant 0 : index
    %get3A_2 = vector.load %arg2[%get3A, %get3A_0, %get3A_1] : memref<1x256x2048xf32, #tpu.memory_space<vmem>>, vector<1x256x2048xf32>
    %get3A_3 = vector.shape_cast %get3A_2 : vector<1x256x2048xf32> to vector<256x2048xf32>
    %convert_element_type3A = arith.truncf %get3A_3 : vector<256x2048xf32> to vector<256x2048xbf16>
    %convert_element_type3A_4 = arith.extf %convert_element_type3A : vector<256x2048xbf16> to vector<256x2048xf32>
    %sub3A = arith.subf %get3A_3, %convert_element_type3A_4 : vector<256x2048xf32>
    %convert_element_type3A_5 = arith.truncf %sub3A : vector<256x2048xf32> to vector<256x2048xbf16>
    %get3A_6 = arith.constant 0 : index
    %get3A_7 = arith.constant 0 : index
    %get3A_8 = arith.constant 0 : index
    %get3A_9 = vector.load %arg3[%get3A_6, %get3A_7, %get3A_8] : memref<1x256x2048xf32, #tpu.memory_space<vmem>>, vector<1x256x2048xf32>
    %get3A_10 = vector.shape_cast %get3A_9 : vector<1x256x2048xf32> to vector<256x2048xf32>
    %convert_element_type3A_11 = arith.truncf %get3A_10 : vector<256x2048xf32> to vector<256x2048xbf16>
    %convert_element_type3A_12 = arith.extf %convert_element_type3A_11 : vector<256x2048xbf16> to vector<256x2048xf32>
    %sub3A_13 = arith.subf %get3A_10, %convert_element_type3A_12 : vector<256x2048xf32>
    %convert_element_type3A_14 = arith.truncf %sub3A_13 : vector<256x2048xf32> to vector<256x2048xbf16>
    %get3A_15 = arith.constant 0 : index
    %get3A_16 = arith.constant 0 : index
    %get3A_17 = vector.load %arg4[%get3A_15, %get3A_16] : memref<2048x1152xbf16, #tpu.memory_space<vmem>>, vector<2048x1152xbf16>
    %get3A_18 = arith.constant 0 : index
    %get3A_19 = arith.constant 0 : index
    %get3A_20 = vector.load %arg5[%get3A_18, %get3A_19] : memref<2048x1152xbf16, #tpu.memory_space<vmem>>, vector<2048x1152xbf16>
    %get3A_21 = arith.constant 0 : index
    %get3A_22 = arith.constant 0 : index
    %get3A_23 = vector.load %arg6[%get3A_21, %get3A_22] : memref<2048x1152xbf16, #tpu.memory_space<vmem>>, vector<2048x1152xbf16>
    %get3A_24 = arith.constant 0 : index
    %get3A_25 = arith.constant 0 : index
    %get3A_26 = vector.load %arg7[%get3A_24, %get3A_25] : memref<2048x1152xbf16, #tpu.memory_space<vmem>>, vector<2048x1152xbf16>
    %dot_general3A = arith.constant dense<0.000000e+00> : vector<256x1152xf32>
    %dot_general3A_27 = tpu.matmul %convert_element_type3A, %get3A_17, %dot_general3A {dimension_numbers = #tpu.dot_dimension_numbers<[1], [0], [0], [1], [0, 0, 1, 1], [], []>, transpose_lhs_hint = false} : vector<256x2048xbf16>, vector<2048x1152xbf16>, vector<256x1152xf32> -> vector<256x1152xf32>
    %dot_general3A_28 = arith.constant dense<0.000000e+00> : vector<256x1152xf32>
    %dot_general3A_29 = tpu.matmul %convert_element_type3A, %get3A_20, %dot_general3A_28 {dimension_numbers = #tpu.dot_dimension_numbers<[1], [0], [0], [1], [0, 0, 1, 1], [], []>, transpose_lhs_hint = false} : vector<256x2048xbf16>, vector<2048x1152xbf16>, vector<256x1152xf32> -> vector<256x1152xf32>
    %add3A = arith.addf %dot_general3A_27, %dot_general3A_29 : vector<256x1152xf32>
    %dot_general3A_30 = arith.constant dense<0.000000e+00> : vector<256x1152xf32>
    %dot_general3A_31 = tpu.matmul %convert_element_type3A_5, %get3A_17, %dot_general3A_30 {dimension_numbers = #tpu.dot_dimension_numbers<[1], [0], [0], [1], [0, 0, 1, 1], [], []>, transpose_lhs_hint = false} : vector<256x2048xbf16>, vector<2048x1152xbf16>, vector<256x1152xf32> -> vector<256x1152xf32>
    %add3A_32 = arith.addf %add3A, %dot_general3A_31 : vector<256x1152xf32>
    %dot_general3A_33 = arith.constant dense<0.000000e+00> : vector<256x1152xf32>
    %dot_general3A_34 = tpu.matmul %convert_element_type3A, %get3A_23, %dot_general3A_33 {dimension_numbers = #tpu.dot_dimension_numbers<[1], [0], [0], [1], [0, 0, 1, 1], [], []>, transpose_lhs_hint = false} : vector<256x2048xbf16>, vector<2048x1152xbf16>, vector<256x1152xf32> -> vector<256x1152xf32>
    %dot_general3A_35 = arith.constant dense<0.000000e+00> : vector<256x1152xf32>
    %dot_general3A_36 = tpu.matmul %convert_element_type3A, %get3A_26, %dot_general3A_35 {dimension_numbers = #tpu.dot_dimension_numbers<[1], [0], [0], [1], [0, 0, 1, 1], [], []>, transpose_lhs_hint = false} : vector<256x2048xbf16>, vector<2048x1152xbf16>, vector<256x1152xf32> -> vector<256x1152xf32>
    %add3A_37 = arith.addf %dot_general3A_34, %dot_general3A_36 : vector<256x1152xf32>
    %dot_general3A_38 = arith.constant dense<0.000000e+00> : vector<256x1152xf32>
    %dot_general3A_39 = tpu.matmul %convert_element_type3A_5, %get3A_23, %dot_general3A_38 {dimension_numbers = #tpu.dot_dimension_numbers<[1], [0], [0], [1], [0, 0, 1, 1], [], []>, transpose_lhs_hint = false} : vector<256x2048xbf16>, vector<2048x1152xbf16>, vector<256x1152xf32> -> vector<256x1152xf32>
    %add3A_40 = arith.addf %add3A_37, %dot_general3A_39 : vector<256x1152xf32>
    %dot_general3A_41 = arith.constant dense<0.000000e+00> : vector<256x1152xf32>
    %dot_general3A_42 = tpu.matmul %convert_element_type3A_11, %get3A_17, %dot_general3A_41 {dimension_numbers = #tpu.dot_dimension_numbers<[1], [0], [0], [1], [0, 0, 1, 1], [], []>, transpose_lhs_hint = false} : vector<256x2048xbf16>, vector<2048x1152xbf16>, vector<256x1152xf32> -> vector<256x1152xf32>
    %dot_general3A_43 = arith.constant dense<0.000000e+00> : vector<256x1152xf32>
    %dot_general3A_44 = tpu.matmul %convert_element_type3A_11, %get3A_20, %dot_general3A_43 {dimension_numbers = #tpu.dot_dimension_numbers<[1], [0], [0], [1], [0, 0, 1, 1], [], []>, transpose_lhs_hint = false} : vector<256x2048xbf16>, vector<2048x1152xbf16>, vector<256x1152xf32> -> vector<256x1152xf32>
    %add3A_45 = arith.addf %dot_general3A_42, %dot_general3A_44 : vector<256x1152xf32>
    %dot_general3A_46 = arith.constant dense<0.000000e+00> : vector<256x1152xf32>
    %dot_general3A_47 = tpu.matmul %convert_element_type3A_14, %get3A_17, %dot_general3A_46 {dimension_numbers = #tpu.dot_dimension_numbers<[1], [0], [0], [1], [0, 0, 1, 1], [], []>, transpose_lhs_hint = false} : vector<256x2048xbf16>, vector<2048x1152xbf16>, vector<256x1152xf32> -> vector<256x1152xf32>
    %add3A_48 = arith.addf %add3A_45, %dot_general3A_47 : vector<256x1152xf32>
    %dot_general3A_49 = arith.constant dense<0.000000e+00> : vector<256x1152xf32>
    %dot_general3A_50 = tpu.matmul %convert_element_type3A_11, %get3A_23, %dot_general3A_49 {dimension_numbers = #tpu.dot_dimension_numbers<[1], [0], [0], [1], [0, 0, 1, 1], [], []>, transpose_lhs_hint = false} : vector<256x2048xbf16>, vector<2048x1152xbf16>, vector<256x1152xf32> -> vector<256x1152xf32>
    %dot_general3A_51 = arith.constant dense<0.000000e+00> : vector<256x1152xf32>
    %dot_general3A_52 = tpu.matmul %convert_element_type3A_11, %get3A_26, %dot_general3A_51 {dimension_numbers = #tpu.dot_dimension_numbers<[1], [0], [0], [1], [0, 0, 1, 1], [], []>, transpose_lhs_hint = false} : vector<256x2048xbf16>, vector<2048x1152xbf16>, vector<256x1152xf32> -> vector<256x1152xf32>
    %add3A_53 = arith.addf %dot_general3A_50, %dot_general3A_52 : vector<256x1152xf32>
    %dot_general3A_54 = arith.constant dense<0.000000e+00> : vector<256x1152xf32>
    %dot_general3A_55 = tpu.matmul %convert_element_type3A_14, %get3A_23, %dot_general3A_54 {dimension_numbers = #tpu.dot_dimension_numbers<[1], [0], [0], [1], [0, 0, 1, 1], [], []>, transpose_lhs_hint = false} : vector<256x2048xbf16>, vector<2048x1152xbf16>, vector<256x1152xf32> -> vector<256x1152xf32>
    %add3A_56 = arith.addf %add3A_53, %dot_general3A_55 : vector<256x1152xf32>
    %mul3A = arith.mulf %add3A_32, %add3A_48 : vector<256x1152xf32>
    %mul3A_57 = arith.mulf %add3A_40, %add3A_56 : vector<256x1152xf32>
    %add3A_58 = arith.addf %mul3A, %mul3A_57 : vector<256x1152xf32>
    %swap3A = arith.constant 0 : index
    %swap3A_59 = arith.constant 0 : index
    %swap3A_60 = arith.constant 0 : index
    %swap3A_61 = vector.load %arg8[%swap3A, %swap3A_59, %swap3A_60] : memref<1x256x1152xf32, #tpu.memory_space<vmem>>, vector<1x256x1152xf32>
    %swap3A_62 = vector.shape_cast %swap3A_61 : vector<1x256x1152xf32> to vector<256x1152xf32>
    %swap3A_63 = vector.shape_cast %add3A_58 : vector<256x1152xf32> to vector<1x256x1152xf32>
    tpu.vector_store %arg8[%swap3A, %swap3A_59, %swap3A_60], %swap3A_63 {strides = array<i32>} : memref<1x256x1152xf32, #tpu.memory_space<vmem>>, vector<1x256x1152xf32>,
    %mul3A_64 = arith.mulf %add3A_32, %add3A_56 : vector<256x1152xf32>
    %mul3A_65 = arith.mulf %add3A_40, %add3A_48 : vector<256x1152xf32>
    %sub3A_66 = arith.subf %mul3A_64, %mul3A_65 : vector<256x1152xf32>
    %swap3A_67 = arith.constant 0 : index
    %swap3A_68 = arith.constant 0 : index
    %swap3A_69 = arith.constant 0 : index
    %swap3A_70 = vector.load %arg9[%swap3A_67, %swap3A_68, %swap3A_69] : memref<1x256x1152xf32, #tpu.memory_space<vmem>>, vector<1x256x1152xf32>
    %swap3A_71 = vector.shape_cast %swap3A_70 : vector<1x256x1152xf32> to vector<256x1152xf32>
    %swap3A_72 = vector.shape_cast %sub3A_66 : vector<256x1152xf32> to vector<1x256x1152xf32>
    tpu.vector_store %arg9[%swap3A_67, %swap3A_68, %swap3A_69], %swap3A_72 {strides = array<i32>} : memref<1x256x1152xf32, #tpu.memory_space<vmem>>, vector<1x256x1152xf32>,
    return
  }
  func.func @transform_0(%arg0: i32, %arg1: i32) -> (i32, i32, i32) {
    %c0_i32 = arith.constant 0 : i32
    %c0_i32_0 = arith.constant 0 : i32
    return %arg0, %arg1, %c0_i32 : i32, i32, i32
  }
  func.func @transform_1(%arg0: i32, %arg1: i32) -> (i32, i32, i32) {
    %c0_i32 = arith.constant 0 : i32
    %c0_i32_0 = arith.constant 0 : i32
    return %arg0, %arg1, %c0_i32 : i32, i32, i32
  }
  func.func @transform_2(%arg0: i32, %arg1: i32) -> (i32, i32) {
    %c0_i32 = arith.constant 0 : i32
    %c0_i32_0 = arith.constant 0 : i32
    %c0_i32_1 = arith.constant 0 : i32
    return %c0_i32, %c0_i32_0 : i32, i32
  }
  func.func @transform_3(%arg0: i32, %arg1: i32) -> (i32, i32) {
    %c0_i32 = arith.constant 0 : i32
    %c0_i32_0 = arith.constant 0 : i32
    %c0_i32_1 = arith.constant 0 : i32
    return %c0_i32, %c0_i32_0 : i32, i32
  }
  func.func @transform_4(%arg0: i32, %arg1: i32) -> (i32, i32) {
    %c0_i32 = arith.constant 0 : i32
    %c0_i32_0 = arith.constant 0 : i32
    %c0_i32_1 = arith.constant 0 : i32
    return %c0_i32, %c0_i32_0 : i32, i32
  }
  func.func @transform_5(%arg0: i32, %arg1: i32) -> (i32, i32) {
    %c0_i32 = arith.constant 0 : i32
    %c0_i32_0 = arith.constant 0 : i32
    %c0_i32_1 = arith.constant 0 : i32
    return %c0_i32, %c0_i32_0 : i32, i32
  }
  func.func @transform_6(%arg0: i32, %arg1: i32) -> (i32, i32, i32) {
    %c0_i32 = arith.constant 0 : i32
    %c0_i32_0 = arith.constant 0 : i32
    return %arg0, %arg1, %c0_i32 : i32, i32, i32
  }
  func.func @transform_7(%arg0: i32, %arg1: i32) -> (i32, i32, i32) {
    %c0_i32 = arith.constant 0 : i32
    %c0_i32_0 = arith.constant 0 : i32
    return %arg0, %arg1, %c0_i32 : i32, i32, i32
  }
}

module attributes {stable_mosaic.version = 14 : i64} {
  func.func @_inv_body(%arg0: i32, %arg1: i32, %arg2: memref<1x256x1152xf32, #tpu.memory_space<vmem>>, %arg3: memref<1x256x1152xf32, #tpu.memory_space<vmem>>, %arg4: memref<1152x2048xbf16, #tpu.memory_space<vmem>>, %arg5: memref<1152x2048xbf16, #tpu.memory_space<vmem>>, %arg6: memref<1152x2048xbf16, #tpu.memory_space<vmem>>, %arg7: memref<1152x2048xbf16, #tpu.memory_space<vmem>>, %arg8: memref<1x256x2048xf32, #tpu.memory_space<vmem>>) attributes {dimension_semantics = [#tpu.dimension_semantics<arbitrary>, #tpu.dimension_semantics<arbitrary>], iteration_bounds = array<i64: 1, 4>, scalar_prefetch = 0 : i64, scratch_operands = 0 : i64, tpu.core_type = #tpu.core_type<tc>, window_params = [{transform_indices = @transform_0, window_bounds = array<i64: 1, 256, 1152>}, {transform_indices = @transform_1, window_bounds = array<i64: 1, 256, 1152>}, {pipeline_mode = #tpu.pipeline_mode<synchronous>, transform_indices = @transform_2, window_bounds = array<i64: 1152, 2048>}, {pipeline_mode = #tpu.pipeline_mode<synchronous>, transform_indices = @transform_3, window_bounds = array<i64: 1152, 2048>}, {pipeline_mode = #tpu.pipeline_mode<synchronous>, transform_indices = @transform_4, window_bounds = array<i64: 1152, 2048>}, {pipeline_mode = #tpu.pipeline_mode<synchronous>, transform_indices = @transform_5, window_bounds = array<i64: 1152, 2048>}, {transform_indices = @transform_6, window_bounds = array<i64: 1, 256, 2048>}]} {
    %get3A = arith.constant 0 : index
    %get3A_0 = arith.constant 0 : index
    %get3A_1 = arith.constant 0 : index
    %get3A_2 = vector.load %arg2[%get3A, %get3A_0, %get3A_1] : memref<1x256x1152xf32, #tpu.memory_space<vmem>>, vector<1x256x1152xf32>
    %get3A_3 = vector.shape_cast %get3A_2 : vector<1x256x1152xf32> to vector<256x1152xf32>
    %convert_element_type3A = arith.truncf %get3A_3 : vector<256x1152xf32> to vector<256x1152xbf16>
    %convert_element_type3A_4 = arith.extf %convert_element_type3A : vector<256x1152xbf16> to vector<256x1152xf32>
    %sub3A = arith.subf %get3A_3, %convert_element_type3A_4 : vector<256x1152xf32>
    %convert_element_type3A_5 = arith.truncf %sub3A : vector<256x1152xf32> to vector<256x1152xbf16>
    %get3A_6 = arith.constant 0 : index
    %get3A_7 = arith.constant 0 : index
    %get3A_8 = arith.constant 0 : index
    %get3A_9 = vector.load %arg3[%get3A_6, %get3A_7, %get3A_8] : memref<1x256x1152xf32, #tpu.memory_space<vmem>>, vector<1x256x1152xf32>
    %get3A_10 = vector.shape_cast %get3A_9 : vector<1x256x1152xf32> to vector<256x1152xf32>
    %convert_element_type3A_11 = arith.truncf %get3A_10 : vector<256x1152xf32> to vector<256x1152xbf16>
    %convert_element_type3A_12 = arith.extf %convert_element_type3A_11 : vector<256x1152xbf16> to vector<256x1152xf32>
    %sub3A_13 = arith.subf %get3A_10, %convert_element_type3A_12 : vector<256x1152xf32>
    %convert_element_type3A_14 = arith.truncf %sub3A_13 : vector<256x1152xf32> to vector<256x1152xbf16>
    %get3A_15 = arith.constant 0 : index
    %get3A_16 = arith.constant 0 : index
    %get3A_17 = vector.load %arg4[%get3A_15, %get3A_16] : memref<1152x2048xbf16, #tpu.memory_space<vmem>>, vector<1152x2048xbf16>
    %get3A_18 = arith.constant 0 : index
    %get3A_19 = arith.constant 0 : index
    %get3A_20 = vector.load %arg5[%get3A_18, %get3A_19] : memref<1152x2048xbf16, #tpu.memory_space<vmem>>, vector<1152x2048xbf16>
    %dot_general3A = arith.constant dense<0.000000e+00> : vector<256x2048xf32>
    %dot_general3A_21 = tpu.matmul %convert_element_type3A, %get3A_17, %dot_general3A {dimension_numbers = #tpu.dot_dimension_numbers<[1], [0], [0], [1], [0, 0, 1, 1], [], []>, transpose_lhs_hint = false} : vector<256x1152xbf16>, vector<1152x2048xbf16>, vector<256x2048xf32> -> vector<256x2048xf32>
    %dot_general3A_22 = arith.constant dense<0.000000e+00> : vector<256x2048xf32>
    %dot_general3A_23 = tpu.matmul %convert_element_type3A, %get3A_20, %dot_general3A_22 {dimension_numbers = #tpu.dot_dimension_numbers<[1], [0], [0], [1], [0, 0, 1, 1], [], []>, transpose_lhs_hint = false} : vector<256x1152xbf16>, vector<1152x2048xbf16>, vector<256x2048xf32> -> vector<256x2048xf32>
    %add3A = arith.addf %dot_general3A_21, %dot_general3A_23 : vector<256x2048xf32>
    %dot_general3A_24 = arith.constant dense<0.000000e+00> : vector<256x2048xf32>
    %dot_general3A_25 = tpu.matmul %convert_element_type3A_5, %get3A_17, %dot_general3A_24 {dimension_numbers = #tpu.dot_dimension_numbers<[1], [0], [0], [1], [0, 0, 1, 1], [], []>, transpose_lhs_hint = false} : vector<256x1152xbf16>, vector<1152x2048xbf16>, vector<256x2048xf32> -> vector<256x2048xf32>
    %add3A_26 = arith.addf %add3A, %dot_general3A_25 : vector<256x2048xf32>
    %get3A_27 = arith.constant 0 : index
    %get3A_28 = arith.constant 0 : index
    %get3A_29 = vector.load %arg6[%get3A_27, %get3A_28] : memref<1152x2048xbf16, #tpu.memory_space<vmem>>, vector<1152x2048xbf16>
    %get3A_30 = arith.constant 0 : index
    %get3A_31 = arith.constant 0 : index
    %get3A_32 = vector.load %arg7[%get3A_30, %get3A_31] : memref<1152x2048xbf16, #tpu.memory_space<vmem>>, vector<1152x2048xbf16>
    %dot_general3A_33 = arith.constant dense<0.000000e+00> : vector<256x2048xf32>
    %dot_general3A_34 = tpu.matmul %convert_element_type3A_11, %get3A_29, %dot_general3A_33 {dimension_numbers = #tpu.dot_dimension_numbers<[1], [0], [0], [1], [0, 0, 1, 1], [], []>, transpose_lhs_hint = false} : vector<256x1152xbf16>, vector<1152x2048xbf16>, vector<256x2048xf32> -> vector<256x2048xf32>
    %dot_general3A_35 = arith.constant dense<0.000000e+00> : vector<256x2048xf32>
    %dot_general3A_36 = tpu.matmul %convert_element_type3A_11, %get3A_32, %dot_general3A_35 {dimension_numbers = #tpu.dot_dimension_numbers<[1], [0], [0], [1], [0, 0, 1, 1], [], []>, transpose_lhs_hint = false} : vector<256x1152xbf16>, vector<1152x2048xbf16>, vector<256x2048xf32> -> vector<256x2048xf32>
    %add3A_37 = arith.addf %dot_general3A_34, %dot_general3A_36 : vector<256x2048xf32>
    %dot_general3A_38 = arith.constant dense<0.000000e+00> : vector<256x2048xf32>
    %dot_general3A_39 = tpu.matmul %convert_element_type3A_14, %get3A_29, %dot_general3A_38 {dimension_numbers = #tpu.dot_dimension_numbers<[1], [0], [0], [1], [0, 0, 1, 1], [], []>, transpose_lhs_hint = false} : vector<256x1152xbf16>, vector<1152x2048xbf16>, vector<256x2048xf32> -> vector<256x2048xf32>
    %add3A_40 = arith.addf %add3A_37, %dot_general3A_39 : vector<256x2048xf32>
    %sub3A_41 = arith.subf %add3A_26, %add3A_40 : vector<256x2048xf32>
    %swap3A = arith.constant 0 : index
    %swap3A_42 = arith.constant 0 : index
    %swap3A_43 = arith.constant 0 : index
    %swap3A_44 = vector.load %arg8[%swap3A, %swap3A_42, %swap3A_43] : memref<1x256x2048xf32, #tpu.memory_space<vmem>>, vector<1x256x2048xf32>
    %swap3A_45 = vector.shape_cast %swap3A_44 : vector<1x256x2048xf32> to vector<256x2048xf32>
    %swap3A_46 = vector.shape_cast %sub3A_41 : vector<256x2048xf32> to vector<1x256x2048xf32>
    tpu.vector_store %arg8[%swap3A, %swap3A_42, %swap3A_43], %swap3A_46 {strides = array<i32>} : memref<1x256x2048xf32, #tpu.memory_space<vmem>>, vector<1x256x2048xf32>,
    return
  }
  func.func @transform_0(%arg0: i32, %arg1: i32) -> (i32, i32, i32) {
    %c0_i32 = arith.constant 0 : i32
    %c0_i32_0 = arith.constant 0 : i32
    return %arg0, %arg1, %c0_i32 : i32, i32, i32
  }
  func.func @transform_1(%arg0: i32, %arg1: i32) -> (i32, i32, i32) {
    %c0_i32 = arith.constant 0 : i32
    %c0_i32_0 = arith.constant 0 : i32
    return %arg0, %arg1, %c0_i32 : i32, i32, i32
  }
  func.func @transform_2(%arg0: i32, %arg1: i32) -> (i32, i32) {
    %c0_i32 = arith.constant 0 : i32
    %c0_i32_0 = arith.constant 0 : i32
    %c0_i32_1 = arith.constant 0 : i32
    return %c0_i32, %c0_i32_0 : i32, i32
  }
  func.func @transform_3(%arg0: i32, %arg1: i32) -> (i32, i32) {
    %c0_i32 = arith.constant 0 : i32
    %c0_i32_0 = arith.constant 0 : i32
    %c0_i32_1 = arith.constant 0 : i32
    return %c0_i32, %c0_i32_0 : i32, i32
  }
  func.func @transform_4(%arg0: i32, %arg1: i32) -> (i32, i32) {
    %c0_i32 = arith.constant 0 : i32
    %c0_i32_0 = arith.constant 0 : i32
    %c0_i32_1 = arith.constant 0 : i32
    return %c0_i32, %c0_i32_0 : i32, i32
  }
  func.func @transform_5(%arg0: i32, %arg1: i32) -> (i32, i32) {
    %c0_i32 = arith.constant 0 : i32
    %c0_i32_0 = arith.constant 0 : i32
    %c0_i32_1 = arith.constant 0 : i32
    return %c0_i32, %c0_i32_0 : i32, i32
  }
  func.func @transform_6(%arg0: i32, %arg1: i32) -> (i32, i32, i32) {
    %c0_i32 = arith.constant 0 : i32
    %c0_i32_0 = arith.constant 0 : i32
    return %arg0, %arg1, %c0_i32 : i32, i32, i32
  }
}

module attributes {stable_mosaic.version = 14 : i64} {
  func.func @_topk_body(%arg0: i32, %arg1: i32, %arg2: memref<1x64x2048xf32, #tpu.memory_space<vmem>>, %arg3: memref<1x64x16xi32, #tpu.memory_space<vmem>>, %arg4: memref<1x64x16xf32, #tpu.memory_space<vmem>>) attributes {dimension_semantics = [#tpu.dimension_semantics<arbitrary>, #tpu.dimension_semantics<arbitrary>], iteration_bounds = array<i64: 1, 16>, scalar_prefetch = 0 : i64, scratch_operands = 0 : i64, tpu.core_type = #tpu.core_type<tc>, window_params = [{transform_indices = @transform_0, window_bounds = array<i64: 1, 64, 2048>}, {transform_indices = @transform_1, window_bounds = array<i64: 1, 64, 16>}, {transform_indices = @transform_2, window_bounds = array<i64: 1, 64, 16>}]} {
    %iota3A = tpu.iota {dimensions = array<i32: 1>} : vector<64x128xi32>
    %broadcast_in_dim3A = arith.constant 0xFF800000 : f32
    %broadcast_in_dim3A_0 = vector.broadcast %broadcast_in_dim3A : f32 to vector<64x128xf32>
    %broadcast_in_dim3A_1 = arith.constant 1073741824 : i32
    %broadcast_in_dim3A_2 = vector.broadcast %broadcast_in_dim3A_1 : i32 to vector<64x128xi32>
    %get3A = arith.constant 0 : index
    %get3A_3 = arith.constant 0 : index
    %get3A_4 = arith.constant 0 : index
    %get3A_5 = vector.load %arg2[%get3A, %get3A_3, %get3A_4] : memref<1x64x2048xf32, #tpu.memory_space<vmem>>, vector<1x64x128xf32>
    %get3A_6 = vector.shape_cast %get3A_5 : vector<1x64x128xf32> to vector<64x128xf32>
    %add3A = arith.constant 0 : i32
    %add3A_7 = vector.broadcast %add3A : i32 to vector<64x128xi32>
    %add3A_8 = arith.addi %iota3A, %add3A_7 : vector<64x128xi32>
    %gt3A = arith.cmpf ogt, %get3A_6, %broadcast_in_dim3A_0 : vector<64x128xf32>
    %select_n3A = arith.select %gt3A, %broadcast_in_dim3A_0, %get3A_6 : vector<64x128xi1>, vector<64x128xf32>
    %select_n3A_9 = arith.select %gt3A, %broadcast_in_dim3A_2, %add3A_8 : vector<64x128xi1>, vector<64x128xi32>
    %select_n3A_10 = arith.select %gt3A, %get3A_6, %broadcast_in_dim3A_0 : vector<64x128xi1>, vector<64x128xf32>
    %select_n3A_11 = arith.select %gt3A, %add3A_8, %broadcast_in_dim3A_2 : vector<64x128xi1>, vector<64x128xi32>
    %gt3A_12 = arith.cmpf ogt, %select_n3A, %broadcast_in_dim3A_0 : vector<64x128xf32>
    %select_n3A_13 = arith.select %gt3A_12, %broadcast_in_dim3A_0, %select_n3A : vector<64x128xi1>, vector<64x128xf32>
    %select_n3A_14 = arith.select %gt3A_12, %broadcast_in_dim3A_2, %select_n3A_9 : vector<64x128xi1>, vector<64x128xi32>
    %select_n3A_15 = arith.select %gt3A_12, %select_n3A, %broadcast_in_dim3A_0 : vector<64x128xi1>, vector<64x128xf32>
    %select_n3A_16 = arith.select %gt3A_12, %select_n3A_9, %broadcast_in_dim3A_2 : vector<64x128xi1>, vector<64x128xi32>
    %gt3A_17 = arith.cmpf ogt, %select_n3A_13, %broadcast_in_dim3A_0 : vector<64x128xf32>
    %select_n3A_18 = arith.select %gt3A_17, %broadcast_in_dim3A_0, %select_n3A_13 : vector<64x128xi1>, vector<64x128xf32>
    %select_n3A_19 = arith.select %gt3A_17, %broadcast_in_dim3A_2, %select_n3A_14 : vector<64x128xi1>, vector<64x128xi32>
    %select_n3A_20 = arith.select %gt3A_17, %select_n3A_13, %broadcast_in_dim3A_0 : vector<64x128xi1>, vector<64x128xf32>
    %select_n3A_21 = arith.select %gt3A_17, %select_n3A_14, %broadcast_in_dim3A_2 : vector<64x128xi1>, vector<64x128xi32>
    %gt3A_22 = arith.cmpf ogt, %select_n3A_18, %broadcast_in_dim3A_0 : vector<64x128xf32>
    %select_n3A_23 = arith.select %gt3A_22, %broadcast_in_dim3A_0, %select_n3A_18 : vector<64x128xi1>, vector<64x128xf32>
    %select_n3A_24 = arith.select %gt3A_22, %broadcast_in_dim3A_2, %select_n3A_19 : vector<64x128xi1>, vector<64x128xi32>
    %select_n3A_25 = arith.select %gt3A_22, %select_n3A_18, %broadcast_in_dim3A_0 : vector<64x128xi1>, vector<64x128xf32>
    %select_n3A_26 = arith.select %gt3A_22, %select_n3A_19, %broadcast_in_dim3A_2 : vector<64x128xi1>, vector<64x128xi32>
    %gt3A_27 = arith.cmpf ogt, %select_n3A_23, %broadcast_in_dim3A_0 : vector<64x128xf32>
    %select_n3A_28 = arith.select %gt3A_27, %broadcast_in_dim3A_0, %select_n3A_23 : vector<64x128xi1>, vector<64x128xf32>
    %select_n3A_29 = arith.select %gt3A_27, %broadcast_in_dim3A_2, %select_n3A_24 : vector<64x128xi1>, vector<64x128xi32>
    %select_n3A_30 = arith.select %gt3A_27, %select_n3A_23, %broadcast_in_dim3A_0 : vector<64x128xi1>, vector<64x128xf32>
    %select_n3A_31 = arith.select %gt3A_27, %select_n3A_24, %broadcast_in_dim3A_2 : vector<64x128xi1>, vector<64x128xi32>
    %gt3A_32 = arith.cmpf ogt, %select_n3A_28, %broadcast_in_dim3A_0 : vector<64x128xf32>
    %select_n3A_33 = arith.select %gt3A_32, %broadcast_in_dim3A_0, %select_n3A_28 : vector<64x128xi1>, vector<64x128xf32>
    %select_n3A_34 = arith.select %gt3A_32, %broadcast_in_dim3A_2, %select_n3A_29 : vector<64x128xi1>, vector<64x128xi32>
    %select_n3A_35 = arith.select %gt3A_32, %select_n3A_28, %broadcast_in_dim3A_0 : vector<64x128xi1>, vector<64x128xf32>
    %select_n3A_36 = arith.select %gt3A_32, %select_n3A_29, %broadcast_in_dim3A_2 : vector<64x128xi1>, vector<64x128xi32>
    %gt3A_37 = arith.cmpf ogt, %select_n3A_33, %broadcast_in_dim3A_0 : vector<64x128xf32>
    %select_n3A_38 = arith.select %gt3A_37, %broadcast_in_dim3A_0, %select_n3A_33 : vector<64x128xi1>, vector<64x128xf32>
    %select_n3A_39 = arith.select %gt3A_37, %broadcast_in_dim3A_2, %select_n3A_34 : vector<64x128xi1>, vector<64x128xi32>
    %select_n3A_40 = arith.select %gt3A_37, %select_n3A_33, %broadcast_in_dim3A_0 : vector<64x128xi1>, vector<64x128xf32>
    %select_n3A_41 = arith.select %gt3A_37, %select_n3A_34, %broadcast_in_dim3A_2 : vector<64x128xi1>, vector<64x128xi32>
    %gt3A_42 = arith.cmpf ogt, %select_n3A_38, %broadcast_in_dim3A_0 : vector<64x128xf32>
    %select_n3A_43 = arith.select %gt3A_42, %select_n3A_38, %broadcast_in_dim3A_0 : vector<64x128xi1>, vector<64x128xf32>
    %select_n3A_44 = arith.select %gt3A_42, %select_n3A_39, %broadcast_in_dim3A_2 : vector<64x128xi1>, vector<64x128xi32>
    %get3A_45 = arith.constant 0 : index
    %get3A_46 = arith.constant 0 : index
    %get3A_47 = arith.constant 128 : index
    %get3A_48 = vector.load %arg2[%get3A_45, %get3A_46, %get3A_47] : memref<1x64x2048xf32, #tpu.memory_space<vmem>>, vector<1x64x128xf32>
    %get3A_49 = vector.shape_cast %get3A_48 : vector<1x64x128xf32> to vector<64x128xf32>
    %add3A_50 = arith.constant 128 : i32
    %add3A_51 = vector.broadcast %add3A_50 : i32 to vector<64x128xi32>
    %add3A_52 = arith.addi %iota3A, %add3A_51 : vector<64x128xi32>
    %gt3A_53 = arith.cmpf ogt, %get3A_49, %select_n3A_10 : vector<64x128xf32>
    %select_n3A_54 = arith.select %gt3A_53, %select_n3A_10, %get3A_49 : vector<64x128xi1>, vector<64x128xf32>
    %select_n3A_55 = arith.select %gt3A_53, %select_n3A_11, %add3A_52 : vector<64x128xi1>, vector<64x128xi32>
    %select_n3A_56 = arith.select %gt3A_53, %get3A_49, %select_n3A_10 : vector<64x128xi1>, vector<64x128xf32>
    %select_n3A_57 = arith.select %gt3A_53, %add3A_52, %select_n3A_11 : vector<64x128xi1>, vector<64x128xi32>
    %gt3A_58 = arith.cmpf ogt, %select_n3A_54, %select_n3A_15 : vector<64x128xf32>
    %select_n3A_59 = arith.select %gt3A_58, %select_n3A_15, %select_n3A_54 : vector<64x128xi1>, vector<64x128xf32>
    %select_n3A_60 = arith.select %gt3A_58, %select_n3A_16, %select_n3A_55 : vector<64x128xi1>, vector<64x128xi32>
    %select_n3A_61 = arith.select %gt3A_58, %select_n3A_54, %select_n3A_15 : vector<64x128xi1>, vector<64x128xf32>
    %select_n3A_62 = arith.select %gt3A_58, %select_n3A_55, %select_n3A_16 : vector<64x128xi1>, vector<64x128xi32>
    %gt3A_63 = arith.cmpf ogt, %select_n3A_59, %select_n3A_20 : vector<64x128xf32>
    %select_n3A_64 = arith.select %gt3A_63, %select_n3A_20, %select_n3A_59 : vector<64x128xi1>, vector<64x128xf32>
    %select_n3A_65 = arith.select %gt3A_63, %select_n3A_21, %select_n3A_60 : vector<64x128xi1>, vector<64x128xi32>
    %select_n3A_66 = arith.select %gt3A_63, %select_n3A_59, %select_n3A_20 : vector<64x128xi1>, vector<64x128xf32>
    %select_n3A_67 = arith.select %gt3A_63, %select_n3A_60, %select_n3A_21 : vector<64x128xi1>, vector<64x128xi32>
    %gt3A_68 = arith.cmpf ogt, %select_n3A_64, %select_n3A_25 : vector<64x128xf32>
    %select_n3A_69 = arith.select %gt3A_68, %select_n3A_25, %select_n3A_64 : vector<64x128xi1>, vector<64x128xf32>
    %select_n3A_70 = arith.select %gt3A_68, %select_n3A_26, %select_n3A_65 : vector<64x128xi1>, vector<64x128xi32>
    %select_n3A_71 = arith.select %gt3A_68, %select_n3A_64, %select_n3A_25 : vector<64x128xi1>, vector<64x128xf32>
    %select_n3A_72 = arith.select %gt3A_68, %select_n3A_65, %select_n3A_26 : vector<64x128xi1>, vector<64x128xi32>
    %gt3A_73 = arith.cmpf ogt, %select_n3A_69, %select_n3A_30 : vector<64x128xf32>
    %select_n3A_74 = arith.select %gt3A_73, %select_n3A_30, %select_n3A_69 : vector<64x128xi1>, vector<64x128xf32>
    %select_n3A_75 = arith.select %gt3A_73, %select_n3A_31, %select_n3A_70 : vector<64x128xi1>, vector<64x128xi32>
    %select_n3A_76 = arith.select %gt3A_73, %select_n3A_69, %select_n3A_30 : vector<64x128xi1>, vector<64x128xf32>
    %select_n3A_77 = arith.select %gt3A_73, %select_n3A_70, %select_n3A_31 : vector<64x128xi1>, vector<64x128xi32>
    %gt3A_78 = arith.cmpf ogt, %select_n3A_74, %select_n3A_35 : vector<64x128xf32>
    %select_n3A_79 = arith.select %gt3A_78, %select_n3A_35, %select_n3A_74 : vector<64x128xi1>, vector<64x128xf32>
    %select_n3A_80 = arith.select %gt3A_78, %select_n3A_36, %select_n3A_75 : vector<64x128xi1>, vector<64x128xi32>
    %select_n3A_81 = arith.select %gt3A_78, %select_n3A_74, %select_n3A_35 : vector<64x128xi1>, vector<64x128xf32>
    %select_n3A_82 = arith.select %gt3A_78, %select_n3A_75, %select_n3A_36 : vector<64x128xi1>, vector<64x128xi32>
    %gt3A_83 = arith.cmpf ogt, %select_n3A_79, %select_n3A_40 : vector<64x128xf32>
    %select_n3A_84 = arith.select %gt3A_83, %select_n3A_40, %select_n3A_79 : vector<64x128xi1>, vector<64x128xf32>
    %select_n3A_85 = arith.select %gt3A_83, %select_n3A_41, %select_n3A_80 : vector<64x128xi1>, vector<64x128xi32>
    %select_n3A_86 = arith.select %gt3A_83, %select_n3A_79, %select_n3A_40 : vector<64x128xi1>, vector<64x128xf32>
    %select_n3A_87 = arith.select %gt3A_83, %select_n3A_80, %select_n3A_41 : vector<64x128xi1>, vector<64x128xi32>
    %gt3A_88 = arith.cmpf ogt, %select_n3A_84, %select_n3A_43 : vector<64x128xf32>
    %select_n3A_89 = arith.select %gt3A_88, %select_n3A_84, %select_n3A_43 : vector<64x128xi1>, vector<64x128xf32>
    %select_n3A_90 = arith.select %gt3A_88, %select_n3A_85, %select_n3A_44 : vector<64x128xi1>, vector<64x128xi32>
    %get3A_91 = arith.constant 0 : index
    %get3A_92 = arith.constant 0 : index
    %get3A_93 = arith.constant 256 : index
    %get3A_94 = vector.load %arg2[%get3A_91, %get3A_92, %get3A_93] : memref<1x64x2048xf32, #tpu.memory_space<vmem>>, vector<1x64x128xf32>
    %get3A_95 = vector.shape_cast %get3A_94 : vector<1x64x128xf32> to vector<64x128xf32>
    %add3A_96 = arith.constant 256 : i32
    %add3A_97 = vector.broadcast %add3A_96 : i32 to vector<64x128xi32>
    %add3A_98 = arith.addi %iota3A, %add3A_97 : vector<64x128xi32>
    %gt3A_99 = arith.cmpf ogt, %get3A_95, %select_n3A_56 : vector<64x128xf32>
    %select_n3A_100 = arith.select %gt3A_99, %select_n3A_56, %get3A_95 : vector<64x128xi1>, vector<64x128xf32>
    %select_n3A_101 = arith.select %gt3A_99, %select_n3A_57, %add3A_98 : vector<64x128xi1>, vector<64x128xi32>
    %select_n3A_102 = arith.select %gt3A_99, %get3A_95, %select_n3A_56 : vector<64x128xi1>, vector<64x128xf32>
    %select_n3A_103 = arith.select %gt3A_99, %add3A_98, %select_n3A_57 : vector<64x128xi1>, vector<64x128xi32>
    %gt3A_104 = arith.cmpf ogt, %select_n3A_100, %select_n3A_61 : vector<64x128xf32>
    %select_n3A_105 = arith.select %gt3A_104, %select_n3A_61, %select_n3A_100 : vector<64x128xi1>, vector<64x128xf32>
    %select_n3A_106 = arith.select %gt3A_104, %select_n3A_62, %select_n3A_101 : vector<64x128xi1>, vector<64x128xi32>
    %select_n3A_107 = arith.select %gt3A_104, %select_n3A_100, %select_n3A_61 : vector<64x128xi1>, vector<64x128xf32>
    %select_n3A_108 = arith.select %gt3A_104, %select_n3A_101, %select_n3A_62 : vector<64x128xi1>, vector<64x128xi32>
    %gt3A_109 = arith.cmpf ogt, %select_n3A_105, %select_n3A_66 : vector<64x128xf32>
    %select_n3A_110 = arith.select %gt3A_109, %select_n3A_66, %select_n3A_105 : vector<64x128xi1>, vector<64x128xf32>
    %select_n3A_111 = arith.select %gt3A_109, %select_n3A_67, %select_n3A_106 : vector<64x128xi1>, vector<64x128xi32>
    %select_n3A_112 = arith.select %gt3A_109, %select_n3A_105, %select_n3A_66 : vector<64x128xi1>, vector<64x128xf32>
    %select_n3A_113 = arith.select %gt3A_109, %select_n3A_106, %select_n3A_67 : vector<64x128xi1>, vector<64x128xi32>
    %gt3A_114 = arith.cmpf ogt, %select_n3A_110, %select_n3A_71 : vector<64x128xf32>
    %select_n3A_115 = arith.select %gt3A_114, %select_n3A_71, %select_n3A_110 : vector<64x128xi1>, vector<64x128xf32>
    %select_n3A_116 = arith.select %gt3A_114, %select_n3A_72, %select_n3A_111 : vector<64x128xi1>, vector<64x128xi32>
    %select_n3A_117 = arith.select %gt3A_114, %select_n3A_110, %select_n3A_71 : vector<64x128xi1>, vector<64x128xf32>
    %select_n3A_118 = arith.select %gt3A_114, %select_n3A_111, %select_n3A_72 : vector<64x128xi1>, vector<64x128xi32>
    %gt3A_119 = arith.cmpf ogt, %select_n3A_115, %select_n3A_76 : vector<64x128xf32>
    %select_n3A_120 = arith.select %gt3A_119, %select_n3A_76, %select_n3A_115 : vector<64x128xi1>, vector<64x128xf32>
    %select_n3A_121 = arith.select %gt3A_119, %select_n3A_77, %select_n3A_116 : vector<64x128xi1>, vector<64x128xi32>
    %select_n3A_122 = arith.select %gt3A_119, %select_n3A_115, %select_n3A_76 : vector<64x128xi1>, vector<64x128xf32>
    %select_n3A_123 = arith.select %gt3A_119, %select_n3A_116, %select_n3A_77 : vector<64x128xi1>, vector<64x128xi32>
    %gt3A_124 = arith.cmpf ogt, %select_n3A_120, %select_n3A_81 : vector<64x128xf32>
    %select_n3A_125 = arith.select %gt3A_124, %select_n3A_81, %select_n3A_120 : vector<64x128xi1>, vector<64x128xf32>
    %select_n3A_126 = arith.select %gt3A_124, %select_n3A_82, %select_n3A_121 : vector<64x128xi1>, vector<64x128xi32>
    %select_n3A_127 = arith.select %gt3A_124, %select_n3A_120, %select_n3A_81 : vector<64x128xi1>, vector<64x128xf32>
    %select_n3A_128 = arith.select %gt3A_124, %select_n3A_121, %select_n3A_82 : vector<64x128xi1>, vector<64x128xi32>
    %gt3A_129 = arith.cmpf ogt, %select_n3A_125, %select_n3A_86 : vector<64x128xf32>
    %select_n3A_130 = arith.select %gt3A_129, %select_n3A_86, %select_n3A_125 : vector<64x128xi1>, vector<64x128xf32>
    %select_n3A_131 = arith.select %gt3A_129, %select_n3A_87, %select_n3A_126 : vector<64x128xi1>, vector<64x128xi32>
    %select_n3A_132 = arith.select %gt3A_129, %select_n3A_125, %select_n3A_86 : vector<64x128xi1>, vector<64x128xf32>
    %select_n3A_133 = arith.select %gt3A_129, %select_n3A_126, %select_n3A_87 : vector<64x128xi1>, vector<64x128xi32>
    %gt3A_134 = arith.cmpf ogt, %select_n3A_130, %select_n3A_89 : vector<64x128xf32>
    %select_n3A_135 = arith.select %gt3A_134, %select_n3A_130, %select_n3A_89 : vector<64x128xi1>, vector<64x128xf32>
    %select_n3A_136 = arith.select %gt3A_134, %select_n3A_131, %select_n3A_90 : vector<64x128xi1>, vector<64x128xi32>
    %get3A_137 = arith.constant 0 : index
    %get3A_138 = arith.constant 0 : index
    %get3A_139 = arith.constant 384 : index
    %get3A_140 = vector.load %arg2[%get3A_137, %get3A_138, %get3A_139] : memref<1x64x2048xf32, #tpu.memory_space<vmem>>, vector<1x64x128xf32>
    %get3A_141 = vector.shape_cast %get3A_140 : vector<1x64x128xf32> to vector<64x128xf32>
    %add3A_142 = arith.constant 384 : i32
    %add3A_143 = vector.broadcast %add3A_142 : i32 to vector<64x128xi32>
    %add3A_144 = arith.addi %iota3A, %add3A_143 : vector<64x128xi32>
    %gt3A_145 = arith.cmpf ogt, %get3A_141, %select_n3A_102 : vector<64x128xf32>
    %select_n3A_146 = arith.select %gt3A_145, %select_n3A_102, %get3A_141 : vector<64x128xi1>, vector<64x128xf32>
    %select_n3A_147 = arith.select %gt3A_145, %select_n3A_103, %add3A_144 : vector<64x128xi1>, vector<64x128xi32>
    %select_n3A_148 = arith.select %gt3A_145, %get3A_141, %select_n3A_102 : vector<64x128xi1>, vector<64x128xf32>
    %select_n3A_149 = arith.select %gt3A_145, %add3A_144, %select_n3A_103 : vector<64x128xi1>, vector<64x128xi32>
    %gt3A_150 = arith.cmpf ogt, %select_n3A_146, %select_n3A_107 : vector<64x128xf32>
    %select_n3A_151 = arith.select %gt3A_150, %select_n3A_107, %select_n3A_146 : vector<64x128xi1>, vector<64x128xf32>
    %select_n3A_152 = arith.select %gt3A_150, %select_n3A_108, %select_n3A_147 : vector<64x128xi1>, vector<64x128xi32>
    %select_n3A_153 = arith.select %gt3A_150, %select_n3A_146, %select_n3A_107 : vector<64x128xi1>, vector<64x128xf32>
    %select_n3A_154 = arith.select %gt3A_150, %select_n3A_147, %select_n3A_108 : vector<64x128xi1>, vector<64x128xi32>
    %gt3A_155 = arith.cmpf ogt, %select_n3A_151, %select_n3A_112 : vector<64x128xf32>
    %select_n3A_156 = arith.select %gt3A_155, %select_n3A_112, %select_n3A_151 : vector<64x128xi1>, vector<64x128xf32>
    %select_n3A_157 = arith.select %gt3A_155, %select_n3A_113, %select_n3A_152 : vector<64x128xi1>, vector<64x128xi32>
    %select_n3A_158 = arith.select %gt3A_155, %select_n3A_151, %select_n3A_112 : vector<64x128xi1>, vector<64x128xf32>
    %select_n3A_159 = arith.select %gt3A_155, %select_n3A_152, %select_n3A_113 : vector<64x128xi1>, vector<64x128xi32>
    %gt3A_160 = arith.cmpf ogt, %select_n3A_156, %select_n3A_117 : vector<64x128xf32>
    %select_n3A_161 = arith.select %gt3A_160, %select_n3A_117, %select_n3A_156 : vector<64x128xi1>, vector<64x128xf32>
    %select_n3A_162 = arith.select %gt3A_160, %select_n3A_118, %select_n3A_157 : vector<64x128xi1>, vector<64x128xi32>
    %select_n3A_163 = arith.select %gt3A_160, %select_n3A_156, %select_n3A_117 : vector<64x128xi1>, vector<64x128xf32>
    %select_n3A_164 = arith.select %gt3A_160, %select_n3A_157, %select_n3A_118 : vector<64x128xi1>, vector<64x128xi32>
    %gt3A_165 = arith.cmpf ogt, %select_n3A_161, %select_n3A_122 : vector<64x128xf32>
    %select_n3A_166 = arith.select %gt3A_165, %select_n3A_122, %select_n3A_161 : vector<64x128xi1>, vector<64x128xf32>
    %select_n3A_167 = arith.select %gt3A_165, %select_n3A_123, %select_n3A_162 : vector<64x128xi1>, vector<64x128xi32>
    %select_n3A_168 = arith.select %gt3A_165, %select_n3A_161, %select_n3A_122 : vector<64x128xi1>, vector<64x128xf32>
    %select_n3A_169 = arith.select %gt3A_165, %select_n3A_162, %select_n3A_123 : vector<64x128xi1>, vector<64x128xi32>
    %gt3A_170 = arith.cmpf ogt, %select_n3A_166, %select_n3A_127 : vector<64x128xf32>
    %select_n3A_171 = arith.select %gt3A_170, %select_n3A_127, %select_n3A_166 : vector<64x128xi1>, vector<64x128xf32>
    %select_n3A_172 = arith.select %gt3A_170, %select_n3A_128, %select_n3A_167 : vector<64x128xi1>, vector<64x128xi32>
    %select_n3A_173 = arith.select %gt3A_170, %select_n3A_166, %select_n3A_127 : vector<64x128xi1>, vector<64x128xf32>
    %select_n3A_174 = arith.select %gt3A_170, %select_n3A_167, %select_n3A_128 : vector<64x128xi1>, vector<64x128xi32>
    %gt3A_175 = arith.cmpf ogt, %select_n3A_171, %select_n3A_132 : vector<64x128xf32>
    %select_n3A_176 = arith.select %gt3A_175, %select_n3A_132, %select_n3A_171 : vector<64x128xi1>, vector<64x128xf32>
    %select_n3A_177 = arith.select %gt3A_175, %select_n3A_133, %select_n3A_172 : vector<64x128xi1>, vector<64x128xi32>
    %select_n3A_178 = arith.select %gt3A_175, %select_n3A_171, %select_n3A_132 : vector<64x128xi1>, vector<64x128xf32>
    %select_n3A_179 = arith.select %gt3A_175, %select_n3A_172, %select_n3A_133 : vector<64x128xi1>, vector<64x128xi32>
    %gt3A_180 = arith.cmpf ogt, %select_n3A_176, %select_n3A_135 : vector<64x128xf32>
    %select_n3A_181 = arith.select %gt3A_180, %select_n3A_176, %select_n3A_135 : vector<64x128xi1>, vector<64x128xf32>
    %select_n3A_182 = arith.select %gt3A_180, %select_n3A_177, %select_n3A_136 : vector<64x128xi1>, vector<64x128xi32>
    %get3A_183 = arith.constant 0 : index
    %get3A_184 = arith.constant 0 : index
    %get3A_185 = arith.constant 512 : index
    %get3A_186 = vector.load %arg2[%get3A_183, %get3A_184, %get3A_185] : memref<1x64x2048xf32, #tpu.memory_space<vmem>>, vector<1x64x128xf32>
    %get3A_187 = vector.shape_cast %get3A_186 : vector<1x64x128xf32> to vector<64x128xf32>
    %add3A_188 = arith.constant 512 : i32
    %add3A_189 = vector.broadcast %add3A_188 : i32 to vector<64x128xi32>
    %add3A_190 = arith.addi %iota3A, %add3A_189 : vector<64x128xi32>
    %gt3A_191 = arith.cmpf ogt, %get3A_187, %select_n3A_148 : vector<64x128xf32>
    %select_n3A_192 = arith.select %gt3A_191, %select_n3A_148, %get3A_187 : vector<64x128xi1>, vector<64x128xf32>
    %select_n3A_193 = arith.select %gt3A_191, %select_n3A_149, %add3A_190 : vector<64x128xi1>, vector<64x128xi32>
    %select_n3A_194 = arith.select %gt3A_191, %get3A_187, %select_n3A_148 : vector<64x128xi1>, vector<64x128xf32>
    %select_n3A_195 = arith.select %gt3A_191, %add3A_190, %select_n3A_149 : vector<64x128xi1>, vector<64x128xi32>
    %gt3A_196 = arith.cmpf ogt, %select_n3A_192, %select_n3A_153 : vector<64x128xf32>
    %select_n3A_197 = arith.select %gt3A_196, %select_n3A_153, %select_n3A_192 : vector<64x128xi1>, vector<64x128xf32>
    %select_n3A_198 = arith.select %gt3A_196, %select_n3A_154, %select_n3A_193 : vector<64x128xi1>, vector<64x128xi32>
    %select_n3A_199 = arith.select %gt3A_196, %select_n3A_192, %select_n3A_153 : vector<64x128xi1>, vector<64x128xf32>
    %select_n3A_200 = arith.select %gt3A_196, %select_n3A_193, %select_n3A_154 : vector<64x128xi1>, vector<64x128xi32>
    %gt3A_201 = arith.cmpf ogt, %select_n3A_197, %select_n3A_158 : vector<64x128xf32>
    %select_n3A_202 = arith.select %gt3A_201, %select_n3A_158, %select_n3A_197 : vector<64x128xi1>, vector<64x128xf32>
    %select_n3A_203 = arith.select %gt3A_201, %select_n3A_159, %select_n3A_198 : vector<64x128xi1>, vector<64x128xi32>
    %select_n3A_204 = arith.select %gt3A_201, %select_n3A_197, %select_n3A_158 : vector<64x128xi1>, vector<64x128xf32>
    %select_n3A_205 = arith.select %gt3A_201, %select_n3A_198, %select_n3A_159 : vector<64x128xi1>, vector<64x128xi32>
    %gt3A_206 = arith.cmpf ogt, %select_n3A_202, %select_n3A_163 : vector<64x128xf32>
    %select_n3A_207 = arith.select %gt3A_206, %select_n3A_163, %select_n3A_202 : vector<64x128xi1>, vector<64x128xf32>
    %select_n3A_208 = arith.select %gt3A_206, %select_n3A_164, %select_n3A_203 : vector<64x128xi1>, vector<64x128xi32>
    %select_n3A_209 = arith.select %gt3A_206, %select_n3A_202, %select_n3A_163 : vector<64x128xi1>, vector<64x128xf32>
    %select_n3A_210 = arith.select %gt3A_206, %select_n3A_203, %select_n3A_164 : vector<64x128xi1>, vector<64x128xi32>
    %gt3A_211 = arith.cmpf ogt, %select_n3A_207, %select_n3A_168 : vector<64x128xf32>
    %select_n3A_212 = arith.select %gt3A_211, %select_n3A_168, %select_n3A_207 : vector<64x128xi1>, vector<64x128xf32>
    %select_n3A_213 = arith.select %gt3A_211, %select_n3A_169, %select_n3A_208 : vector<64x128xi1>, vector<64x128xi32>
    %select_n3A_214 = arith.select %gt3A_211, %select_n3A_207, %select_n3A_168 : vector<64x128xi1>, vector<64x128xf32>
    %select_n3A_215 = arith.select %gt3A_211, %select_n3A_208, %select_n3A_169 : vector<64x128xi1>, vector<64x128xi32>
    %gt3A_216 = arith.cmpf ogt, %select_n3A_212, %select_n3A_173 : vector<64x128xf32>
    %select_n3A_217 = arith.select %gt3A_216, %select_n3A_173, %select_n3A_212 : vector<64x128xi1>, vector<64x128xf32>
    %select_n3A_218 = arith.select %gt3A_216, %select_n3A_174, %select_n3A_213 : vector<64x128xi1>, vector<64x128xi32>
    %select_n3A_219 = arith.select %gt3A_216, %select_n3A_212, %select_n3A_173 : vector<64x128xi1>, vector<64x128xf32>
    %select_n3A_220 = arith.select %gt3A_216, %select_n3A_213, %select_n3A_174 : vector<64x128xi1>, vector<64x128xi32>
    %gt3A_221 = arith.cmpf ogt, %select_n3A_217, %select_n3A_178 : vector<64x128xf32>
    %select_n3A_222 = arith.select %gt3A_221, %select_n3A_178, %select_n3A_217 : vector<64x128xi1>, vector<64x128xf32>
    %select_n3A_223 = arith.select %gt3A_221, %select_n3A_179, %select_n3A_218 : vector<64x128xi1>, vector<64x128xi32>
    %select_n3A_224 = arith.select %gt3A_221, %select_n3A_217, %select_n3A_178 : vector<64x128xi1>, vector<64x128xf32>
    %select_n3A_225 = arith.select %gt3A_221, %select_n3A_218, %select_n3A_179 : vector<64x128xi1>, vector<64x128xi32>
    %gt3A_226 = arith.cmpf ogt, %select_n3A_222, %select_n3A_181 : vector<64x128xf32>
    %select_n3A_227 = arith.select %gt3A_226, %select_n3A_222, %select_n3A_181 : vector<64x128xi1>, vector<64x128xf32>
    %select_n3A_228 = arith.select %gt3A_226, %select_n3A_223, %select_n3A_182 : vector<64x128xi1>, vector<64x128xi32>
    %get3A_229 = arith.constant 0 : index
    %get3A_230 = arith.constant 0 : index
    %get3A_231 = arith.constant 640 : index
    %get3A_232 = vector.load %arg2[%get3A_229, %get3A_230, %get3A_231] : memref<1x64x2048xf32, #tpu.memory_space<vmem>>, vector<1x64x128xf32>
    %get3A_233 = vector.shape_cast %get3A_232 : vector<1x64x128xf32> to vector<64x128xf32>
    %add3A_234 = arith.constant 640 : i32
    %add3A_235 = vector.broadcast %add3A_234 : i32 to vector<64x128xi32>
    %add3A_236 = arith.addi %iota3A, %add3A_235 : vector<64x128xi32>
    %gt3A_237 = arith.cmpf ogt, %get3A_233, %select_n3A_194 : vector<64x128xf32>
    %select_n3A_238 = arith.select %gt3A_237, %select_n3A_194, %get3A_233 : vector<64x128xi1>, vector<64x128xf32>
    %select_n3A_239 = arith.select %gt3A_237, %select_n3A_195, %add3A_236 : vector<64x128xi1>, vector<64x128xi32>
    %select_n3A_240 = arith.select %gt3A_237, %get3A_233, %select_n3A_194 : vector<64x128xi1>, vector<64x128xf32>
    %select_n3A_241 = arith.select %gt3A_237, %add3A_236, %select_n3A_195 : vector<64x128xi1>, vector<64x128xi32>
    %gt3A_242 = arith.cmpf ogt, %select_n3A_238, %select_n3A_199 : vector<64x128xf32>
    %select_n3A_243 = arith.select %gt3A_242, %select_n3A_199, %select_n3A_238 : vector<64x128xi1>, vector<64x128xf32>
    %select_n3A_244 = arith.select %gt3A_242, %select_n3A_200, %select_n3A_239 : vector<64x128xi1>, vector<64x128xi32>
    %select_n3A_245 = arith.select %gt3A_242, %select_n3A_238, %select_n3A_199 : vector<64x128xi1>, vector<64x128xf32>
    %select_n3A_246 = arith.select %gt3A_242, %select_n3A_239, %select_n3A_200 : vector<64x128xi1>, vector<64x128xi32>
    %gt3A_247 = arith.cmpf ogt, %select_n3A_243, %select_n3A_204 : vector<64x128xf32>
    %select_n3A_248 = arith.select %gt3A_247, %select_n3A_204, %select_n3A_243 : vector<64x128xi1>, vector<64x128xf32>
    %select_n3A_249 = arith.select %gt3A_247, %select_n3A_205, %select_n3A_244 : vector<64x128xi1>, vector<64x128xi32>
    %select_n3A_250 = arith.select %gt3A_247, %select_n3A_243, %select_n3A_204 : vector<64x128xi1>, vector<64x128xf32>
    %select_n3A_251 = arith.select %gt3A_247, %select_n3A_244, %select_n3A_205 : vector<64x128xi1>, vector<64x128xi32>
    %gt3A_252 = arith.cmpf ogt, %select_n3A_248, %select_n3A_209 : vector<64x128xf32>
    %select_n3A_253 = arith.select %gt3A_252, %select_n3A_209, %select_n3A_248 : vector<64x128xi1>, vector<64x128xf32>
    %select_n3A_254 = arith.select %gt3A_252, %select_n3A_210, %select_n3A_249 : vector<64x128xi1>, vector<64x128xi32>
    %select_n3A_255 = arith.select %gt3A_252, %select_n3A_248, %select_n3A_209 : vector<64x128xi1>, vector<64x128xf32>
    %select_n3A_256 = arith.select %gt3A_252, %select_n3A_249, %select_n3A_210 : vector<64x128xi1>, vector<64x128xi32>
    %gt3A_257 = arith.cmpf ogt, %select_n3A_253, %select_n3A_214 : vector<64x128xf32>
    %select_n3A_258 = arith.select %gt3A_257, %select_n3A_214, %select_n3A_253 : vector<64x128xi1>, vector<64x128xf32>
    %select_n3A_259 = arith.select %gt3A_257, %select_n3A_215, %select_n3A_254 : vector<64x128xi1>, vector<64x128xi32>
    %select_n3A_260 = arith.select %gt3A_257, %select_n3A_253, %select_n3A_214 : vector<64x128xi1>, vector<64x128xf32>
    %select_n3A_261 = arith.select %gt3A_257, %select_n3A_254, %select_n3A_215 : vector<64x128xi1>, vector<64x128xi32>
    %gt3A_262 = arith.cmpf ogt, %select_n3A_258, %select_n3A_219 : vector<64x128xf32>
    %select_n3A_263 = arith.select %gt3A_262, %select_n3A_219, %select_n3A_258 : vector<64x128xi1>, vector<64x128xf32>
    %select_n3A_264 = arith.select %gt3A_262, %select_n3A_220, %select_n3A_259 : vector<64x128xi1>, vector<64x128xi32>
    %select_n3A_265 = arith.select %gt3A_262, %select_n3A_258, %select_n3A_219 : vector<64x128xi1>, vector<64x128xf32>
    %select_n3A_266 = arith.select %gt3A_262, %select_n3A_259, %select_n3A_220 : vector<64x128xi1>, vector<64x128xi32>
    %gt3A_267 = arith.cmpf ogt, %select_n3A_263, %select_n3A_224 : vector<64x128xf32>
    %select_n3A_268 = arith.select %gt3A_267, %select_n3A_224, %select_n3A_263 : vector<64x128xi1>, vector<64x128xf32>
    %select_n3A_269 = arith.select %gt3A_267, %select_n3A_225, %select_n3A_264 : vector<64x128xi1>, vector<64x128xi32>
    %select_n3A_270 = arith.select %gt3A_267, %select_n3A_263, %select_n3A_224 : vector<64x128xi1>, vector<64x128xf32>
    %select_n3A_271 = arith.select %gt3A_267, %select_n3A_264, %select_n3A_225 : vector<64x128xi1>, vector<64x128xi32>
    %gt3A_272 = arith.cmpf ogt, %select_n3A_268, %select_n3A_227 : vector<64x128xf32>
    %select_n3A_273 = arith.select %gt3A_272, %select_n3A_268, %select_n3A_227 : vector<64x128xi1>, vector<64x128xf32>
    %select_n3A_274 = arith.select %gt3A_272, %select_n3A_269, %select_n3A_228 : vector<64x128xi1>, vector<64x128xi32>
    %get3A_275 = arith.constant 0 : index
    %get3A_276 = arith.constant 0 : index
    %get3A_277 = arith.constant 768 : index
    %get3A_278 = vector.load %arg2[%get3A_275, %get3A_276, %get3A_277] : memref<1x64x2048xf32, #tpu.memory_space<vmem>>, vector<1x64x128xf32>
    %get3A_279 = vector.shape_cast %get3A_278 : vector<1x64x128xf32> to vector<64x128xf32>
    %add3A_280 = arith.constant 768 : i32
    %add3A_281 = vector.broadcast %add3A_280 : i32 to vector<64x128xi32>
    %add3A_282 = arith.addi %iota3A, %add3A_281 : vector<64x128xi32>
    %gt3A_283 = arith.cmpf ogt, %get3A_279, %select_n3A_240 : vector<64x128xf32>
    %select_n3A_284 = arith.select %gt3A_283, %select_n3A_240, %get3A_279 : vector<64x128xi1>, vector<64x128xf32>
    %select_n3A_285 = arith.select %gt3A_283, %select_n3A_241, %add3A_282 : vector<64x128xi1>, vector<64x128xi32>
    %select_n3A_286 = arith.select %gt3A_283, %get3A_279, %select_n3A_240 : vector<64x128xi1>, vector<64x128xf32>
    %select_n3A_287 = arith.select %gt3A_283, %add3A_282, %select_n3A_241 : vector<64x128xi1>, vector<64x128xi32>
    %gt3A_288 = arith.cmpf ogt, %select_n3A_284, %select_n3A_245 : vector<64x128xf32>
    %select_n3A_289 = arith.select %gt3A_288, %select_n3A_245, %select_n3A_284 : vector<64x128xi1>, vector<64x128xf32>
    %select_n3A_290 = arith.select %gt3A_288, %select_n3A_246, %select_n3A_285 : vector<64x128xi1>, vector<64x128xi32>
    %select_n3A_291 = arith.select %gt3A_288, %select_n3A_284, %select_n3A_245 : vector<64x128xi1>, vector<64x128xf32>
    %select_n3A_292 = arith.select %gt3A_288, %select_n3A_285, %select_n3A_246 : vector<64x128xi1>, vector<64x128xi32>
    %gt3A_293 = arith.cmpf ogt, %select_n3A_289, %select_n3A_250 : vector<64x128xf32>
    %select_n3A_294 = arith.select %gt3A_293, %select_n3A_250, %select_n3A_289 : vector<64x128xi1>, vector<64x128xf32>
    %select_n3A_295 = arith.select %gt3A_293, %select_n3A_251, %select_n3A_290 : vector<64x128xi1>, vector<64x128xi32>
    %select_n3A_296 = arith.select %gt3A_293, %select_n3A_289, %select_n3A_250 : vector<64x128xi1>, vector<64x128xf32>
    %select_n3A_297 = arith.select %gt3A_293, %select_n3A_290, %select_n3A_251 : vector<64x128xi1>, vector<64x128xi32>
    %gt3A_298 = arith.cmpf ogt, %select_n3A_294, %select_n3A_255 : vector<64x128xf32>
    %select_n3A_299 = arith.select %gt3A_298, %select_n3A_255, %select_n3A_294 : vector<64x128xi1>, vector<64x128xf32>
    %select_n3A_300 = arith.select %gt3A_298, %select_n3A_256, %select_n3A_295 : vector<64x128xi1>, vector<64x128xi32>
    %select_n3A_301 = arith.select %gt3A_298, %select_n3A_294, %select_n3A_255 : vector<64x128xi1>, vector<64x128xf32>
    %select_n3A_302 = arith.select %gt3A_298, %select_n3A_295, %select_n3A_256 : vector<64x128xi1>, vector<64x128xi32>
    %gt3A_303 = arith.cmpf ogt, %select_n3A_299, %select_n3A_260 : vector<64x128xf32>
    %select_n3A_304 = arith.select %gt3A_303, %select_n3A_260, %select_n3A_299 : vector<64x128xi1>, vector<64x128xf32>
    %select_n3A_305 = arith.select %gt3A_303, %select_n3A_261, %select_n3A_300 : vector<64x128xi1>, vector<64x128xi32>
    %select_n3A_306 = arith.select %gt3A_303, %select_n3A_299, %select_n3A_260 : vector<64x128xi1>, vector<64x128xf32>
    %select_n3A_307 = arith.select %gt3A_303, %select_n3A_300, %select_n3A_261 : vector<64x128xi1>, vector<64x128xi32>
    %gt3A_308 = arith.cmpf ogt, %select_n3A_304, %select_n3A_265 : vector<64x128xf32>
    %select_n3A_309 = arith.select %gt3A_308, %select_n3A_265, %select_n3A_304 : vector<64x128xi1>, vector<64x128xf32>
    %select_n3A_310 = arith.select %gt3A_308, %select_n3A_266, %select_n3A_305 : vector<64x128xi1>, vector<64x128xi32>
    %select_n3A_311 = arith.select %gt3A_308, %select_n3A_304, %select_n3A_265 : vector<64x128xi1>, vector<64x128xf32>
    %select_n3A_312 = arith.select %gt3A_308, %select_n3A_305, %select_n3A_266 : vector<64x128xi1>, vector<64x128xi32>
    %gt3A_313 = arith.cmpf ogt, %select_n3A_309, %select_n3A_270 : vector<64x128xf32>
    %select_n3A_314 = arith.select %gt3A_313, %select_n3A_270, %select_n3A_309 : vector<64x128xi1>, vector<64x128xf32>
    %select_n3A_315 = arith.select %gt3A_313, %select_n3A_271, %select_n3A_310 : vector<64x128xi1>, vector<64x128xi32>
    %select_n3A_316 = arith.select %gt3A_313, %select_n3A_309, %select_n3A_270 : vector<64x128xi1>, vector<64x128xf32>
    %select_n3A_317 = arith.select %gt3A_313, %select_n3A_310, %select_n3A_271 : vector<64x128xi1>, vector<64x128xi32>
    %gt3A_318 = arith.cmpf ogt, %select_n3A_314, %select_n3A_273 : vector<64x128xf32>
    %select_n3A_319 = arith.select %gt3A_318, %select_n3A_314, %select_n3A_273 : vector<64x128xi1>, vector<64x128xf32>
    %select_n3A_320 = arith.select %gt3A_318, %select_n3A_315, %select_n3A_274 : vector<64x128xi1>, vector<64x128xi32>
    %get3A_321 = arith.constant 0 : index
    %get3A_322 = arith.constant 0 : index
    %get3A_323 = arith.constant 896 : index
    %get3A_324 = vector.load %arg2[%get3A_321, %get3A_322, %get3A_323] : memref<1x64x2048xf32, #tpu.memory_space<vmem>>, vector<1x64x128xf32>
    %get3A_325 = vector.shape_cast %get3A_324 : vector<1x64x128xf32> to vector<64x128xf32>
    %add3A_326 = arith.constant 896 : i32
    %add3A_327 = vector.broadcast %add3A_326 : i32 to vector<64x128xi32>
    %add3A_328 = arith.addi %iota3A, %add3A_327 : vector<64x128xi32>
    %gt3A_329 = arith.cmpf ogt, %get3A_325, %select_n3A_286 : vector<64x128xf32>
    %select_n3A_330 = arith.select %gt3A_329, %select_n3A_286, %get3A_325 : vector<64x128xi1>, vector<64x128xf32>
    %select_n3A_331 = arith.select %gt3A_329, %select_n3A_287, %add3A_328 : vector<64x128xi1>, vector<64x128xi32>
    %select_n3A_332 = arith.select %gt3A_329, %get3A_325, %select_n3A_286 : vector<64x128xi1>, vector<64x128xf32>
    %select_n3A_333 = arith.select %gt3A_329, %add3A_328, %select_n3A_287 : vector<64x128xi1>, vector<64x128xi32>
    %gt3A_334 = arith.cmpf ogt, %select_n3A_330, %select_n3A_291 : vector<64x128xf32>
    %select_n3A_335 = arith.select %gt3A_334, %select_n3A_291, %select_n3A_330 : vector<64x128xi1>, vector<64x128xf32>
    %select_n3A_336 = arith.select %gt3A_334, %select_n3A_292, %select_n3A_331 : vector<64x128xi1>, vector<64x128xi32>
    %select_n3A_337 = arith.select %gt3A_334, %select_n3A_330, %select_n3A_291 : vector<64x128xi1>, vector<64x128xf32>
    %select_n3A_338 = arith.select %gt3A_334, %select_n3A_331, %select_n3A_292 : vector<64x128xi1>, vector<64x128xi32>
    %gt3A_339 = arith.cmpf ogt, %select_n3A_335, %select_n3A_296 : vector<64x128xf32>
    %select_n3A_340 = arith.select %gt3A_339, %select_n3A_296, %select_n3A_335 : vector<64x128xi1>, vector<64x128xf32>
    %select_n3A_341 = arith.select %gt3A_339, %select_n3A_297, %select_n3A_336 : vector<64x128xi1>, vector<64x128xi32>
    %select_n3A_342 = arith.select %gt3A_339, %select_n3A_335, %select_n3A_296 : vector<64x128xi1>, vector<64x128xf32>
    %select_n3A_343 = arith.select %gt3A_339, %select_n3A_336, %select_n3A_297 : vector<64x128xi1>, vector<64x128xi32>
    %gt3A_344 = arith.cmpf ogt, %select_n3A_340, %select_n3A_301 : vector<64x128xf32>
    %select_n3A_345 = arith.select %gt3A_344, %select_n3A_301, %select_n3A_340 : vector<64x128xi1>, vector<64x128xf32>
    %select_n3A_346 = arith.select %gt3A_344, %select_n3A_302, %select_n3A_341 : vector<64x128xi1>, vector<64x128xi32>
    %select_n3A_347 = arith.select %gt3A_344, %select_n3A_340, %select_n3A_301 : vector<64x128xi1>, vector<64x128xf32>
    %select_n3A_348 = arith.select %gt3A_344, %select_n3A_341, %select_n3A_302 : vector<64x128xi1>, vector<64x128xi32>
    %gt3A_349 = arith.cmpf ogt, %select_n3A_345, %select_n3A_306 : vector<64x128xf32>
    %select_n3A_350 = arith.select %gt3A_349, %select_n3A_306, %select_n3A_345 : vector<64x128xi1>, vector<64x128xf32>
    %select_n3A_351 = arith.select %gt3A_349, %select_n3A_307, %select_n3A_346 : vector<64x128xi1>, vector<64x128xi32>
    %select_n3A_352 = arith.select %gt3A_349, %select_n3A_345, %select_n3A_306 : vector<64x128xi1>, vector<64x128xf32>
    %select_n3A_353 = arith.select %gt3A_349, %select_n3A_346, %select_n3A_307 : vector<64x128xi1>, vector<64x128xi32>
    %gt3A_354 = arith.cmpf ogt, %select_n3A_350, %select_n3A_311 : vector<64x128xf32>
    %select_n3A_355 = arith.select %gt3A_354, %select_n3A_311, %select_n3A_350 : vector<64x128xi1>, vector<64x128xf32>
    %select_n3A_356 = arith.select %gt3A_354, %select_n3A_312, %select_n3A_351 : vector<64x128xi1>, vector<64x128xi32>
    %select_n3A_357 = arith.select %gt3A_354, %select_n3A_350, %select_n3A_311 : vector<64x128xi1>, vector<64x128xf32>
    %select_n3A_358 = arith.select %gt3A_354, %select_n3A_351, %select_n3A_312 : vector<64x128xi1>, vector<64x128xi32>
    %gt3A_359 = arith.cmpf ogt, %select_n3A_355, %select_n3A_316 : vector<64x128xf32>
    %select_n3A_360 = arith.select %gt3A_359, %select_n3A_316, %select_n3A_355 : vector<64x128xi1>, vector<64x128xf32>
    %select_n3A_361 = arith.select %gt3A_359, %select_n3A_317, %select_n3A_356 : vector<64x128xi1>, vector<64x128xi32>
    %select_n3A_362 = arith.select %gt3A_359, %select_n3A_355, %select_n3A_316 : vector<64x128xi1>, vector<64x128xf32>
    %select_n3A_363 = arith.select %gt3A_359, %select_n3A_356, %select_n3A_317 : vector<64x128xi1>, vector<64x128xi32>
    %gt3A_364 = arith.cmpf ogt, %select_n3A_360, %select_n3A_319 : vector<64x128xf32>
    %select_n3A_365 = arith.select %gt3A_364, %select_n3A_360, %select_n3A_319 : vector<64x128xi1>, vector<64x128xf32>
    %select_n3A_366 = arith.select %gt3A_364, %select_n3A_361, %select_n3A_320 : vector<64x128xi1>, vector<64x128xi32>
    %get3A_367 = arith.constant 0 : index
    %get3A_368 = arith.constant 0 : index
    %get3A_369 = arith.constant 1024 : index
    %get3A_370 = vector.load %arg2[%get3A_367, %get3A_368, %get3A_369] : memref<1x64x2048xf32, #tpu.memory_space<vmem>>, vector<1x64x128xf32>
    %get3A_371 = vector.shape_cast %get3A_370 : vector<1x64x128xf32> to vector<64x128xf32>
    %add3A_372 = arith.constant 1024 : i32
    %add3A_373 = vector.broadcast %add3A_372 : i32 to vector<64x128xi32>
    %add3A_374 = arith.addi %iota3A, %add3A_373 : vector<64x128xi32>
    %gt3A_375 = arith.cmpf ogt, %get3A_371, %select_n3A_332 : vector<64x128xf32>
    %select_n3A_376 = arith.select %gt3A_375, %select_n3A_332, %get3A_371 : vector<64x128xi1>, vector<64x128xf32>
    %select_n3A_377 = arith.select %gt3A_375, %select_n3A_333, %add3A_374 : vector<64x128xi1>, vector<64x128xi32>
    %select_n3A_378 = arith.select %gt3A_375, %get3A_371, %select_n3A_332 : vector<64x128xi1>, vector<64x128xf32>
    %select_n3A_379 = arith.select %gt3A_375, %add3A_374, %select_n3A_333 : vector<64x128xi1>, vector<64x128xi32>
    %gt3A_380 = arith.cmpf ogt, %select_n3A_376, %select_n3A_337 : vector<64x128xf32>
    %select_n3A_381 = arith.select %gt3A_380, %select_n3A_337, %select_n3A_376 : vector<64x128xi1>, vector<64x128xf32>
    %select_n3A_382 = arith.select %gt3A_380, %select_n3A_338, %select_n3A_377 : vector<64x128xi1>, vector<64x128xi32>
    %select_n3A_383 = arith.select %gt3A_380, %select_n3A_376, %select_n3A_337 : vector<64x128xi1>, vector<64x128xf32>
    %select_n3A_384 = arith.select %gt3A_380, %select_n3A_377, %select_n3A_338 : vector<64x128xi1>, vector<64x128xi32>
    %gt3A_385 = arith.cmpf ogt, %select_n3A_381, %select_n3A_342 : vector<64x128xf32>
    %select_n3A_386 = arith.select %gt3A_385, %select_n3A_342, %select_n3A_381 : vector<64x128xi1>, vector<64x128xf32>
    %select_n3A_387 = arith.select %gt3A_385, %select_n3A_343, %select_n3A_382 : vector<64x128xi1>, vector<64x128xi32>
    %select_n3A_388 = arith.select %gt3A_385, %select_n3A_381, %select_n3A_342 : vector<64x128xi1>, vector<64x128xf32>
    %select_n3A_389 = arith.select %gt3A_385, %select_n3A_382, %select_n3A_343 : vector<64x128xi1>, vector<64x128xi32>
    %gt3A_390 = arith.cmpf ogt, %select_n3A_386, %select_n3A_347 : vector<64x128xf32>
    %select_n3A_391 = arith.select %gt3A_390, %select_n3A_347, %select_n3A_386 : vector<64x128xi1>, vector<64x128xf32>
    %select_n3A_392 = arith.select %gt3A_390, %select_n3A_348, %select_n3A_387 : vector<64x128xi1>, vector<64x128xi32>
    %select_n3A_393 = arith.select %gt3A_390, %select_n3A_386, %select_n3A_347 : vector<64x128xi1>, vector<64x128xf32>
    %select_n3A_394 = arith.select %gt3A_390, %select_n3A_387, %select_n3A_348 : vector<64x128xi1>, vector<64x128xi32>
    %gt3A_395 = arith.cmpf ogt, %select_n3A_391, %select_n3A_352 : vector<64x128xf32>
    %select_n3A_396 = arith.select %gt3A_395, %select_n3A_352, %select_n3A_391 : vector<64x128xi1>, vector<64x128xf32>
    %select_n3A_397 = arith.select %gt3A_395, %select_n3A_353, %select_n3A_392 : vector<64x128xi1>, vector<64x128xi32>
    %select_n3A_398 = arith.select %gt3A_395, %select_n3A_391, %select_n3A_352 : vector<64x128xi1>, vector<64x128xf32>
    %select_n3A_399 = arith.select %gt3A_395, %select_n3A_392, %select_n3A_353 : vector<64x128xi1>, vector<64x128xi32>
    %gt3A_400 = arith.cmpf ogt, %select_n3A_396, %select_n3A_357 : vector<64x128xf32>
    %select_n3A_401 = arith.select %gt3A_400, %select_n3A_357, %select_n3A_396 : vector<64x128xi1>, vector<64x128xf32>
    %select_n3A_402 = arith.select %gt3A_400, %select_n3A_358, %select_n3A_397 : vector<64x128xi1>, vector<64x128xi32>
    %select_n3A_403 = arith.select %gt3A_400, %select_n3A_396, %select_n3A_357 : vector<64x128xi1>, vector<64x128xf32>
    %select_n3A_404 = arith.select %gt3A_400, %select_n3A_397, %select_n3A_358 : vector<64x128xi1>, vector<64x128xi32>
    %gt3A_405 = arith.cmpf ogt, %select_n3A_401, %select_n3A_362 : vector<64x128xf32>
    %select_n3A_406 = arith.select %gt3A_405, %select_n3A_362, %select_n3A_401 : vector<64x128xi1>, vector<64x128xf32>
    %select_n3A_407 = arith.select %gt3A_405, %select_n3A_363, %select_n3A_402 : vector<64x128xi1>, vector<64x128xi32>
    %select_n3A_408 = arith.select %gt3A_405, %select_n3A_401, %select_n3A_362 : vector<64x128xi1>, vector<64x128xf32>
    %select_n3A_409 = arith.select %gt3A_405, %select_n3A_402, %select_n3A_363 : vector<64x128xi1>, vector<64x128xi32>
    %gt3A_410 = arith.cmpf ogt, %select_n3A_406, %select_n3A_365 : vector<64x128xf32>
    %select_n3A_411 = arith.select %gt3A_410, %select_n3A_406, %select_n3A_365 : vector<64x128xi1>, vector<64x128xf32>
    %select_n3A_412 = arith.select %gt3A_410, %select_n3A_407, %select_n3A_366 : vector<64x128xi1>, vector<64x128xi32>
    %get3A_413 = arith.constant 0 : index
    %get3A_414 = arith.constant 0 : index
    %get3A_415 = arith.constant 1152 : index
    %get3A_416 = vector.load %arg2[%get3A_413, %get3A_414, %get3A_415] : memref<1x64x2048xf32, #tpu.memory_space<vmem>>, vector<1x64x128xf32>
    %get3A_417 = vector.shape_cast %get3A_416 : vector<1x64x128xf32> to vector<64x128xf32>
    %add3A_418 = arith.constant 1152 : i32
    %add3A_419 = vector.broadcast %add3A_418 : i32 to vector<64x128xi32>
    %add3A_420 = arith.addi %iota3A, %add3A_419 : vector<64x128xi32>
    %gt3A_421 = arith.cmpf ogt, %get3A_417, %select_n3A_378 : vector<64x128xf32>
    %select_n3A_422 = arith.select %gt3A_421, %select_n3A_378, %get3A_417 : vector<64x128xi1>, vector<64x128xf32>
    %select_n3A_423 = arith.select %gt3A_421, %select_n3A_379, %add3A_420 : vector<64x128xi1>, vector<64x128xi32>
    %select_n3A_424 = arith.select %gt3A_421, %get3A_417, %select_n3A_378 : vector<64x128xi1>, vector<64x128xf32>
    %select_n3A_425 = arith.select %gt3A_421, %add3A_420, %select_n3A_379 : vector<64x128xi1>, vector<64x128xi32>
    %gt3A_426 = arith.cmpf ogt, %select_n3A_422, %select_n3A_383 : vector<64x128xf32>
    %select_n3A_427 = arith.select %gt3A_426, %select_n3A_383, %select_n3A_422 : vector<64x128xi1>, vector<64x128xf32>
    %select_n3A_428 = arith.select %gt3A_426, %select_n3A_384, %select_n3A_423 : vector<64x128xi1>, vector<64x128xi32>
    %select_n3A_429 = arith.select %gt3A_426, %select_n3A_422, %select_n3A_383 : vector<64x128xi1>, vector<64x128xf32>
    %select_n3A_430 = arith.select %gt3A_426, %select_n3A_423, %select_n3A_384 : vector<64x128xi1>, vector<64x128xi32>
    %gt3A_431 = arith.cmpf ogt, %select_n3A_427, %select_n3A_388 : vector<64x128xf32>
    %select_n3A_432 = arith.select %gt3A_431, %select_n3A_388, %select_n3A_427 : vector<64x128xi1>, vector<64x128xf32>
    %select_n3A_433 = arith.select %gt3A_431, %select_n3A_389, %select_n3A_428 : vector<64x128xi1>, vector<64x128xi32>
    %select_n3A_434 = arith.select %gt3A_431, %select_n3A_427, %select_n3A_388 : vector<64x128xi1>, vector<64x128xf32>
    %select_n3A_435 = arith.select %gt3A_431, %select_n3A_428, %select_n3A_389 : vector<64x128xi1>, vector<64x128xi32>
    %gt3A_436 = arith.cmpf ogt, %select_n3A_432, %select_n3A_393 : vector<64x128xf32>
    %select_n3A_437 = arith.select %gt3A_436, %select_n3A_393, %select_n3A_432 : vector<64x128xi1>, vector<64x128xf32>
    %select_n3A_438 = arith.select %gt3A_436, %select_n3A_394, %select_n3A_433 : vector<64x128xi1>, vector<64x128xi32>
    %select_n3A_439 = arith.select %gt3A_436, %select_n3A_432, %select_n3A_393 : vector<64x128xi1>, vector<64x128xf32>
    %select_n3A_440 = arith.select %gt3A_436, %select_n3A_433, %select_n3A_394 : vector<64x128xi1>, vector<64x128xi32>
    %gt3A_441 = arith.cmpf ogt, %select_n3A_437, %select_n3A_398 : vector<64x128xf32>
    %select_n3A_442 = arith.select %gt3A_441, %select_n3A_398, %select_n3A_437 : vector<64x128xi1>, vector<64x128xf32>
    %select_n3A_443 = arith.select %gt3A_441, %select_n3A_399, %select_n3A_438 : vector<64x128xi1>, vector<64x128xi32>
    %select_n3A_444 = arith.select %gt3A_441, %select_n3A_437, %select_n3A_398 : vector<64x128xi1>, vector<64x128xf32>
    %select_n3A_445 = arith.select %gt3A_441, %select_n3A_438, %select_n3A_399 : vector<64x128xi1>, vector<64x128xi32>
    %gt3A_446 = arith.cmpf ogt, %select_n3A_442, %select_n3A_403 : vector<64x128xf32>
    %select_n3A_447 = arith.select %gt3A_446, %select_n3A_403, %select_n3A_442 : vector<64x128xi1>, vector<64x128xf32>
    %select_n3A_448 = arith.select %gt3A_446, %select_n3A_404, %select_n3A_443 : vector<64x128xi1>, vector<64x128xi32>
    %select_n3A_449 = arith.select %gt3A_446, %select_n3A_442, %select_n3A_403 : vector<64x128xi1>, vector<64x128xf32>
    %select_n3A_450 = arith.select %gt3A_446, %select_n3A_443, %select_n3A_404 : vector<64x128xi1>, vector<64x128xi32>
    %gt3A_451 = arith.cmpf ogt, %select_n3A_447, %select_n3A_408 : vector<64x128xf32>
    %select_n3A_452 = arith.select %gt3A_451, %select_n3A_408, %select_n3A_447 : vector<64x128xi1>, vector<64x128xf32>
    %select_n3A_453 = arith.select %gt3A_451, %select_n3A_409, %select_n3A_448 : vector<64x128xi1>, vector<64x128xi32>
    %select_n3A_454 = arith.select %gt3A_451, %select_n3A_447, %select_n3A_408 : vector<64x128xi1>, vector<64x128xf32>
    %select_n3A_455 = arith.select %gt3A_451, %select_n3A_448, %select_n3A_409 : vector<64x128xi1>, vector<64x128xi32>
    %gt3A_456 = arith.cmpf ogt, %select_n3A_452, %select_n3A_411 : vector<64x128xf32>
    %select_n3A_457 = arith.select %gt3A_456, %select_n3A_452, %select_n3A_411 : vector<64x128xi1>, vector<64x128xf32>
    %select_n3A_458 = arith.select %gt3A_456, %select_n3A_453, %select_n3A_412 : vector<64x128xi1>, vector<64x128xi32>
    %get3A_459 = arith.constant 0 : index
    %get3A_460 = arith.constant 0 : index
    %get3A_461 = arith.constant 1280 : index
    %get3A_462 = vector.load %arg2[%get3A_459, %get3A_460, %get3A_461] : memref<1x64x2048xf32, #tpu.memory_space<vmem>>, vector<1x64x128xf32>
    %get3A_463 = vector.shape_cast %get3A_462 : vector<1x64x128xf32> to vector<64x128xf32>
    %add3A_464 = arith.constant 1280 : i32
    %add3A_465 = vector.broadcast %add3A_464 : i32 to vector<64x128xi32>
    %add3A_466 = arith.addi %iota3A, %add3A_465 : vector<64x128xi32>
    %gt3A_467 = arith.cmpf ogt, %get3A_463, %select_n3A_424 : vector<64x128xf32>
    %select_n3A_468 = arith.select %gt3A_467, %select_n3A_424, %get3A_463 : vector<64x128xi1>, vector<64x128xf32>
    %select_n3A_469 = arith.select %gt3A_467, %select_n3A_425, %add3A_466 : vector<64x128xi1>, vector<64x128xi32>
    %select_n3A_470 = arith.select %gt3A_467, %get3A_463, %select_n3A_424 : vector<64x128xi1>, vector<64x128xf32>
    %select_n3A_471 = arith.select %gt3A_467, %add3A_466, %select_n3A_425 : vector<64x128xi1>, vector<64x128xi32>
    %gt3A_472 = arith.cmpf ogt, %select_n3A_468, %select_n3A_429 : vector<64x128xf32>
    %select_n3A_473 = arith.select %gt3A_472, %select_n3A_429, %select_n3A_468 : vector<64x128xi1>, vector<64x128xf32>
    %select_n3A_474 = arith.select %gt3A_472, %select_n3A_430, %select_n3A_469 : vector<64x128xi1>, vector<64x128xi32>
    %select_n3A_475 = arith.select %gt3A_472, %select_n3A_468, %select_n3A_429 : vector<64x128xi1>, vector<64x128xf32>
    %select_n3A_476 = arith.select %gt3A_472, %select_n3A_469, %select_n3A_430 : vector<64x128xi1>, vector<64x128xi32>
    %gt3A_477 = arith.cmpf ogt, %select_n3A_473, %select_n3A_434 : vector<64x128xf32>
    %select_n3A_478 = arith.select %gt3A_477, %select_n3A_434, %select_n3A_473 : vector<64x128xi1>, vector<64x128xf32>
    %select_n3A_479 = arith.select %gt3A_477, %select_n3A_435, %select_n3A_474 : vector<64x128xi1>, vector<64x128xi32>
    %select_n3A_480 = arith.select %gt3A_477, %select_n3A_473, %select_n3A_434 : vector<64x128xi1>, vector<64x128xf32>
    %select_n3A_481 = arith.select %gt3A_477, %select_n3A_474, %select_n3A_435 : vector<64x128xi1>, vector<64x128xi32>
    %gt3A_482 = arith.cmpf ogt, %select_n3A_478, %select_n3A_439 : vector<64x128xf32>
    %select_n3A_483 = arith.select %gt3A_482, %select_n3A_439, %select_n3A_478 : vector<64x128xi1>, vector<64x128xf32>
    %select_n3A_484 = arith.select %gt3A_482, %select_n3A_440, %select_n3A_479 : vector<64x128xi1>, vector<64x128xi32>
    %select_n3A_485 = arith.select %gt3A_482, %select_n3A_478, %select_n3A_439 : vector<64x128xi1>, vector<64x128xf32>
    %select_n3A_486 = arith.select %gt3A_482, %select_n3A_479, %select_n3A_440 : vector<64x128xi1>, vector<64x128xi32>
    %gt3A_487 = arith.cmpf ogt, %select_n3A_483, %select_n3A_444 : vector<64x128xf32>
    %select_n3A_488 = arith.select %gt3A_487, %select_n3A_444, %select_n3A_483 : vector<64x128xi1>, vector<64x128xf32>
    %select_n3A_489 = arith.select %gt3A_487, %select_n3A_445, %select_n3A_484 : vector<64x128xi1>, vector<64x128xi32>
    %select_n3A_490 = arith.select %gt3A_487, %select_n3A_483, %select_n3A_444 : vector<64x128xi1>, vector<64x128xf32>
    %select_n3A_491 = arith.select %gt3A_487, %select_n3A_484, %select_n3A_445 : vector<64x128xi1>, vector<64x128xi32>
    %gt3A_492 = arith.cmpf ogt, %select_n3A_488, %select_n3A_449 : vector<64x128xf32>
    %select_n3A_493 = arith.select %gt3A_492, %select_n3A_449, %select_n3A_488 : vector<64x128xi1>, vector<64x128xf32>
    %select_n3A_494 = arith.select %gt3A_492, %select_n3A_450, %select_n3A_489 : vector<64x128xi1>, vector<64x128xi32>
    %select_n3A_495 = arith.select %gt3A_492, %select_n3A_488, %select_n3A_449 : vector<64x128xi1>, vector<64x128xf32>
    %select_n3A_496 = arith.select %gt3A_492, %select_n3A_489, %select_n3A_450 : vector<64x128xi1>, vector<64x128xi32>
    %gt3A_497 = arith.cmpf ogt, %select_n3A_493, %select_n3A_454 : vector<64x128xf32>
    %select_n3A_498 = arith.select %gt3A_497, %select_n3A_454, %select_n3A_493 : vector<64x128xi1>, vector<64x128xf32>
    %select_n3A_499 = arith.select %gt3A_497, %select_n3A_455, %select_n3A_494 : vector<64x128xi1>, vector<64x128xi32>
    %select_n3A_500 = arith.select %gt3A_497, %select_n3A_493, %select_n3A_454 : vector<64x128xi1>, vector<64x128xf32>
    %select_n3A_501 = arith.select %gt3A_497, %select_n3A_494, %select_n3A_455 : vector<64x128xi1>, vector<64x128xi32>
    %gt3A_502 = arith.cmpf ogt, %select_n3A_498, %select_n3A_457 : vector<64x128xf32>
    %select_n3A_503 = arith.select %gt3A_502, %select_n3A_498, %select_n3A_457 : vector<64x128xi1>, vector<64x128xf32>
    %select_n3A_504 = arith.select %gt3A_502, %select_n3A_499, %select_n3A_458 : vector<64x128xi1>, vector<64x128xi32>
    %get3A_505 = arith.constant 0 : index
    %get3A_506 = arith.constant 0 : index
    %get3A_507 = arith.constant 1408 : index
    %get3A_508 = vector.load %arg2[%get3A_505, %get3A_506, %get3A_507] : memref<1x64x2048xf32, #tpu.memory_space<vmem>>, vector<1x64x128xf32>
    %get3A_509 = vector.shape_cast %get3A_508 : vector<1x64x128xf32> to vector<64x128xf32>
    %add3A_510 = arith.constant 1408 : i32
    %add3A_511 = vector.broadcast %add3A_510 : i32 to vector<64x128xi32>
    %add3A_512 = arith.addi %iota3A, %add3A_511 : vector<64x128xi32>
    %gt3A_513 = arith.cmpf ogt, %get3A_509, %select_n3A_470 : vector<64x128xf32>
    %select_n3A_514 = arith.select %gt3A_513, %select_n3A_470, %get3A_509 : vector<64x128xi1>, vector<64x128xf32>
    %select_n3A_515 = arith.select %gt3A_513, %select_n3A_471, %add3A_512 : vector<64x128xi1>, vector<64x128xi32>
    %select_n3A_516 = arith.select %gt3A_513, %get3A_509, %select_n3A_470 : vector<64x128xi1>, vector<64x128xf32>
    %select_n3A_517 = arith.select %gt3A_513, %add3A_512, %select_n3A_471 : vector<64x128xi1>, vector<64x128xi32>
    %gt3A_518 = arith.cmpf ogt, %select_n3A_514, %select_n3A_475 : vector<64x128xf32>
    %select_n3A_519 = arith.select %gt3A_518, %select_n3A_475, %select_n3A_514 : vector<64x128xi1>, vector<64x128xf32>
    %select_n3A_520 = arith.select %gt3A_518, %select_n3A_476, %select_n3A_515 : vector<64x128xi1>, vector<64x128xi32>
    %select_n3A_521 = arith.select %gt3A_518, %select_n3A_514, %select_n3A_475 : vector<64x128xi1>, vector<64x128xf32>
    %select_n3A_522 = arith.select %gt3A_518, %select_n3A_515, %select_n3A_476 : vector<64x128xi1>, vector<64x128xi32>
    %gt3A_523 = arith.cmpf ogt, %select_n3A_519, %select_n3A_480 : vector<64x128xf32>
    %select_n3A_524 = arith.select %gt3A_523, %select_n3A_480, %select_n3A_519 : vector<64x128xi1>, vector<64x128xf32>
    %select_n3A_525 = arith.select %gt3A_523, %select_n3A_481, %select_n3A_520 : vector<64x128xi1>, vector<64x128xi32>
    %select_n3A_526 = arith.select %gt3A_523, %select_n3A_519, %select_n3A_480 : vector<64x128xi1>, vector<64x128xf32>
    %select_n3A_527 = arith.select %gt3A_523, %select_n3A_520, %select_n3A_481 : vector<64x128xi1>, vector<64x128xi32>
    %gt3A_528 = arith.cmpf ogt, %select_n3A_524, %select_n3A_485 : vector<64x128xf32>
    %select_n3A_529 = arith.select %gt3A_528, %select_n3A_485, %select_n3A_524 : vector<64x128xi1>, vector<64x128xf32>
    %select_n3A_530 = arith.select %gt3A_528, %select_n3A_486, %select_n3A_525 : vector<64x128xi1>, vector<64x128xi32>
    %select_n3A_531 = arith.select %gt3A_528, %select_n3A_524, %select_n3A_485 : vector<64x128xi1>, vector<64x128xf32>
    %select_n3A_532 = arith.select %gt3A_528, %select_n3A_525, %select_n3A_486 : vector<64x128xi1>, vector<64x128xi32>
    %gt3A_533 = arith.cmpf ogt, %select_n3A_529, %select_n3A_490 : vector<64x128xf32>
    %select_n3A_534 = arith.select %gt3A_533, %select_n3A_490, %select_n3A_529 : vector<64x128xi1>, vector<64x128xf32>
    %select_n3A_535 = arith.select %gt3A_533, %select_n3A_491, %select_n3A_530 : vector<64x128xi1>, vector<64x128xi32>
    %select_n3A_536 = arith.select %gt3A_533, %select_n3A_529, %select_n3A_490 : vector<64x128xi1>, vector<64x128xf32>
    %select_n3A_537 = arith.select %gt3A_533, %select_n3A_530, %select_n3A_491 : vector<64x128xi1>, vector<64x128xi32>
    %gt3A_538 = arith.cmpf ogt, %select_n3A_534, %select_n3A_495 : vector<64x128xf32>
    %select_n3A_539 = arith.select %gt3A_538, %select_n3A_495, %select_n3A_534 : vector<64x128xi1>, vector<64x128xf32>
    %select_n3A_540 = arith.select %gt3A_538, %select_n3A_496, %select_n3A_535 : vector<64x128xi1>, vector<64x128xi32>
    %select_n3A_541 = arith.select %gt3A_538, %select_n3A_534, %select_n3A_495 : vector<64x128xi1>, vector<64x128xf32>
    %select_n3A_542 = arith.select %gt3A_538, %select_n3A_535, %select_n3A_496 : vector<64x128xi1>, vector<64x128xi32>
    %gt3A_543 = arith.cmpf ogt, %select_n3A_539, %select_n3A_500 : vector<64x128xf32>
    %select_n3A_544 = arith.select %gt3A_543, %select_n3A_500, %select_n3A_539 : vector<64x128xi1>, vector<64x128xf32>
    %select_n3A_545 = arith.select %gt3A_543, %select_n3A_501, %select_n3A_540 : vector<64x128xi1>, vector<64x128xi32>
    %select_n3A_546 = arith.select %gt3A_543, %select_n3A_539, %select_n3A_500 : vector<64x128xi1>, vector<64x128xf32>
    %select_n3A_547 = arith.select %gt3A_543, %select_n3A_540, %select_n3A_501 : vector<64x128xi1>, vector<64x128xi32>
    %gt3A_548 = arith.cmpf ogt, %select_n3A_544, %select_n3A_503 : vector<64x128xf32>
    %select_n3A_549 = arith.select %gt3A_548, %select_n3A_544, %select_n3A_503 : vector<64x128xi1>, vector<64x128xf32>
    %select_n3A_550 = arith.select %gt3A_548, %select_n3A_545, %select_n3A_504 : vector<64x128xi1>, vector<64x128xi32>
    %get3A_551 = arith.constant 0 : index
    %get3A_552 = arith.constant 0 : index
    %get3A_553 = arith.constant 1536 : index
    %get3A_554 = vector.load %arg2[%get3A_551, %get3A_552, %get3A_553] : memref<1x64x2048xf32, #tpu.memory_space<vmem>>, vector<1x64x128xf32>
    %get3A_555 = vector.shape_cast %get3A_554 : vector<1x64x128xf32> to vector<64x128xf32>
    %add3A_556 = arith.constant 1536 : i32
    %add3A_557 = vector.broadcast %add3A_556 : i32 to vector<64x128xi32>
    %add3A_558 = arith.addi %iota3A, %add3A_557 : vector<64x128xi32>
    %gt3A_559 = arith.cmpf ogt, %get3A_555, %select_n3A_516 : vector<64x128xf32>
    %select_n3A_560 = arith.select %gt3A_559, %select_n3A_516, %get3A_555 : vector<64x128xi1>, vector<64x128xf32>
    %select_n3A_561 = arith.select %gt3A_559, %select_n3A_517, %add3A_558 : vector<64x128xi1>, vector<64x128xi32>
    %select_n3A_562 = arith.select %gt3A_559, %get3A_555, %select_n3A_516 : vector<64x128xi1>, vector<64x128xf32>
    %select_n3A_563 = arith.select %gt3A_559, %add3A_558, %select_n3A_517 : vector<64x128xi1>, vector<64x128xi32>
    %gt3A_564 = arith.cmpf ogt, %select_n3A_560, %select_n3A_521 : vector<64x128xf32>
    %select_n3A_565 = arith.select %gt3A_564, %select_n3A_521, %select_n3A_560 : vector<64x128xi1>, vector<64x128xf32>
    %select_n3A_566 = arith.select %gt3A_564, %select_n3A_522, %select_n3A_561 : vector<64x128xi1>, vector<64x128xi32>
    %select_n3A_567 = arith.select %gt3A_564, %select_n3A_560, %select_n3A_521 : vector<64x128xi1>, vector<64x128xf32>
    %select_n3A_568 = arith.select %gt3A_564, %select_n3A_561, %select_n3A_522 : vector<64x128xi1>, vector<64x128xi32>
    %gt3A_569 = arith.cmpf ogt, %select_n3A_565, %select_n3A_526 : vector<64x128xf32>
    %select_n3A_570 = arith.select %gt3A_569, %select_n3A_526, %select_n3A_565 : vector<64x128xi1>, vector<64x128xf32>
    %select_n3A_571 = arith.select %gt3A_569, %select_n3A_527, %select_n3A_566 : vector<64x128xi1>, vector<64x128xi32>
    %select_n3A_572 = arith.select %gt3A_569, %select_n3A_565, %select_n3A_526 : vector<64x128xi1>, vector<64x128xf32>
    %select_n3A_573 = arith.select %gt3A_569, %select_n3A_566, %select_n3A_527 : vector<64x128xi1>, vector<64x128xi32>
    %gt3A_574 = arith.cmpf ogt, %select_n3A_570, %select_n3A_531 : vector<64x128xf32>
    %select_n3A_575 = arith.select %gt3A_574, %select_n3A_531, %select_n3A_570 : vector<64x128xi1>, vector<64x128xf32>
    %select_n3A_576 = arith.select %gt3A_574, %select_n3A_532, %select_n3A_571 : vector<64x128xi1>, vector<64x128xi32>
    %select_n3A_577 = arith.select %gt3A_574, %select_n3A_570, %select_n3A_531 : vector<64x128xi1>, vector<64x128xf32>
    %select_n3A_578 = arith.select %gt3A_574, %select_n3A_571, %select_n3A_532 : vector<64x128xi1>, vector<64x128xi32>
    %gt3A_579 = arith.cmpf ogt, %select_n3A_575, %select_n3A_536 : vector<64x128xf32>
    %select_n3A_580 = arith.select %gt3A_579, %select_n3A_536, %select_n3A_575 : vector<64x128xi1>, vector<64x128xf32>
    %select_n3A_581 = arith.select %gt3A_579, %select_n3A_537, %select_n3A_576 : vector<64x128xi1>, vector<64x128xi32>
    %select_n3A_582 = arith.select %gt3A_579, %select_n3A_575, %select_n3A_536 : vector<64x128xi1>, vector<64x128xf32>
    %select_n3A_583 = arith.select %gt3A_579, %select_n3A_576, %select_n3A_537 : vector<64x128xi1>, vector<64x128xi32>
    %gt3A_584 = arith.cmpf ogt, %select_n3A_580, %select_n3A_541 : vector<64x128xf32>
    %select_n3A_585 = arith.select %gt3A_584, %select_n3A_541, %select_n3A_580 : vector<64x128xi1>, vector<64x128xf32>
    %select_n3A_586 = arith.select %gt3A_584, %select_n3A_542, %select_n3A_581 : vector<64x128xi1>, vector<64x128xi32>
    %select_n3A_587 = arith.select %gt3A_584, %select_n3A_580, %select_n3A_541 : vector<64x128xi1>, vector<64x128xf32>
    %select_n3A_588 = arith.select %gt3A_584, %select_n3A_581, %select_n3A_542 : vector<64x128xi1>, vector<64x128xi32>
    %gt3A_589 = arith.cmpf ogt, %select_n3A_585, %select_n3A_546 : vector<64x128xf32>
    %select_n3A_590 = arith.select %gt3A_589, %select_n3A_546, %select_n3A_585 : vector<64x128xi1>, vector<64x128xf32>
    %select_n3A_591 = arith.select %gt3A_589, %select_n3A_547, %select_n3A_586 : vector<64x128xi1>, vector<64x128xi32>
    %select_n3A_592 = arith.select %gt3A_589, %select_n3A_585, %select_n3A_546 : vector<64x128xi1>, vector<64x128xf32>
    %select_n3A_593 = arith.select %gt3A_589, %select_n3A_586, %select_n3A_547 : vector<64x128xi1>, vector<64x128xi32>
    %gt3A_594 = arith.cmpf ogt, %select_n3A_590, %select_n3A_549 : vector<64x128xf32>
    %select_n3A_595 = arith.select %gt3A_594, %select_n3A_590, %select_n3A_549 : vector<64x128xi1>, vector<64x128xf32>
    %select_n3A_596 = arith.select %gt3A_594, %select_n3A_591, %select_n3A_550 : vector<64x128xi1>, vector<64x128xi32>
    %get3A_597 = arith.constant 0 : index
    %get3A_598 = arith.constant 0 : index
    %get3A_599 = arith.constant 1664 : index
    %get3A_600 = vector.load %arg2[%get3A_597, %get3A_598, %get3A_599] : memref<1x64x2048xf32, #tpu.memory_space<vmem>>, vector<1x64x128xf32>
    %get3A_601 = vector.shape_cast %get3A_600 : vector<1x64x128xf32> to vector<64x128xf32>
    %add3A_602 = arith.constant 1664 : i32
    %add3A_603 = vector.broadcast %add3A_602 : i32 to vector<64x128xi32>
    %add3A_604 = arith.addi %iota3A, %add3A_603 : vector<64x128xi32>
    %gt3A_605 = arith.cmpf ogt, %get3A_601, %select_n3A_562 : vector<64x128xf32>
    %select_n3A_606 = arith.select %gt3A_605, %select_n3A_562, %get3A_601 : vector<64x128xi1>, vector<64x128xf32>
    %select_n3A_607 = arith.select %gt3A_605, %select_n3A_563, %add3A_604 : vector<64x128xi1>, vector<64x128xi32>
    %select_n3A_608 = arith.select %gt3A_605, %get3A_601, %select_n3A_562 : vector<64x128xi1>, vector<64x128xf32>
    %select_n3A_609 = arith.select %gt3A_605, %add3A_604, %select_n3A_563 : vector<64x128xi1>, vector<64x128xi32>
    %gt3A_610 = arith.cmpf ogt, %select_n3A_606, %select_n3A_567 : vector<64x128xf32>
    %select_n3A_611 = arith.select %gt3A_610, %select_n3A_567, %select_n3A_606 : vector<64x128xi1>, vector<64x128xf32>
    %select_n3A_612 = arith.select %gt3A_610, %select_n3A_568, %select_n3A_607 : vector<64x128xi1>, vector<64x128xi32>
    %select_n3A_613 = arith.select %gt3A_610, %select_n3A_606, %select_n3A_567 : vector<64x128xi1>, vector<64x128xf32>
    %select_n3A_614 = arith.select %gt3A_610, %select_n3A_607, %select_n3A_568 : vector<64x128xi1>, vector<64x128xi32>
    %gt3A_615 = arith.cmpf ogt, %select_n3A_611, %select_n3A_572 : vector<64x128xf32>
    %select_n3A_616 = arith.select %gt3A_615, %select_n3A_572, %select_n3A_611 : vector<64x128xi1>, vector<64x128xf32>
    %select_n3A_617 = arith.select %gt3A_615, %select_n3A_573, %select_n3A_612 : vector<64x128xi1>, vector<64x128xi32>
    %select_n3A_618 = arith.select %gt3A_615, %select_n3A_611, %select_n3A_572 : vector<64x128xi1>, vector<64x128xf32>
    %select_n3A_619 = arith.select %gt3A_615, %select_n3A_612, %select_n3A_573 : vector<64x128xi1>, vector<64x128xi32>
    %gt3A_620 = arith.cmpf ogt, %select_n3A_616, %select_n3A_577 : vector<64x128xf32>
    %select_n3A_621 = arith.select %gt3A_620, %select_n3A_577, %select_n3A_616 : vector<64x128xi1>, vector<64x128xf32>
    %select_n3A_622 = arith.select %gt3A_620, %select_n3A_578, %select_n3A_617 : vector<64x128xi1>, vector<64x128xi32>
    %select_n3A_623 = arith.select %gt3A_620, %select_n3A_616, %select_n3A_577 : vector<64x128xi1>, vector<64x128xf32>
    %select_n3A_624 = arith.select %gt3A_620, %select_n3A_617, %select_n3A_578 : vector<64x128xi1>, vector<64x128xi32>
    %gt3A_625 = arith.cmpf ogt, %select_n3A_621, %select_n3A_582 : vector<64x128xf32>
    %select_n3A_626 = arith.select %gt3A_625, %select_n3A_582, %select_n3A_621 : vector<64x128xi1>, vector<64x128xf32>
    %select_n3A_627 = arith.select %gt3A_625, %select_n3A_583, %select_n3A_622 : vector<64x128xi1>, vector<64x128xi32>
    %select_n3A_628 = arith.select %gt3A_625, %select_n3A_621, %select_n3A_582 : vector<64x128xi1>, vector<64x128xf32>
    %select_n3A_629 = arith.select %gt3A_625, %select_n3A_622, %select_n3A_583 : vector<64x128xi1>, vector<64x128xi32>
    %gt3A_630 = arith.cmpf ogt, %select_n3A_626, %select_n3A_587 : vector<64x128xf32>
    %select_n3A_631 = arith.select %gt3A_630, %select_n3A_587, %select_n3A_626 : vector<64x128xi1>, vector<64x128xf32>
    %select_n3A_632 = arith.select %gt3A_630, %select_n3A_588, %select_n3A_627 : vector<64x128xi1>, vector<64x128xi32>
    %select_n3A_633 = arith.select %gt3A_630, %select_n3A_626, %select_n3A_587 : vector<64x128xi1>, vector<64x128xf32>
    %select_n3A_634 = arith.select %gt3A_630, %select_n3A_627, %select_n3A_588 : vector<64x128xi1>, vector<64x128xi32>
    %gt3A_635 = arith.cmpf ogt, %select_n3A_631, %select_n3A_592 : vector<64x128xf32>
    %select_n3A_636 = arith.select %gt3A_635, %select_n3A_592, %select_n3A_631 : vector<64x128xi1>, vector<64x128xf32>
    %select_n3A_637 = arith.select %gt3A_635, %select_n3A_593, %select_n3A_632 : vector<64x128xi1>, vector<64x128xi32>
    %select_n3A_638 = arith.select %gt3A_635, %select_n3A_631, %select_n3A_592 : vector<64x128xi1>, vector<64x128xf32>
    %select_n3A_639 = arith.select %gt3A_635, %select_n3A_632, %select_n3A_593 : vector<64x128xi1>, vector<64x128xi32>
    %gt3A_640 = arith.cmpf ogt, %select_n3A_636, %select_n3A_595 : vector<64x128xf32>
    %select_n3A_641 = arith.select %gt3A_640, %select_n3A_636, %select_n3A_595 : vector<64x128xi1>, vector<64x128xf32>
    %select_n3A_642 = arith.select %gt3A_640, %select_n3A_637, %select_n3A_596 : vector<64x128xi1>, vector<64x128xi32>
    %get3A_643 = arith.constant 0 : index
    %get3A_644 = arith.constant 0 : index
    %get3A_645 = arith.constant 1792 : index
    %get3A_646 = vector.load %arg2[%get3A_643, %get3A_644, %get3A_645] : memref<1x64x2048xf32, #tpu.memory_space<vmem>>, vector<1x64x128xf32>
    %get3A_647 = vector.shape_cast %get3A_646 : vector<1x64x128xf32> to vector<64x128xf32>
    %add3A_648 = arith.constant 1792 : i32
    %add3A_649 = vector.broadcast %add3A_648 : i32 to vector<64x128xi32>
    %add3A_650 = arith.addi %iota3A, %add3A_649 : vector<64x128xi32>
    %gt3A_651 = arith.cmpf ogt, %get3A_647, %select_n3A_608 : vector<64x128xf32>
    %select_n3A_652 = arith.select %gt3A_651, %select_n3A_608, %get3A_647 : vector<64x128xi1>, vector<64x128xf32>
    %select_n3A_653 = arith.select %gt3A_651, %select_n3A_609, %add3A_650 : vector<64x128xi1>, vector<64x128xi32>
    %select_n3A_654 = arith.select %gt3A_651, %get3A_647, %select_n3A_608 : vector<64x128xi1>, vector<64x128xf32>
    %select_n3A_655 = arith.select %gt3A_651, %add3A_650, %select_n3A_609 : vector<64x128xi1>, vector<64x128xi32>
    %gt3A_656 = arith.cmpf ogt, %select_n3A_652, %select_n3A_613 : vector<64x128xf32>
    %select_n3A_657 = arith.select %gt3A_656, %select_n3A_613, %select_n3A_652 : vector<64x128xi1>, vector<64x128xf32>
    %select_n3A_658 = arith.select %gt3A_656, %select_n3A_614, %select_n3A_653 : vector<64x128xi1>, vector<64x128xi32>
    %select_n3A_659 = arith.select %gt3A_656, %select_n3A_652, %select_n3A_613 : vector<64x128xi1>, vector<64x128xf32>
    %select_n3A_660 = arith.select %gt3A_656, %select_n3A_653, %select_n3A_614 : vector<64x128xi1>, vector<64x128xi32>
    %gt3A_661 = arith.cmpf ogt, %select_n3A_657, %select_n3A_618 : vector<64x128xf32>
    %select_n3A_662 = arith.select %gt3A_661, %select_n3A_618, %select_n3A_657 : vector<64x128xi1>, vector<64x128xf32>
    %select_n3A_663 = arith.select %gt3A_661, %select_n3A_619, %select_n3A_658 : vector<64x128xi1>, vector<64x128xi32>
    %select_n3A_664 = arith.select %gt3A_661, %select_n3A_657, %select_n3A_618 : vector<64x128xi1>, vector<64x128xf32>
    %select_n3A_665 = arith.select %gt3A_661, %select_n3A_658, %select_n3A_619 : vector<64x128xi1>, vector<64x128xi32>
    %gt3A_666 = arith.cmpf ogt, %select_n3A_662, %select_n3A_623 : vector<64x128xf32>
    %select_n3A_667 = arith.select %gt3A_666, %select_n3A_623, %select_n3A_662 : vector<64x128xi1>, vector<64x128xf32>
    %select_n3A_668 = arith.select %gt3A_666, %select_n3A_624, %select_n3A_663 : vector<64x128xi1>, vector<64x128xi32>
    %select_n3A_669 = arith.select %gt3A_666, %select_n3A_662, %select_n3A_623 : vector<64x128xi1>, vector<64x128xf32>
    %select_n3A_670 = arith.select %gt3A_666, %select_n3A_663, %select_n3A_624 : vector<64x128xi1>, vector<64x128xi32>
    %gt3A_671 = arith.cmpf ogt, %select_n3A_667, %select_n3A_628 : vector<64x128xf32>
    %select_n3A_672 = arith.select %gt3A_671, %select_n3A_628, %select_n3A_667 : vector<64x128xi1>, vector<64x128xf32>
    %select_n3A_673 = arith.select %gt3A_671, %select_n3A_629, %select_n3A_668 : vector<64x128xi1>, vector<64x128xi32>
    %select_n3A_674 = arith.select %gt3A_671, %select_n3A_667, %select_n3A_628 : vector<64x128xi1>, vector<64x128xf32>
    %select_n3A_675 = arith.select %gt3A_671, %select_n3A_668, %select_n3A_629 : vector<64x128xi1>, vector<64x128xi32>
    %gt3A_676 = arith.cmpf ogt, %select_n3A_672, %select_n3A_633 : vector<64x128xf32>
    %select_n3A_677 = arith.select %gt3A_676, %select_n3A_633, %select_n3A_672 : vector<64x128xi1>, vector<64x128xf32>
    %select_n3A_678 = arith.select %gt3A_676, %select_n3A_634, %select_n3A_673 : vector<64x128xi1>, vector<64x128xi32>
    %select_n3A_679 = arith.select %gt3A_676, %select_n3A_672, %select_n3A_633 : vector<64x128xi1>, vector<64x128xf32>
    %select_n3A_680 = arith.select %gt3A_676, %select_n3A_673, %select_n3A_634 : vector<64x128xi1>, vector<64x128xi32>
    %gt3A_681 = arith.cmpf ogt, %select_n3A_677, %select_n3A_638 : vector<64x128xf32>
    %select_n3A_682 = arith.select %gt3A_681, %select_n3A_638, %select_n3A_677 : vector<64x128xi1>, vector<64x128xf32>
    %select_n3A_683 = arith.select %gt3A_681, %select_n3A_639, %select_n3A_678 : vector<64x128xi1>, vector<64x128xi32>
    %select_n3A_684 = arith.select %gt3A_681, %select_n3A_677, %select_n3A_638 : vector<64x128xi1>, vector<64x128xf32>
    %select_n3A_685 = arith.select %gt3A_681, %select_n3A_678, %select_n3A_639 : vector<64x128xi1>, vector<64x128xi32>
    %gt3A_686 = arith.cmpf ogt, %select_n3A_682, %select_n3A_641 : vector<64x128xf32>
    %select_n3A_687 = arith.select %gt3A_686, %select_n3A_682, %select_n3A_641 : vector<64x128xi1>, vector<64x128xf32>
    %select_n3A_688 = arith.select %gt3A_686, %select_n3A_683, %select_n3A_642 : vector<64x128xi1>, vector<64x128xi32>
    %get3A_689 = arith.constant 0 : index
    %get3A_690 = arith.constant 0 : index
    %get3A_691 = arith.constant 1920 : index
    %get3A_692 = vector.load %arg2[%get3A_689, %get3A_690, %get3A_691] : memref<1x64x2048xf32, #tpu.memory_space<vmem>>, vector<1x64x128xf32>
    %get3A_693 = vector.shape_cast %get3A_692 : vector<1x64x128xf32> to vector<64x128xf32>
    %add3A_694 = arith.constant 1920 : i32
    %add3A_695 = vector.broadcast %add3A_694 : i32 to vector<64x128xi32>
    %add3A_696 = arith.addi %iota3A, %add3A_695 : vector<64x128xi32>
    %gt3A_697 = arith.cmpf ogt, %get3A_693, %select_n3A_654 : vector<64x128xf32>
    %select_n3A_698 = arith.select %gt3A_697, %select_n3A_654, %get3A_693 : vector<64x128xi1>, vector<64x128xf32>
    %select_n3A_699 = arith.select %gt3A_697, %select_n3A_655, %add3A_696 : vector<64x128xi1>, vector<64x128xi32>
    %select_n3A_700 = arith.select %gt3A_697, %get3A_693, %select_n3A_654 : vector<64x128xi1>, vector<64x128xf32>
    %select_n3A_701 = arith.select %gt3A_697, %add3A_696, %select_n3A_655 : vector<64x128xi1>, vector<64x128xi32>
    %gt3A_702 = arith.cmpf ogt, %select_n3A_698, %select_n3A_659 : vector<64x128xf32>
    %select_n3A_703 = arith.select %gt3A_702, %select_n3A_659, %select_n3A_698 : vector<64x128xi1>, vector<64x128xf32>
    %select_n3A_704 = arith.select %gt3A_702, %select_n3A_660, %select_n3A_699 : vector<64x128xi1>, vector<64x128xi32>
    %select_n3A_705 = arith.select %gt3A_702, %select_n3A_698, %select_n3A_659 : vector<64x128xi1>, vector<64x128xf32>
    %select_n3A_706 = arith.select %gt3A_702, %select_n3A_699, %select_n3A_660 : vector<64x128xi1>, vector<64x128xi32>
    %gt3A_707 = arith.cmpf ogt, %select_n3A_703, %select_n3A_664 : vector<64x128xf32>
    %select_n3A_708 = arith.select %gt3A_707, %select_n3A_664, %select_n3A_703 : vector<64x128xi1>, vector<64x128xf32>
    %select_n3A_709 = arith.select %gt3A_707, %select_n3A_665, %select_n3A_704 : vector<64x128xi1>, vector<64x128xi32>
    %select_n3A_710 = arith.select %gt3A_707, %select_n3A_703, %select_n3A_664 : vector<64x128xi1>, vector<64x128xf32>
    %select_n3A_711 = arith.select %gt3A_707, %select_n3A_704, %select_n3A_665 : vector<64x128xi1>, vector<64x128xi32>
    %gt3A_712 = arith.cmpf ogt, %select_n3A_708, %select_n3A_669 : vector<64x128xf32>
    %select_n3A_713 = arith.select %gt3A_712, %select_n3A_669, %select_n3A_708 : vector<64x128xi1>, vector<64x128xf32>
    %select_n3A_714 = arith.select %gt3A_712, %select_n3A_670, %select_n3A_709 : vector<64x128xi1>, vector<64x128xi32>
    %select_n3A_715 = arith.select %gt3A_712, %select_n3A_708, %select_n3A_669 : vector<64x128xi1>, vector<64x128xf32>
    %select_n3A_716 = arith.select %gt3A_712, %select_n3A_709, %select_n3A_670 : vector<64x128xi1>, vector<64x128xi32>
    %gt3A_717 = arith.cmpf ogt, %select_n3A_713, %select_n3A_674 : vector<64x128xf32>
    %select_n3A_718 = arith.select %gt3A_717, %select_n3A_674, %select_n3A_713 : vector<64x128xi1>, vector<64x128xf32>
    %select_n3A_719 = arith.select %gt3A_717, %select_n3A_675, %select_n3A_714 : vector<64x128xi1>, vector<64x128xi32>
    %select_n3A_720 = arith.select %gt3A_717, %select_n3A_713, %select_n3A_674 : vector<64x128xi1>, vector<64x128xf32>
    %select_n3A_721 = arith.select %gt3A_717, %select_n3A_714, %select_n3A_675 : vector<64x128xi1>, vector<64x128xi32>
    %gt3A_722 = arith.cmpf ogt, %select_n3A_718, %select_n3A_679 : vector<64x128xf32>
    %select_n3A_723 = arith.select %gt3A_722, %select_n3A_679, %select_n3A_718 : vector<64x128xi1>, vector<64x128xf32>
    %select_n3A_724 = arith.select %gt3A_722, %select_n3A_680, %select_n3A_719 : vector<64x128xi1>, vector<64x128xi32>
    %select_n3A_725 = arith.select %gt3A_722, %select_n3A_718, %select_n3A_679 : vector<64x128xi1>, vector<64x128xf32>
    %select_n3A_726 = arith.select %gt3A_722, %select_n3A_719, %select_n3A_680 : vector<64x128xi1>, vector<64x128xi32>
    %gt3A_727 = arith.cmpf ogt, %select_n3A_723, %select_n3A_684 : vector<64x128xf32>
    %select_n3A_728 = arith.select %gt3A_727, %select_n3A_684, %select_n3A_723 : vector<64x128xi1>, vector<64x128xf32>
    %select_n3A_729 = arith.select %gt3A_727, %select_n3A_685, %select_n3A_724 : vector<64x128xi1>, vector<64x128xi32>
    %select_n3A_730 = arith.select %gt3A_727, %select_n3A_723, %select_n3A_684 : vector<64x128xi1>, vector<64x128xf32>
    %select_n3A_731 = arith.select %gt3A_727, %select_n3A_724, %select_n3A_685 : vector<64x128xi1>, vector<64x128xi32>
    %gt3A_732 = arith.cmpf ogt, %select_n3A_728, %select_n3A_687 : vector<64x128xf32>
    %select_n3A_733 = arith.select %gt3A_732, %select_n3A_728, %select_n3A_687 : vector<64x128xi1>, vector<64x128xf32>
    %select_n3A_734 = arith.select %gt3A_732, %select_n3A_729, %select_n3A_688 : vector<64x128xi1>, vector<64x128xi32>
    %max3A = arith.maximumf %select_n3A_700, %select_n3A_705 : vector<64x128xf32>
    %max3A_735 = arith.maximumf %max3A, %select_n3A_710 : vector<64x128xf32>
    %max3A_736 = arith.maximumf %max3A_735, %select_n3A_715 : vector<64x128xf32>
    %max3A_737 = arith.maximumf %max3A_736, %select_n3A_720 : vector<64x128xf32>
    %max3A_738 = arith.maximumf %max3A_737, %select_n3A_725 : vector<64x128xf32>
    %max3A_739 = arith.maximumf %max3A_738, %select_n3A_730 : vector<64x128xf32>
    %max3A_740 = arith.maximumf %max3A_739, %select_n3A_733 : vector<64x128xf32>
    %reduce_max3A = arith.constant dense<0xFF800000> : vector<64xf32>
    %reduce_max3A_741 = vector.multi_reduction <maximumf>, %max3A_740, %reduce_max3A [1] : vector<64x128xf32> to vector<64xf32>
    %broadcast_in_dim3A_742 = vector.shape_cast %reduce_max3A_741 : vector<64xf32> to vector<64x1xf32>
    %eq3A = vector.broadcast %broadcast_in_dim3A_742 : vector<64x1xf32> to vector<64x128xf32>
    %eq3A_743 = arith.cmpf oeq, %select_n3A_700, %eq3A : vector<64x128xf32>
    %select_n3A_744 = arith.select %eq3A_743, %select_n3A_701, %broadcast_in_dim3A_2 : vector<64x128xi1>, vector<64x128xi32>
    %min3A = arith.minsi %broadcast_in_dim3A_2, %select_n3A_744 : vector<64x128xi32>
    %eq3A_745 = vector.broadcast %broadcast_in_dim3A_742 : vector<64x1xf32> to vector<64x128xf32>
    %eq3A_746 = arith.cmpf oeq, %select_n3A_705, %eq3A_745 : vector<64x128xf32>
    %select_n3A_747 = arith.select %eq3A_746, %select_n3A_706, %broadcast_in_dim3A_2 : vector<64x128xi1>, vector<64x128xi32>
    %min3A_748 = arith.minsi %min3A, %select_n3A_747 : vector<64x128xi32>
    %eq3A_749 = vector.broadcast %broadcast_in_dim3A_742 : vector<64x1xf32> to vector<64x128xf32>
    %eq3A_750 = arith.cmpf oeq, %select_n3A_710, %eq3A_749 : vector<64x128xf32>
    %select_n3A_751 = arith.select %eq3A_750, %select_n3A_711, %broadcast_in_dim3A_2 : vector<64x128xi1>, vector<64x128xi32>
    %min3A_752 = arith.minsi %min3A_748, %select_n3A_751 : vector<64x128xi32>
    %eq3A_753 = vector.broadcast %broadcast_in_dim3A_742 : vector<64x1xf32> to vector<64x128xf32>
    %eq3A_754 = arith.cmpf oeq, %select_n3A_715, %eq3A_753 : vector<64x128xf32>
    %select_n3A_755 = arith.select %eq3A_754, %select_n3A_716, %broadcast_in_dim3A_2 : vector<64x128xi1>, vector<64x128xi32>
    %min3A_756 = arith.minsi %min3A_752, %select_n3A_755 : vector<64x128xi32>
    %eq3A_757 = vector.broadcast %broadcast_in_dim3A_742 : vector<64x1xf32> to vector<64x128xf32>
    %eq3A_758 = arith.cmpf oeq, %select_n3A_720, %eq3A_757 : vector<64x128xf32>
    %select_n3A_759 = arith.select %eq3A_758, %select_n3A_721, %broadcast_in_dim3A_2 : vector<64x128xi1>, vector<64x128xi32>
    %min3A_760 = arith.minsi %min3A_756, %select_n3A_759 : vector<64x128xi32>
    %eq3A_761 = vector.broadcast %broadcast_in_dim3A_742 : vector<64x1xf32> to vector<64x128xf32>
    %eq3A_762 = arith.cmpf oeq, %select_n3A_725, %eq3A_761 : vector<64x128xf32>
    %select_n3A_763 = arith.select %eq3A_762, %select_n3A_726, %broadcast_in_dim3A_2 : vector<64x128xi1>, vector<64x128xi32>
    %min3A_764 = arith.minsi %min3A_760, %select_n3A_763 : vector<64x128xi32>
    %eq3A_765 = vector.broadcast %broadcast_in_dim3A_742 : vector<64x1xf32> to vector<64x128xf32>
    %eq3A_766 = arith.cmpf oeq, %select_n3A_730, %eq3A_765 : vector<64x128xf32>
    %select_n3A_767 = arith.select %eq3A_766, %select_n3A_731, %broadcast_in_dim3A_2 : vector<64x128xi1>, vector<64x128xi32>
    %min3A_768 = arith.minsi %min3A_764, %select_n3A_767 : vector<64x128xi32>
    %eq3A_769 = vector.broadcast %broadcast_in_dim3A_742 : vector<64x1xf32> to vector<64x128xf32>
    %eq3A_770 = arith.cmpf oeq, %select_n3A_733, %eq3A_769 : vector<64x128xf32>
    %select_n3A_771 = arith.select %eq3A_770, %select_n3A_734, %broadcast_in_dim3A_2 : vector<64x128xi1>, vector<64x128xi32>
    %min3A_772 = arith.minsi %min3A_768, %select_n3A_771 : vector<64x128xi32>
    %reduce_min3A = arith.constant dense<2147483647> : vector<64xi32>
    %reduce_min3A_773 = vector.multi_reduction <minsi>, %min3A_772, %reduce_min3A [1] : vector<64x128xi32> to vector<64xi32>
    %broadcast_in_dim3A_774 = vector.shape_cast %reduce_min3A_773 : vector<64xi32> to vector<64x1xi32>
    %eq3A_775 = vector.broadcast %broadcast_in_dim3A_742 : vector<64x1xf32> to vector<64x128xf32>
    %eq3A_776 = arith.cmpf oeq, %select_n3A_700, %eq3A_775 : vector<64x128xf32>
    %eq3A_777 = vector.broadcast %broadcast_in_dim3A_774 : vector<64x1xi32> to vector<64x128xi32>
    %eq3A_778 = arith.cmpi eq, %select_n3A_701, %eq3A_777 : vector<64x128xi32>
    %and3A = arith.andi %eq3A_776, %eq3A_778 : vector<64x128xi1>
    %jit3A = arith.constant 0xFF800000 : f32
    %broadcast_in_dim3A_779 = vector.broadcast %jit3A : f32 to vector<64x128xf32>
    %select_n3A_780 = arith.select %and3A, %broadcast_in_dim3A_779, %select_n3A_700 : vector<64x128xi1>, vector<64x128xf32>
    %eq3A_781 = vector.broadcast %broadcast_in_dim3A_742 : vector<64x1xf32> to vector<64x128xf32>
    %eq3A_782 = arith.cmpf oeq, %select_n3A_705, %eq3A_781 : vector<64x128xf32>
    %eq3A_783 = vector.broadcast %broadcast_in_dim3A_774 : vector<64x1xi32> to vector<64x128xi32>
    %eq3A_784 = arith.cmpi eq, %select_n3A_706, %eq3A_783 : vector<64x128xi32>
    %and3A_785 = arith.andi %eq3A_782, %eq3A_784 : vector<64x128xi1>
    %jit3A_786 = arith.constant 0xFF800000 : f32
    %broadcast_in_dim3A_787 = vector.broadcast %jit3A_786 : f32 to vector<64x128xf32>
    %select_n3A_788 = arith.select %and3A_785, %broadcast_in_dim3A_787, %select_n3A_705 : vector<64x128xi1>, vector<64x128xf32>
    %eq3A_789 = vector.broadcast %broadcast_in_dim3A_742 : vector<64x1xf32> to vector<64x128xf32>
    %eq3A_790 = arith.cmpf oeq, %select_n3A_710, %eq3A_789 : vector<64x128xf32>
    %eq3A_791 = vector.broadcast %broadcast_in_dim3A_774 : vector<64x1xi32> to vector<64x128xi32>
    %eq3A_792 = arith.cmpi eq, %select_n3A_711, %eq3A_791 : vector<64x128xi32>
    %and3A_793 = arith.andi %eq3A_790, %eq3A_792 : vector<64x128xi1>
    %jit3A_794 = arith.constant 0xFF800000 : f32
    %broadcast_in_dim3A_795 = vector.broadcast %jit3A_794 : f32 to vector<64x128xf32>
    %select_n3A_796 = arith.select %and3A_793, %broadcast_in_dim3A_795, %select_n3A_710 : vector<64x128xi1>, vector<64x128xf32>
    %eq3A_797 = vector.broadcast %broadcast_in_dim3A_742 : vector<64x1xf32> to vector<64x128xf32>
    %eq3A_798 = arith.cmpf oeq, %select_n3A_715, %eq3A_797 : vector<64x128xf32>
    %eq3A_799 = vector.broadcast %broadcast_in_dim3A_774 : vector<64x1xi32> to vector<64x128xi32>
    %eq3A_800 = arith.cmpi eq, %select_n3A_716, %eq3A_799 : vector<64x128xi32>
    %and3A_801 = arith.andi %eq3A_798, %eq3A_800 : vector<64x128xi1>
    %jit3A_802 = arith.constant 0xFF800000 : f32
    %broadcast_in_dim3A_803 = vector.broadcast %jit3A_802 : f32 to vector<64x128xf32>
    %select_n3A_804 = arith.select %and3A_801, %broadcast_in_dim3A_803, %select_n3A_715 : vector<64x128xi1>, vector<64x128xf32>
    %eq3A_805 = vector.broadcast %broadcast_in_dim3A_742 : vector<64x1xf32> to vector<64x128xf32>
    %eq3A_806 = arith.cmpf oeq, %select_n3A_720, %eq3A_805 : vector<64x128xf32>
    %eq3A_807 = vector.broadcast %broadcast_in_dim3A_774 : vector<64x1xi32> to vector<64x128xi32>
    %eq3A_808 = arith.cmpi eq, %select_n3A_721, %eq3A_807 : vector<64x128xi32>
    %and3A_809 = arith.andi %eq3A_806, %eq3A_808 : vector<64x128xi1>
    %jit3A_810 = arith.constant 0xFF800000 : f32
    %broadcast_in_dim3A_811 = vector.broadcast %jit3A_810 : f32 to vector<64x128xf32>
    %select_n3A_812 = arith.select %and3A_809, %broadcast_in_dim3A_811, %select_n3A_720 : vector<64x128xi1>, vector<64x128xf32>
    %eq3A_813 = vector.broadcast %broadcast_in_dim3A_742 : vector<64x1xf32> to vector<64x128xf32>
    %eq3A_814 = arith.cmpf oeq, %select_n3A_725, %eq3A_813 : vector<64x128xf32>
    %eq3A_815 = vector.broadcast %broadcast_in_dim3A_774 : vector<64x1xi32> to vector<64x128xi32>
    %eq3A_816 = arith.cmpi eq, %select_n3A_726, %eq3A_815 : vector<64x128xi32>
    %and3A_817 = arith.andi %eq3A_814, %eq3A_816 : vector<64x128xi1>
    %jit3A_818 = arith.constant 0xFF800000 : f32
    %broadcast_in_dim3A_819 = vector.broadcast %jit3A_818 : f32 to vector<64x128xf32>
    %select_n3A_820 = arith.select %and3A_817, %broadcast_in_dim3A_819, %select_n3A_725 : vector<64x128xi1>, vector<64x128xf32>
    %eq3A_821 = vector.broadcast %broadcast_in_dim3A_742 : vector<64x1xf32> to vector<64x128xf32>
    %eq3A_822 = arith.cmpf oeq, %select_n3A_730, %eq3A_821 : vector<64x128xf32>
    %eq3A_823 = vector.broadcast %broadcast_in_dim3A_774 : vector<64x1xi32> to vector<64x128xi32>
    %eq3A_824 = arith.cmpi eq, %select_n3A_731, %eq3A_823 : vector<64x128xi32>
    %and3A_825 = arith.andi %eq3A_822, %eq3A_824 : vector<64x128xi1>
    %jit3A_826 = arith.constant 0xFF800000 : f32
    %broadcast_in_dim3A_827 = vector.broadcast %jit3A_826 : f32 to vector<64x128xf32>
    %select_n3A_828 = arith.select %and3A_825, %broadcast_in_dim3A_827, %select_n3A_730 : vector<64x128xi1>, vector<64x128xf32>
    %eq3A_829 = vector.broadcast %broadcast_in_dim3A_742 : vector<64x1xf32> to vector<64x128xf32>
    %eq3A_830 = arith.cmpf oeq, %select_n3A_733, %eq3A_829 : vector<64x128xf32>
    %eq3A_831 = vector.broadcast %broadcast_in_dim3A_774 : vector<64x1xi32> to vector<64x128xi32>
    %eq3A_832 = arith.cmpi eq, %select_n3A_734, %eq3A_831 : vector<64x128xi32>
    %and3A_833 = arith.andi %eq3A_830, %eq3A_832 : vector<64x128xi1>
    %jit3A_834 = arith.constant 0xFF800000 : f32
    %broadcast_in_dim3A_835 = vector.broadcast %jit3A_834 : f32 to vector<64x128xf32>
    %select_n3A_836 = arith.select %and3A_833, %broadcast_in_dim3A_835, %select_n3A_733 : vector<64x128xi1>, vector<64x128xf32>
    %max3A_837 = arith.maximumf %select_n3A_780, %select_n3A_788 : vector<64x128xf32>
    %max3A_838 = arith.maximumf %max3A_837, %select_n3A_796 : vector<64x128xf32>
    %max3A_839 = arith.maximumf %max3A_838, %select_n3A_804 : vector<64x128xf32>
    %max3A_840 = arith.maximumf %max3A_839, %select_n3A_812 : vector<64x128xf32>
    %max3A_841 = arith.maximumf %max3A_840, %select_n3A_820 : vector<64x128xf32>
    %max3A_842 = arith.maximumf %max3A_841, %select_n3A_828 : vector<64x128xf32>
    %max3A_843 = arith.maximumf %max3A_842, %select_n3A_836 : vector<64x128xf32>
    %reduce_max3A_844 = arith.constant dense<0xFF800000> : vector<64xf32>
    %reduce_max3A_845 = vector.multi_reduction <maximumf>, %max3A_843, %reduce_max3A_844 [1] : vector<64x128xf32> to vector<64xf32>
    %broadcast_in_dim3A_846 = vector.shape_cast %reduce_max3A_845 : vector<64xf32> to vector<64x1xf32>
    %eq3A_847 = vector.broadcast %broadcast_in_dim3A_846 : vector<64x1xf32> to vector<64x128xf32>
    %eq3A_848 = arith.cmpf oeq, %select_n3A_780, %eq3A_847 : vector<64x128xf32>
    %select_n3A_849 = arith.select %eq3A_848, %select_n3A_701, %broadcast_in_dim3A_2 : vector<64x128xi1>, vector<64x128xi32>
    %min3A_850 = arith.minsi %broadcast_in_dim3A_2, %select_n3A_849 : vector<64x128xi32>
    %eq3A_851 = vector.broadcast %broadcast_in_dim3A_846 : vector<64x1xf32> to vector<64x128xf32>
    %eq3A_852 = arith.cmpf oeq, %select_n3A_788, %eq3A_851 : vector<64x128xf32>
    %select_n3A_853 = arith.select %eq3A_852, %select_n3A_706, %broadcast_in_dim3A_2 : vector<64x128xi1>, vector<64x128xi32>
    %min3A_854 = arith.minsi %min3A_850, %select_n3A_853 : vector<64x128xi32>
    %eq3A_855 = vector.broadcast %broadcast_in_dim3A_846 : vector<64x1xf32> to vector<64x128xf32>
    %eq3A_856 = arith.cmpf oeq, %select_n3A_796, %eq3A_855 : vector<64x128xf32>
    %select_n3A_857 = arith.select %eq3A_856, %select_n3A_711, %broadcast_in_dim3A_2 : vector<64x128xi1>, vector<64x128xi32>
    %min3A_858 = arith.minsi %min3A_854, %select_n3A_857 : vector<64x128xi32>
    %eq3A_859 = vector.broadcast %broadcast_in_dim3A_846 : vector<64x1xf32> to vector<64x128xf32>
    %eq3A_860 = arith.cmpf oeq, %select_n3A_804, %eq3A_859 : vector<64x128xf32>
    %select_n3A_861 = arith.select %eq3A_860, %select_n3A_716, %broadcast_in_dim3A_2 : vector<64x128xi1>, vector<64x128xi32>
    %min3A_862 = arith.minsi %min3A_858, %select_n3A_861 : vector<64x128xi32>
    %eq3A_863 = vector.broadcast %broadcast_in_dim3A_846 : vector<64x1xf32> to vector<64x128xf32>
    %eq3A_864 = arith.cmpf oeq, %select_n3A_812, %eq3A_863 : vector<64x128xf32>
    %select_n3A_865 = arith.select %eq3A_864, %select_n3A_721, %broadcast_in_dim3A_2 : vector<64x128xi1>, vector<64x128xi32>
    %min3A_866 = arith.minsi %min3A_862, %select_n3A_865 : vector<64x128xi32>
    %eq3A_867 = vector.broadcast %broadcast_in_dim3A_846 : vector<64x1xf32> to vector<64x128xf32>
    %eq3A_868 = arith.cmpf oeq, %select_n3A_820, %eq3A_867 : vector<64x128xf32>
    %select_n3A_869 = arith.select %eq3A_868, %select_n3A_726, %broadcast_in_dim3A_2 : vector<64x128xi1>, vector<64x128xi32>
    %min3A_870 = arith.minsi %min3A_866, %select_n3A_869 : vector<64x128xi32>
    %eq3A_871 = vector.broadcast %broadcast_in_dim3A_846 : vector<64x1xf32> to vector<64x128xf32>
    %eq3A_872 = arith.cmpf oeq, %select_n3A_828, %eq3A_871 : vector<64x128xf32>
    %select_n3A_873 = arith.select %eq3A_872, %select_n3A_731, %broadcast_in_dim3A_2 : vector<64x128xi1>, vector<64x128xi32>
    %min3A_874 = arith.minsi %min3A_870, %select_n3A_873 : vector<64x128xi32>
    %eq3A_875 = vector.broadcast %broadcast_in_dim3A_846 : vector<64x1xf32> to vector<64x128xf32>
    %eq3A_876 = arith.cmpf oeq, %select_n3A_836, %eq3A_875 : vector<64x128xf32>
    %select_n3A_877 = arith.select %eq3A_876, %select_n3A_734, %broadcast_in_dim3A_2 : vector<64x128xi1>, vector<64x128xi32>
    %min3A_878 = arith.minsi %min3A_874, %select_n3A_877 : vector<64x128xi32>
    %reduce_min3A_879 = arith.constant dense<2147483647> : vector<64xi32>
    %reduce_min3A_880 = vector.multi_reduction <minsi>, %min3A_878, %reduce_min3A_879 [1] : vector<64x128xi32> to vector<64xi32>
    %broadcast_in_dim3A_881 = vector.shape_cast %reduce_min3A_880 : vector<64xi32> to vector<64x1xi32>
    %eq3A_882 = vector.broadcast %broadcast_in_dim3A_846 : vector<64x1xf32> to vector<64x128xf32>
    %eq3A_883 = arith.cmpf oeq, %select_n3A_780, %eq3A_882 : vector<64x128xf32>
    %eq3A_884 = vector.broadcast %broadcast_in_dim3A_881 : vector<64x1xi32> to vector<64x128xi32>
    %eq3A_885 = arith.cmpi eq, %select_n3A_701, %eq3A_884 : vector<64x128xi32>
    %and3A_886 = arith.andi %eq3A_883, %eq3A_885 : vector<64x128xi1>
    %jit3A_887 = arith.constant 0xFF800000 : f32
    %broadcast_in_dim3A_888 = vector.broadcast %jit3A_887 : f32 to vector<64x128xf32>
    %select_n3A_889 = arith.select %and3A_886, %broadcast_in_dim3A_888, %select_n3A_780 : vector<64x128xi1>, vector<64x128xf32>
    %eq3A_890 = vector.broadcast %broadcast_in_dim3A_846 : vector<64x1xf32> to vector<64x128xf32>
    %eq3A_891 = arith.cmpf oeq, %select_n3A_788, %eq3A_890 : vector<64x128xf32>
    %eq3A_892 = vector.broadcast %broadcast_in_dim3A_881 : vector<64x1xi32> to vector<64x128xi32>
    %eq3A_893 = arith.cmpi eq, %select_n3A_706, %eq3A_892 : vector<64x128xi32>
    %and3A_894 = arith.andi %eq3A_891, %eq3A_893 : vector<64x128xi1>
    %jit3A_895 = arith.constant 0xFF800000 : f32
    %broadcast_in_dim3A_896 = vector.broadcast %jit3A_895 : f32 to vector<64x128xf32>
    %select_n3A_897 = arith.select %and3A_894, %broadcast_in_dim3A_896, %select_n3A_788 : vector<64x128xi1>, vector<64x128xf32>
    %eq3A_898 = vector.broadcast %broadcast_in_dim3A_846 : vector<64x1xf32> to vector<64x128xf32>
    %eq3A_899 = arith.cmpf oeq, %select_n3A_796, %eq3A_898 : vector<64x128xf32>
    %eq3A_900 = vector.broadcast %broadcast_in_dim3A_881 : vector<64x1xi32> to vector<64x128xi32>
    %eq3A_901 = arith.cmpi eq, %select_n3A_711, %eq3A_900 : vector<64x128xi32>
    %and3A_902 = arith.andi %eq3A_899, %eq3A_901 : vector<64x128xi1>
    %jit3A_903 = arith.constant 0xFF800000 : f32
    %broadcast_in_dim3A_904 = vector.broadcast %jit3A_903 : f32 to vector<64x128xf32>
    %select_n3A_905 = arith.select %and3A_902, %broadcast_in_dim3A_904, %select_n3A_796 : vector<64x128xi1>, vector<64x128xf32>
    %eq3A_906 = vector.broadcast %broadcast_in_dim3A_846 : vector<64x1xf32> to vector<64x128xf32>
    %eq3A_907 = arith.cmpf oeq, %select_n3A_804, %eq3A_906 : vector<64x128xf32>
    %eq3A_908 = vector.broadcast %broadcast_in_dim3A_881 : vector<64x1xi32> to vector<64x128xi32>
    %eq3A_909 = arith.cmpi eq, %select_n3A_716, %eq3A_908 : vector<64x128xi32>
    %and3A_910 = arith.andi %eq3A_907, %eq3A_909 : vector<64x128xi1>
    %jit3A_911 = arith.constant 0xFF800000 : f32
    %broadcast_in_dim3A_912 = vector.broadcast %jit3A_911 : f32 to vector<64x128xf32>
    %select_n3A_913 = arith.select %and3A_910, %broadcast_in_dim3A_912, %select_n3A_804 : vector<64x128xi1>, vector<64x128xf32>
    %eq3A_914 = vector.broadcast %broadcast_in_dim3A_846 : vector<64x1xf32> to vector<64x128xf32>
    %eq3A_915 = arith.cmpf oeq, %select_n3A_812, %eq3A_914 : vector<64x128xf32>
    %eq3A_916 = vector.broadcast %broadcast_in_dim3A_881 : vector<64x1xi32> to vector<64x128xi32>
    %eq3A_917 = arith.cmpi eq, %select_n3A_721, %eq3A_916 : vector<64x128xi32>
    %and3A_918 = arith.andi %eq3A_915, %eq3A_917 : vector<64x128xi1>
    %jit3A_919 = arith.constant 0xFF800000 : f32
    %broadcast_in_dim3A_920 = vector.broadcast %jit3A_919 : f32 to vector<64x128xf32>
    %select_n3A_921 = arith.select %and3A_918, %broadcast_in_dim3A_920, %select_n3A_812 : vector<64x128xi1>, vector<64x128xf32>
    %eq3A_922 = vector.broadcast %broadcast_in_dim3A_846 : vector<64x1xf32> to vector<64x128xf32>
    %eq3A_923 = arith.cmpf oeq, %select_n3A_820, %eq3A_922 : vector<64x128xf32>
    %eq3A_924 = vector.broadcast %broadcast_in_dim3A_881 : vector<64x1xi32> to vector<64x128xi32>
    %eq3A_925 = arith.cmpi eq, %select_n3A_726, %eq3A_924 : vector<64x128xi32>
    %and3A_926 = arith.andi %eq3A_923, %eq3A_925 : vector<64x128xi1>
    %jit3A_927 = arith.constant 0xFF800000 : f32
    %broadcast_in_dim3A_928 = vector.broadcast %jit3A_927 : f32 to vector<64x128xf32>
    %select_n3A_929 = arith.select %and3A_926, %broadcast_in_dim3A_928, %select_n3A_820 : vector<64x128xi1>, vector<64x128xf32>
    %eq3A_930 = vector.broadcast %broadcast_in_dim3A_846 : vector<64x1xf32> to vector<64x128xf32>
    %eq3A_931 = arith.cmpf oeq, %select_n3A_828, %eq3A_930 : vector<64x128xf32>
    %eq3A_932 = vector.broadcast %broadcast_in_dim3A_881 : vector<64x1xi32> to vector<64x128xi32>
    %eq3A_933 = arith.cmpi eq, %select_n3A_731, %eq3A_932 : vector<64x128xi32>
    %and3A_934 = arith.andi %eq3A_931, %eq3A_933 : vector<64x128xi1>
    %jit3A_935 = arith.constant 0xFF800000 : f32
    %broadcast_in_dim3A_936 = vector.broadcast %jit3A_935 : f32 to vector<64x128xf32>
    %select_n3A_937 = arith.select %and3A_934, %broadcast_in_dim3A_936, %select_n3A_828 : vector<64x128xi1>, vector<64x128xf32>
    %eq3A_938 = vector.broadcast %broadcast_in_dim3A_846 : vector<64x1xf32> to vector<64x128xf32>
    %eq3A_939 = arith.cmpf oeq, %select_n3A_836, %eq3A_938 : vector<64x128xf32>
    %eq3A_940 = vector.broadcast %broadcast_in_dim3A_881 : vector<64x1xi32> to vector<64x128xi32>
    %eq3A_941 = arith.cmpi eq, %select_n3A_734, %eq3A_940 : vector<64x128xi32>
    %and3A_942 = arith.andi %eq3A_939, %eq3A_941 : vector<64x128xi1>
    %jit3A_943 = arith.constant 0xFF800000 : f32
    %broadcast_in_dim3A_944 = vector.broadcast %jit3A_943 : f32 to vector<64x128xf32>
    %select_n3A_945 = arith.select %and3A_942, %broadcast_in_dim3A_944, %select_n3A_836 : vector<64x128xi1>, vector<64x128xf32>
    %max3A_946 = arith.maximumf %select_n3A_889, %select_n3A_897 : vector<64x128xf32>
    %max3A_947 = arith.maximumf %max3A_946, %select_n3A_905 : vector<64x128xf32>
    %max3A_948 = arith.maximumf %max3A_947, %select_n3A_913 : vector<64x128xf32>
    %max3A_949 = arith.maximumf %max3A_948, %select_n3A_921 : vector<64x128xf32>
    %max3A_950 = arith.maximumf %max3A_949, %select_n3A_929 : vector<64x128xf32>
    %max3A_951 = arith.maximumf %max3A_950, %select_n3A_937 : vector<64x128xf32>
    %max3A_952 = arith.maximumf %max3A_951, %select_n3A_945 : vector<64x128xf32>
    %reduce_max3A_953 = arith.constant dense<0xFF800000> : vector<64xf32>
    %reduce_max3A_954 = vector.multi_reduction <maximumf>, %max3A_952, %reduce_max3A_953 [1] : vector<64x128xf32> to vector<64xf32>
    %broadcast_in_dim3A_955 = vector.shape_cast %reduce_max3A_954 : vector<64xf32> to vector<64x1xf32>
    %eq3A_956 = vector.broadcast %broadcast_in_dim3A_955 : vector<64x1xf32> to vector<64x128xf32>
    %eq3A_957 = arith.cmpf oeq, %select_n3A_889, %eq3A_956 : vector<64x128xf32>
    %select_n3A_958 = arith.select %eq3A_957, %select_n3A_701, %broadcast_in_dim3A_2 : vector<64x128xi1>, vector<64x128xi32>
    %min3A_959 = arith.minsi %broadcast_in_dim3A_2, %select_n3A_958 : vector<64x128xi32>
    %eq3A_960 = vector.broadcast %broadcast_in_dim3A_955 : vector<64x1xf32> to vector<64x128xf32>
    %eq3A_961 = arith.cmpf oeq, %select_n3A_897, %eq3A_960 : vector<64x128xf32>
    %select_n3A_962 = arith.select %eq3A_961, %select_n3A_706, %broadcast_in_dim3A_2 : vector<64x128xi1>, vector<64x128xi32>
    %min3A_963 = arith.minsi %min3A_959, %select_n3A_962 : vector<64x128xi32>
    %eq3A_964 = vector.broadcast %broadcast_in_dim3A_955 : vector<64x1xf32> to vector<64x128xf32>
    %eq3A_965 = arith.cmpf oeq, %select_n3A_905, %eq3A_964 : vector<64x128xf32>
    %select_n3A_966 = arith.select %eq3A_965, %select_n3A_711, %broadcast_in_dim3A_2 : vector<64x128xi1>, vector<64x128xi32>
    %min3A_967 = arith.minsi %min3A_963, %select_n3A_966 : vector<64x128xi32>
    %eq3A_968 = vector.broadcast %broadcast_in_dim3A_955 : vector<64x1xf32> to vector<64x128xf32>
    %eq3A_969 = arith.cmpf oeq, %select_n3A_913, %eq3A_968 : vector<64x128xf32>
    %select_n3A_970 = arith.select %eq3A_969, %select_n3A_716, %broadcast_in_dim3A_2 : vector<64x128xi1>, vector<64x128xi32>
    %min3A_971 = arith.minsi %min3A_967, %select_n3A_970 : vector<64x128xi32>
    %eq3A_972 = vector.broadcast %broadcast_in_dim3A_955 : vector<64x1xf32> to vector<64x128xf32>
    %eq3A_973 = arith.cmpf oeq, %select_n3A_921, %eq3A_972 : vector<64x128xf32>
    %select_n3A_974 = arith.select %eq3A_973, %select_n3A_721, %broadcast_in_dim3A_2 : vector<64x128xi1>, vector<64x128xi32>
    %min3A_975 = arith.minsi %min3A_971, %select_n3A_974 : vector<64x128xi32>
    %eq3A_976 = vector.broadcast %broadcast_in_dim3A_955 : vector<64x1xf32> to vector<64x128xf32>
    %eq3A_977 = arith.cmpf oeq, %select_n3A_929, %eq3A_976 : vector<64x128xf32>
    %select_n3A_978 = arith.select %eq3A_977, %select_n3A_726, %broadcast_in_dim3A_2 : vector<64x128xi1>, vector<64x128xi32>
    %min3A_979 = arith.minsi %min3A_975, %select_n3A_978 : vector<64x128xi32>
    %eq3A_980 = vector.broadcast %broadcast_in_dim3A_955 : vector<64x1xf32> to vector<64x128xf32>
    %eq3A_981 = arith.cmpf oeq, %select_n3A_937, %eq3A_980 : vector<64x128xf32>
    %select_n3A_982 = arith.select %eq3A_981, %select_n3A_731, %broadcast_in_dim3A_2 : vector<64x128xi1>, vector<64x128xi32>
    %min3A_983 = arith.minsi %min3A_979, %select_n3A_982 : vector<64x128xi32>
    %eq3A_984 = vector.broadcast %broadcast_in_dim3A_955 : vector<64x1xf32> to vector<64x128xf32>
    %eq3A_985 = arith.cmpf oeq, %select_n3A_945, %eq3A_984 : vector<64x128xf32>
    %select_n3A_986 = arith.select %eq3A_985, %select_n3A_734, %broadcast_in_dim3A_2 : vector<64x128xi1>, vector<64x128xi32>
    %min3A_987 = arith.minsi %min3A_983, %select_n3A_986 : vector<64x128xi32>
    %reduce_min3A_988 = arith.constant dense<2147483647> : vector<64xi32>
    %reduce_min3A_989 = vector.multi_reduction <minsi>, %min3A_987, %reduce_min3A_988 [1] : vector<64x128xi32> to vector<64xi32>
    %broadcast_in_dim3A_990 = vector.shape_cast %reduce_min3A_989 : vector<64xi32> to vector<64x1xi32>
    %eq3A_991 = vector.broadcast %broadcast_in_dim3A_955 : vector<64x1xf32> to vector<64x128xf32>
    %eq3A_992 = arith.cmpf oeq, %select_n3A_889, %eq3A_991 : vector<64x128xf32>
    %eq3A_993 = vector.broadcast %broadcast_in_dim3A_990 : vector<64x1xi32> to vector<64x128xi32>
    %eq3A_994 = arith.cmpi eq, %select_n3A_701, %eq3A_993 : vector<64x128xi32>
    %and3A_995 = arith.andi %eq3A_992, %eq3A_994 : vector<64x128xi1>
    %jit3A_996 = arith.constant 0xFF800000 : f32
    %broadcast_in_dim3A_997 = vector.broadcast %jit3A_996 : f32 to vector<64x128xf32>
    %select_n3A_998 = arith.select %and3A_995, %broadcast_in_dim3A_997, %select_n3A_889 : vector<64x128xi1>, vector<64x128xf32>
    %eq3A_999 = vector.broadcast %broadcast_in_dim3A_955 : vector<64x1xf32> to vector<64x128xf32>
    %eq3A_1000 = arith.cmpf oeq, %select_n3A_897, %eq3A_999 : vector<64x128xf32>
    %eq3A_1001 = vector.broadcast %broadcast_in_dim3A_990 : vector<64x1xi32> to vector<64x128xi32>
    %eq3A_1002 = arith.cmpi eq, %select_n3A_706, %eq3A_1001 : vector<64x128xi32>
    %and3A_1003 = arith.andi %eq3A_1000, %eq3A_1002 : vector<64x128xi1>
    %jit3A_1004 = arith.constant 0xFF800000 : f32
    %broadcast_in_dim3A_1005 = vector.broadcast %jit3A_1004 : f32 to vector<64x128xf32>
    %select_n3A_1006 = arith.select %and3A_1003, %broadcast_in_dim3A_1005, %select_n3A_897 : vector<64x128xi1>, vector<64x128xf32>
    %eq3A_1007 = vector.broadcast %broadcast_in_dim3A_955 : vector<64x1xf32> to vector<64x128xf32>
    %eq3A_1008 = arith.cmpf oeq, %select_n3A_905, %eq3A_1007 : vector<64x128xf32>
    %eq3A_1009 = vector.broadcast %broadcast_in_dim3A_990 : vector<64x1xi32> to vector<64x128xi32>
    %eq3A_1010 = arith.cmpi eq, %select_n3A_711, %eq3A_1009 : vector<64x128xi32>
    %and3A_1011 = arith.andi %eq3A_1008, %eq3A_1010 : vector<64x128xi1>
    %jit3A_1012 = arith.constant 0xFF800000 : f32
    %broadcast_in_dim3A_1013 = vector.broadcast %jit3A_1012 : f32 to vector<64x128xf32>
    %select_n3A_1014 = arith.select %and3A_1011, %broadcast_in_dim3A_1013, %select_n3A_905 : vector<64x128xi1>, vector<64x128xf32>
    %eq3A_1015 = vector.broadcast %broadcast_in_dim3A_955 : vector<64x1xf32> to vector<64x128xf32>
    %eq3A_1016 = arith.cmpf oeq, %select_n3A_913, %eq3A_1015 : vector<64x128xf32>
    %eq3A_1017 = vector.broadcast %broadcast_in_dim3A_990 : vector<64x1xi32> to vector<64x128xi32>
    %eq3A_1018 = arith.cmpi eq, %select_n3A_716, %eq3A_1017 : vector<64x128xi32>
    %and3A_1019 = arith.andi %eq3A_1016, %eq3A_1018 : vector<64x128xi1>
    %jit3A_1020 = arith.constant 0xFF800000 : f32
    %broadcast_in_dim3A_1021 = vector.broadcast %jit3A_1020 : f32 to vector<64x128xf32>
    %select_n3A_1022 = arith.select %and3A_1019, %broadcast_in_dim3A_1021, %select_n3A_913 : vector<64x128xi1>, vector<64x128xf32>
    %eq3A_1023 = vector.broadcast %broadcast_in_dim3A_955 : vector<64x1xf32> to vector<64x128xf32>
    %eq3A_1024 = arith.cmpf oeq, %select_n3A_921, %eq3A_1023 : vector<64x128xf32>
    %eq3A_1025 = vector.broadcast %broadcast_in_dim3A_990 : vector<64x1xi32> to vector<64x128xi32>
    %eq3A_1026 = arith.cmpi eq, %select_n3A_721, %eq3A_1025 : vector<64x128xi32>
    %and3A_1027 = arith.andi %eq3A_1024, %eq3A_1026 : vector<64x128xi1>
    %jit3A_1028 = arith.constant 0xFF800000 : f32
    %broadcast_in_dim3A_1029 = vector.broadcast %jit3A_1028 : f32 to vector<64x128xf32>
    %select_n3A_1030 = arith.select %and3A_1027, %broadcast_in_dim3A_1029, %select_n3A_921 : vector<64x128xi1>, vector<64x128xf32>
    %eq3A_1031 = vector.broadcast %broadcast_in_dim3A_955 : vector<64x1xf32> to vector<64x128xf32>
    %eq3A_1032 = arith.cmpf oeq, %select_n3A_929, %eq3A_1031 : vector<64x128xf32>
    %eq3A_1033 = vector.broadcast %broadcast_in_dim3A_990 : vector<64x1xi32> to vector<64x128xi32>
    %eq3A_1034 = arith.cmpi eq, %select_n3A_726, %eq3A_1033 : vector<64x128xi32>
    %and3A_1035 = arith.andi %eq3A_1032, %eq3A_1034 : vector<64x128xi1>
    %jit3A_1036 = arith.constant 0xFF800000 : f32
    %broadcast_in_dim3A_1037 = vector.broadcast %jit3A_1036 : f32 to vector<64x128xf32>
    %select_n3A_1038 = arith.select %and3A_1035, %broadcast_in_dim3A_1037, %select_n3A_929 : vector<64x128xi1>, vector<64x128xf32>
    %eq3A_1039 = vector.broadcast %broadcast_in_dim3A_955 : vector<64x1xf32> to vector<64x128xf32>
    %eq3A_1040 = arith.cmpf oeq, %select_n3A_937, %eq3A_1039 : vector<64x128xf32>
    %eq3A_1041 = vector.broadcast %broadcast_in_dim3A_990 : vector<64x1xi32> to vector<64x128xi32>
    %eq3A_1042 = arith.cmpi eq, %select_n3A_731, %eq3A_1041 : vector<64x128xi32>
    %and3A_1043 = arith.andi %eq3A_1040, %eq3A_1042 : vector<64x128xi1>
    %jit3A_1044 = arith.constant 0xFF800000 : f32
    %broadcast_in_dim3A_1045 = vector.broadcast %jit3A_1044 : f32 to vector<64x128xf32>
    %select_n3A_1046 = arith.select %and3A_1043, %broadcast_in_dim3A_1045, %select_n3A_937 : vector<64x128xi1>, vector<64x128xf32>
    %eq3A_1047 = vector.broadcast %broadcast_in_dim3A_955 : vector<64x1xf32> to vector<64x128xf32>
    %eq3A_1048 = arith.cmpf oeq, %select_n3A_945, %eq3A_1047 : vector<64x128xf32>
    %eq3A_1049 = vector.broadcast %broadcast_in_dim3A_990 : vector<64x1xi32> to vector<64x128xi32>
    %eq3A_1050 = arith.cmpi eq, %select_n3A_734, %eq3A_1049 : vector<64x128xi32>
    %and3A_1051 = arith.andi %eq3A_1048, %eq3A_1050 : vector<64x128xi1>
    %jit3A_1052 = arith.constant 0xFF800000 : f32
    %broadcast_in_dim3A_1053 = vector.broadcast %jit3A_1052 : f32 to vector<64x128xf32>
    %select_n3A_1054 = arith.select %and3A_1051, %broadcast_in_dim3A_1053, %select_n3A_945 : vector<64x128xi1>, vector<64x128xf32>
    %max3A_1055 = arith.maximumf %select_n3A_998, %select_n3A_1006 : vector<64x128xf32>
    %max3A_1056 = arith.maximumf %max3A_1055, %select_n3A_1014 : vector<64x128xf32>
    %max3A_1057 = arith.maximumf %max3A_1056, %select_n3A_1022 : vector<64x128xf32>
    %max3A_1058 = arith.maximumf %max3A_1057, %select_n3A_1030 : vector<64x128xf32>
    %max3A_1059 = arith.maximumf %max3A_1058, %select_n3A_1038 : vector<64x128xf32>
    %max3A_1060 = arith.maximumf %max3A_1059, %select_n3A_1046 : vector<64x128xf32>
    %max3A_1061 = arith.maximumf %max3A_1060, %select_n3A_1054 : vector<64x128xf32>
    %reduce_max3A_1062 = arith.constant dense<0xFF800000> : vector<64xf32>
    %reduce_max3A_1063 = vector.multi_reduction <maximumf>, %max3A_1061, %reduce_max3A_1062 [1] : vector<64x128xf32> to vector<64xf32>
    %broadcast_in_dim3A_1064 = vector.shape_cast %reduce_max3A_1063 : vector<64xf32> to vector<64x1xf32>
    %eq3A_1065 = vector.broadcast %broadcast_in_dim3A_1064 : vector<64x1xf32> to vector<64x128xf32>
    %eq3A_1066 = arith.cmpf oeq, %select_n3A_998, %eq3A_1065 : vector<64x128xf32>
    %select_n3A_1067 = arith.select %eq3A_1066, %select_n3A_701, %broadcast_in_dim3A_2 : vector<64x128xi1>, vector<64x128xi32>
    %min3A_1068 = arith.minsi %broadcast_in_dim3A_2, %select_n3A_1067 : vector<64x128xi32>
    %eq3A_1069 = vector.broadcast %broadcast_in_dim3A_1064 : vector<64x1xf32> to vector<64x128xf32>
    %eq3A_1070 = arith.cmpf oeq, %select_n3A_1006, %eq3A_1069 : vector<64x128xf32>
    %select_n3A_1071 = arith.select %eq3A_1070, %select_n3A_706, %broadcast_in_dim3A_2 : vector<64x128xi1>, vector<64x128xi32>
    %min3A_1072 = arith.minsi %min3A_1068, %select_n3A_1071 : vector<64x128xi32>
    %eq3A_1073 = vector.broadcast %broadcast_in_dim3A_1064 : vector<64x1xf32> to vector<64x128xf32>
    %eq3A_1074 = arith.cmpf oeq, %select_n3A_1014, %eq3A_1073 : vector<64x128xf32>
    %select_n3A_1075 = arith.select %eq3A_1074, %select_n3A_711, %broadcast_in_dim3A_2 : vector<64x128xi1>, vector<64x128xi32>
    %min3A_1076 = arith.minsi %min3A_1072, %select_n3A_1075 : vector<64x128xi32>
    %eq3A_1077 = vector.broadcast %broadcast_in_dim3A_1064 : vector<64x1xf32> to vector<64x128xf32>
    %eq3A_1078 = arith.cmpf oeq, %select_n3A_1022, %eq3A_1077 : vector<64x128xf32>
    %select_n3A_1079 = arith.select %eq3A_1078, %select_n3A_716, %broadcast_in_dim3A_2 : vector<64x128xi1>, vector<64x128xi32>
    %min3A_1080 = arith.minsi %min3A_1076, %select_n3A_1079 : vector<64x128xi32>
    %eq3A_1081 = vector.broadcast %broadcast_in_dim3A_1064 : vector<64x1xf32> to vector<64x128xf32>
    %eq3A_1082 = arith.cmpf oeq, %select_n3A_1030, %eq3A_1081 : vector<64x128xf32>
    %select_n3A_1083 = arith.select %eq3A_1082, %select_n3A_721, %broadcast_in_dim3A_2 : vector<64x128xi1>, vector<64x128xi32>
    %min3A_1084 = arith.minsi %min3A_1080, %select_n3A_1083 : vector<64x128xi32>
    %eq3A_1085 = vector.broadcast %broadcast_in_dim3A_1064 : vector<64x1xf32> to vector<64x128xf32>
    %eq3A_1086 = arith.cmpf oeq, %select_n3A_1038, %eq3A_1085 : vector<64x128xf32>
    %select_n3A_1087 = arith.select %eq3A_1086, %select_n3A_726, %broadcast_in_dim3A_2 : vector<64x128xi1>, vector<64x128xi32>
    %min3A_1088 = arith.minsi %min3A_1084, %select_n3A_1087 : vector<64x128xi32>
    %eq3A_1089 = vector.broadcast %broadcast_in_dim3A_1064 : vector<64x1xf32> to vector<64x128xf32>
    %eq3A_1090 = arith.cmpf oeq, %select_n3A_1046, %eq3A_1089 : vector<64x128xf32>
    %select_n3A_1091 = arith.select %eq3A_1090, %select_n3A_731, %broadcast_in_dim3A_2 : vector<64x128xi1>, vector<64x128xi32>
    %min3A_1092 = arith.minsi %min3A_1088, %select_n3A_1091 : vector<64x128xi32>
    %eq3A_1093 = vector.broadcast %broadcast_in_dim3A_1064 : vector<64x1xf32> to vector<64x128xf32>
    %eq3A_1094 = arith.cmpf oeq, %select_n3A_1054, %eq3A_1093 : vector<64x128xf32>
    %select_n3A_1095 = arith.select %eq3A_1094, %select_n3A_734, %broadcast_in_dim3A_2 : vector<64x128xi1>, vector<64x128xi32>
    %min3A_1096 = arith.minsi %min3A_1092, %select_n3A_1095 : vector<64x128xi32>
    %reduce_min3A_1097 = arith.constant dense<2147483647> : vector<64xi32>
    %reduce_min3A_1098 = vector.multi_reduction <minsi>, %min3A_1096, %reduce_min3A_1097 [1] : vector<64x128xi32> to vector<64xi32>
    %broadcast_in_dim3A_1099 = vector.shape_cast %reduce_min3A_1098 : vector<64xi32> to vector<64x1xi32>
    %eq3A_1100 = vector.broadcast %broadcast_in_dim3A_1064 : vector<64x1xf32> to vector<64x128xf32>
    %eq3A_1101 = arith.cmpf oeq, %select_n3A_998, %eq3A_1100 : vector<64x128xf32>
    %eq3A_1102 = vector.broadcast %broadcast_in_dim3A_1099 : vector<64x1xi32> to vector<64x128xi32>
    %eq3A_1103 = arith.cmpi eq, %select_n3A_701, %eq3A_1102 : vector<64x128xi32>
    %and3A_1104 = arith.andi %eq3A_1101, %eq3A_1103 : vector<64x128xi1>
    %jit3A_1105 = arith.constant 0xFF800000 : f32
    %broadcast_in_dim3A_1106 = vector.broadcast %jit3A_1105 : f32 to vector<64x128xf32>
    %select_n3A_1107 = arith.select %and3A_1104, %broadcast_in_dim3A_1106, %select_n3A_998 : vector<64x128xi1>, vector<64x128xf32>
    %eq3A_1108 = vector.broadcast %broadcast_in_dim3A_1064 : vector<64x1xf32> to vector<64x128xf32>
    %eq3A_1109 = arith.cmpf oeq, %select_n3A_1006, %eq3A_1108 : vector<64x128xf32>
    %eq3A_1110 = vector.broadcast %broadcast_in_dim3A_1099 : vector<64x1xi32> to vector<64x128xi32>
    %eq3A_1111 = arith.cmpi eq, %select_n3A_706, %eq3A_1110 : vector<64x128xi32>
    %and3A_1112 = arith.andi %eq3A_1109, %eq3A_1111 : vector<64x128xi1>
    %jit3A_1113 = arith.constant 0xFF800000 : f32
    %broadcast_in_dim3A_1114 = vector.broadcast %jit3A_1113 : f32 to vector<64x128xf32>
    %select_n3A_1115 = arith.select %and3A_1112, %broadcast_in_dim3A_1114, %select_n3A_1006 : vector<64x128xi1>, vector<64x128xf32>
    %eq3A_1116 = vector.broadcast %broadcast_in_dim3A_1064 : vector<64x1xf32> to vector<64x128xf32>
    %eq3A_1117 = arith.cmpf oeq, %select_n3A_1014, %eq3A_1116 : vector<64x128xf32>
    %eq3A_1118 = vector.broadcast %broadcast_in_dim3A_1099 : vector<64x1xi32> to vector<64x128xi32>
    %eq3A_1119 = arith.cmpi eq, %select_n3A_711, %eq3A_1118 : vector<64x128xi32>
    %and3A_1120 = arith.andi %eq3A_1117, %eq3A_1119 : vector<64x128xi1>
    %jit3A_1121 = arith.constant 0xFF800000 : f32
    %broadcast_in_dim3A_1122 = vector.broadcast %jit3A_1121 : f32 to vector<64x128xf32>
    %select_n3A_1123 = arith.select %and3A_1120, %broadcast_in_dim3A_1122, %select_n3A_1014 : vector<64x128xi1>, vector<64x128xf32>
    %eq3A_1124 = vector.broadcast %broadcast_in_dim3A_1064 : vector<64x1xf32> to vector<64x128xf32>
    %eq3A_1125 = arith.cmpf oeq, %select_n3A_1022, %eq3A_1124 : vector<64x128xf32>
    %eq3A_1126 = vector.broadcast %broadcast_in_dim3A_1099 : vector<64x1xi32> to vector<64x128xi32>
    %eq3A_1127 = arith.cmpi eq, %select_n3A_716, %eq3A_1126 : vector<64x128xi32>
    %and3A_1128 = arith.andi %eq3A_1125, %eq3A_1127 : vector<64x128xi1>
    %jit3A_1129 = arith.constant 0xFF800000 : f32
    %broadcast_in_dim3A_1130 = vector.broadcast %jit3A_1129 : f32 to vector<64x128xf32>
    %select_n3A_1131 = arith.select %and3A_1128, %broadcast_in_dim3A_1130, %select_n3A_1022 : vector<64x128xi1>, vector<64x128xf32>
    %eq3A_1132 = vector.broadcast %broadcast_in_dim3A_1064 : vector<64x1xf32> to vector<64x128xf32>
    %eq3A_1133 = arith.cmpf oeq, %select_n3A_1030, %eq3A_1132 : vector<64x128xf32>
    %eq3A_1134 = vector.broadcast %broadcast_in_dim3A_1099 : vector<64x1xi32> to vector<64x128xi32>
    %eq3A_1135 = arith.cmpi eq, %select_n3A_721, %eq3A_1134 : vector<64x128xi32>
    %and3A_1136 = arith.andi %eq3A_1133, %eq3A_1135 : vector<64x128xi1>
    %jit3A_1137 = arith.constant 0xFF800000 : f32
    %broadcast_in_dim3A_1138 = vector.broadcast %jit3A_1137 : f32 to vector<64x128xf32>
    %select_n3A_1139 = arith.select %and3A_1136, %broadcast_in_dim3A_1138, %select_n3A_1030 : vector<64x128xi1>, vector<64x128xf32>
    %eq3A_1140 = vector.broadcast %broadcast_in_dim3A_1064 : vector<64x1xf32> to vector<64x128xf32>
    %eq3A_1141 = arith.cmpf oeq, %select_n3A_1038, %eq3A_1140 : vector<64x128xf32>
    %eq3A_1142 = vector.broadcast %broadcast_in_dim3A_1099 : vector<64x1xi32> to vector<64x128xi32>
    %eq3A_1143 = arith.cmpi eq, %select_n3A_726, %eq3A_1142 : vector<64x128xi32>
    %and3A_1144 = arith.andi %eq3A_1141, %eq3A_1143 : vector<64x128xi1>
    %jit3A_1145 = arith.constant 0xFF800000 : f32
    %broadcast_in_dim3A_1146 = vector.broadcast %jit3A_1145 : f32 to vector<64x128xf32>
    %select_n3A_1147 = arith.select %and3A_1144, %broadcast_in_dim3A_1146, %select_n3A_1038 : vector<64x128xi1>, vector<64x128xf32>
    %eq3A_1148 = vector.broadcast %broadcast_in_dim3A_1064 : vector<64x1xf32> to vector<64x128xf32>
    %eq3A_1149 = arith.cmpf oeq, %select_n3A_1046, %eq3A_1148 : vector<64x128xf32>
    %eq3A_1150 = vector.broadcast %broadcast_in_dim3A_1099 : vector<64x1xi32> to vector<64x128xi32>
    %eq3A_1151 = arith.cmpi eq, %select_n3A_731, %eq3A_1150 : vector<64x128xi32>
    %and3A_1152 = arith.andi %eq3A_1149, %eq3A_1151 : vector<64x128xi1>
    %jit3A_1153 = arith.constant 0xFF800000 : f32
    %broadcast_in_dim3A_1154 = vector.broadcast %jit3A_1153 : f32 to vector<64x128xf32>
    %select_n3A_1155 = arith.select %and3A_1152, %broadcast_in_dim3A_1154, %select_n3A_1046 : vector<64x128xi1>, vector<64x128xf32>
    %eq3A_1156 = vector.broadcast %broadcast_in_dim3A_1064 : vector<64x1xf32> to vector<64x128xf32>
    %eq3A_1157 = arith.cmpf oeq, %select_n3A_1054, %eq3A_1156 : vector<64x128xf32>
    %eq3A_1158 = vector.broadcast %broadcast_in_dim3A_1099 : vector<64x1xi32> to vector<64x128xi32>
    %eq3A_1159 = arith.cmpi eq, %select_n3A_734, %eq3A_1158 : vector<64x128xi32>
    %and3A_1160 = arith.andi %eq3A_1157, %eq3A_1159 : vector<64x128xi1>
    %jit3A_1161 = arith.constant 0xFF800000 : f32
    %broadcast_in_dim3A_1162 = vector.broadcast %jit3A_1161 : f32 to vector<64x128xf32>
    %select_n3A_1163 = arith.select %and3A_1160, %broadcast_in_dim3A_1162, %select_n3A_1054 : vector<64x128xi1>, vector<64x128xf32>
    %max3A_1164 = arith.maximumf %select_n3A_1107, %select_n3A_1115 : vector<64x128xf32>
    %max3A_1165 = arith.maximumf %max3A_1164, %select_n3A_1123 : vector<64x128xf32>
    %max3A_1166 = arith.maximumf %max3A_1165, %select_n3A_1131 : vector<64x128xf32>
    %max3A_1167 = arith.maximumf %max3A_1166, %select_n3A_1139 : vector<64x128xf32>
    %max3A_1168 = arith.maximumf %max3A_1167, %select_n3A_1147 : vector<64x128xf32>
    %max3A_1169 = arith.maximumf %max3A_1168, %select_n3A_1155 : vector<64x128xf32>
    %max3A_1170 = arith.maximumf %max3A_1169, %select_n3A_1163 : vector<64x128xf32>
    %reduce_max3A_1171 = arith.constant dense<0xFF800000> : vector<64xf32>
    %reduce_max3A_1172 = vector.multi_reduction <maximumf>, %max3A_1170, %reduce_max3A_1171 [1] : vector<64x128xf32> to vector<64xf32>
    %broadcast_in_dim3A_1173 = vector.shape_cast %reduce_max3A_1172 : vector<64xf32> to vector<64x1xf32>
    %eq3A_1174 = vector.broadcast %broadcast_in_dim3A_1173 : vector<64x1xf32> to vector<64x128xf32>
    %eq3A_1175 = arith.cmpf oeq, %select_n3A_1107, %eq3A_1174 : vector<64x128xf32>
    %select_n3A_1176 = arith.select %eq3A_1175, %select_n3A_701, %broadcast_in_dim3A_2 : vector<64x128xi1>, vector<64x128xi32>
    %min3A_1177 = arith.minsi %broadcast_in_dim3A_2, %select_n3A_1176 : vector<64x128xi32>
    %eq3A_1178 = vector.broadcast %broadcast_in_dim3A_1173 : vector<64x1xf32> to vector<64x128xf32>
    %eq3A_1179 = arith.cmpf oeq, %select_n3A_1115, %eq3A_1178 : vector<64x128xf32>
    %select_n3A_1180 = arith.select %eq3A_1179, %select_n3A_706, %broadcast_in_dim3A_2 : vector<64x128xi1>, vector<64x128xi32>
    %min3A_1181 = arith.minsi %min3A_1177, %select_n3A_1180 : vector<64x128xi32>
    %eq3A_1182 = vector.broadcast %broadcast_in_dim3A_1173 : vector<64x1xf32> to vector<64x128xf32>
    %eq3A_1183 = arith.cmpf oeq, %select_n3A_1123, %eq3A_1182 : vector<64x128xf32>
    %select_n3A_1184 = arith.select %eq3A_1183, %select_n3A_711, %broadcast_in_dim3A_2 : vector<64x128xi1>, vector<64x128xi32>
    %min3A_1185 = arith.minsi %min3A_1181, %select_n3A_1184 : vector<64x128xi32>
    %eq3A_1186 = vector.broadcast %broadcast_in_dim3A_1173 : vector<64x1xf32> to vector<64x128xf32>
    %eq3A_1187 = arith.cmpf oeq, %select_n3A_1131, %eq3A_1186 : vector<64x128xf32>
    %select_n3A_1188 = arith.select %eq3A_1187, %select_n3A_716, %broadcast_in_dim3A_2 : vector<64x128xi1>, vector<64x128xi32>
    %min3A_1189 = arith.minsi %min3A_1185, %select_n3A_1188 : vector<64x128xi32>
    %eq3A_1190 = vector.broadcast %broadcast_in_dim3A_1173 : vector<64x1xf32> to vector<64x128xf32>
    %eq3A_1191 = arith.cmpf oeq, %select_n3A_1139, %eq3A_1190 : vector<64x128xf32>
    %select_n3A_1192 = arith.select %eq3A_1191, %select_n3A_721, %broadcast_in_dim3A_2 : vector<64x128xi1>, vector<64x128xi32>
    %min3A_1193 = arith.minsi %min3A_1189, %select_n3A_1192 : vector<64x128xi32>
    %eq3A_1194 = vector.broadcast %broadcast_in_dim3A_1173 : vector<64x1xf32> to vector<64x128xf32>
    %eq3A_1195 = arith.cmpf oeq, %select_n3A_1147, %eq3A_1194 : vector<64x128xf32>
    %select_n3A_1196 = arith.select %eq3A_1195, %select_n3A_726, %broadcast_in_dim3A_2 : vector<64x128xi1>, vector<64x128xi32>
    %min3A_1197 = arith.minsi %min3A_1193, %select_n3A_1196 : vector<64x128xi32>
    %eq3A_1198 = vector.broadcast %broadcast_in_dim3A_1173 : vector<64x1xf32> to vector<64x128xf32>
    %eq3A_1199 = arith.cmpf oeq, %select_n3A_1155, %eq3A_1198 : vector<64x128xf32>
    %select_n3A_1200 = arith.select %eq3A_1199, %select_n3A_731, %broadcast_in_dim3A_2 : vector<64x128xi1>, vector<64x128xi32>
    %min3A_1201 = arith.minsi %min3A_1197, %select_n3A_1200 : vector<64x128xi32>
    %eq3A_1202 = vector.broadcast %broadcast_in_dim3A_1173 : vector<64x1xf32> to vector<64x128xf32>
    %eq3A_1203 = arith.cmpf oeq, %select_n3A_1163, %eq3A_1202 : vector<64x128xf32>
    %select_n3A_1204 = arith.select %eq3A_1203, %select_n3A_734, %broadcast_in_dim3A_2 : vector<64x128xi1>, vector<64x128xi32>
    %min3A_1205 = arith.minsi %min3A_1201, %select_n3A_1204 : vector<64x128xi32>
    %reduce_min3A_1206 = arith.constant dense<2147483647> : vector<64xi32>
    %reduce_min3A_1207 = vector.multi_reduction <minsi>, %min3A_1205, %reduce_min3A_1206 [1] : vector<64x128xi32> to vector<64xi32>
    %broadcast_in_dim3A_1208 = vector.shape_cast %reduce_min3A_1207 : vector<64xi32> to vector<64x1xi32>
    %eq3A_1209 = vector.broadcast %broadcast_in_dim3A_1173 : vector<64x1xf32> to vector<64x128xf32>
    %eq3A_1210 = arith.cmpf oeq, %select_n3A_1107, %eq3A_1209 : vector<64x128xf32>
    %eq3A_1211 = vector.broadcast %broadcast_in_dim3A_1208 : vector<64x1xi32> to vector<64x128xi32>
    %eq3A_1212 = arith.cmpi eq, %select_n3A_701, %eq3A_1211 : vector<64x128xi32>
    %and3A_1213 = arith.andi %eq3A_1210, %eq3A_1212 : vector<64x128xi1>
    %jit3A_1214 = arith.constant 0xFF800000 : f32
    %broadcast_in_dim3A_1215 = vector.broadcast %jit3A_1214 : f32 to vector<64x128xf32>
    %select_n3A_1216 = arith.select %and3A_1213, %broadcast_in_dim3A_1215, %select_n3A_1107 : vector<64x128xi1>, vector<64x128xf32>
    %eq3A_1217 = vector.broadcast %broadcast_in_dim3A_1173 : vector<64x1xf32> to vector<64x128xf32>
    %eq3A_1218 = arith.cmpf oeq, %select_n3A_1115, %eq3A_1217 : vector<64x128xf32>
    %eq3A_1219 = vector.broadcast %broadcast_in_dim3A_1208 : vector<64x1xi32> to vector<64x128xi32>
    %eq3A_1220 = arith.cmpi eq, %select_n3A_706, %eq3A_1219 : vector<64x128xi32>
    %and3A_1221 = arith.andi %eq3A_1218, %eq3A_1220 : vector<64x128xi1>
    %jit3A_1222 = arith.constant 0xFF800000 : f32
    %broadcast_in_dim3A_1223 = vector.broadcast %jit3A_1222 : f32 to vector<64x128xf32>
    %select_n3A_1224 = arith.select %and3A_1221, %broadcast_in_dim3A_1223, %select_n3A_1115 : vector<64x128xi1>, vector<64x128xf32>
    %eq3A_1225 = vector.broadcast %broadcast_in_dim3A_1173 : vector<64x1xf32> to vector<64x128xf32>
    %eq3A_1226 = arith.cmpf oeq, %select_n3A_1123, %eq3A_1225 : vector<64x128xf32>
    %eq3A_1227 = vector.broadcast %broadcast_in_dim3A_1208 : vector<64x1xi32> to vector<64x128xi32>
    %eq3A_1228 = arith.cmpi eq, %select_n3A_711, %eq3A_1227 : vector<64x128xi32>
    %and3A_1229 = arith.andi %eq3A_1226, %eq3A_1228 : vector<64x128xi1>
    %jit3A_1230 = arith.constant 0xFF800000 : f32
    %broadcast_in_dim3A_1231 = vector.broadcast %jit3A_1230 : f32 to vector<64x128xf32>
    %select_n3A_1232 = arith.select %and3A_1229, %broadcast_in_dim3A_1231, %select_n3A_1123 : vector<64x128xi1>, vector<64x128xf32>
    %eq3A_1233 = vector.broadcast %broadcast_in_dim3A_1173 : vector<64x1xf32> to vector<64x128xf32>
    %eq3A_1234 = arith.cmpf oeq, %select_n3A_1131, %eq3A_1233 : vector<64x128xf32>
    %eq3A_1235 = vector.broadcast %broadcast_in_dim3A_1208 : vector<64x1xi32> to vector<64x128xi32>
    %eq3A_1236 = arith.cmpi eq, %select_n3A_716, %eq3A_1235 : vector<64x128xi32>
    %and3A_1237 = arith.andi %eq3A_1234, %eq3A_1236 : vector<64x128xi1>
    %jit3A_1238 = arith.constant 0xFF800000 : f32
    %broadcast_in_dim3A_1239 = vector.broadcast %jit3A_1238 : f32 to vector<64x128xf32>
    %select_n3A_1240 = arith.select %and3A_1237, %broadcast_in_dim3A_1239, %select_n3A_1131 : vector<64x128xi1>, vector<64x128xf32>
    %eq3A_1241 = vector.broadcast %broadcast_in_dim3A_1173 : vector<64x1xf32> to vector<64x128xf32>
    %eq3A_1242 = arith.cmpf oeq, %select_n3A_1139, %eq3A_1241 : vector<64x128xf32>
    %eq3A_1243 = vector.broadcast %broadcast_in_dim3A_1208 : vector<64x1xi32> to vector<64x128xi32>
    %eq3A_1244 = arith.cmpi eq, %select_n3A_721, %eq3A_1243 : vector<64x128xi32>
    %and3A_1245 = arith.andi %eq3A_1242, %eq3A_1244 : vector<64x128xi1>
    %jit3A_1246 = arith.constant 0xFF800000 : f32
    %broadcast_in_dim3A_1247 = vector.broadcast %jit3A_1246 : f32 to vector<64x128xf32>
    %select_n3A_1248 = arith.select %and3A_1245, %broadcast_in_dim3A_1247, %select_n3A_1139 : vector<64x128xi1>, vector<64x128xf32>
    %eq3A_1249 = vector.broadcast %broadcast_in_dim3A_1173 : vector<64x1xf32> to vector<64x128xf32>
    %eq3A_1250 = arith.cmpf oeq, %select_n3A_1147, %eq3A_1249 : vector<64x128xf32>
    %eq3A_1251 = vector.broadcast %broadcast_in_dim3A_1208 : vector<64x1xi32> to vector<64x128xi32>
    %eq3A_1252 = arith.cmpi eq, %select_n3A_726, %eq3A_1251 : vector<64x128xi32>
    %and3A_1253 = arith.andi %eq3A_1250, %eq3A_1252 : vector<64x128xi1>
    %jit3A_1254 = arith.constant 0xFF800000 : f32
    %broadcast_in_dim3A_1255 = vector.broadcast %jit3A_1254 : f32 to vector<64x128xf32>
    %select_n3A_1256 = arith.select %and3A_1253, %broadcast_in_dim3A_1255, %select_n3A_1147 : vector<64x128xi1>, vector<64x128xf32>
    %eq3A_1257 = vector.broadcast %broadcast_in_dim3A_1173 : vector<64x1xf32> to vector<64x128xf32>
    %eq3A_1258 = arith.cmpf oeq, %select_n3A_1155, %eq3A_1257 : vector<64x128xf32>
    %eq3A_1259 = vector.broadcast %broadcast_in_dim3A_1208 : vector<64x1xi32> to vector<64x128xi32>
    %eq3A_1260 = arith.cmpi eq, %select_n3A_731, %eq3A_1259 : vector<64x128xi32>
    %and3A_1261 = arith.andi %eq3A_1258, %eq3A_1260 : vector<64x128xi1>
    %jit3A_1262 = arith.constant 0xFF800000 : f32
    %broadcast_in_dim3A_1263 = vector.broadcast %jit3A_1262 : f32 to vector<64x128xf32>
    %select_n3A_1264 = arith.select %and3A_1261, %broadcast_in_dim3A_1263, %select_n3A_1155 : vector<64x128xi1>, vector<64x128xf32>
    %eq3A_1265 = vector.broadcast %broadcast_in_dim3A_1173 : vector<64x1xf32> to vector<64x128xf32>
    %eq3A_1266 = arith.cmpf oeq, %select_n3A_1163, %eq3A_1265 : vector<64x128xf32>
    %eq3A_1267 = vector.broadcast %broadcast_in_dim3A_1208 : vector<64x1xi32> to vector<64x128xi32>
    %eq3A_1268 = arith.cmpi eq, %select_n3A_734, %eq3A_1267 : vector<64x128xi32>
    %and3A_1269 = arith.andi %eq3A_1266, %eq3A_1268 : vector<64x128xi1>
    %jit3A_1270 = arith.constant 0xFF800000 : f32
    %broadcast_in_dim3A_1271 = vector.broadcast %jit3A_1270 : f32 to vector<64x128xf32>
    %select_n3A_1272 = arith.select %and3A_1269, %broadcast_in_dim3A_1271, %select_n3A_1163 : vector<64x128xi1>, vector<64x128xf32>
    %max3A_1273 = arith.maximumf %select_n3A_1216, %select_n3A_1224 : vector<64x128xf32>
    %max3A_1274 = arith.maximumf %max3A_1273, %select_n3A_1232 : vector<64x128xf32>
    %max3A_1275 = arith.maximumf %max3A_1274, %select_n3A_1240 : vector<64x128xf32>
    %max3A_1276 = arith.maximumf %max3A_1275, %select_n3A_1248 : vector<64x128xf32>
    %max3A_1277 = arith.maximumf %max3A_1276, %select_n3A_1256 : vector<64x128xf32>
    %max3A_1278 = arith.maximumf %max3A_1277, %select_n3A_1264 : vector<64x128xf32>
    %max3A_1279 = arith.maximumf %max3A_1278, %select_n3A_1272 : vector<64x128xf32>
    %reduce_max3A_1280 = arith.constant dense<0xFF800000> : vector<64xf32>
    %reduce_max3A_1281 = vector.multi_reduction <maximumf>, %max3A_1279, %reduce_max3A_1280 [1] : vector<64x128xf32> to vector<64xf32>
    %broadcast_in_dim3A_1282 = vector.shape_cast %reduce_max3A_1281 : vector<64xf32> to vector<64x1xf32>
    %eq3A_1283 = vector.broadcast %broadcast_in_dim3A_1282 : vector<64x1xf32> to vector<64x128xf32>
    %eq3A_1284 = arith.cmpf oeq, %select_n3A_1216, %eq3A_1283 : vector<64x128xf32>
    %select_n3A_1285 = arith.select %eq3A_1284, %select_n3A_701, %broadcast_in_dim3A_2 : vector<64x128xi1>, vector<64x128xi32>
    %min3A_1286 = arith.minsi %broadcast_in_dim3A_2, %select_n3A_1285 : vector<64x128xi32>
    %eq3A_1287 = vector.broadcast %broadcast_in_dim3A_1282 : vector<64x1xf32> to vector<64x128xf32>
    %eq3A_1288 = arith.cmpf oeq, %select_n3A_1224, %eq3A_1287 : vector<64x128xf32>
    %select_n3A_1289 = arith.select %eq3A_1288, %select_n3A_706, %broadcast_in_dim3A_2 : vector<64x128xi1>, vector<64x128xi32>
    %min3A_1290 = arith.minsi %min3A_1286, %select_n3A_1289 : vector<64x128xi32>
    %eq3A_1291 = vector.broadcast %broadcast_in_dim3A_1282 : vector<64x1xf32> to vector<64x128xf32>
    %eq3A_1292 = arith.cmpf oeq, %select_n3A_1232, %eq3A_1291 : vector<64x128xf32>
    %select_n3A_1293 = arith.select %eq3A_1292, %select_n3A_711, %broadcast_in_dim3A_2 : vector<64x128xi1>, vector<64x128xi32>
    %min3A_1294 = arith.minsi %min3A_1290, %select_n3A_1293 : vector<64x128xi32>
    %eq3A_1295 = vector.broadcast %broadcast_in_dim3A_1282 : vector<64x1xf32> to vector<64x128xf32>
    %eq3A_1296 = arith.cmpf oeq, %select_n3A_1240, %eq3A_1295 : vector<64x128xf32>
    %select_n3A_1297 = arith.select %eq3A_1296, %select_n3A_716, %broadcast_in_dim3A_2 : vector<64x128xi1>, vector<64x128xi32>
    %min3A_1298 = arith.minsi %min3A_1294, %select_n3A_1297 : vector<64x128xi32>
    %eq3A_1299 = vector.broadcast %broadcast_in_dim3A_1282 : vector<64x1xf32> to vector<64x128xf32>
    %eq3A_1300 = arith.cmpf oeq, %select_n3A_1248, %eq3A_1299 : vector<64x128xf32>
    %select_n3A_1301 = arith.select %eq3A_1300, %select_n3A_721, %broadcast_in_dim3A_2 : vector<64x128xi1>, vector<64x128xi32>
    %min3A_1302 = arith.minsi %min3A_1298, %select_n3A_1301 : vector<64x128xi32>
    %eq3A_1303 = vector.broadcast %broadcast_in_dim3A_1282 : vector<64x1xf32> to vector<64x128xf32>
    %eq3A_1304 = arith.cmpf oeq, %select_n3A_1256, %eq3A_1303 : vector<64x128xf32>
    %select_n3A_1305 = arith.select %eq3A_1304, %select_n3A_726, %broadcast_in_dim3A_2 : vector<64x128xi1>, vector<64x128xi32>
    %min3A_1306 = arith.minsi %min3A_1302, %select_n3A_1305 : vector<64x128xi32>
    %eq3A_1307 = vector.broadcast %broadcast_in_dim3A_1282 : vector<64x1xf32> to vector<64x128xf32>
    %eq3A_1308 = arith.cmpf oeq, %select_n3A_1264, %eq3A_1307 : vector<64x128xf32>
    %select_n3A_1309 = arith.select %eq3A_1308, %select_n3A_731, %broadcast_in_dim3A_2 : vector<64x128xi1>, vector<64x128xi32>
    %min3A_1310 = arith.minsi %min3A_1306, %select_n3A_1309 : vector<64x128xi32>
    %eq3A_1311 = vector.broadcast %broadcast_in_dim3A_1282 : vector<64x1xf32> to vector<64x128xf32>
    %eq3A_1312 = arith.cmpf oeq, %select_n3A_1272, %eq3A_1311 : vector<64x128xf32>
    %select_n3A_1313 = arith.select %eq3A_1312, %select_n3A_734, %broadcast_in_dim3A_2 : vector<64x128xi1>, vector<64x128xi32>
    %min3A_1314 = arith.minsi %min3A_1310, %select_n3A_1313 : vector<64x128xi32>
    %reduce_min3A_1315 = arith.constant dense<2147483647> : vector<64xi32>
    %reduce_min3A_1316 = vector.multi_reduction <minsi>, %min3A_1314, %reduce_min3A_1315 [1] : vector<64x128xi32> to vector<64xi32>
    %broadcast_in_dim3A_1317 = vector.shape_cast %reduce_min3A_1316 : vector<64xi32> to vector<64x1xi32>
    %eq3A_1318 = vector.broadcast %broadcast_in_dim3A_1282 : vector<64x1xf32> to vector<64x128xf32>
    %eq3A_1319 = arith.cmpf oeq, %select_n3A_1216, %eq3A_1318 : vector<64x128xf32>
    %eq3A_1320 = vector.broadcast %broadcast_in_dim3A_1317 : vector<64x1xi32> to vector<64x128xi32>
    %eq3A_1321 = arith.cmpi eq, %select_n3A_701, %eq3A_1320 : vector<64x128xi32>
    %and3A_1322 = arith.andi %eq3A_1319, %eq3A_1321 : vector<64x128xi1>
    %jit3A_1323 = arith.constant 0xFF800000 : f32
    %broadcast_in_dim3A_1324 = vector.broadcast %jit3A_1323 : f32 to vector<64x128xf32>
    %select_n3A_1325 = arith.select %and3A_1322, %broadcast_in_dim3A_1324, %select_n3A_1216 : vector<64x128xi1>, vector<64x128xf32>
    %eq3A_1326 = vector.broadcast %broadcast_in_dim3A_1282 : vector<64x1xf32> to vector<64x128xf32>
    %eq3A_1327 = arith.cmpf oeq, %select_n3A_1224, %eq3A_1326 : vector<64x128xf32>
    %eq3A_1328 = vector.broadcast %broadcast_in_dim3A_1317 : vector<64x1xi32> to vector<64x128xi32>
    %eq3A_1329 = arith.cmpi eq, %select_n3A_706, %eq3A_1328 : vector<64x128xi32>
    %and3A_1330 = arith.andi %eq3A_1327, %eq3A_1329 : vector<64x128xi1>
    %jit3A_1331 = arith.constant 0xFF800000 : f32
    %broadcast_in_dim3A_1332 = vector.broadcast %jit3A_1331 : f32 to vector<64x128xf32>
    %select_n3A_1333 = arith.select %and3A_1330, %broadcast_in_dim3A_1332, %select_n3A_1224 : vector<64x128xi1>, vector<64x128xf32>
    %eq3A_1334 = vector.broadcast %broadcast_in_dim3A_1282 : vector<64x1xf32> to vector<64x128xf32>
    %eq3A_1335 = arith.cmpf oeq, %select_n3A_1232, %eq3A_1334 : vector<64x128xf32>
    %eq3A_1336 = vector.broadcast %broadcast_in_dim3A_1317 : vector<64x1xi32> to vector<64x128xi32>
    %eq3A_1337 = arith.cmpi eq, %select_n3A_711, %eq3A_1336 : vector<64x128xi32>
    %and3A_1338 = arith.andi %eq3A_1335, %eq3A_1337 : vector<64x128xi1>
    %jit3A_1339 = arith.constant 0xFF800000 : f32
    %broadcast_in_dim3A_1340 = vector.broadcast %jit3A_1339 : f32 to vector<64x128xf32>
    %select_n3A_1341 = arith.select %and3A_1338, %broadcast_in_dim3A_1340, %select_n3A_1232 : vector<64x128xi1>, vector<64x128xf32>
    %eq3A_1342 = vector.broadcast %broadcast_in_dim3A_1282 : vector<64x1xf32> to vector<64x128xf32>
    %eq3A_1343 = arith.cmpf oeq, %select_n3A_1240, %eq3A_1342 : vector<64x128xf32>
    %eq3A_1344 = vector.broadcast %broadcast_in_dim3A_1317 : vector<64x1xi32> to vector<64x128xi32>
    %eq3A_1345 = arith.cmpi eq, %select_n3A_716, %eq3A_1344 : vector<64x128xi32>
    %and3A_1346 = arith.andi %eq3A_1343, %eq3A_1345 : vector<64x128xi1>
    %jit3A_1347 = arith.constant 0xFF800000 : f32
    %broadcast_in_dim3A_1348 = vector.broadcast %jit3A_1347 : f32 to vector<64x128xf32>
    %select_n3A_1349 = arith.select %and3A_1346, %broadcast_in_dim3A_1348, %select_n3A_1240 : vector<64x128xi1>, vector<64x128xf32>
    %eq3A_1350 = vector.broadcast %broadcast_in_dim3A_1282 : vector<64x1xf32> to vector<64x128xf32>
    %eq3A_1351 = arith.cmpf oeq, %select_n3A_1248, %eq3A_1350 : vector<64x128xf32>
    %eq3A_1352 = vector.broadcast %broadcast_in_dim3A_1317 : vector<64x1xi32> to vector<64x128xi32>
    %eq3A_1353 = arith.cmpi eq, %select_n3A_721, %eq3A_1352 : vector<64x128xi32>
    %and3A_1354 = arith.andi %eq3A_1351, %eq3A_1353 : vector<64x128xi1>
    %jit3A_1355 = arith.constant 0xFF800000 : f32
    %broadcast_in_dim3A_1356 = vector.broadcast %jit3A_1355 : f32 to vector<64x128xf32>
    %select_n3A_1357 = arith.select %and3A_1354, %broadcast_in_dim3A_1356, %select_n3A_1248 : vector<64x128xi1>, vector<64x128xf32>
    %eq3A_1358 = vector.broadcast %broadcast_in_dim3A_1282 : vector<64x1xf32> to vector<64x128xf32>
    %eq3A_1359 = arith.cmpf oeq, %select_n3A_1256, %eq3A_1358 : vector<64x128xf32>
    %eq3A_1360 = vector.broadcast %broadcast_in_dim3A_1317 : vector<64x1xi32> to vector<64x128xi32>
    %eq3A_1361 = arith.cmpi eq, %select_n3A_726, %eq3A_1360 : vector<64x128xi32>
    %and3A_1362 = arith.andi %eq3A_1359, %eq3A_1361 : vector<64x128xi1>
    %jit3A_1363 = arith.constant 0xFF800000 : f32
    %broadcast_in_dim3A_1364 = vector.broadcast %jit3A_1363 : f32 to vector<64x128xf32>
    %select_n3A_1365 = arith.select %and3A_1362, %broadcast_in_dim3A_1364, %select_n3A_1256 : vector<64x128xi1>, vector<64x128xf32>
    %eq3A_1366 = vector.broadcast %broadcast_in_dim3A_1282 : vector<64x1xf32> to vector<64x128xf32>
    %eq3A_1367 = arith.cmpf oeq, %select_n3A_1264, %eq3A_1366 : vector<64x128xf32>
    %eq3A_1368 = vector.broadcast %broadcast_in_dim3A_1317 : vector<64x1xi32> to vector<64x128xi32>
    %eq3A_1369 = arith.cmpi eq, %select_n3A_731, %eq3A_1368 : vector<64x128xi32>
    %and3A_1370 = arith.andi %eq3A_1367, %eq3A_1369 : vector<64x128xi1>
    %jit3A_1371 = arith.constant 0xFF800000 : f32
    %broadcast_in_dim3A_1372 = vector.broadcast %jit3A_1371 : f32 to vector<64x128xf32>
    %select_n3A_1373 = arith.select %and3A_1370, %broadcast_in_dim3A_1372, %select_n3A_1264 : vector<64x128xi1>, vector<64x128xf32>
    %eq3A_1374 = vector.broadcast %broadcast_in_dim3A_1282 : vector<64x1xf32> to vector<64x128xf32>
    %eq3A_1375 = arith.cmpf oeq, %select_n3A_1272, %eq3A_1374 : vector<64x128xf32>
    %eq3A_1376 = vector.broadcast %broadcast_in_dim3A_1317 : vector<64x1xi32> to vector<64x128xi32>
    %eq3A_1377 = arith.cmpi eq, %select_n3A_734, %eq3A_1376 : vector<64x128xi32>
    %and3A_1378 = arith.andi %eq3A_1375, %eq3A_1377 : vector<64x128xi1>
    %jit3A_1379 = arith.constant 0xFF800000 : f32
    %broadcast_in_dim3A_1380 = vector.broadcast %jit3A_1379 : f32 to vector<64x128xf32>
    %select_n3A_1381 = arith.select %and3A_1378, %broadcast_in_dim3A_1380, %select_n3A_1272 : vector<64x128xi1>, vector<64x128xf32>
    %max3A_1382 = arith.maximumf %select_n3A_1325, %select_n3A_1333 : vector<64x128xf32>
    %max3A_1383 = arith.maximumf %max3A_1382, %select_n3A_1341 : vector<64x128xf32>
    %max3A_1384 = arith.maximumf %max3A_1383, %select_n3A_1349 : vector<64x128xf32>
    %max3A_1385 = arith.maximumf %max3A_1384, %select_n3A_1357 : vector<64x128xf32>
    %max3A_1386 = arith.maximumf %max3A_1385, %select_n3A_1365 : vector<64x128xf32>
    %max3A_1387 = arith.maximumf %max3A_1386, %select_n3A_1373 : vector<64x128xf32>
    %max3A_1388 = arith.maximumf %max3A_1387, %select_n3A_1381 : vector<64x128xf32>
    %reduce_max3A_1389 = arith.constant dense<0xFF800000> : vector<64xf32>
    %reduce_max3A_1390 = vector.multi_reduction <maximumf>, %max3A_1388, %reduce_max3A_1389 [1] : vector<64x128xf32> to vector<64xf32>
    %broadcast_in_dim3A_1391 = vector.shape_cast %reduce_max3A_1390 : vector<64xf32> to vector<64x1xf32>
    %eq3A_1392 = vector.broadcast %broadcast_in_dim3A_1391 : vector<64x1xf32> to vector<64x128xf32>
    %eq3A_1393 = arith.cmpf oeq, %select_n3A_1325, %eq3A_1392 : vector<64x128xf32>
    %select_n3A_1394 = arith.select %eq3A_1393, %select_n3A_701, %broadcast_in_dim3A_2 : vector<64x128xi1>, vector<64x128xi32>
    %min3A_1395 = arith.minsi %broadcast_in_dim3A_2, %select_n3A_1394 : vector<64x128xi32>
    %eq3A_1396 = vector.broadcast %broadcast_in_dim3A_1391 : vector<64x1xf32> to vector<64x128xf32>
    %eq3A_1397 = arith.cmpf oeq, %select_n3A_1333, %eq3A_1396 : vector<64x128xf32>
    %select_n3A_1398 = arith.select %eq3A_1397, %select_n3A_706, %broadcast_in_dim3A_2 : vector<64x128xi1>, vector<64x128xi32>
    %min3A_1399 = arith.minsi %min3A_1395, %select_n3A_1398 : vector<64x128xi32>
    %eq3A_1400 = vector.broadcast %broadcast_in_dim3A_1391 : vector<64x1xf32> to vector<64x128xf32>
    %eq3A_1401 = arith.cmpf oeq, %select_n3A_1341, %eq3A_1400 : vector<64x128xf32>
    %select_n3A_1402 = arith.select %eq3A_1401, %select_n3A_711, %broadcast_in_dim3A_2 : vector<64x128xi1>, vector<64x128xi32>
    %min3A_1403 = arith.minsi %min3A_1399, %select_n3A_1402 : vector<64x128xi32>
    %eq3A_1404 = vector.broadcast %broadcast_in_dim3A_1391 : vector<64x1xf32> to vector<64x128xf32>
    %eq3A_1405 = arith.cmpf oeq, %select_n3A_1349, %eq3A_1404 : vector<64x128xf32>
    %select_n3A_1406 = arith.select %eq3A_1405, %select_n3A_716, %broadcast_in_dim3A_2 : vector<64x128xi1>, vector<64x128xi32>
    %min3A_1407 = arith.minsi %min3A_1403, %select_n3A_1406 : vector<64x128xi32>
    %eq3A_1408 = vector.broadcast %broadcast_in_dim3A_1391 : vector<64x1xf32> to vector<64x128xf32>
    %eq3A_1409 = arith.cmpf oeq, %select_n3A_1357, %eq3A_1408 : vector<64x128xf32>
    %select_n3A_1410 = arith.select %eq3A_1409, %select_n3A_721, %broadcast_in_dim3A_2 : vector<64x128xi1>, vector<64x128xi32>
    %min3A_1411 = arith.minsi %min3A_1407, %select_n3A_1410 : vector<64x128xi32>
    %eq3A_1412 = vector.broadcast %broadcast_in_dim3A_1391 : vector<64x1xf32> to vector<64x128xf32>
    %eq3A_1413 = arith.cmpf oeq, %select_n3A_1365, %eq3A_1412 : vector<64x128xf32>
    %select_n3A_1414 = arith.select %eq3A_1413, %select_n3A_726, %broadcast_in_dim3A_2 : vector<64x128xi1>, vector<64x128xi32>
    %min3A_1415 = arith.minsi %min3A_1411, %select_n3A_1414 : vector<64x128xi32>
    %eq3A_1416 = vector.broadcast %broadcast_in_dim3A_1391 : vector<64x1xf32> to vector<64x128xf32>
    %eq3A_1417 = arith.cmpf oeq, %select_n3A_1373, %eq3A_1416 : vector<64x128xf32>
    %select_n3A_1418 = arith.select %eq3A_1417, %select_n3A_731, %broadcast_in_dim3A_2 : vector<64x128xi1>, vector<64x128xi32>
    %min3A_1419 = arith.minsi %min3A_1415, %select_n3A_1418 : vector<64x128xi32>
    %eq3A_1420 = vector.broadcast %broadcast_in_dim3A_1391 : vector<64x1xf32> to vector<64x128xf32>
    %eq3A_1421 = arith.cmpf oeq, %select_n3A_1381, %eq3A_1420 : vector<64x128xf32>
    %select_n3A_1422 = arith.select %eq3A_1421, %select_n3A_734, %broadcast_in_dim3A_2 : vector<64x128xi1>, vector<64x128xi32>
    %min3A_1423 = arith.minsi %min3A_1419, %select_n3A_1422 : vector<64x128xi32>
    %reduce_min3A_1424 = arith.constant dense<2147483647> : vector<64xi32>
    %reduce_min3A_1425 = vector.multi_reduction <minsi>, %min3A_1423, %reduce_min3A_1424 [1] : vector<64x128xi32> to vector<64xi32>
    %broadcast_in_dim3A_1426 = vector.shape_cast %reduce_min3A_1425 : vector<64xi32> to vector<64x1xi32>
    %eq3A_1427 = vector.broadcast %broadcast_in_dim3A_1391 : vector<64x1xf32> to vector<64x128xf32>
    %eq3A_1428 = arith.cmpf oeq, %select_n3A_1325, %eq3A_1427 : vector<64x128xf32>
    %eq3A_1429 = vector.broadcast %broadcast_in_dim3A_1426 : vector<64x1xi32> to vector<64x128xi32>
    %eq3A_1430 = arith.cmpi eq, %select_n3A_701, %eq3A_1429 : vector<64x128xi32>
    %and3A_1431 = arith.andi %eq3A_1428, %eq3A_1430 : vector<64x128xi1>
    %jit3A_1432 = arith.constant 0xFF800000 : f32
    %broadcast_in_dim3A_1433 = vector.broadcast %jit3A_1432 : f32 to vector<64x128xf32>
    %select_n3A_1434 = arith.select %and3A_1431, %broadcast_in_dim3A_1433, %select_n3A_1325 : vector<64x128xi1>, vector<64x128xf32>
    %eq3A_1435 = vector.broadcast %broadcast_in_dim3A_1391 : vector<64x1xf32> to vector<64x128xf32>
    %eq3A_1436 = arith.cmpf oeq, %select_n3A_1333, %eq3A_1435 : vector<64x128xf32>
    %eq3A_1437 = vector.broadcast %broadcast_in_dim3A_1426 : vector<64x1xi32> to vector<64x128xi32>
    %eq3A_1438 = arith.cmpi eq, %select_n3A_706, %eq3A_1437 : vector<64x128xi32>
    %and3A_1439 = arith.andi %eq3A_1436, %eq3A_1438 : vector<64x128xi1>
    %jit3A_1440 = arith.constant 0xFF800000 : f32
    %broadcast_in_dim3A_1441 = vector.broadcast %jit3A_1440 : f32 to vector<64x128xf32>
    %select_n3A_1442 = arith.select %and3A_1439, %broadcast_in_dim3A_1441, %select_n3A_1333 : vector<64x128xi1>, vector<64x128xf32>
    %eq3A_1443 = vector.broadcast %broadcast_in_dim3A_1391 : vector<64x1xf32> to vector<64x128xf32>
    %eq3A_1444 = arith.cmpf oeq, %select_n3A_1341, %eq3A_1443 : vector<64x128xf32>
    %eq3A_1445 = vector.broadcast %broadcast_in_dim3A_1426 : vector<64x1xi32> to vector<64x128xi32>
    %eq3A_1446 = arith.cmpi eq, %select_n3A_711, %eq3A_1445 : vector<64x128xi32>
    %and3A_1447 = arith.andi %eq3A_1444, %eq3A_1446 : vector<64x128xi1>
    %jit3A_1448 = arith.constant 0xFF800000 : f32
    %broadcast_in_dim3A_1449 = vector.broadcast %jit3A_1448 : f32 to vector<64x128xf32>
    %select_n3A_1450 = arith.select %and3A_1447, %broadcast_in_dim3A_1449, %select_n3A_1341 : vector<64x128xi1>, vector<64x128xf32>
    %eq3A_1451 = vector.broadcast %broadcast_in_dim3A_1391 : vector<64x1xf32> to vector<64x128xf32>
    %eq3A_1452 = arith.cmpf oeq, %select_n3A_1349, %eq3A_1451 : vector<64x128xf32>
    %eq3A_1453 = vector.broadcast %broadcast_in_dim3A_1426 : vector<64x1xi32> to vector<64x128xi32>
    %eq3A_1454 = arith.cmpi eq, %select_n3A_716, %eq3A_1453 : vector<64x128xi32>
    %and3A_1455 = arith.andi %eq3A_1452, %eq3A_1454 : vector<64x128xi1>
    %jit3A_1456 = arith.constant 0xFF800000 : f32
    %broadcast_in_dim3A_1457 = vector.broadcast %jit3A_1456 : f32 to vector<64x128xf32>
    %select_n3A_1458 = arith.select %and3A_1455, %broadcast_in_dim3A_1457, %select_n3A_1349 : vector<64x128xi1>, vector<64x128xf32>
    %eq3A_1459 = vector.broadcast %broadcast_in_dim3A_1391 : vector<64x1xf32> to vector<64x128xf32>
    %eq3A_1460 = arith.cmpf oeq, %select_n3A_1357, %eq3A_1459 : vector<64x128xf32>
    %eq3A_1461 = vector.broadcast %broadcast_in_dim3A_1426 : vector<64x1xi32> to vector<64x128xi32>
    %eq3A_1462 = arith.cmpi eq, %select_n3A_721, %eq3A_1461 : vector<64x128xi32>
    %and3A_1463 = arith.andi %eq3A_1460, %eq3A_1462 : vector<64x128xi1>
    %jit3A_1464 = arith.constant 0xFF800000 : f32
    %broadcast_in_dim3A_1465 = vector.broadcast %jit3A_1464 : f32 to vector<64x128xf32>
    %select_n3A_1466 = arith.select %and3A_1463, %broadcast_in_dim3A_1465, %select_n3A_1357 : vector<64x128xi1>, vector<64x128xf32>
    %eq3A_1467 = vector.broadcast %broadcast_in_dim3A_1391 : vector<64x1xf32> to vector<64x128xf32>
    %eq3A_1468 = arith.cmpf oeq, %select_n3A_1365, %eq3A_1467 : vector<64x128xf32>
    %eq3A_1469 = vector.broadcast %broadcast_in_dim3A_1426 : vector<64x1xi32> to vector<64x128xi32>
    %eq3A_1470 = arith.cmpi eq, %select_n3A_726, %eq3A_1469 : vector<64x128xi32>
    %and3A_1471 = arith.andi %eq3A_1468, %eq3A_1470 : vector<64x128xi1>
    %jit3A_1472 = arith.constant 0xFF800000 : f32
    %broadcast_in_dim3A_1473 = vector.broadcast %jit3A_1472 : f32 to vector<64x128xf32>
    %select_n3A_1474 = arith.select %and3A_1471, %broadcast_in_dim3A_1473, %select_n3A_1365 : vector<64x128xi1>, vector<64x128xf32>
    %eq3A_1475 = vector.broadcast %broadcast_in_dim3A_1391 : vector<64x1xf32> to vector<64x128xf32>
    %eq3A_1476 = arith.cmpf oeq, %select_n3A_1373, %eq3A_1475 : vector<64x128xf32>
    %eq3A_1477 = vector.broadcast %broadcast_in_dim3A_1426 : vector<64x1xi32> to vector<64x128xi32>
    %eq3A_1478 = arith.cmpi eq, %select_n3A_731, %eq3A_1477 : vector<64x128xi32>
    %and3A_1479 = arith.andi %eq3A_1476, %eq3A_1478 : vector<64x128xi1>
    %jit3A_1480 = arith.constant 0xFF800000 : f32
    %broadcast_in_dim3A_1481 = vector.broadcast %jit3A_1480 : f32 to vector<64x128xf32>
    %select_n3A_1482 = arith.select %and3A_1479, %broadcast_in_dim3A_1481, %select_n3A_1373 : vector<64x128xi1>, vector<64x128xf32>
    %eq3A_1483 = vector.broadcast %broadcast_in_dim3A_1391 : vector<64x1xf32> to vector<64x128xf32>
    %eq3A_1484 = arith.cmpf oeq, %select_n3A_1381, %eq3A_1483 : vector<64x128xf32>
    %eq3A_1485 = vector.broadcast %broadcast_in_dim3A_1426 : vector<64x1xi32> to vector<64x128xi32>
    %eq3A_1486 = arith.cmpi eq, %select_n3A_734, %eq3A_1485 : vector<64x128xi32>
    %and3A_1487 = arith.andi %eq3A_1484, %eq3A_1486 : vector<64x128xi1>
    %jit3A_1488 = arith.constant 0xFF800000 : f32
    %broadcast_in_dim3A_1489 = vector.broadcast %jit3A_1488 : f32 to vector<64x128xf32>
    %select_n3A_1490 = arith.select %and3A_1487, %broadcast_in_dim3A_1489, %select_n3A_1381 : vector<64x128xi1>, vector<64x128xf32>
    %max3A_1491 = arith.maximumf %select_n3A_1434, %select_n3A_1442 : vector<64x128xf32>
    %max3A_1492 = arith.maximumf %max3A_1491, %select_n3A_1450 : vector<64x128xf32>
    %max3A_1493 = arith.maximumf %max3A_1492, %select_n3A_1458 : vector<64x128xf32>
    %max3A_1494 = arith.maximumf %max3A_1493, %select_n3A_1466 : vector<64x128xf32>
    %max3A_1495 = arith.maximumf %max3A_1494, %select_n3A_1474 : vector<64x128xf32>
    %max3A_1496 = arith.maximumf %max3A_1495, %select_n3A_1482 : vector<64x128xf32>
    %max3A_1497 = arith.maximumf %max3A_1496, %select_n3A_1490 : vector<64x128xf32>
    %reduce_max3A_1498 = arith.constant dense<0xFF800000> : vector<64xf32>
    %reduce_max3A_1499 = vector.multi_reduction <maximumf>, %max3A_1497, %reduce_max3A_1498 [1] : vector<64x128xf32> to vector<64xf32>
    %broadcast_in_dim3A_1500 = vector.shape_cast %reduce_max3A_1499 : vector<64xf32> to vector<64x1xf32>
    %eq3A_1501 = vector.broadcast %broadcast_in_dim3A_1500 : vector<64x1xf32> to vector<64x128xf32>
    %eq3A_1502 = arith.cmpf oeq, %select_n3A_1434, %eq3A_1501 : vector<64x128xf32>
    %select_n3A_1503 = arith.select %eq3A_1502, %select_n3A_701, %broadcast_in_dim3A_2 : vector<64x128xi1>, vector<64x128xi32>
    %min3A_1504 = arith.minsi %broadcast_in_dim3A_2, %select_n3A_1503 : vector<64x128xi32>
    %eq3A_1505 = vector.broadcast %broadcast_in_dim3A_1500 : vector<64x1xf32> to vector<64x128xf32>
    %eq3A_1506 = arith.cmpf oeq, %select_n3A_1442, %eq3A_1505 : vector<64x128xf32>
    %select_n3A_1507 = arith.select %eq3A_1506, %select_n3A_706, %broadcast_in_dim3A_2 : vector<64x128xi1>, vector<64x128xi32>
    %min3A_1508 = arith.minsi %min3A_1504, %select_n3A_1507 : vector<64x128xi32>
    %eq3A_1509 = vector.broadcast %broadcast_in_dim3A_1500 : vector<64x1xf32> to vector<64x128xf32>
    %eq3A_1510 = arith.cmpf oeq, %select_n3A_1450, %eq3A_1509 : vector<64x128xf32>
    %select_n3A_1511 = arith.select %eq3A_1510, %select_n3A_711, %broadcast_in_dim3A_2 : vector<64x128xi1>, vector<64x128xi32>
    %min3A_1512 = arith.minsi %min3A_1508, %select_n3A_1511 : vector<64x128xi32>
    %eq3A_1513 = vector.broadcast %broadcast_in_dim3A_1500 : vector<64x1xf32> to vector<64x128xf32>
    %eq3A_1514 = arith.cmpf oeq, %select_n3A_1458, %eq3A_1513 : vector<64x128xf32>
    %select_n3A_1515 = arith.select %eq3A_1514, %select_n3A_716, %broadcast_in_dim3A_2 : vector<64x128xi1>, vector<64x128xi32>
    %min3A_1516 = arith.minsi %min3A_1512, %select_n3A_1515 : vector<64x128xi32>
    %eq3A_1517 = vector.broadcast %broadcast_in_dim3A_1500 : vector<64x1xf32> to vector<64x128xf32>
    %eq3A_1518 = arith.cmpf oeq, %select_n3A_1466, %eq3A_1517 : vector<64x128xf32>
    %select_n3A_1519 = arith.select %eq3A_1518, %select_n3A_721, %broadcast_in_dim3A_2 : vector<64x128xi1>, vector<64x128xi32>
    %min3A_1520 = arith.minsi %min3A_1516, %select_n3A_1519 : vector<64x128xi32>
    %eq3A_1521 = vector.broadcast %broadcast_in_dim3A_1500 : vector<64x1xf32> to vector<64x128xf32>
    %eq3A_1522 = arith.cmpf oeq, %select_n3A_1474, %eq3A_1521 : vector<64x128xf32>
    %select_n3A_1523 = arith.select %eq3A_1522, %select_n3A_726, %broadcast_in_dim3A_2 : vector<64x128xi1>, vector<64x128xi32>
    %min3A_1524 = arith.minsi %min3A_1520, %select_n3A_1523 : vector<64x128xi32>
    %eq3A_1525 = vector.broadcast %broadcast_in_dim3A_1500 : vector<64x1xf32> to vector<64x128xf32>
    %eq3A_1526 = arith.cmpf oeq, %select_n3A_1482, %eq3A_1525 : vector<64x128xf32>
    %select_n3A_1527 = arith.select %eq3A_1526, %select_n3A_731, %broadcast_in_dim3A_2 : vector<64x128xi1>, vector<64x128xi32>
    %min3A_1528 = arith.minsi %min3A_1524, %select_n3A_1527 : vector<64x128xi32>
    %eq3A_1529 = vector.broadcast %broadcast_in_dim3A_1500 : vector<64x1xf32> to vector<64x128xf32>
    %eq3A_1530 = arith.cmpf oeq, %select_n3A_1490, %eq3A_1529 : vector<64x128xf32>
    %select_n3A_1531 = arith.select %eq3A_1530, %select_n3A_734, %broadcast_in_dim3A_2 : vector<64x128xi1>, vector<64x128xi32>
    %min3A_1532 = arith.minsi %min3A_1528, %select_n3A_1531 : vector<64x128xi32>
    %reduce_min3A_1533 = arith.constant dense<2147483647> : vector<64xi32>
    %reduce_min3A_1534 = vector.multi_reduction <minsi>, %min3A_1532, %reduce_min3A_1533 [1] : vector<64x128xi32> to vector<64xi32>
    %broadcast_in_dim3A_1535 = vector.shape_cast %reduce_min3A_1534 : vector<64xi32> to vector<64x1xi32>
    %concatenate3A = tpu.concatenate %broadcast_in_dim3A_742, %broadcast_in_dim3A_846, %broadcast_in_dim3A_955, %broadcast_in_dim3A_1064, %broadcast_in_dim3A_1173, %broadcast_in_dim3A_1282, %broadcast_in_dim3A_1391, %broadcast_in_dim3A_1500 in 1 : vector<64x1xf32>, vector<64x1xf32>, vector<64x1xf32>, vector<64x1xf32>, vector<64x1xf32>, vector<64x1xf32>, vector<64x1xf32>, vector<64x1xf32> -> vector<64x8xf32>
    %concatenate3A_1536 = tpu.concatenate %broadcast_in_dim3A_774, %broadcast_in_dim3A_881, %broadcast_in_dim3A_990, %broadcast_in_dim3A_1099, %broadcast_in_dim3A_1208, %broadcast_in_dim3A_1317, %broadcast_in_dim3A_1426, %broadcast_in_dim3A_1535 in 1 : vector<64x1xi32>, vector<64x1xi32>, vector<64x1xi32>, vector<64x1xi32>, vector<64x1xi32>, vector<64x1xi32>, vector<64x1xi32>, vector<64x1xi32> -> vector<64x8xi32>
    %slice3A = vector.extract_strided_slice %concatenate3A {offsets = [0, 0], sizes = [64, 1], strides = [1, 1]} : vector<64x8xf32> to vector<64x1xf32>
    %sub3A = vector.broadcast %slice3A : vector<64x1xf32> to vector<64x8xf32>
    %sub3A_1537 = arith.subf %concatenate3A, %sub3A : vector<64x8xf32>
    %exp3A = math.exp %sub3A_1537 : vector<64x8xf32>
    %reduce_sum3A = arith.constant dense<0.000000e+00> : vector<64xf32>
    %reduce_sum3A_1538 = vector.multi_reduction <add>, %exp3A, %reduce_sum3A [1] : vector<64x8xf32> to vector<64xf32>
    %broadcast_in_dim3A_1539 = vector.shape_cast %reduce_sum3A_1538 : vector<64xf32> to vector<64x1xf32>
    %div3A = vector.broadcast %broadcast_in_dim3A_1539 : vector<64x1xf32> to vector<64x8xf32>
    %div3A_1540 = arith.divf %exp3A, %div3A : vector<64x8xf32>
    %broadcast_in_dim3A_1541 = arith.constant 0 : i32
    %broadcast_in_dim3A_1542 = vector.broadcast %broadcast_in_dim3A_1541 : i32 to vector<64x8xi32>
    %concatenate3A_1543 = tpu.concatenate %concatenate3A_1536, %broadcast_in_dim3A_1542 in 1 : vector<64x8xi32>, vector<64x8xi32> -> vector<64x16xi32>
    %swap3A = arith.constant 0 : index
    %swap3A_1544 = arith.constant 0 : index
    %swap3A_1545 = arith.constant 0 : index
    %swap3A_1546 = vector.load %arg3[%swap3A, %swap3A_1544, %swap3A_1545] : memref<1x64x16xi32, #tpu.memory_space<vmem>>, vector<1x64x16xi32>
    %swap3A_1547 = vector.shape_cast %swap3A_1546 : vector<1x64x16xi32> to vector<64x16xi32>
    %swap3A_1548 = vector.shape_cast %concatenate3A_1543 : vector<64x16xi32> to vector<1x64x16xi32>
    tpu.vector_store %arg3[%swap3A, %swap3A_1544, %swap3A_1545], %swap3A_1548 {strides = array<i32>} : memref<1x64x16xi32, #tpu.memory_space<vmem>>, vector<1x64x16xi32>,
    %broadcast_in_dim3A_1549 = arith.constant 0.000000e+00 : f32
    %broadcast_in_dim3A_1550 = vector.broadcast %broadcast_in_dim3A_1549 : f32 to vector<64x8xf32>
    %concatenate3A_1551 = tpu.concatenate %div3A_1540, %broadcast_in_dim3A_1550 in 1 : vector<64x8xf32>, vector<64x8xf32> -> vector<64x16xf32>
    %swap3A_1552 = arith.constant 0 : index
    %swap3A_1553 = arith.constant 0 : index
    %swap3A_1554 = arith.constant 0 : index
    %swap3A_1555 = vector.load %arg4[%swap3A_1552, %swap3A_1553, %swap3A_1554] : memref<1x64x16xf32, #tpu.memory_space<vmem>>, vector<1x64x16xf32>
    %swap3A_1556 = vector.shape_cast %swap3A_1555 : vector<1x64x16xf32> to vector<64x16xf32>
    %swap3A_1557 = vector.shape_cast %concatenate3A_1551 : vector<64x16xf32> to vector<1x64x16xf32>
    tpu.vector_store %arg4[%swap3A_1552, %swap3A_1553, %swap3A_1554], %swap3A_1557 {strides = array<i32>} : memref<1x64x16xf32, #tpu.memory_space<vmem>>, vector<1x64x16xf32>,
    return
  }
  func.func @transform_0(%arg0: i32, %arg1: i32) -> (i32, i32, i32) {
    %c0_i32 = arith.constant 0 : i32
    %c0_i32_0 = arith.constant 0 : i32
    return %arg0, %arg1, %c0_i32 : i32, i32, i32
  }
  func.func @transform_1(%arg0: i32, %arg1: i32) -> (i32, i32, i32) {
    %c0_i32 = arith.constant 0 : i32
    %c0_i32_0 = arith.constant 0 : i32
    return %arg0, %arg1, %c0_i32 : i32, i32, i32
  }
  func.func @transform_2(%arg0: i32, %arg1: i32) -> (i32, i32, i32) {
    %c0_i32 = arith.constant 0 : i32
    %c0_i32_0 = arith.constant 0 : i32
    return %arg0, %arg1, %c0_i32 : i32, i32, i32
  }
}

module attributes {stable_mosaic.version = 14 : i64} {
  func.func @_out_body(%arg0: i32, %arg1: i32, %arg2: memref<1x1024x512xf32, #tpu.memory_space<vmem>>, %arg3: memref<1024x1024xbf16, #tpu.memory_space<vmem>>, %arg4: memref<1024xf32, #tpu.memory_space<vmem>>, %arg5: memref<1x512x1024xf32, #tpu.memory_space<vmem>>) attributes {dimension_semantics = [#tpu.dimension_semantics<arbitrary>, #tpu.dimension_semantics<arbitrary>], iteration_bounds = array<i64: 1, 4>, scalar_prefetch = 0 : i64, scratch_operands = 0 : i64, tpu.core_type = #tpu.core_type<tc>, window_params = [{transform_indices = @transform_0, window_bounds = array<i64: 1, 1024, 512>}, {pipeline_mode = #tpu.pipeline_mode<synchronous>, transform_indices = @transform_1, window_bounds = array<i64: 1024, 1024>}, {pipeline_mode = #tpu.pipeline_mode<synchronous>, transform_indices = @transform_2, window_bounds = array<i64: 1024>}, {transform_indices = @transform_3, window_bounds = array<i64: 1, 512, 1024>}]} {
    %get3A = arith.constant 0 : index
    %get3A_0 = arith.constant 0 : index
    %get3A_1 = arith.constant 0 : index
    %get3A_2 = vector.load %arg2[%get3A, %get3A_0, %get3A_1] : memref<1x1024x512xf32, #tpu.memory_space<vmem>>, vector<1x1024x512xf32>
    %get3A_3 = vector.shape_cast %get3A_2 : vector<1x1024x512xf32> to vector<1024x512xf32>
    %convert_element_type3A = arith.truncf %get3A_3 : vector<1024x512xf32> to vector<1024x512xbf16>
    %get3A_4 = arith.constant 0 : index
    %get3A_5 = arith.constant 0 : index
    %get3A_6 = vector.load %arg3[%get3A_4, %get3A_5] : memref<1024x1024xbf16, #tpu.memory_space<vmem>>, vector<1024x1024xbf16>
    %dot_general3A = arith.constant dense<0.000000e+00> : vector<512x1024xf32>
    %dot_general3A_7 = tpu.matmul %convert_element_type3A, %get3A_6, %dot_general3A {dimension_numbers = #tpu.dot_dimension_numbers<[0], [0], [1], [1], [0, 1, 1, 1], [], []>, transpose_lhs_hint = false} : vector<1024x512xbf16>, vector<1024x1024xbf16>, vector<512x1024xf32> -> vector<512x1024xf32>
    %get3A_8 = arith.constant 0 : index
    %get3A_9 = vector.load %arg4[%get3A_8] : memref<1024xf32, #tpu.memory_space<vmem>>, vector<1024xf32>
    %broadcast_in_dim3A = vector.shape_cast %get3A_9 : vector<1024xf32> to vector<1x1024xf32>
    %add3A = vector.broadcast %broadcast_in_dim3A : vector<1x1024xf32> to vector<512x1024xf32>
    %add3A_10 = arith.addf %dot_general3A_7, %add3A : vector<512x1024xf32>
    %swap3A = arith.constant 0 : index
    %swap3A_11 = arith.constant 0 : index
    %swap3A_12 = arith.constant 0 : index
    %swap3A_13 = vector.load %arg5[%swap3A, %swap3A_11, %swap3A_12] : memref<1x512x1024xf32, #tpu.memory_space<vmem>>, vector<1x512x1024xf32>
    %swap3A_14 = vector.shape_cast %swap3A_13 : vector<1x512x1024xf32> to vector<512x1024xf32>
    %swap3A_15 = vector.shape_cast %add3A_10 : vector<512x1024xf32> to vector<1x512x1024xf32>
    tpu.vector_store %arg5[%swap3A, %swap3A_11, %swap3A_12], %swap3A_15 {strides = array<i32>} : memref<1x512x1024xf32, #tpu.memory_space<vmem>>, vector<1x512x1024xf32>,
    return
  }
  func.func @transform_0(%arg0: i32, %arg1: i32) -> (i32, i32, i32) {
    %c0_i32 = arith.constant 0 : i32
    %c0_i32_0 = arith.constant 0 : i32
    return %arg0, %c0_i32, %arg1 : i32, i32, i32
  }
  func.func @transform_1(%arg0: i32, %arg1: i32) -> (i32, i32) {
    %c0_i32 = arith.constant 0 : i32
    %c0_i32_0 = arith.constant 0 : i32
    %c0_i32_1 = arith.constant 0 : i32
    return %c0_i32, %c0_i32_0 : i32, i32
  }
  func.func @transform_2(%arg0: i32, %arg1: i32) -> i32 {
    %c0_i32 = arith.constant 0 : i32
    %c0_i32_0 = arith.constant 0 : i32
    return %c0_i32 : i32
  }
  func.func @transform_3(%arg0: i32, %arg1: i32) -> (i32, i32, i32) {
    %c0_i32 = arith.constant 0 : i32
    %c0_i32_0 = arith.constant 0 : i32
    return %arg0, %arg1, %c0_i32 : i32, i32, i32
  }
}

</mosaic_0001>

<sc_bundles>
// kernel: kernel.13.cloned.1.call-start
scs
__scs_entry_jumppad:
0x0: {  	(pc) =	sbr.rel $0x88, $3  }
0x1: {  	(tag) =	ssettag $0x0;
	lr =	simm.s32 $0x1  }
0x2: {  	[smem:$0x3F99] =	sst lr;
	_ =	strace $0xD0000000  }
0x3: {  	_ = 	snop  }
0x4: {  	_ = 	snop  }
0x5: {  	_ = 	snop  }
0x6: {  	_ = 	snop  }
0x7: {  	_ = 	snop  }
__scs_overlays_trampoline_lowered:
0x8: {  	[smem:$0x3FA8] =	sst s0  }
0x9: {  	[smem:$0x3FA9] =	sst s1  }
0xa: {  	[smem:$0x3FAA] =	sst s2  }
0xb: {  	[smem:$0x3FAB] =	sst s3  }
0xc: {  	[smem:$0x3FAC] =	sst s4  }
0xd: {  	[smem:$0x3FAD] =	sst s5  }
0xe: {  	[smem:$0x3FAE] =	sst s6  }
0xf: {  	[smem:$0x3FAF] =	sst s7  }
0x10: {  	[smem:$0x3FB0] =	sst s8  }
0x11: {  	[smem:$0x3FB1] =	sst s9;
	s0 =	simm.s32 @!p0 $0x0  }
0x12: {  	s1 =	sld [smem:$0x3F97];
	s0 =	simm.s32 @p0 $0x1  }
0x13: {  	[smem:$0x3FB2] =	sst s0;
	s0 =	simm.s32 @!p1 $0x0  }
0x14: {  	s2 =	sld [smem:$0x3F96];
	s0 =	simm.s32 @p1 $0x1  }
0x15: {  	[smem:$0x3FB3] =	sst s0;
	s0 =	simm.s32 @!p2 $0x0  }
0x16: {  	s3 =	sld [smem:$0x3FDB];
	s0 =	simm.s32 @p2 $0x1  }
0x17: {  	s4 =	simm.s32 $0x1BF5;
	[smem:$0x3FB5] =	sst s0  }
0x18: {  	s0 =	sld [smem:$0x3F98];
	_ =	swait.ge [sflag:s4], $0x0  }
0x19: {  	s7 =	sld [smem:$0x3F99]  }
0x1a: {  	s8 =	sadd.s32 $0xFFFFE003, lr  }
0x1b: {  	s9 =	sadd.s32 $0xFFFFFEF7, lr;
	s5 =	simm.s32 $0xFFFFFFFF;
	p2 =	slt.u32 s8, $0xFFFFF086  }
0x1c: {  	p1 =	slt.u32 s9, $0xF7A;
	s5 =	simm.s32 @!p2 $0x0  }
0x1d: {  	s5 =	simm.s32 @p1 $0x1;
	p0 =	seq.s32 s7, s2  }
0x1e: {  	s7 =	smul.u32 @!p0 $0xF7A, s2;
	p2 =	seq.s32 @!p0 s5, $0x0  }
0x1f: {  	s9 =	smul.u32 $0xF7A, s1;
	s8 =	simm.s32 @!p0 $0x1BF5;
	p2 =	por !p2, p0  }
0x20: {  	[sflag:s8] =	ssyncset.s32 @!p0 $0xFFFFF086;
	s6 =	sadd.s32 @!p0 s3, s7;
	s7 =	simm.s32 @!p0 $0x108  }
0x21: {  	s3 =	sadd.s32 s3, s9;
	s6 =	sadd.s32 @!p0 $0x88, s6;
	s7 =	simm.s32 @p2 $0x1082  }
0x22: {  	[simem:s7], [sflag:s8] =	dma.local @!p0 [hbm:s6], $0xF7A  }
0x23: {  	s9 =	sor.u32 $0xD0000000, s2;
	s6 =	simm.s32 $0x108;
	_ =	swait.ge @!p0 [sflag:s8], $0x0  }
0x24: {  	s3 =	sadd.s32 $0x88, s3;
	s6 =	simm.s32 @!p1 $0x1082;
	[sflag:s4] =	ssyncset.s32 $0xFFFFF086  }
0x25: {  	[simem:s6], [sflag:s4] =	dma.local [hbm:s3], $0xF7A  }
0x26: {  	[smem:$0x3F99] =	sst s1;
	(tag) =	ssettag s2;
	_ =	strace s9  }
0x27: {  	s1 =	sld [smem:$0x3FA9]  }
0x28: {  	s2 =	sld [smem:$0x3FAA]  }
0x29: {  	s4 =	sld [smem:$0x3FAC]  }
0x2a: {  	p0 =	seq.s32 s5, $0x0;
	s5 =	sld [smem:$0x3FAD]  }
0x2b: {  	s6 =	sld [smem:$0x3FAE]  }
0x2c: {  	s7 =	sld [smem:$0x3FAF]  }
0x2d: {  	s3 =	simm.s32 $0x108;
	s8 =	sld [smem:$0x3FB0]  }
0x2e: {  	s3 =	simm.s32 @!p0 $0x1082;
	s9 =	sld [smem:$0x3FB1]  }
0x2f: {  	lr =	sadd.s32 s0, s3;
	s0 =	sld [smem:$0x3FA8]  }
0x30: {  	s3 =	sld [smem:$0x3FAB]  }
0x31: {  	[smem:$0x3FB4] =	sst s10  }
0x32: {  	s10 =	sld [smem:$0x3FB2];
	_ =	sdelay $0x3  }
0x33: {  	p0 =	seq.s32 s10, $0x1;
	s10 =	sld [smem:$0x3FB4];
	_ =	sdelay $0x3  }
0x34: {  	[smem:$0x3FB4] =	sst s10  }
0x35: {  	s10 =	sld [smem:$0x3FB3];
	_ =	sdelay $0x3  }
0x36: {  	p1 =	seq.s32 s10, $0x1;
	s10 =	sld [smem:$0x3FB4];
	_ =	sdelay $0x3  }
0x37: {  	[smem:$0x3FB4] =	sst s10  }
0x38: {  	s10 =	sld [smem:$0x3FB5]  }
0x39: {  	_ = 	snop;
	(pc) =	sbr.ind lr, $3  }
0x3a: {  	_ = 	snop  }
0x3b: {  	_ = 	snop  }
0x3c: {  	p2 =	seq.s32 s10, $0x1;
	s10 =	sld [smem:$0x3FB4]  }
0x3d: {  	_ =	shalt  }
0x3e: {  	_ =	shalt  }
0x3f: {  	_ =	shalt  }
0x40: {  	_ =	shalt  }
0x41: {  	_ =	shalt  }
0x42: {  	_ =	shalt  }
0x43: {  	_ =	shalt  }
0x44: {  	_ =	shalt  }
0x45: {  	_ =	shalt  }
0x46: {  	_ =	shalt  }
0x47: {  	_ =	shalt  }
0x48: {  	_ =	shalt  }
0x49: {  	_ =	shalt  }
0x4a: {  	_ =	shalt  }
0x4b: {  	_ =	shalt  }
0x4c: {  	_ =	shalt  }
0x4d: {  	_ =	shalt  }
0x4e: {  	_ =	shalt  }
0x4f: {  	_ =	shalt  }
0x50: {  	_ =	shalt  }
0x51: {  	_ =	shalt  }
0x52: {  	_ =	shalt  }
0x53: {  	_ =	shalt  }
0x54: {  	_ =	shalt  }
0x55: {  	_ =	shalt  }
0x56: {  	_ =	shalt  }
0x57: {  	_ =	shalt  }
0x58: {  	_ =	shalt  }
0x59: {  	_ =	shalt  }
0x5a: {  	_ =	shalt  }
0x5b: {  	_ =	shalt  }
0x5c: {  	_ =	shalt  }
0x5d: {  	_ =	shalt  }
0x5e: {  	_ =	shalt  }
0x5f: {  	_ =	shalt  }
0x60: {  	_ =	shalt  }
0x61: {  	_ =	shalt  }
0x62: {  	_ =	shalt  }
0x63: {  	_ =	shalt  }
0x64: {  	_ =	shalt  }
0x65: {  	_ =	shalt  }
0x66: {  	_ =	shalt  }
0x67: {  	_ =	shalt  }
0x68: {  	_ =	shalt  }
0x69: {  	_ =	shalt  }
0x6a: {  	_ =	shalt  }
0x6b: {  	_ =	shalt  }
0x6c: {  	_ =	shalt  }
0x6d: {  	_ =	shalt  }
0x6e: {  	_ =	shalt  }
0x6f: {  	_ =	shalt  }
0x70: {  	_ =	shalt  }
0x71: {  	_ =	shalt  }
0x72: {  	_ =	shalt  }
0x73: {  	_ =	shalt  }
0x74: {  	_ =	shalt  }
0x75: {  	_ =	shalt  }
0x76: {  	_ =	shalt  }
0x77: {  	_ =	shalt  }
0x78: {  	_ =	shalt  }
0x79: {  	_ =	shalt  }
0x7a: {  	_ =	shalt  }
0x7b: {  	_ =	shalt  }
0x7c: {  	_ =	shalt  }
0x7d: {  	_ =	shalt  }
0x7e: {  	_ =	shalt  }
0x7f: {  	_ =	shalt  }
0x80: {  	_ =	shalt  }
0x81: {  	_ =	shalt  }
0x82: {  	_ =	shalt  }
0x83: {  	_ =	shalt  }
0x84: {  	_ =	shalt  }
0x85: {  	_ =	shalt  }
0x86: {  	_ =	shalt  }
0x87: {  	_ =	shalt  }
.Lfunc_end0:
.L_simem_size_0:
called_computation_lowered:
.L_overlay_start_0:
0x88: {  	s2 =	sld [smem:$0x3FD9]  }
0x89: {  	s3 =	sld [smem:$0x3FFE];
	_ =	sdelay $0x1  }
0x8a: {  	s1 =	srdreg.scid  }
0x8b: {  	s0 =	sand.u32 $0x1, s1  }
0x8c: {  	s16 =	sshll.u32 s0, $0xA;
	s2 =	sadd.s32 s3, s2  }
0x8d: {  	s2 =	sadd.s32 s2, s16  }
0x8e: {  	[smem:$0x3FC0] =	sst s2  }
0x8f: {  	_ = 	snop  }
0x90: {  	(tm) =	ssettm $0x1  }
0x91: {  	s17 =	sld [smem:$0x3FFB];
	_ =	sdelay $0x3  }
0x92: {  	_ =	strace s17  }
0x93: {  	s2 =	sld [smem:$0x3FFC];
	_ =	sdelay $0x3  }
0x94: {  	_ =	strace s2  }
0x95: {  	s2 =	sld [smem:$0x3FFD];
	_ =	sdelay $0x3  }
0x96: {  	_ =	strace s2  }
0x97: {  	_ =	strace $0x8FFFFFFF  }
0x98: {  	s18 =	sld [smem:$0x3FDB];
	_ =	sdelay $0x1  }
0x99: {  	s19 =	simm.s32 $_scs_section_size  }
0x9a: {  	s4 =	simm.s32 $_size__tile_overlayer_lowered;
	s5 =	simm.s32 $_tile_overlayer_lowered  }
0x9b: {  	s22 =	simm.s32 $0x1BFF;
	s21 =	sshll.u32 s5, $0x1;
	s2 =	sadd.s32 s19, s18  }
0x9c: {  	s6 =	simm.s32 $0x0;
	s20 =	sshll.u32 s4, $0x1;
	s4 =	sadd.s32 s21, s2  }
0x9d: {  	[timem:s6], [sflag:s22] =	dma.local [hbm:s4], s20  }
0x9e: {  	_ =	swait.ge [sflag:s22], s20  }
0x9f: {  	s3 =	ssub.s32 $0x0, s20;
	[sflag:s22] =	ssyncset.done $0x0  }
0xa0: {  	[sflag:s22] =	ssyncadd.s32 s3;
	_ =	sdelay $0x1  }
0xa1: {  	s23 =	simm.s32 $0x1B8B  }
0xa2: {  	_ =	swait.ge [sflag:s23], $0x1  }
0xa3: {  	[sflag:s23] =	ssyncset.done $0x0  }
0xa4: {  	s25 =	simm.s32 $0x1B8E;
	s24 =	sld [smem:$0x3FFE];
	[sflag:s23] =	ssyncadd.s32 $0xFFFFFFFF  }
0xa5: {  	s26 =	simm.s32 $execute0_lowered;
	[smem:$0x3FD2] =	sst s25  }
0xa6: {  	s4 =	sshll.u32 s26, $0x1;
	_ =	strace $0x80000046;
	[dreg:$0x1] =	wrdreg $0xFFFFFFFF  }
0xa7: {  	s28 =	simm.s32 $_size_execute0_lowered;
	s2 =	sadd.s32 s2, s4;
	[dreg:$0x0] =	wrdreg $0x0  }
0xa8: {  	s4 =	sshll.u32 s28, $0x1;
	[dreg:$0x2] =	wrdreg s2  }
0xa9: {  	[dreg:$0x3] =	wrdreg s4  }
0xaa: {  	[dreg:$0x4] =	wrdreg $0xC0  }
0xab: {  	_ =	task [dreg:s6], $0x5FFFF  }
0xac: {  	[dreg:$0x1] =	wrdreg $0xFFFFFFFF  }
0xad: {  	[dreg:$0x0] =	wrdreg $0x60  }
0xae: {  	[dreg:$0x2] =	wrdreg s24  }
0xaf: {  	[dreg:$0x3] =	wrdreg $0x9  }
0xb0: {  	_ =	task.clear_ibuf [dreg:s6], $0x4FFFF;
	_ =	strace $0x90000046  }
0xb1: {  	s29 =	simm.s32 $0x9;
	_ =	strace $0x80000048  }
0xb2: {  	_ =	swait.ge [sflag:s29], $0x1  }
0xb3: {  	[sflag:s29] =	ssyncadd.s32 $0xFFFFFFFF  }
0xb4: {  	_ =	strace $0x90000048  }
0xb5: {  	_ =	sfence  }
0xb6: {  	s30 =	sld [smem:$0x0];
	_ =	sdelay $0x2  }
0xb7: {  	s31 =	sshll.u32 s1, $0xD;
	s1 =	sshrl.u32 s1, $0x2  }
0xb8: {  	s3 =	sand.u32 $0x4000, s31;
	s1 =	sadd.s32 s1, s30  }
0xb9: {  	s0 =	sor.u32 s3, s0;
	s1 =	sshll.u32 s1, $0x11  }
0xba: {  	s0 =	sor.u32 s1, s0  }
0xbb: {  	s0 =	sadd.s32 $0x8F2B, s0  }
0xbc: {  	[sflag:s0] =	ssyncadd.remote.s32 $0x1  }
0xbd: {  	_ =	sfence.sel $0xFFFF  }
0xbe: {  	[dreg:$0x0] =	wrdreg $0xFFFFFFFF;
	(pc) =	sbr.abs _section_cstart, $3  }
0xbf: {  	[dreg:$0x1] =	wrdreg $0xFFFFFFFF  }
0xc0: {  	_ =	task.clear_ibuf [dreg:s6], $0x2FFFF;
	_ =	strace $0x9FFFFFFF  }
0xc1: {  	(tm) =	ssettm $0x7FFFFFFF  }
tec
execute0_lowered:
.L_overlay_start_1:
0x0: {  	(tag) =	ssettag $0x1  }
0x1: {  	s0 =	rddreg [dreg:$0x0]  }
0x2: {  	s1 =	srdreg.scid;
	s3 =	stileid.u32  }
0x3: {  	s2 =	simm.s32 $0x0;
	s13 =	simm.s32 $0x400;
	s14 =	simm.s32 $0xC00  }
0x4: {  	s15 =	simm.s32 $0x1400;
	s16 =	simm.s32 $0x1C00;
	s17 =	simm.s32 $0x2  }
0x5: {  	s18 =	simm.s32 $0x2400;
	s19 =	simm.s32 $0x3;
	s1 =	sand.u32 $0x1, s1  }
0x6: {  	s3 =	sshll.u32 s3, $0x6;
	[smem:$0x7FF] =	sst s2;
	s4 =	sshll.u32 s1, $0x5  }
0x7: {  	_ =	strace $0x80000047;
	s1 =	ssub.s32 $0x2, s1;
	s3 =	sor.u32 s4, s3  }
0x8: {  	s4 =	sadd.s32 $0x106800, s0;
	s7 =	sshrl.u32 s1, $0x1;
	s29 =	sshll.u32 s3, $0x8  }
0x9: {  	s5 =	sshll.u32 s3, $0x1;
	s1 =	ssub.s32 s1, s7;
	s30 =	sadd.s32 s4, s29  }
0xa: {  	s6 =	sadd.s32 s5, s0;
	s31 =	smax.u32 s1, $0x1;
	[dreg:$0xc] =	wrdreg s30  }
0xb: {  	s20 =	simm.s32 $0x2C00;
	s8 =	sadd.s32 $0x7000, s6;
	[dreg:$0xd] =	wrdreg s31  }
0xc: {  	s23 =	simm.s32 $0x0;
	s6 =	sadd.s32 $0x6800, s6;
	[dreg:$0xa] =	wrdreg s8  }
0xd: {  	s9 =	sadd.s32 $0x106900, s0;
	s5 =	sadd.s32 $0x7800, s0;
	[dreg:$0xb] =	wrdreg s6  }
.LBB2_1:
0xe: {  	s0 =	rddreg [dreg:$0xa];
	s1 =	simm.s32 $0x1  }
0xf: {  	[tilespmem:s2], [sflag:$0x1] =	stream.linear.gather [hbm4b:s0+s2], $0x200, $0x38;
	[tilespmem:$0x3400] =	vst v63  }
0x10: {  	_ =	swait.ge [sflag:s1], $0x200  }
0x11: {  	[sflag:s1] =	ssyncset.done $0x0  }
0x12: {  	s6 =	simm.s32 $0x200;
	s30 =	rddreg [dreg:$0xb];
	[sflag:s1] =	ssyncadd.s32 $0xFFFFFE00  }
0x13: {  	[tilespmem:s6], [sflag:$0x1] =	stream.linear.gather [hbm4b:s30+s2], $0x200, $0x38;
	[tilespmem:$0x3400] =	vst v63  }
0x14: {  	_ =	swait.ge [sflag:s1], $0x200  }
0x15: {  	[sflag:s1] =	ssyncset.done $0x0  }
0x16: {  	s31 =	rddreg [dreg:$0xc];
	[sflag:s1] =	ssyncadd.s32 $0xFFFFFE00  }
0x17: {  	[tilespmem:s13], [sflag:$0x2] =	stream.linear.gather [hbm4b:s31+s2], $0x800, $0x38;
	[tilespmem:$0x3400] =	vst v63  }
0x18: {  	s24 =	simm.s32 $0x0  }
0x19: {  	[tilespmem:s14], [sflag:$0x2] =	stream.linear.gather [hbm4b:s31+s2], $0x800, $0x38;
	[tilespmem:$0x3400] =	vst v63  }
.LBB2_2:
0x1a: {  	s0 =	sshll.u32 s24, $0x1  }
0x1b: {  	s1 =	sor.u32 s3, s0  }
0x1c: {  	s1 =	sshll.u32 s1, $0x8  }
0x1d: {  	s6 =	sadd.s32 s1, s9  }
0x1e: {  	[tilespmem:s15], [sflag:$0x3] =	stream.linear.gather [hbm4b:s6+s2], $0x800, $0x38;
	[tilespmem:$0x3400] =	vst v63  }
0x1f: {  	_ = 	snop  }
0x20: {  	[tilespmem:s16], [sflag:$0x3] =	stream.linear.gather [hbm4b:s6+s2], $0x800, $0x38;
	[tilespmem:$0x3400] =	vst v63  }
0x21: {  	_ =	swait.ge [sflag:s17], $0x800  }
0x22: {  	[sflag:s17] =	ssyncset.done $0x0  }
0x23: {  	[sflag:s17] =	ssyncadd.s32 $0xFFFFF800  }
0x24: {  	_ =	swait.ge [sflag:s17], $0x800  }
0x25: {  	p0 =	seq.s32 s24, $0x0;
	[sflag:s17] =	ssyncset.done $0x0  }
0x26: {  	s6 =	simm.s32 @!p0 $0x4;
	[sflag:s17] =	ssyncadd.s32 $0xFFFFF800  }
0x27: {  	_ =	swait.ge @!p0 [sflag:s6], $0x800  }
0x28: {  	[sflag:s6] =	ssyncset.done @!p0 $0x0  }
0x29: {  	s28 =	sshll.u32 s24, $0x5;
	[sflag:s6] =	ssyncadd.s32 @!p0 $0xFFFFF800  }
0x2a: {  	v0 =	vld [tilespmem:s28+$0x0];
	_ =	sdelay $0x4  }
0x2b: {  	v0 =	vadd.s32 $0x400, v0  }
0x2c: {  	(v2sf) =	vpush v0, $0x0  }
0x2d: {  	(v2sf) =	vpush v0, $0x1  }
0x2e: {  	(v2sf) =	vpush v0, $0x2  }
0x2f: {  	(v2sf) =	vpush v0, $0x3  }
0x30: {  	(v2sf) =	vpush v0, $0x4  }
0x31: {  	(v2sf) =	vpush v0, $0x5  }
0x32: {  	(v2sf) =	vpush v0, $0x6  }
0x33: {  	(v2sf) =	vpush v0, $0x7;
	_ =	sdelay $0x5  }
0x34: {  	v0 =	vld [tilespmem:s28+$0x200];
	_ =	sdelay $0x1  }
0x35: {  	s29 =	spop (v2sf)  }
0x36: {  	s7 =	spop (v2sf)  }
0x37: {  	s8 =	spop (v2sf)  }
0x38: {  	v5 =	vbroadcast v0, $0x0;
	v8 =	vmov s29;
	s10 =	spop (v2sf)  }
0x39: {  	v6 =	vbroadcast v0, $0x1;
	v7 =	vbroadcast v0, $0x2;
	v13 =	vmov s7;
	s30 =	spop (v2sf)  }
0x3a: {  	v4 =	vbroadcast v0, $0x3;
	v3 =	vbroadcast v0, $0x4;
	s12 =	spop (v2sf)  }
0x3b: {  	v1 =	vbroadcast v0, $0x5;
	v2 =	vbroadcast v0, $0x6;
	v14 =	vmov s8;
	s21 =	spop (v2sf)  }
0x3c: {  	s6 =	simm.s32 $0x0;
	v0 =	vbroadcast v0, $0x7;
	v15 =	vmov s10;
	v12 =	vmov s30;
	s31 =	spop (v2sf)  }
0x3d: {  	s7 =	simm.s32 $0x40;
	v11 =	vmov s12;
	v16 =	vld.idx.msk [tilespmem:v8+s6+$0x0 ss:$0x1], $0xffff;
	v10 =	vmov s21;
	v9 =	vmov s31  }
.LBB2_3:
0x3e: {  	p1 =	sne.s32 s7, $0x1FC0;
	v17 =	vld.idx.msk [tilespmem:v13+s6+$0x0 ss:$0x1], $0xffff;
	_ =	sdelay $0x1  }
0x3f: {  	v18 =	vld.idx.msk [tilespmem:v14+s6+$0x0 ss:$0x1], $0xffff;
	_ =	sdelay $0x1  }
0x40: {  	v19 =	vld.idx.msk [tilespmem:v15+s6+$0x0 ss:$0x1], $0xffff;
	_ =	sdelay $0x1  }
0x41: {  	v16 =	vmul.f32 v16, v5;
	v17 =	vmul.f32 v17, v6;
	v20 =	vld.idx.msk [tilespmem:v12+s6+$0x0 ss:$0x1], $0xffff;
	_ =	sdelay $0x1  }
0x42: {  	v16 =	vadd.f32 v17, v16;
	v17 =	vmul.f32 v18, v7;
	v18 =	vld.idx.msk [tilespmem:v11+s6+$0x0 ss:$0x1], $0xffff;
	_ =	sdelay $0x1  }
0x43: {  	v16 =	vadd.f32 v17, v16;
	v17 =	vmul.f32 v19, v4;
	v19 =	vld.idx.msk [tilespmem:v10+s6+$0x0 ss:$0x1], $0xffff;
	_ =	sdelay $0x1  }
0x44: {  	v16 =	vadd.f32 v17, v16;
	v17 =	vmul.f32 v20, v3;
	v20 =	vld.idx.msk [tilespmem:v9+s6+$0x0 ss:$0x1], $0xffff;
	_ =	sdelay $0x1  }
0x45: {  	v16 =	vadd.f32 v17, v16;
	v17 =	vmul.f32 v18, v1;
	_ =	sdelay $0x1  }
0x46: {  	v16 =	vadd.f32 v17, v16;
	v17 =	vmul.f32 v19, v2;
	_ =	sdelay $0x1  }
0x47: {  	v16 =	vadd.f32 v17, v16;
	v17 =	vmul.f32 v20, v0  }
.Ltmp0:
0x48: {  	(pc) =	sbr.rel @p1 .LBB2_3-.Ltmp0, $3  }
0x49: {  	v16 =	vadd.f32 v17, v16;
	_ =	sdelay $0x1  }
0x4a: {  	[tilespmem:s6+$0x2400] =	vst v16;
	s6 =	sshra.s32 s7, $0x2  }
0x4b: {  	s7 =	sadd.s32 $0x40, s7;
	v16 =	vld.idx.msk [tilespmem:v8+s6+$0x0 ss:$0x1], $0xffff  }
0x4c: {  	_ =	sdelay $0x3  }
0x4d: {  	v8 =	vld.idx.msk [tilespmem:v13+s6+$0x0 ss:$0x1], $0xffff;
	_ =	sdelay $0x1  }
0x4e: {  	v61 =	vld.idx.msk [tilespmem:v14+s6+$0x0 ss:$0x1], $0xffff;
	_ =	sdelay $0x1  }
0x4f: {  	v62 =	vld.idx.msk [tilespmem:v15+s6+$0x0 ss:$0x1], $0xffff  }
0x50: {  	v5 =	vmul.f32 v16, v5;
	v6 =	vmul.f32 v8, v6  }
0x51: {  	v8 =	vld.idx.msk [tilespmem:v12+s6+$0x0 ss:$0x1], $0xffff  }
0x52: {  	v5 =	vadd.f32 v6, v5;
	v6 =	vmul.f32 v61, v7  }
0x53: {  	v7 =	vld.idx.msk [tilespmem:v11+s6+$0x0 ss:$0x1], $0xffff  }
0x54: {  	v4 =	vmul.f32 v62, v4;
	v5 =	vadd.f32 v6, v5  }
0x55: {  	v6 =	vld.idx.msk [tilespmem:v10+s6+$0x0 ss:$0x1], $0xffff  }
0x56: {  	v3 =	vmul.f32 v8, v3;
	v4 =	vadd.f32 v4, v5  }
0x57: {  	v5 =	vld.idx.msk [tilespmem:v9+s6+$0x0 ss:$0x1], $0xffff  }
0x58: {  	v1 =	vmul.f32 v7, v1;
	v3 =	vadd.f32 v3, v4;
	_ =	sdelay $0x1  }
0x59: {  	v2 =	vmul.f32 v6, v2;
	v1 =	vadd.f32 v1, v3;
	_ =	sdelay $0x1  }
0x5a: {  	v0 =	vmul.f32 v5, v0;
	v1 =	vadd.f32 v2, v1;
	_ =	sdelay $0x1  }
0x5b: {  	v0 =	vadd.f32 v0, v1;
	_ =	sdelay $0x1  }
0x5c: {  	s1 =	sadd.s32 s5, s1;
	s7 =	sadd.s32 $0x2, s0;
	[tilespmem:s6+$0x2400] =	vst v0  }
0x5d: {  	[hbm4b:s1+s2] =	stream.linear.scatter [tilespmem:s18], [sflag:$0x4], $0x800, $0x38;
	[tilespmem:$0x3400] =	vst v63  }
0x5e: {  	s1 =	sand.u32 $0x1E, s7  }
0x5f: {  	s1 =	sor.u32 s3, s1  }
0x60: {  	s1 =	sshll.u32 s1, $0x8  }
0x61: {  	s1 =	sadd.s32 s4, s1  }
0x62: {  	[tilespmem:s13], [sflag:$0x2] =	stream.linear.gather [hbm4b:s1+s2], $0x800, $0x38;
	[tilespmem:$0x3400] =	vst v63  }
0x63: {  	_ = 	snop  }
0x64: {  	[tilespmem:s14], [sflag:$0x2] =	stream.linear.gather [hbm4b:s1+s2], $0x800, $0x38;
	[tilespmem:$0x3400] =	vst v63  }
0x65: {  	_ =	swait.ge [sflag:s19], $0x800  }
0x66: {  	[sflag:s19] =	ssyncset.done $0x0  }
0x67: {  	[sflag:s19] =	ssyncadd.s32 $0xFFFFF800  }
0x68: {  	_ =	swait.ge [sflag:s19], $0x800  }
0x69: {  	[sflag:s19] =	ssyncset.done $0x0  }
0x6a: {  	s1 =	simm.s32 @!p0 $0x5;
	[sflag:s19] =	ssyncadd.s32 $0xFFFFF800  }
0x6b: {  	_ =	swait.ge @!p0 [sflag:s1], $0x800  }
0x6c: {  	s25 =	sor.u32 $0x1, s0;
	[sflag:s1] =	ssyncset.done @!p0 $0x0  }
0x6d: {  	s6 =	sshll.u32 s25, $0x4;
	[sflag:s1] =	ssyncadd.s32 @!p0 $0xFFFFF800  }
0x6e: {  	v0 =	vld [tilespmem:s6+$0x0];
	_ =	sdelay $0x4  }
0x6f: {  	(v2sf) =	vpush v0, $0x0  }
0x70: {  	(v2sf) =	vpush v0, $0x1;
	_ =	sdelay $0x1  }
0x71: {  	(v2sf) =	vpush v0, $0x2;
	_ =	sdelay $0x1  }
0x72: {  	(v2sf) =	vpush v0, $0x3  }
0x73: {  	(v2sf) =	vpush v0, $0x4;
	_ =	sdelay $0x1  }
0x74: {  	(v2sf) =	vpush v0, $0x5  }
0x75: {  	(v2sf) =	vpush v0, $0x6;
	_ =	sdelay $0x1  }
0x76: {  	(v2sf) =	vpush v0, $0x7;
	_ =	sdelay $0x3  }
0x77: {  	s12 =	spop (v2sf)  }
0x78: {  	s1 =	spop (v2sf);
	s7 =	sand.u32 $0x7, s12  }
0x79: {  	[dreg:$0x2] =	wrdreg s7;
	s8 =	sand.u32 $0x7, s1  }
0x7a: {  	s0 =	spop (v2sf);
	[dreg:$0x3] =	wrdreg s8  }
0x7b: {  	s22 =	sadd.s32 $0x0, s1;
	s10 =	sand.u32 $0x7, s0;
	s11 =	rddreg [dreg:$0x2]  }
0x7c: {  	s31 =	spop (v2sf);
	s8 =	sadd.s32 $0x0, s12;
	[dreg:$0x4] =	wrdreg s10  }
0x7d: {  	s30 =	spop (v2sf);
	s10 =	rddreg [dreg:$0x3];
	s8 =	sand.u32 $0xFFFFFFF8, s8  }
0x7e: {  	s21 =	sand.u32 $0x7, s31;
	s11 =	sor.u32 s11, s8;
	s8 =	rddreg [dreg:$0x4]  }
0x7f: {  	v7 =	vld [tilespmem:s6+$0x200];
	s22 =	sand.u32 $0xFFFFFFF8, s22;
	s29 =	spop (v2sf);
	[dreg:$0x5] =	wrdreg s21  }
0x80: {  	s21 =	sadd.s32 $0x0, s0;
	s28 =	spop (v2sf);
	v3 =	vld [tilespmem:s11+$0x1400];
	s11 =	sor.u32 s10, s22  }
0x81: {  	s22 =	sand.u32 $0x7, s30;
	s7 =	rddreg [dreg:$0x5];
	v4 =	vld [tilespmem:s11+$0x1400];
	s11 =	sand.u32 $0xFFFFFFF8, s21  }
0x82: {  	s26 =	spop (v2sf);
	s21 =	sadd.s32 $0x0, s31;
	s6 =	sor.u32 s8, s11  }
0x83: {  	[dreg:$0x6] =	wrdreg s22;
	s22 =	sand.u32 $0x7, s29;
	s11 =	sand.u32 $0xFFFFFFF8, s21;
	v5 =	vld [tilespmem:s6+$0x1400]  }
0x84: {  	v1 =	vbroadcast v7, $0x0;
	v2 =	vbroadcast v7, $0x1;
	s8 =	rddreg [dreg:$0x6];
	s21 =	sadd.s32 $0x0, s30;
	s6 =	sor.u32 s7, s11  }
0x85: {  	v0 =	vbroadcast v7, $0x2;
	[dreg:$0x7] =	wrdreg s22;
	s22 =	sand.u32 $0x7, s28;
	s11 =	sand.u32 $0xFFFFFFF8, s21;
	v6 =	vld [tilespmem:s6+$0x1400]  }
0x86: {  	s7 =	rddreg [dreg:$0x7];
	s21 =	sadd.s32 $0x0, s29;
	s6 =	sor.u32 s8, s11;
	v8 =	vmul.f32 v3, v1;
	v4 =	vmul.f32 v4, v2  }
0x87: {  	[dreg:$0x8] =	wrdreg s22;
	s22 =	sand.u32 $0x7, s26;
	s11 =	sand.u32 $0xFFFFFFF8, s21;
	v9 =	vld [tilespmem:s6+$0x1400]  }
0x88: {  	[dreg:$0x9] =	wrdreg s22;
	s22 =	sadd.s32 $0x0, s28;
	v3 =	vbroadcast v7, $0x3;
	s6 =	sor.u32 s7, s11;
	v8 =	vadd.f32 v4, v8;
	v5 =	vmul.f32 v5, v0  }
0x89: {  	s21 =	rddreg [dreg:$0x8];
	s10 =	sand.u32 $0xFFFFFFF8, s22;
	v10 =	vld [tilespmem:s6+$0x1400]  }
0x8a: {  	s6 =	sor.u32 s21, s10;
	s21 =	sadd.s32 $0x0, s26;
	v4 =	vbroadcast v7, $0x4;
	v6 =	vmul.f32 v6, v3;
	v8 =	vadd.f32 v5, v8  }
0x8b: {  	s11 =	rddreg [dreg:$0x9];
	v11 =	vld [tilespmem:s6+$0x1400];
	s22 =	sand.u32 $0xFFFFFFF8, s21  }
0x8c: {  	s6 =	sor.u32 s11, s22;
	v5 =	vbroadcast v7, $0x5;
	v9 =	vmul.f32 v9, v4;
	v8 =	vadd.f32 v6, v8  }
0x8d: {  	v63 =	vld [tilespmem:s6+$0x1400]  }
0x8e: {  	v6 =	vbroadcast v7, $0x6;
	v8 =	vadd.f32 v9, v8;
	v9 =	vmul.f32 v10, v5;
	_ =	sdelay $0x1  }
0x8f: {  	v7 =	vbroadcast v7, $0x7;
	v8 =	vadd.f32 v9, v8;
	v9 =	vmul.f32 v11, v6;
	_ =	sdelay $0x1  }
0x90: {  	v8 =	vadd.f32 v9, v8;
	v9 =	vmul.f32 v63, v7  }
0x91: {  	s8 =	sadd.s32 $0x10, s12;
	s7 =	simm.s32 $0x10;
	s21 =	rddreg [dreg:$0x3]  }
0x92: {  	s10 =	simm.s32 $0x20;
	s22 =	rddreg [dreg:$0x2];
	s6 =	simm.s32 $0x2C00;
	v8 =	vadd.f32 v9, v8  }
.LBB2_5:
0x93: {  	s8 =	sand.u32 $0xFFFFFFF8, s8;
	s11 =	sadd.s32 s7, s1  }
0x94: {  	s8 =	sor.u32 s22, s8;
	s11 =	sand.u32 $0xFFFFFFF8, s11;
	[tilespmem:s6+$0x0] =	vst v8  }
0x95: {  	v8 =	vld [tilespmem:s8+$0x1400];
	s11 =	sor.u32 s21, s11;
	s21 =	sadd.s32 s7, s0  }
0x96: {  	s22 =	rddreg [dreg:$0x4];
	v9 =	vld [tilespmem:s11+$0x1400];
	s21 =	sand.u32 $0xFFFFFFF8, s21  }
0x97: {  	s8 =	sor.u32 s22, s21;
	s22 =	sadd.s32 s7, s31  }
0x98: {  	s11 =	rddreg [dreg:$0x5];
	v10 =	vld [tilespmem:s8+$0x1400];
	s22 =	sand.u32 $0xFFFFFFF8, s22  }
0x99: {  	s8 =	sor.u32 s11, s22;
	s22 =	sadd.s32 s7, s30  }
0x9a: {  	s21 =	rddreg [dreg:$0x6];
	v11 =	vld [tilespmem:s8+$0x1400];
	s22 =	sand.u32 $0xFFFFFFF8, s22  }
0x9b: {  	v8 =	vmul.f32 v8, v1;
	v9 =	vmul.f32 v9, v2;
	s8 =	sor.u32 s21, s22;
	s22 =	sadd.s32 s7, s29  }
0x9c: {  	s11 =	rddreg [dreg:$0x7];
	v12 =	vld [tilespmem:s8+$0x1400];
	s22 =	sand.u32 $0xFFFFFFF8, s22  }
0x9d: {  	v8 =	vadd.f32 v9, v8;
	v9 =	vmul.f32 v10, v0;
	s8 =	sor.u32 s11, s22;
	s22 =	sadd.s32 s7, s28  }
0x9e: {  	s21 =	rddreg [dreg:$0x8];
	v10 =	vld [tilespmem:s8+$0x1400];
	s22 =	sand.u32 $0xFFFFFFF8, s22  }
0x9f: {  	v8 =	vadd.f32 v9, v8;
	v9 =	vmul.f32 v11, v3;
	s8 =	sor.u32 s21, s22;
	s22 =	sadd.s32 s7, s26  }
0xa0: {  	s11 =	rddreg [dreg:$0x9];
	v11 =	vld [tilespmem:s8+$0x1400];
	s22 =	sand.u32 $0xFFFFFFF8, s22  }
0xa1: {  	v8 =	vadd.f32 v9, v8;
	v9 =	vmul.f32 v12, v4;
	s8 =	sor.u32 s11, s22  }
0xa2: {  	v63 =	vld [tilespmem:s8+$0x1400]  }
0xa3: {  	v8 =	vadd.f32 v9, v8;
	v9 =	vmul.f32 v10, v5  }
0xa4: {  	p0 =	sne.s32 s10, $0x7F0  }
.Ltmp1:
0xa5: {  	v8 =	vadd.f32 v9, v8;
	v9 =	vmul.f32 v11, v6;
	(pc) =	sbr.rel @p0 .LBB2_5-.Ltmp1, $4  }
0xa6: {  	_ = 	snop  }
0xa7: {  	v8 =	vadd.f32 v9, v8;
	v9 =	vmul.f32 v63, v7  }
0xa8: {  	s6 =	sadd.s32 $0x10, s6;
	s7 =	smov.u32 s10;
	s21 =	rddreg [dreg:$0x3]  }
0xa9: {  	s10 =	sadd.s32 $0x10, s10;
	s22 =	rddreg [dreg:$0x2];
	s8 =	sadd.s32 s7, s12;
	v8 =	vadd.f32 v9, v8  }
0xaa: {  	s8 =	sand.u32 $0xFFFFFFF8, s8;
	s1 =	sadd.s32 s7, s1  }
0xab: {  	s8 =	sor.u32 s22, s8;
	s1 =	sand.u32 $0xFFFFFFF8, s1;
	[tilespmem:s6+$0x0] =	vst v8  }
0xac: {  	s0 =	sadd.s32 s7, s0;
	v8 =	vld [tilespmem:s8+$0x1400];
	s1 =	sor.u32 s21, s1  }
0xad: {  	s10 =	rddreg [dreg:$0x4];
	s0 =	sand.u32 $0xFFFFFFF8, s0;
	v9 =	vld [tilespmem:s1+$0x1400]  }
0xae: {  	s0 =	sor.u32 s10, s0;
	s10 =	sadd.s32 s7, s31  }
0xaf: {  	s22 =	rddreg [dreg:$0x5];
	v10 =	vld [tilespmem:s0+$0x1400];
	s11 =	sand.u32 $0xFFFFFFF8, s10  }
0xb0: {  	s21 =	sadd.s32 s7, s30;
	s0 =	sor.u32 s22, s11  }
0xb1: {  	s12 =	rddreg [dreg:$0x6];
	s22 =	sand.u32 $0xFFFFFFF8, s21;
	v11 =	vld [tilespmem:s0+$0x1400]  }
0xb2: {  	s31 =	sadd.s32 s7, s29;
	s0 =	sor.u32 s12, s22;
	v1 =	vmul.f32 v8, v1;
	v2 =	vmul.f32 v9, v2  }
0xb3: {  	s30 =	rddreg [dreg:$0x7];
	s10 =	sand.u32 $0xFFFFFFF8, s31;
	v55 =	vld [tilespmem:s0+$0x1400]  }
0xb4: {  	s12 =	sadd.s32 s7, s28;
	s0 =	sor.u32 s30, s10;
	v0 =	vmul.f32 v10, v0;
	v1 =	vadd.f32 v2, v1  }
0xb5: {  	s11 =	rddreg [dreg:$0x8];
	s21 =	sand.u32 $0xFFFFFFF8, s12;
	v56 =	vld [tilespmem:s0+$0x1400]  }
0xb6: {  	s28 =	sadd.s32 s7, s26;
	s0 =	sor.u32 s11, s21;
	v57 =	vmul.f32 v11, v3;
	v0 =	vadd.f32 v0, v1  }
0xb7: {  	s22 =	rddreg [dreg:$0x9];
	s29 =	sand.u32 $0xFFFFFFF8, s28;
	v58 =	vld [tilespmem:s0+$0x1400]  }
0xb8: {  	s0 =	sor.u32 s22, s29;
	v59 =	vmul.f32 v55, v4;
	v0 =	vadd.f32 v57, v0  }
0xb9: {  	v60 =	vld [tilespmem:s0+$0x1400]  }
0xba: {  	v61 =	vmul.f32 v56, v5;
	v0 =	vadd.f32 v59, v0;
	_ =	sdelay $0x1  }
0xbb: {  	v62 =	vmul.f32 v58, v6;
	v0 =	vadd.f32 v61, v0  }
0xbc: {  	s24 =	sadd.s32 $0x1, s24  }
0xbd: {  	p0 =	sne.s32 s24, $0x10;
	v63 =	vmul.f32 v60, v7;
	v0 =	vadd.f32 v62, v0  }
.Ltmp2:
0xbe: {  	_ = 	snop;
	(pc) =	sbr.rel @p0 .LBB2_2-.Ltmp2, $4  }
0xbf: {  	s30 =	sadd.s32 s3, s25;
	v0 =	vadd.f32 v63, v0  }
0xc0: {  	s31 =	sadd.s32 $0x10, s6;
	s0 =	sshll.u32 s30, $0x8  }
0xc1: {  	s0 =	sadd.s32 s5, s0;
	[tilespmem:s31+$0x0] =	vst v0  }
0xc2: {  	[hbm4b:s0+s2] =	stream.linear.scatter [tilespmem:s20], [sflag:$0x5], $0x800, $0x38;
	[tilespmem:$0x3400] =	vst v63  }
0xc3: {  	_ =	swait.ge [sflag:s17], $0x800  }
0xc4: {  	[sflag:s17] =	ssyncset.done $0x0  }
0xc5: {  	[sflag:s17] =	ssyncadd.s32 $0xFFFFF800  }
0xc6: {  	_ =	swait.ge [sflag:s17], $0x800  }
0xc7: {  	[sflag:s17] =	ssyncset.done $0x0  }
0xc8: {  	s0 =	simm.s32 $0x4;
	[sflag:s17] =	ssyncadd.s32 $0xFFFFF800  }
0xc9: {  	_ =	swait.ge [sflag:s0], $0x800  }
0xca: {  	[sflag:s0] =	ssyncset.done $0x0  }
0xcb: {  	s1 =	simm.s32 $0x5;
	[sflag:s0] =	ssyncadd.s32 $0xFFFFF800  }
0xcc: {  	_ =	swait.ge [sflag:s1], $0x800  }
0xcd: {  	s23 =	sadd.s32 $0x1, s23;
	s31 =	rddreg [dreg:$0xd]  }
0xce: {  	p0 =	sne.s32 s23, s31  }
.Ltmp3:
0xcf: {  	_ = 	snop;
	(pc) =	sbr.rel @p0 .LBB2_1-.Ltmp3, $3  }
0xd0: {  	_ =	sdelay $0x1  }
0xd1: {  	[sflag:s1] =	ssyncset.done $0x0  }
0xd2: {  	[sflag:s1] =	ssyncadd.s32 $0xFFFFF800  }
0xd3: {  	_ =	sfence.sel $0x180000  }
0xd4: {  	[bflag:$0x0] =	sbarrier.arrive $0xFFFF  }
0xd5: {  	_ =	strace $0x90000047  }
0xd6: {  	s0 =	stileid.u32;
	[bflag:$0x2] =	sbarrier.arrive $0xFFFF  }
0xd7: {  	p0 =	sne.s32 s0, $0x0;
	s0 =	rddreg [dreg:$0x1]  }
0xd8: {  	s0 =	sadd.s32 @!p0 $0x100000, s0  }
0xd9: {  	[sflag:s0] =	ssyncadd.tile.s32 @!p0 $0x1;
	_ =	shalt  }
.Lfunc_end2:
_tile_overlayer_lowered:
.L_overlay_start_2:
0xda: {  	(tag) =	ssettag $0x2  }
0xdb: {  	s0 =	rddreg [dreg:$0x0];
	s2 =	stileid.u32  }
0xdc: {  	s1 =	rddreg [dreg:$0x1];
	p0 =	sne.s32 s2, $0x0  }
0xdd: {  	s3 =	rddreg [dreg:$0x2];
	[bflag:$0x3] =	sbarrier.arrive $0xFFFF;
	s2 =	simm.s32 @!p0 $0x1C06  }
0xde: {  	[timem:s3], [sflag:s2] =	dma.local @!p0 [hbm:s0], s1  }
0xdf: {  	s0 =	simm.s32 @!p0 $0x6  }
0xe0: {  	_ =	swait.ge @!p0 [sflag:s0], s1  }
0xe1: {  	s1 =	ssub.s32 @!p0 $0x0, s1;
	[sflag:s0] =	ssyncset.done @!p0 $0x0  }
0xe2: {  	[sflag:s0] =	ssyncadd.s32 @!p0 s1  }
0xe3: {  	[bflag:$0x3] =	sbarrier.arrive $0xFFFF  }
0xe4: {  	_ =	shalt  }

// kernel: kernel.16.cloned.1.call-start
scs
__scs_entry_jumppad:
0x0: {  	(pc) =	sbr.rel $0x88, $3  }
0x1: {  	(tag) =	ssettag $0x0;
	lr =	simm.s32 $0x1  }
0x2: {  	[smem:$0x3F99] =	sst lr;
	_ =	strace $0xD0000000  }
0x3: {  	_ = 	snop  }
0x4: {  	_ = 	snop  }
0x5: {  	_ = 	snop  }
0x6: {  	_ = 	snop  }
0x7: {  	_ = 	snop  }
__scs_overlays_trampoline_lowered:
0x8: {  	[smem:$0x3FA8] =	sst s0  }
0x9: {  	[smem:$0x3FA9] =	sst s1  }
0xa: {  	[smem:$0x3FAA] =	sst s2  }
0xb: {  	[smem:$0x3FAB] =	sst s3  }
0xc: {  	[smem:$0x3FAC] =	sst s4  }
0xd: {  	[smem:$0x3FAD] =	sst s5  }
0xe: {  	[smem:$0x3FAE] =	sst s6  }
0xf: {  	[smem:$0x3FAF] =	sst s7  }
0x10: {  	[smem:$0x3FB0] =	sst s8  }
0x11: {  	[smem:$0x3FB1] =	sst s9;
	s0 =	simm.s32 @!p0 $0x0  }
0x12: {  	s1 =	sld [smem:$0x3F97];
	s0 =	simm.s32 @p0 $0x1  }
0x13: {  	[smem:$0x3FB2] =	sst s0;
	s0 =	simm.s32 @!p1 $0x0  }
0x14: {  	s2 =	sld [smem:$0x3F96];
	s0 =	simm.s32 @p1 $0x1  }
0x15: {  	[smem:$0x3FB3] =	sst s0;
	s0 =	simm.s32 @!p2 $0x0  }
0x16: {  	s3 =	sld [smem:$0x3FDB];
	s0 =	simm.s32 @p2 $0x1  }
0x17: {  	s4 =	simm.s32 $0x1BF5;
	[smem:$0x3FB5] =	sst s0  }
0x18: {  	s0 =	sld [smem:$0x3F98];
	_ =	swait.ge [sflag:s4], $0x0  }
0x19: {  	s7 =	sld [smem:$0x3F99]  }
0x1a: {  	s8 =	sadd.s32 $0xFFFFE003, lr  }
0x1b: {  	s9 =	sadd.s32 $0xFFFFFEF7, lr;
	s5 =	simm.s32 $0xFFFFFFFF;
	p2 =	slt.u32 s8, $0xFFFFF086  }
0x1c: {  	p1 =	slt.u32 s9, $0xF7A;
	s5 =	simm.s32 @!p2 $0x0  }
0x1d: {  	s5 =	simm.s32 @p1 $0x1;
	p0 =	seq.s32 s7, s2  }
0x1e: {  	s7 =	smul.u32 @!p0 $0xF7A, s2;
	p2 =	seq.s32 @!p0 s5, $0x0  }
0x1f: {  	s9 =	smul.u32 $0xF7A, s1;
	s8 =	simm.s32 @!p0 $0x1BF5;
	p2 =	por !p2, p0  }
0x20: {  	[sflag:s8] =	ssyncset.s32 @!p0 $0xFFFFF086;
	s6 =	sadd.s32 @!p0 s3, s7;
	s7 =	simm.s32 @!p0 $0x108  }
0x21: {  	s3 =	sadd.s32 s3, s9;
	s6 =	sadd.s32 @!p0 $0x88, s6;
	s7 =	simm.s32 @p2 $0x1082  }
0x22: {  	[simem:s7], [sflag:s8] =	dma.local @!p0 [hbm:s6], $0xF7A  }
0x23: {  	s9 =	sor.u32 $0xD0000000, s2;
	s6 =	simm.s32 $0x108;
	_ =	swait.ge @!p0 [sflag:s8], $0x0  }
0x24: {  	s3 =	sadd.s32 $0x88, s3;
	s6 =	simm.s32 @!p1 $0x1082;
	[sflag:s4] =	ssyncset.s32 $0xFFFFF086  }
0x25: {  	[simem:s6], [sflag:s4] =	dma.local [hbm:s3], $0xF7A  }
0x26: {  	[smem:$0x3F99] =	sst s1;
	(tag) =	ssettag s2;
	_ =	strace s9  }
0x27: {  	s1 =	sld [smem:$0x3FA9]  }
0x28: {  	s2 =	sld [smem:$0x3FAA]  }
0x29: {  	s4 =	sld [smem:$0x3FAC]  }
0x2a: {  	p0 =	seq.s32 s5, $0x0;
	s5 =	sld [smem:$0x3FAD]  }
0x2b: {  	s6 =	sld [smem:$0x3FAE]  }
0x2c: {  	s7 =	sld [smem:$0x3FAF]  }
0x2d: {  	s3 =	simm.s32 $0x108;
	s8 =	sld [smem:$0x3FB0]  }
0x2e: {  	s3 =	simm.s32 @!p0 $0x1082;
	s9 =	sld [smem:$0x3FB1]  }
0x2f: {  	lr =	sadd.s32 s0, s3;
	s0 =	sld [smem:$0x3FA8]  }
0x30: {  	s3 =	sld [smem:$0x3FAB]  }
0x31: {  	[smem:$0x3FB4] =	sst s10  }
0x32: {  	s10 =	sld [smem:$0x3FB2];
	_ =	sdelay $0x3  }
0x33: {  	p0 =	seq.s32 s10, $0x1;
	s10 =	sld [smem:$0x3FB4];
	_ =	sdelay $0x3  }
0x34: {  	[smem:$0x3FB4] =	sst s10  }
0x35: {  	s10 =	sld [smem:$0x3FB3];
	_ =	sdelay $0x3  }
0x36: {  	p1 =	seq.s32 s10, $0x1;
	s10 =	sld [smem:$0x3FB4];
	_ =	sdelay $0x3  }
0x37: {  	[smem:$0x3FB4] =	sst s10  }
0x38: {  	s10 =	sld [smem:$0x3FB5]  }
0x39: {  	_ = 	snop;
	(pc) =	sbr.ind lr, $3  }
0x3a: {  	_ = 	snop  }
0x3b: {  	_ = 	snop  }
0x3c: {  	p2 =	seq.s32 s10, $0x1;
	s10 =	sld [smem:$0x3FB4]  }
0x3d: {  	_ =	shalt  }
0x3e: {  	_ =	shalt  }
0x3f: {  	_ =	shalt  }
0x40: {  	_ =	shalt  }
0x41: {  	_ =	shalt  }
0x42: {  	_ =	shalt  }
0x43: {  	_ =	shalt  }
0x44: {  	_ =	shalt  }
0x45: {  	_ =	shalt  }
0x46: {  	_ =	shalt  }
0x47: {  	_ =	shalt  }
0x48: {  	_ =	shalt  }
0x49: {  	_ =	shalt  }
0x4a: {  	_ =	shalt  }
0x4b: {  	_ =	shalt  }
0x4c: {  	_ =	shalt  }
0x4d: {  	_ =	shalt  }
0x4e: {  	_ =	shalt  }
0x4f: {  	_ =	shalt  }
0x50: {  	_ =	shalt  }
0x51: {  	_ =	shalt  }
0x52: {  	_ =	shalt  }
0x53: {  	_ =	shalt  }
0x54: {  	_ =	shalt  }
0x55: {  	_ =	shalt  }
0x56: {  	_ =	shalt  }
0x57: {  	_ =	shalt  }
0x58: {  	_ =	shalt  }
0x59: {  	_ =	shalt  }
0x5a: {  	_ =	shalt  }
0x5b: {  	_ =	shalt  }
0x5c: {  	_ =	shalt  }
0x5d: {  	_ =	shalt  }
0x5e: {  	_ =	shalt  }
0x5f: {  	_ =	shalt  }
0x60: {  	_ =	shalt  }
0x61: {  	_ =	shalt  }
0x62: {  	_ =	shalt  }
0x63: {  	_ =	shalt  }
0x64: {  	_ =	shalt  }
0x65: {  	_ =	shalt  }
0x66: {  	_ =	shalt  }
0x67: {  	_ =	shalt  }
0x68: {  	_ =	shalt  }
0x69: {  	_ =	shalt  }
0x6a: {  	_ =	shalt  }
0x6b: {  	_ =	shalt  }
0x6c: {  	_ =	shalt  }
0x6d: {  	_ =	shalt  }
0x6e: {  	_ =	shalt  }
0x6f: {  	_ =	shalt  }
0x70: {  	_ =	shalt  }
0x71: {  	_ =	shalt  }
0x72: {  	_ =	shalt  }
0x73: {  	_ =	shalt  }
0x74: {  	_ =	shalt  }
0x75: {  	_ =	shalt  }
0x76: {  	_ =	shalt  }
0x77: {  	_ =	shalt  }
0x78: {  	_ =	shalt  }
0x79: {  	_ =	shalt  }
0x7a: {  	_ =	shalt  }
0x7b: {  	_ =	shalt  }
0x7c: {  	_ =	shalt  }
0x7d: {  	_ =	shalt  }
0x7e: {  	_ =	shalt  }
0x7f: {  	_ =	shalt  }
0x80: {  	_ =	shalt  }
0x81: {  	_ =	shalt  }
0x82: {  	_ =	shalt  }
0x83: {  	_ =	shalt  }
0x84: {  	_ =	shalt  }
0x85: {  	_ =	shalt  }
0x86: {  	_ =	shalt  }
0x87: {  	_ =	shalt  }
.Lfunc_end0:
.L_simem_size_0:
called_computation.1_lowered:
.L_overlay_start_0:
0x88: {  	s2 =	sld [smem:$0x3FD9]  }
0x89: {  	s3 =	sld [smem:$0x3FFE];
	_ =	sdelay $0x1  }
0x8a: {  	s1 =	srdreg.scid  }
0x8b: {  	s0 =	sand.u32 $0x1, s1  }
0x8c: {  	s17 =	sshll.u32 s0, $0xA;
	s2 =	sadd.s32 s3, s2  }
0x8d: {  	s2 =	sadd.s32 s2, s17  }
0x8e: {  	[smem:$0x3FC0] =	sst s2  }
0x8f: {  	_ = 	snop  }
0x90: {  	s18 =	sld [smem:$0x3FD0];
	(tm) =	ssettm $0x1  }
0x91: {  	s19 =	sld [smem:$0x3FFB];
	_ =	sdelay $0x3  }
0x92: {  	_ =	strace s19  }
0x93: {  	s2 =	sld [smem:$0x3FFC];
	_ =	sdelay $0x3  }
0x94: {  	_ =	strace s2  }
0x95: {  	s2 =	sld [smem:$0x3FFD];
	_ =	sdelay $0x3  }
0x96: {  	_ =	strace s2  }
0x97: {  	_ =	strace $0x8FFFFFFF  }
0x98: {  	s20 =	sld [smem:$0x3FDB];
	_ =	sdelay $0x1  }
0x99: {  	s4 =	simm.s32 $_scs_section_size  }
0x9a: {  	s5 =	simm.s32 $_size__tile_overlayer_lowered;
	s6 =	simm.s32 $_tile_overlayer_lowered  }
0x9b: {  	s7 =	simm.s32 $0x1BFF;
	s21 =	sshll.u32 s6, $0x1;
	s4 =	sadd.s32 s4, s20  }
0x9c: {  	s22 =	simm.s32 $0x0;
	s5 =	sshll.u32 s5, $0x1;
	s6 =	sadd.s32 s21, s4  }
0x9d: {  	[timem:s22], [sflag:s7] =	dma.local [hbm:s6], s5  }
0x9e: {  	_ =	swait.ge [sflag:s7], s5  }
0x9f: {  	s5 =	ssub.s32 $0x0, s5;
	[sflag:s7] =	ssyncset.done $0x0  }
0xa0: {  	[sflag:s7] =	ssyncadd.s32 s5;
	_ =	sdelay $0x1  }
0xa1: {  	s23 =	simm.s32 $0x1B8B  }
0xa2: {  	_ =	swait.ge [sflag:s23], $0x1  }
0xa3: {  	[sflag:s23] =	ssyncset.done $0x0  }
0xa4: {  	[sflag:s23] =	ssyncadd.s32 $0xFFFFFFFF  }
0xa5: {  	s5 =	sld [smem:$0x0]  }
0xa6: {  	s6 =	sand.u32 $0xFFFFFFFE, s1  }
0xa7: {  	p0 =	sne.s32 s1, s6  }
0xa8: {  	s6 =	sshll.u32 @p0 s6, $0xE  }
0xa9: {  	s6 =	sadd.s32 @p0 $0x11B8D, s6;
	s7 =	sshll.u32 @p0 s5, $0x11  }
0xaa: {  	s6 =	sor.u32 @p0 s7, s6  }
0xab: {  	[sflag:s6] =	ssyncadd.remote.s32 @p0 $0x1;
	_ =	sdelay $0x1  }
0xac: {  	s6 =	simm.s32 @p0 $0x1B8D  }
0xad: {  	_ =	swait.eq @p0 [sflag:s6], $0x1  }
0xae: {  	[sflag:s6] =	ssyncadd.s32 @p0 $0xFFFFFFFF  }
0xaf: {  	s7 =	sshll.u32 @!p0 s1, $0xE  }
0xb0: {  	s7 =	sor.u32 @!p0 $0x4000, s7;
	s6 =	simm.s32 @!p0 $0x1B8D  }
0xb1: {  	s5 =	sshll.u32 @!p0 s5, $0x11;
	s7 =	sadd.s32 @!p0 $0x11B8D, s7;
	_ =	swait.eq @!p0 [sflag:s6], $0x1  }
0xb2: {  	s5 =	sor.u32 @!p0 s5, s7;
	[sflag:s6] =	ssyncadd.s32 @!p0 $0xFFFFFFFF  }
0xb3: {  	s25 =	simm.s32 $0x1B8E;
	s24 =	sld [smem:$0x3FFE];
	[sflag:s5] =	ssyncadd.remote.s32 @!p0 $0x1  }
0xb4: {  	s26 =	simm.s32 $execute0_lowered;
	[smem:$0x3FD2] =	sst s25  }
0xb5: {  	s6 =	sshll.u32 s26, $0x1;
	_ =	strace $0x80000049;
	[dreg:$0x1] =	wrdreg $0xFFFFFFFF  }
0xb6: {  	s28 =	simm.s32 $_size_execute0_lowered;
	s4 =	sadd.s32 s4, s6;
	[dreg:$0x0] =	wrdreg $0x0  }
0xb7: {  	s6 =	sshll.u32 s28, $0x1;
	[dreg:$0x2] =	wrdreg s4  }
0xb8: {  	[dreg:$0x3] =	wrdreg s6  }
0xb9: {  	[dreg:$0x4] =	wrdreg $0xC0  }
0xba: {  	_ =	task [dreg:s22], $0x5FFFF  }
0xbb: {  	[dreg:$0x1] =	wrdreg $0xFFFFFFFF  }
0xbc: {  	[dreg:$0x0] =	wrdreg $0x60  }
0xbd: {  	[dreg:$0x2] =	wrdreg s18  }
0xbe: {  	[dreg:$0x3] =	wrdreg s24  }
0xbf: {  	[dreg:$0x4] =	wrdreg $0xA  }
0xc0: {  	_ =	task.clear_ibuf [dreg:s22], $0x5FFFF;
	_ =	strace $0x90000049  }
0xc1: {  	s29 =	simm.s32 $0xA;
	_ =	strace $0x8000004B  }
0xc2: {  	_ =	swait.ge [sflag:s29], $0x1  }
0xc3: {  	[sflag:s29] =	ssyncadd.s32 $0xFFFFFFFF  }
0xc4: {  	_ =	strace $0x9000004B  }
0xc5: {  	_ =	sfence  }
0xc6: {  	s30 =	sld [smem:$0x0];
	_ =	sdelay $0x2  }
0xc7: {  	s31 =	sshll.u32 s1, $0xD;
	s1 =	sshrl.u32 s1, $0x2  }
0xc8: {  	s4 =	sand.u32 $0x4000, s31;
	s1 =	sadd.s32 s1, s30  }
0xc9: {  	s0 =	sor.u32 s4, s0;
	s1 =	sshll.u32 s1, $0x11  }
0xca: {  	s0 =	sor.u32 s1, s0  }
0xcb: {  	s0 =	sadd.s32 $0x8F2B, s0  }
0xcc: {  	[sflag:s0] =	ssyncadd.remote.s32 $0x1  }
0xcd: {  	_ =	sfence.sel $0xFFFF  }
0xce: {  	[dreg:$0x0] =	wrdreg $0xFFFFFFFF;
	(pc) =	sbr.abs _section_cstart, $3  }
0xcf: {  	[dreg:$0x1] =	wrdreg $0xFFFFFFFF  }
0xd0: {  	_ =	task.clear_ibuf [dreg:s22], $0x2FFFF;
	_ =	strace $0x9FFFFFFF  }
0xd1: {  	(tm) =	ssettm $0x7FFFFFFF  }
tec
execute0_lowered:
.L_overlay_start_1:
0x0: {  	(tag) =	ssettag $0x1  }
0x1: {  	s0 =	srdreg.scid  }
0x2: {  	s2 =	rddreg [dreg:$0x0];
	s3 =	stileid.u32  }
0x3: {  	s1 =	rddreg [dreg:$0x1];
	s13 =	simm.s32 $0x400;
	s14 =	simm.s32 $0xC00  }
0x4: {  	s15 =	simm.s32 $0x1400;
	s16 =	simm.s32 $0x1C00;
	s17 =	simm.s32 $0x2  }
0x5: {  	s18 =	simm.s32 $0x2400;
	s0 =	sand.u32 $0x1, s0;
	s4 =	sshll.u32 s3, $0x6  }
0x6: {  	s3 =	simm.s32 $0x0;
	s5 =	sshll.u32 s0, $0x5;
	s0 =	ssub.s32 $0x2, s0  }
0x7: {  	[smem:$0x7FF] =	sst s3;
	s4 =	sor.u32 s5, s4;
	s7 =	sshrl.u32 s0, $0x1  }
0x8: {  	s5 =	sshll.u32 s4, $0x1;
	s0 =	ssub.s32 s0, s7;
	s30 =	sshll.u32 s4, $0x8  }
0x9: {  	s6 =	sadd.s32 s5, s1;
	s5 =	sadd.s32 $0x48800, s1;
	s1 =	sadd.s32 s2, s30  }
0xa: {  	_ =	strace $0x8000004A;
	s0 =	smax.u32 s0, $0x1;
	[dreg:$0xd] =	wrdreg s1  }
0xb: {  	s19 =	simm.s32 $0x3;
	s31 =	sadd.s32 $0x48000, s6;
	[dreg:$0xe] =	wrdreg s0  }
0xc: {  	s20 =	simm.s32 $0x2C00;
	s6 =	sadd.s32 $0x47800, s6;
	[dreg:$0xb] =	wrdreg s31  }
0xd: {  	s23 =	simm.s32 $0x0;
	s9 =	sadd.s32 $0x100, s2;
	[dreg:$0xc] =	wrdreg s6  }
.LBB2_1:
0xe: {  	s0 =	rddreg [dreg:$0xb];
	s1 =	simm.s32 $0x1  }
0xf: {  	[tilespmem:s3], [sflag:$0x1] =	stream.linear.gather [hbm4b:s0+s3], $0x200, $0x38;
	[tilespmem:$0x3400] =	vst v63  }
0x10: {  	_ =	swait.ge [sflag:s1], $0x200  }
0x11: {  	[sflag:s1] =	ssyncset.done $0x0  }
0x12: {  	s6 =	simm.s32 $0x200;
	s30 =	rddreg [dreg:$0xc];
	[sflag:s1] =	ssyncadd.s32 $0xFFFFFE00  }
0x13: {  	[tilespmem:s6], [sflag:$0x1] =	stream.linear.gather [hbm4b:s30+s3], $0x200, $0x38;
	[tilespmem:$0x3400] =	vst v63  }
0x14: {  	_ =	swait.ge [sflag:s1], $0x200  }
0x15: {  	[sflag:s1] =	ssyncset.done $0x0  }
0x16: {  	s31 =	rddreg [dreg:$0xd];
	[sflag:s1] =	ssyncadd.s32 $0xFFFFFE00  }
0x17: {  	[tilespmem:s13], [sflag:$0x2] =	stream.linear.gather [hbm4b:s31+s3], $0x800, $0x38;
	[tilespmem:$0x3400] =	vst v63  }
0x18: {  	s24 =	simm.s32 $0x0  }
0x19: {  	[tilespmem:s14], [sflag:$0x2] =	stream.linear.gather [hbm4b:s31+s3], $0x800, $0x38;
	[tilespmem:$0x3400] =	vst v63  }
.LBB2_2:
0x1a: {  	s0 =	sshll.u32 s24, $0x1  }
0x1b: {  	s1 =	sor.u32 s4, s0  }
0x1c: {  	s1 =	sshll.u32 s1, $0x8  }
0x1d: {  	s6 =	sadd.s32 s1, s9  }
0x1e: {  	[tilespmem:s15], [sflag:$0x3] =	stream.linear.gather [hbm4b:s6+s3], $0x800, $0x38;
	[tilespmem:$0x3400] =	vst v63  }
0x1f: {  	_ = 	snop  }
0x20: {  	[tilespmem:s16], [sflag:$0x3] =	stream.linear.gather [hbm4b:s6+s3], $0x800, $0x38;
	[tilespmem:$0x3400] =	vst v63  }
0x21: {  	_ =	swait.ge [sflag:s17], $0x800  }
0x22: {  	[sflag:s17] =	ssyncset.done $0x0  }
0x23: {  	[sflag:s17] =	ssyncadd.s32 $0xFFFFF800  }
0x24: {  	_ =	swait.ge [sflag:s17], $0x800  }
0x25: {  	p0 =	seq.s32 s24, $0x0;
	[sflag:s17] =	ssyncset.done $0x0  }
0x26: {  	s6 =	simm.s32 @!p0 $0x4;
	[sflag:s17] =	ssyncadd.s32 $0xFFFFF800  }
0x27: {  	_ =	swait.ge @!p0 [sflag:s6], $0x800  }
0x28: {  	[sflag:s6] =	ssyncset.done @!p0 $0x0  }
0x29: {  	s28 =	sshll.u32 s24, $0x5;
	[sflag:s6] =	ssyncadd.s32 @!p0 $0xFFFFF800  }
0x2a: {  	v0 =	vld [tilespmem:s28+$0x0];
	_ =	sdelay $0x4  }
0x2b: {  	v0 =	vadd.s32 $0x400, v0  }
0x2c: {  	(v2sf) =	vpush v0, $0x0  }
0x2d: {  	(v2sf) =	vpush v0, $0x1  }
0x2e: {  	(v2sf) =	vpush v0, $0x2  }
0x2f: {  	(v2sf) =	vpush v0, $0x3  }
0x30: {  	(v2sf) =	vpush v0, $0x4  }
0x31: {  	(v2sf) =	vpush v0, $0x5  }
0x32: {  	(v2sf) =	vpush v0, $0x6  }
0x33: {  	(v2sf) =	vpush v0, $0x7;
	_ =	sdelay $0x5  }
0x34: {  	v0 =	vld [tilespmem:s28+$0x200];
	_ =	sdelay $0x1  }
0x35: {  	s29 =	spop (v2sf)  }
0x36: {  	s7 =	spop (v2sf)  }
0x37: {  	s8 =	spop (v2sf)  }
0x38: {  	v5 =	vbroadcast v0, $0x0;
	v8 =	vmov s29;
	s10 =	spop (v2sf)  }
0x39: {  	v6 =	vbroadcast v0, $0x1;
	v7 =	vbroadcast v0, $0x2;
	v13 =	vmov s7;
	s30 =	spop (v2sf)  }
0x3a: {  	v4 =	vbroadcast v0, $0x3;
	v3 =	vbroadcast v0, $0x4;
	s12 =	spop (v2sf)  }
0x3b: {  	v1 =	vbroadcast v0, $0x5;
	v2 =	vbroadcast v0, $0x6;
	v14 =	vmov s8;
	s21 =	spop (v2sf)  }
0x3c: {  	s6 =	simm.s32 $0x0;
	v0 =	vbroadcast v0, $0x7;
	v15 =	vmov s10;
	v12 =	vmov s30;
	s31 =	spop (v2sf)  }
0x3d: {  	s7 =	simm.s32 $0x40;
	v11 =	vmov s12;
	v16 =	vld.idx.msk [tilespmem:v8+s6+$0x0 ss:$0x1], $0xffff;
	v10 =	vmov s21;
	v9 =	vmov s31  }
.LBB2_3:
0x3e: {  	p1 =	sne.s32 s7, $0x1FC0;
	v17 =	vld.idx.msk [tilespmem:v13+s6+$0x0 ss:$0x1], $0xffff;
	_ =	sdelay $0x1  }
0x3f: {  	v18 =	vld.idx.msk [tilespmem:v14+s6+$0x0 ss:$0x1], $0xffff;
	_ =	sdelay $0x1  }
0x40: {  	v19 =	vld.idx.msk [tilespmem:v15+s6+$0x0 ss:$0x1], $0xffff;
	_ =	sdelay $0x1  }
0x41: {  	v16 =	vmul.f32 v16, v5;
	v17 =	vmul.f32 v17, v6;
	v20 =	vld.idx.msk [tilespmem:v12+s6+$0x0 ss:$0x1], $0xffff;
	_ =	sdelay $0x1  }
0x42: {  	v16 =	vadd.f32 v17, v16;
	v17 =	vmul.f32 v18, v7;
	v18 =	vld.idx.msk [tilespmem:v11+s6+$0x0 ss:$0x1], $0xffff;
	_ =	sdelay $0x1  }
0x43: {  	v16 =	vadd.f32 v17, v16;
	v17 =	vmul.f32 v19, v4;
	v19 =	vld.idx.msk [tilespmem:v10+s6+$0x0 ss:$0x1], $0xffff;
	_ =	sdelay $0x1  }
0x44: {  	v16 =	vadd.f32 v17, v16;
	v17 =	vmul.f32 v20, v3;
	v20 =	vld.idx.msk [tilespmem:v9+s6+$0x0 ss:$0x1], $0xffff;
	_ =	sdelay $0x1  }
0x45: {  	v16 =	vadd.f32 v17, v16;
	v17 =	vmul.f32 v18, v1;
	_ =	sdelay $0x1  }
0x46: {  	v16 =	vadd.f32 v17, v16;
	v17 =	vmul.f32 v19, v2;
	_ =	sdelay $0x1  }
0x47: {  	v16 =	vadd.f32 v17, v16;
	v17 =	vmul.f32 v20, v0  }
.Ltmp0:
0x48: {  	(pc) =	sbr.rel @p1 .LBB2_3-.Ltmp0, $3  }
0x49: {  	v16 =	vadd.f32 v17, v16;
	_ =	sdelay $0x1  }
0x4a: {  	[tilespmem:s6+$0x2400] =	vst v16;
	s6 =	sshra.s32 s7, $0x2  }
0x4b: {  	s7 =	sadd.s32 $0x40, s7;
	v16 =	vld.idx.msk [tilespmem:v8+s6+$0x0 ss:$0x1], $0xffff  }
0x4c: {  	_ =	sdelay $0x3  }
0x4d: {  	v8 =	vld.idx.msk [tilespmem:v13+s6+$0x0 ss:$0x1], $0xffff;
	_ =	sdelay $0x1  }
0x4e: {  	v61 =	vld.idx.msk [tilespmem:v14+s6+$0x0 ss:$0x1], $0xffff;
	_ =	sdelay $0x1  }
0x4f: {  	v62 =	vld.idx.msk [tilespmem:v15+s6+$0x0 ss:$0x1], $0xffff  }
0x50: {  	v5 =	vmul.f32 v16, v5;
	v6 =	vmul.f32 v8, v6  }
0x51: {  	v8 =	vld.idx.msk [tilespmem:v12+s6+$0x0 ss:$0x1], $0xffff  }
0x52: {  	v5 =	vadd.f32 v6, v5;
	v6 =	vmul.f32 v61, v7  }
0x53: {  	v7 =	vld.idx.msk [tilespmem:v11+s6+$0x0 ss:$0x1], $0xffff  }
0x54: {  	v4 =	vmul.f32 v62, v4;
	v5 =	vadd.f32 v6, v5  }
0x55: {  	v6 =	vld.idx.msk [tilespmem:v10+s6+$0x0 ss:$0x1], $0xffff  }
0x56: {  	v3 =	vmul.f32 v8, v3;
	v4 =	vadd.f32 v4, v5  }
0x57: {  	v5 =	vld.idx.msk [tilespmem:v9+s6+$0x0 ss:$0x1], $0xffff  }
0x58: {  	v1 =	vmul.f32 v7, v1;
	v3 =	vadd.f32 v3, v4;
	_ =	sdelay $0x1  }
0x59: {  	v2 =	vmul.f32 v6, v2;
	v1 =	vadd.f32 v1, v3;
	_ =	sdelay $0x1  }
0x5a: {  	v0 =	vmul.f32 v5, v0;
	v1 =	vadd.f32 v2, v1;
	_ =	sdelay $0x1  }
0x5b: {  	v0 =	vadd.f32 v0, v1;
	_ =	sdelay $0x1  }
0x5c: {  	s1 =	sadd.s32 s5, s1;
	s7 =	sadd.s32 $0x2, s0;
	[tilespmem:s6+$0x2400] =	vst v0  }
0x5d: {  	[hbm4b:s1+s3] =	stream.linear.scatter [tilespmem:s18], [sflag:$0x4], $0x800, $0x38;
	[tilespmem:$0x3400] =	vst v63  }
0x5e: {  	s1 =	sand.u32 $0x1E, s7  }
0x5f: {  	s1 =	sor.u32 s4, s1  }
0x60: {  	s1 =	sshll.u32 s1, $0x8  }
0x61: {  	s1 =	sadd.s32 s2, s1  }
0x62: {  	[tilespmem:s13], [sflag:$0x2] =	stream.linear.gather [hbm4b:s1+s3], $0x800, $0x38;
	[tilespmem:$0x3400] =	vst v63  }
0x63: {  	_ = 	snop  }
0x64: {  	[tilespmem:s14], [sflag:$0x2] =	stream.linear.gather [hbm4b:s1+s3], $0x800, $0x38;
	[tilespmem:$0x3400] =	vst v63  }
0x65: {  	_ =	swait.ge [sflag:s19], $0x800  }
0x66: {  	[sflag:s19] =	ssyncset.done $0x0  }
0x67: {  	[sflag:s19] =	ssyncadd.s32 $0xFFFFF800  }
0x68: {  	_ =	swait.ge [sflag:s19], $0x800  }
0x69: {  	[sflag:s19] =	ssyncset.done $0x0  }
0x6a: {  	s1 =	simm.s32 @!p0 $0x5;
	[sflag:s19] =	ssyncadd.s32 $0xFFFFF800  }
0x6b: {  	_ =	swait.ge @!p0 [sflag:s1], $0x800  }
0x6c: {  	s25 =	sor.u32 $0x1, s0;
	[sflag:s1] =	ssyncset.done @!p0 $0x0  }
0x6d: {  	s6 =	sshll.u32 s25, $0x4;
	[sflag:s1] =	ssyncadd.s32 @!p0 $0xFFFFF800  }
0x6e: {  	v0 =	vld [tilespmem:s6+$0x0];
	_ =	sdelay $0x4  }
0x6f: {  	(v2sf) =	vpush v0, $0x0  }
0x70: {  	(v2sf) =	vpush v0, $0x1;
	_ =	sdelay $0x1  }
0x71: {  	(v2sf) =	vpush v0, $0x2;
	_ =	sdelay $0x1  }
0x72: {  	(v2sf) =	vpush v0, $0x3  }
0x73: {  	(v2sf) =	vpush v0, $0x4;
	_ =	sdelay $0x1  }
0x74: {  	(v2sf) =	vpush v0, $0x5  }
0x75: {  	(v2sf) =	vpush v0, $0x6;
	_ =	sdelay $0x1  }
0x76: {  	(v2sf) =	vpush v0, $0x7;
	_ =	sdelay $0x3  }
0x77: {  	s12 =	spop (v2sf)  }
0x78: {  	s0 =	spop (v2sf);
	s7 =	sand.u32 $0x7, s12  }
0x79: {  	[dreg:$0x3] =	wrdreg s7;
	s8 =	sand.u32 $0x7, s0  }
0x7a: {  	s1 =	spop (v2sf);
	[dreg:$0x4] =	wrdreg s8  }
0x7b: {  	s22 =	sadd.s32 $0x0, s0;
	s10 =	sand.u32 $0x7, s1;
	s11 =	rddreg [dreg:$0x3]  }
0x7c: {  	s31 =	spop (v2sf);
	s8 =	sadd.s32 $0x0, s12;
	[dreg:$0x5] =	wrdreg s10  }
0x7d: {  	s30 =	spop (v2sf);
	s10 =	rddreg [dreg:$0x4];
	s8 =	sand.u32 $0xFFFFFFF8, s8  }
0x7e: {  	s21 =	sand.u32 $0x7, s31;
	s11 =	sor.u32 s11, s8;
	s8 =	rddreg [dreg:$0x5]  }
0x7f: {  	v7 =	vld [tilespmem:s6+$0x200];
	s22 =	sand.u32 $0xFFFFFFF8, s22;
	s29 =	spop (v2sf);
	[dreg:$0x6] =	wrdreg s21  }
0x80: {  	s21 =	sadd.s32 $0x0, s1;
	s28 =	spop (v2sf);
	v3 =	vld [tilespmem:s11+$0x1400];
	s11 =	sor.u32 s10, s22  }
0x81: {  	s22 =	sand.u32 $0x7, s30;
	s7 =	rddreg [dreg:$0x6];
	v4 =	vld [tilespmem:s11+$0x1400];
	s11 =	sand.u32 $0xFFFFFFF8, s21  }
0x82: {  	s26 =	spop (v2sf);
	s21 =	sadd.s32 $0x0, s31;
	s6 =	sor.u32 s8, s11  }
0x83: {  	[dreg:$0x7] =	wrdreg s22;
	s22 =	sand.u32 $0x7, s29;
	s11 =	sand.u32 $0xFFFFFFF8, s21;
	v5 =	vld [tilespmem:s6+$0x1400]  }
0x84: {  	v1 =	vbroadcast v7, $0x0;
	v2 =	vbroadcast v7, $0x1;
	s8 =	rddreg [dreg:$0x7];
	s21 =	sadd.s32 $0x0, s30;
	s6 =	sor.u32 s7, s11  }
0x85: {  	v0 =	vbroadcast v7, $0x2;
	[dreg:$0x8] =	wrdreg s22;
	s22 =	sand.u32 $0x7, s28;
	s11 =	sand.u32 $0xFFFFFFF8, s21;
	v6 =	vld [tilespmem:s6+$0x1400]  }
0x86: {  	s7 =	rddreg [dreg:$0x8];
	s21 =	sadd.s32 $0x0, s29;
	s6 =	sor.u32 s8, s11;
	v8 =	vmul.f32 v3, v1;
	v4 =	vmul.f32 v4, v2  }
0x87: {  	[dreg:$0x9] =	wrdreg s22;
	s22 =	sand.u32 $0x7, s26;
	s11 =	sand.u32 $0xFFFFFFF8, s21;
	v9 =	vld [tilespmem:s6+$0x1400]  }
0x88: {  	[dreg:$0xa] =	wrdreg s22;
	s22 =	sadd.s32 $0x0, s28;
	v3 =	vbroadcast v7, $0x3;
	s6 =	sor.u32 s7, s11;
	v8 =	vadd.f32 v4, v8;
	v5 =	vmul.f32 v5, v0  }
0x89: {  	s21 =	rddreg [dreg:$0x9];
	s10 =	sand.u32 $0xFFFFFFF8, s22;
	v10 =	vld [tilespmem:s6+$0x1400]  }
0x8a: {  	s6 =	sor.u32 s21, s10;
	s21 =	sadd.s32 $0x0, s26;
	v4 =	vbroadcast v7, $0x4;
	v6 =	vmul.f32 v6, v3;
	v8 =	vadd.f32 v5, v8  }
0x8b: {  	s11 =	rddreg [dreg:$0xa];
	v11 =	vld [tilespmem:s6+$0x1400];
	s22 =	sand.u32 $0xFFFFFFF8, s21  }
0x8c: {  	s6 =	sor.u32 s11, s22;
	v5 =	vbroadcast v7, $0x5;
	v9 =	vmul.f32 v9, v4;
	v8 =	vadd.f32 v6, v8  }
0x8d: {  	v63 =	vld [tilespmem:s6+$0x1400]  }
0x8e: {  	v6 =	vbroadcast v7, $0x6;
	v8 =	vadd.f32 v9, v8;
	v9 =	vmul.f32 v10, v5;
	_ =	sdelay $0x1  }
0x8f: {  	v7 =	vbroadcast v7, $0x7;
	v8 =	vadd.f32 v9, v8;
	v9 =	vmul.f32 v11, v6;
	_ =	sdelay $0x1  }
0x90: {  	v8 =	vadd.f32 v9, v8;
	v9 =	vmul.f32 v63, v7  }
0x91: {  	s8 =	sadd.s32 $0x10, s12;
	s7 =	simm.s32 $0x10;
	s21 =	rddreg [dreg:$0x4]  }
0x92: {  	s10 =	simm.s32 $0x20;
	s22 =	rddreg [dreg:$0x3];
	s6 =	simm.s32 $0x2C00;
	v8 =	vadd.f32 v9, v8  }
.LBB2_5:
0x93: {  	s8 =	sand.u32 $0xFFFFFFF8, s8;
	s11 =	sadd.s32 s7, s0  }
0x94: {  	s8 =	sor.u32 s22, s8;
	s11 =	sand.u32 $0xFFFFFFF8, s11;
	[tilespmem:s6+$0x0] =	vst v8  }
0x95: {  	v8 =	vld [tilespmem:s8+$0x1400];
	s11 =	sor.u32 s21, s11;
	s21 =	sadd.s32 s7, s1  }
0x96: {  	s22 =	rddreg [dreg:$0x5];
	v9 =	vld [tilespmem:s11+$0x1400];
	s21 =	sand.u32 $0xFFFFFFF8, s21  }
0x97: {  	s8 =	sor.u32 s22, s21;
	s22 =	sadd.s32 s7, s31  }
0x98: {  	s11 =	rddreg [dreg:$0x6];
	v10 =	vld [tilespmem:s8+$0x1400];
	s22 =	sand.u32 $0xFFFFFFF8, s22  }
0x99: {  	s8 =	sor.u32 s11, s22;
	s22 =	sadd.s32 s7, s30  }
0x9a: {  	s21 =	rddreg [dreg:$0x7];
	v11 =	vld [tilespmem:s8+$0x1400];
	s22 =	sand.u32 $0xFFFFFFF8, s22  }
0x9b: {  	v8 =	vmul.f32 v8, v1;
	v9 =	vmul.f32 v9, v2;
	s8 =	sor.u32 s21, s22;
	s22 =	sadd.s32 s7, s29  }
0x9c: {  	s11 =	rddreg [dreg:$0x8];
	v12 =	vld [tilespmem:s8+$0x1400];
	s22 =	sand.u32 $0xFFFFFFF8, s22  }
0x9d: {  	v8 =	vadd.f32 v9, v8;
	v9 =	vmul.f32 v10, v0;
	s8 =	sor.u32 s11, s22;
	s22 =	sadd.s32 s7, s28  }
0x9e: {  	s21 =	rddreg [dreg:$0x9];
	v10 =	vld [tilespmem:s8+$0x1400];
	s22 =	sand.u32 $0xFFFFFFF8, s22  }
0x9f: {  	v8 =	vadd.f32 v9, v8;
	v9 =	vmul.f32 v11, v3;
	s8 =	sor.u32 s21, s22;
	s22 =	sadd.s32 s7, s26  }
0xa0: {  	s11 =	rddreg [dreg:$0xa];
	v11 =	vld [tilespmem:s8+$0x1400];
	s22 =	sand.u32 $0xFFFFFFF8, s22  }
0xa1: {  	v8 =	vadd.f32 v9, v8;
	v9 =	vmul.f32 v12, v4;
	s8 =	sor.u32 s11, s22  }
0xa2: {  	v63 =	vld [tilespmem:s8+$0x1400]  }
0xa3: {  	v8 =	vadd.f32 v9, v8;
	v9 =	vmul.f32 v10, v5  }
0xa4: {  	p0 =	sne.s32 s10, $0x7F0  }
.Ltmp1:
0xa5: {  	v8 =	vadd.f32 v9, v8;
	v9 =	vmul.f32 v11, v6;
	(pc) =	sbr.rel @p0 .LBB2_5-.Ltmp1, $4  }
0xa6: {  	_ = 	snop  }
0xa7: {  	v8 =	vadd.f32 v9, v8;
	v9 =	vmul.f32 v63, v7  }
0xa8: {  	s6 =	sadd.s32 $0x10, s6;
	s7 =	smov.u32 s10;
	s21 =	rddreg [dreg:$0x4]  }
0xa9: {  	s10 =	sadd.s32 $0x10, s10;
	s22 =	rddreg [dreg:$0x3];
	s8 =	sadd.s32 s7, s12;
	v8 =	vadd.f32 v9, v8  }
0xaa: {  	s8 =	sand.u32 $0xFFFFFFF8, s8;
	s0 =	sadd.s32 s7, s0  }
0xab: {  	s8 =	sor.u32 s22, s8;
	s0 =	sand.u32 $0xFFFFFFF8, s0;
	[tilespmem:s6+$0x0] =	vst v8  }
0xac: {  	s1 =	sadd.s32 s7, s1;
	v8 =	vld [tilespmem:s8+$0x1400];
	s0 =	sor.u32 s21, s0  }
0xad: {  	s10 =	rddreg [dreg:$0x5];
	s21 =	sand.u32 $0xFFFFFFF8, s1;
	v9 =	vld [tilespmem:s0+$0x1400]  }
0xae: {  	s0 =	sor.u32 s10, s21;
	s10 =	sadd.s32 s7, s31  }
0xaf: {  	s22 =	rddreg [dreg:$0x6];
	v10 =	vld [tilespmem:s0+$0x1400];
	s11 =	sand.u32 $0xFFFFFFF8, s10  }
0xb0: {  	s21 =	sadd.s32 s7, s30;
	s0 =	sor.u32 s22, s11  }
0xb1: {  	s12 =	rddreg [dreg:$0x7];
	s22 =	sand.u32 $0xFFFFFFF8, s21;
	v11 =	vld [tilespmem:s0+$0x1400]  }
0xb2: {  	s31 =	sadd.s32 s7, s29;
	s0 =	sor.u32 s12, s22;
	v1 =	vmul.f32 v8, v1;
	v2 =	vmul.f32 v9, v2  }
0xb3: {  	s30 =	rddreg [dreg:$0x8];
	s10 =	sand.u32 $0xFFFFFFF8, s31;
	v55 =	vld [tilespmem:s0+$0x1400]  }
0xb4: {  	s12 =	sadd.s32 s7, s28;
	s0 =	sor.u32 s30, s10;
	v0 =	vmul.f32 v10, v0;
	v1 =	vadd.f32 v2, v1  }
0xb5: {  	s11 =	rddreg [dreg:$0x9];
	s21 =	sand.u32 $0xFFFFFFF8, s12;
	v56 =	vld [tilespmem:s0+$0x1400]  }
0xb6: {  	s28 =	sadd.s32 s7, s26;
	s0 =	sor.u32 s11, s21;
	v57 =	vmul.f32 v11, v3;
	v0 =	vadd.f32 v0, v1  }
0xb7: {  	s22 =	rddreg [dreg:$0xa];
	s29 =	sand.u32 $0xFFFFFFF8, s28;
	v58 =	vld [tilespmem:s0+$0x1400]  }
0xb8: {  	s0 =	sor.u32 s22, s29;
	v59 =	vmul.f32 v55, v4;
	v0 =	vadd.f32 v57, v0  }
0xb9: {  	v60 =	vld [tilespmem:s0+$0x1400]  }
0xba: {  	v61 =	vmul.f32 v56, v5;
	v0 =	vadd.f32 v59, v0;
	_ =	sdelay $0x1  }
0xbb: {  	v62 =	vmul.f32 v58, v6;
	v0 =	vadd.f32 v61, v0  }
0xbc: {  	s24 =	sadd.s32 $0x1, s24  }
0xbd: {  	p0 =	sne.s32 s24, $0x10;
	v63 =	vmul.f32 v60, v7;
	v0 =	vadd.f32 v62, v0  }
.Ltmp2:
0xbe: {  	_ = 	snop;
	(pc) =	sbr.rel @p0 .LBB2_2-.Ltmp2, $4  }
0xbf: {  	s30 =	sadd.s32 s4, s25;
	v0 =	vadd.f32 v63, v0  }
0xc0: {  	s31 =	sadd.s32 $0x10, s6;
	s0 =	sshll.u32 s30, $0x8  }
0xc1: {  	s0 =	sadd.s32 s5, s0;
	[tilespmem:s31+$0x0] =	vst v0  }
0xc2: {  	[hbm4b:s0+s3] =	stream.linear.scatter [tilespmem:s20], [sflag:$0x5], $0x800, $0x38;
	[tilespmem:$0x3400] =	vst v63  }
0xc3: {  	_ =	swait.ge [sflag:s17], $0x800  }
0xc4: {  	[sflag:s17] =	ssyncset.done $0x0  }
0xc5: {  	[sflag:s17] =	ssyncadd.s32 $0xFFFFF800  }
0xc6: {  	_ =	swait.ge [sflag:s17], $0x800  }
0xc7: {  	[sflag:s17] =	ssyncset.done $0x0  }
0xc8: {  	s0 =	simm.s32 $0x4;
	[sflag:s17] =	ssyncadd.s32 $0xFFFFF800  }
0xc9: {  	_ =	swait.ge [sflag:s0], $0x800  }
0xca: {  	[sflag:s0] =	ssyncset.done $0x0  }
0xcb: {  	s1 =	simm.s32 $0x5;
	[sflag:s0] =	ssyncadd.s32 $0xFFFFF800  }
0xcc: {  	_ =	swait.ge [sflag:s1], $0x800  }
0xcd: {  	s23 =	sadd.s32 $0x1, s23;
	s31 =	rddreg [dreg:$0xe]  }
0xce: {  	p0 =	sne.s32 s23, s31  }
.Ltmp3:
0xcf: {  	_ = 	snop;
	(pc) =	sbr.rel @p0 .LBB2_1-.Ltmp3, $3  }
0xd0: {  	_ =	sdelay $0x1  }
0xd1: {  	[sflag:s1] =	ssyncset.done $0x0  }
0xd2: {  	[sflag:s1] =	ssyncadd.s32 $0xFFFFF800  }
0xd3: {  	_ =	sfence.sel $0x180000  }
0xd4: {  	[bflag:$0x0] =	sbarrier.arrive $0xFFFF  }
0xd5: {  	_ =	strace $0x9000004A  }
0xd6: {  	s0 =	stileid.u32;
	[bflag:$0x2] =	sbarrier.arrive $0xFFFF  }
0xd7: {  	p0 =	sne.s32 s0, $0x0;
	s0 =	rddreg [dreg:$0x2]  }
0xd8: {  	s0 =	sadd.s32 @!p0 $0x100000, s0  }
0xd9: {  	[sflag:s0] =	ssyncadd.tile.s32 @!p0 $0x1;
	_ =	shalt  }
.Lfunc_end2:
_tile_overlayer_lowered:
.L_overlay_start_2:
0xda: {  	(tag) =	ssettag $0x2  }
0xdb: {  	s0 =	rddreg [dreg:$0x0];
	s2 =	stileid.u32  }
0xdc: {  	s1 =	rddreg [dreg:$0x1];
	p0 =	sne.s32 s2, $0x0  }
0xdd: {  	s3 =	rddreg [dreg:$0x2];
	[bflag:$0x3] =	sbarrier.arrive $0xFFFF;
	s2 =	simm.s32 @!p0 $0x1C06  }
0xde: {  	[timem:s3], [sflag:s2] =	dma.local @!p0 [hbm:s0], s1  }
0xdf: {  	s0 =	simm.s32 @!p0 $0x6  }
0xe0: {  	_ =	swait.ge @!p0 [sflag:s0], s1  }
0xe1: {  	s1 =	ssub.s32 @!p0 $0x0, s1;
	[sflag:s0] =	ssyncset.done @!p0 $0x0  }
0xe2: {  	[sflag:s0] =	ssyncadd.s32 @!p0 s1  }
0xe3: {  	[bflag:$0x3] =	sbarrier.arrive $0xFFFF  }
0xe4: {  	_ =	shalt  }

</sc_bundles>
